<compile_context>
chip_gen: v7x
topology: tpu7x:2x2x1
jax: 0.10.2.dev20260603
libtpu: 0.0.44.dev20260713+nightly
codegen_flags: <defaults>
</compile_context>

<pallas_src>
import math

import jax
import jax.numpy as jnp
from jax import lax
from jax.experimental import pallas as pl
from jax.experimental.pallas import tpu as pltpu
from jax.experimental.pallas import tpu_sc as plsc

EMB_D = 32
SCALE = math.sqrt(float(EMB_D))

NC, NS, LANES = 2, 16, 16
NW = NC * NS

N_SEQ, N_TOK = 16384, 50
B_TOTAL = N_SEQ * N_TOK
GIDX = 128
NBLK = B_TOTAL // GIDX
BPW = NBLK // NW
SB = N_SEQ // GIDX
TILE_W = 8 * GIDX
CPB = 4
NCH = BPW // CPB
CH_W = CPB * TILE_W
UNROLL = 8


def _emb_body(idx_hbm, table_hbm, out_hbm,
              idx_v, rows0, rows1, t40, t41, gsem0, gsem1, ssem0, ssem1):
    wid = lax.axis_index("s") * NC + lax.axis_index("c")
    g0 = wid * BPW

    pltpu.sync_copy(idx_hbm.at[pl.ds(g0, BPW)], idx_v)

    lane = lax.iota(jnp.int32, LANES)
    mv = [(lane + k) & (LANES - 1) for k in range(LANES)]
    cvec = [[m + d0 for m in mv] for d0 in (0, LANES)]
    dvec = [(m >> 3) * CH_W + (m & 7) * GIDX + lane for m in mv]

    def issue_gathers(c, rows_b, gsem_b):
        for q in range(CPB):
            pltpu.async_copy(table_hbm.at[idx_v.at[c * CPB + q]],
                             rows_b.at[pl.ds(q * GIDX, GIDX)], gsem_b)

    def wait_gathers(c, rows_b, gsem_b):
        for q in range(CPB):
            pltpu.make_async_copy(table_hbm.at[idx_v.at[c * CPB + q]],
                                  rows_b.at[pl.ds(q * GIDX, GIDX)],
                                  gsem_b).wait()

    def transpose_scale(rows_b, t4_b):
        def body(it, _):
            sp0 = it * LANES
            for q in range(CPB):
                rvec = lane + (q * GIDX + sp0)
                for h in range(2):
                    base = h * 2 * CH_W + q * TILE_W + sp0
                    bvec = jnp.full((LANES,), base, dtype=jnp.int32)
                    for k in range(LANES):
                        v = plsc.load_gather(rows_b, [rvec, cvec[h][k]])
                        plsc.store_scatter(t4_b, [dvec[k] + bvec], v * SCALE)
            return 0

        lax.fori_loop(0, GIDX // LANES, body, 0)

    def issue_stores(j, stg, t4_b, ssem_b):
        for dt in range(4):
            pltpu.async_copy(t4_b.at[pl.ds(dt * CH_W, CH_W)],
                             out_hbm.at[j, dt, stg], ssem_b)

    def wait_stores(j, stg, t4_b, ssem_b):
        for dt in range(4):
            pltpu.make_async_copy(t4_b.at[pl.ds(dt * CH_W, CH_W)],
                                  out_hbm.at[j, dt, stg], ssem_b).wait()

    issue_gathers(0, rows0, gsem0)
    issue_gathers(1, rows1, gsem1)

    bufs = ((rows0, t40, gsem0, ssem0), (rows1, t41, gsem1, ssem1))

    def pair(t, _):
        for b in range(2):
            rows_b, t4_b, gsem_b, ssem_b = bufs[b]
            c = 2 * t + b
            g = g0 + c * CPB
            j = g >> 7
            stg = (g & (SB - 1)) >> 2
            wait_gathers(c, rows_b, gsem_b)

            @pl.when(t > 0)
            def _():
                gp = g0 + (c - 2) * CPB
                wait_stores(gp >> 7, (gp & (SB - 1)) >> 2, t4_b, ssem_b)

            transpose_scale(rows_b, t4_b)

            @pl.when(c + 2 < NCH)
            def _():
                issue_gathers(c + 2, rows_b, gsem_b)

            issue_stores(j, stg, t4_b, ssem_b)
        return 0

    lax.fori_loop(0, NCH // 2, pair, 0)

    for b in range(2):
        rows_b, t4_b, gsem_b, ssem_b = bufs[b]
        g = g0 + (NCH - 2 + b) * CPB
        wait_stores(g >> 7, (g & (SB - 1)) >> 2, t4_b, ssem_b)


@jax.jit
def _emb(idx2, table):
    mesh = plsc.VectorSubcoreMesh(core_axis_name="c", subcore_axis_name="s")
    f = pl.kernel(
        _emb_body,
        out_type=jax.ShapeDtypeStruct((N_TOK, 4, SB // CPB, CH_W),
                                      jnp.float32),
        mesh=mesh,
        scratch_types=[
            pltpu.VMEM((BPW, GIDX), jnp.int32),
            pltpu.VMEM((CPB * GIDX, EMB_D), jnp.float32),
            pltpu.VMEM((CPB * GIDX, EMB_D), jnp.float32),
            pltpu.VMEM((4 * CH_W,), jnp.float32),
            pltpu.VMEM((4 * CH_W,), jnp.float32),
            pltpu.SemaphoreType.DMA,
            pltpu.SemaphoreType.DMA,
            pltpu.SemaphoreType.DMA,
            pltpu.SemaphoreType.DMA,
        ],
        compiler_params=pltpu.CompilerParams(
            use_tc_tiling_on_sc=False, needs_layout_passes=False),
    )
    return f(idx2, table)


def kernel(x, embed_table):
    idx2 = x.T.reshape(NBLK, GIDX).astype(jnp.int32)
    out4 = _emb(idx2, embed_table)
    return (out4.reshape(N_TOK, 4, SB // CPB, CPB, 8, GIDX)
            .transpose(2, 3, 5, 0, 1, 4)
            .reshape(N_SEQ, N_TOK, EMB_D))

# --- scband reference (transcript-rebuilt; emitter-appended) ---
"""Pipeline reference for scband-embeddings-996432412860 (READ-ONLY COPY).

The authoritative reference and input builder live on the scoring server;
editing this copy changes nothing except your own understanding.
"""

import jax, jax.numpy as jnp
import numpy as np
import math

EMBEDDING_DIMS = 32
VOCAB_SIZE = 1000000

def setup_inputs(seed: int = 0) -> dict:
    key = jax.random.key(seed)
    k1, k2 = jax.random.split(key)
    x = jax.random.randint(k1, (16384, 50), 0, VOCAB_SIZE, dtype=jnp.int64 if jax.config.jax_enable_x64 else jnp.int32)
    embed_table = jax.random.normal(k2, (VOCAB_SIZE, EMBEDDING_DIMS), dtype=jnp.float32)
    return {"x": x, "embed_table": embed_table}

def reference(x, embed_table):
    # nn.Embedding lookup followed by scaling by sqrt(embedding_dims)
    emb = jnp.take(embed_table, x, axis=0)
    return emb * math.sqrt(EMBEDDING_DIMS)

if __name__ == "__main__":
    import jax
    _d = setup_inputs()
    print(jax.jit(kernel)(*tuple(_d.values())))

</pallas_src>

<mosaic_0001>
#map = affine_map<(d0, d1) -> (0, 0)>
#map1 = affine_map<(d0, d1) -> (0, 0, 0, 0)>
module attributes {stable_mosaic.version = 14 : i64} {
  func.func @_emb_body(%arg0: i32, %arg1: i32, %arg2: memref<6400x128xi32, #tpu.memory_space<hbm>>, %arg3: memref<1000000x32xf32, #tpu.memory_space<hbm>>, %arg4: memref<50x4x32x4096xf32, #tpu.memory_space<hbm>>, %arg5: memref<200x128xi32, #tpu.memory_space<vmem>>, %arg6: memref<512x32xf32, #tpu.memory_space<vmem>>, %arg7: memref<512x32xf32, #tpu.memory_space<vmem>>, %arg8: memref<16384xf32, #tpu.memory_space<vmem>>, %arg9: memref<16384xf32, #tpu.memory_space<vmem>>, %arg10: memref<!tpu.dma_semaphore, #tpu.memory_space<semaphore_mem>>, %arg11: memref<!tpu.dma_semaphore, #tpu.memory_space<semaphore_mem>>, %arg12: memref<!tpu.dma_semaphore, #tpu.memory_space<semaphore_mem>>, %arg13: memref<!tpu.dma_semaphore, #tpu.memory_space<semaphore_mem>>) attributes {dimension_semantics = [#tpu.dimension_semantics<core_parallel>, #tpu.dimension_semantics<subcore_parallel>], iteration_bounds = array<i64: 2, 16>, scalar_prefetch = 0 : i64, scratch_operands = 9 : i64, tpu.core_type = #tpu.core_type<sc_vector_subcore>, window_params = [{transform_indices = #map}, {transform_indices = #map}, {transform_indices = #map1}]} {
    %mul3A = arith.constant 2 : i32
    %mul3A_0 = arith.muli %arg1, %mul3A : i32
    %add3A = arith.addi %mul3A_0, %arg0 : i32
    %mul3A_1 = arith.constant 200 : i32
    %mul3A_2 = arith.muli %add3A, %mul3A_1 : i32
    "tpu.region"() ({
      %run_scoped3A = tpu.sem_alloc : memref<!tpu.dma_semaphore, #tpu.memory_space<semaphore_mem>>
      %dma_start3A_605 = arith.constant 0 : i32
      %dma_start3A_606 = tpu.memref_slice %arg2[%mul3A_2, %dma_start3A_605] : memref<6400x128xi32, #tpu.memory_space<hbm>> -> memref<200x128xi32, #tpu.memory_space<hbm>>
      %dma_start3A_607 = arith.constant 0 : i32
      %dma_start3A_608 = tpu.memref_slice %arg2[%mul3A_2, %dma_start3A_607] : memref<6400x128xi32, #tpu.memory_space<hbm>> -> memref<200x128xi32, #tpu.memory_space<hbm>>
      tpu.enqueue_dma source(%dma_start3A_608 : memref<200x128xi32, #tpu.memory_space<hbm>>) target(%arg5 : memref<200x128xi32, #tpu.memory_space<vmem>>) target_semaphore(%run_scoped3A : memref<!tpu.dma_semaphore, #tpu.memory_space<semaphore_mem>>)
      %dma_wait3A_609 = arith.constant 0 : i32
      %dma_wait3A_610 = tpu.memref_slice %arg2[%mul3A_2, %dma_wait3A_609] : memref<6400x128xi32, #tpu.memory_space<hbm>> -> memref<200x128xi32, #tpu.memory_space<hbm>>
      %dma_wait3A_611 = arith.constant 0 : i32
      %dma_wait3A_612 = tpu.memref_slice %arg2[%mul3A_2, %dma_wait3A_611] : memref<6400x128xi32, #tpu.memory_space<hbm>> -> memref<200x128xi32, #tpu.memory_space<hbm>>
      tpu.wait_dma2 semaphore(%run_scoped3A : memref<!tpu.dma_semaphore, #tpu.memory_space<semaphore_mem>>) src(%dma_wait3A_612 : memref<200x128xi32, #tpu.memory_space<hbm>>) dst(%arg5 : memref<200x128xi32, #tpu.memory_space<vmem>>)
      tpu.yield
    }) : () -> ()
    %iota3A = tpu.iota {dimensions = array<i32: 0>} : vector<16xi32>
    %add3A_3 = arith.constant 0 : i32
    %add3A_4 = vector.broadcast %add3A_3 : i32 to vector<16xi32>
    %add3A_5 = arith.addi %iota3A, %add3A_4 : vector<16xi32>
    %and3A = arith.constant 15 : i32
    %and3A_6 = vector.broadcast %and3A : i32 to vector<16xi32>
    %and3A_7 = arith.andi %add3A_5, %and3A_6 : vector<16xi32>
    %add3A_8 = arith.constant 1 : i32
    %add3A_9 = vector.broadcast %add3A_8 : i32 to vector<16xi32>
    %add3A_10 = arith.addi %iota3A, %add3A_9 : vector<16xi32>
    %and3A_11 = arith.constant 15 : i32
    %and3A_12 = vector.broadcast %and3A_11 : i32 to vector<16xi32>
    %and3A_13 = arith.andi %add3A_10, %and3A_12 : vector<16xi32>
    %add3A_14 = arith.constant 2 : i32
    %add3A_15 = vector.broadcast %add3A_14 : i32 to vector<16xi32>
    %add3A_16 = arith.addi %iota3A, %add3A_15 : vector<16xi32>
    %and3A_17 = arith.constant 15 : i32
    %and3A_18 = vector.broadcast %and3A_17 : i32 to vector<16xi32>
    %and3A_19 = arith.andi %add3A_16, %and3A_18 : vector<16xi32>
    %add3A_20 = arith.constant 3 : i32
    %add3A_21 = vector.broadcast %add3A_20 : i32 to vector<16xi32>
    %add3A_22 = arith.addi %iota3A, %add3A_21 : vector<16xi32>
    %and3A_23 = arith.constant 15 : i32
    %and3A_24 = vector.broadcast %and3A_23 : i32 to vector<16xi32>
    %and3A_25 = arith.andi %add3A_22, %and3A_24 : vector<16xi32>
    %add3A_26 = arith.constant 4 : i32
    %add3A_27 = vector.broadcast %add3A_26 : i32 to vector<16xi32>
    %add3A_28 = arith.addi %iota3A, %add3A_27 : vector<16xi32>
    %and3A_29 = arith.constant 15 : i32
    %and3A_30 = vector.broadcast %and3A_29 : i32 to vector<16xi32>
    %and3A_31 = arith.andi %add3A_28, %and3A_30 : vector<16xi32>
    %add3A_32 = arith.constant 5 : i32
    %add3A_33 = vector.broadcast %add3A_32 : i32 to vector<16xi32>
    %add3A_34 = arith.addi %iota3A, %add3A_33 : vector<16xi32>
    %and3A_35 = arith.constant 15 : i32
    %and3A_36 = vector.broadcast %and3A_35 : i32 to vector<16xi32>
    %and3A_37 = arith.andi %add3A_34, %and3A_36 : vector<16xi32>
    %add3A_38 = arith.constant 6 : i32
    %add3A_39 = vector.broadcast %add3A_38 : i32 to vector<16xi32>
    %add3A_40 = arith.addi %iota3A, %add3A_39 : vector<16xi32>
    %and3A_41 = arith.constant 15 : i32
    %and3A_42 = vector.broadcast %and3A_41 : i32 to vector<16xi32>
    %and3A_43 = arith.andi %add3A_40, %and3A_42 : vector<16xi32>
    %add3A_44 = arith.constant 7 : i32
    %add3A_45 = vector.broadcast %add3A_44 : i32 to vector<16xi32>
    %add3A_46 = arith.addi %iota3A, %add3A_45 : vector<16xi32>
    %and3A_47 = arith.constant 15 : i32
    %and3A_48 = vector.broadcast %and3A_47 : i32 to vector<16xi32>
    %and3A_49 = arith.andi %add3A_46, %and3A_48 : vector<16xi32>
    %add3A_50 = arith.constant 8 : i32
    %add3A_51 = vector.broadcast %add3A_50 : i32 to vector<16xi32>
    %add3A_52 = arith.addi %iota3A, %add3A_51 : vector<16xi32>
    %and3A_53 = arith.constant 15 : i32
    %and3A_54 = vector.broadcast %and3A_53 : i32 to vector<16xi32>
    %and3A_55 = arith.andi %add3A_52, %and3A_54 : vector<16xi32>
    %add3A_56 = arith.constant 9 : i32
    %add3A_57 = vector.broadcast %add3A_56 : i32 to vector<16xi32>
    %add3A_58 = arith.addi %iota3A, %add3A_57 : vector<16xi32>
    %and3A_59 = arith.constant 15 : i32
    %and3A_60 = vector.broadcast %and3A_59 : i32 to vector<16xi32>
    %and3A_61 = arith.andi %add3A_58, %and3A_60 : vector<16xi32>
    %add3A_62 = arith.constant 10 : i32
    %add3A_63 = vector.broadcast %add3A_62 : i32 to vector<16xi32>
    %add3A_64 = arith.addi %iota3A, %add3A_63 : vector<16xi32>
    %and3A_65 = arith.constant 15 : i32
    %and3A_66 = vector.broadcast %and3A_65 : i32 to vector<16xi32>
    %and3A_67 = arith.andi %add3A_64, %and3A_66 : vector<16xi32>
    %add3A_68 = arith.constant 11 : i32
    %add3A_69 = vector.broadcast %add3A_68 : i32 to vector<16xi32>
    %add3A_70 = arith.addi %iota3A, %add3A_69 : vector<16xi32>
    %and3A_71 = arith.constant 15 : i32
    %and3A_72 = vector.broadcast %and3A_71 : i32 to vector<16xi32>
    %and3A_73 = arith.andi %add3A_70, %and3A_72 : vector<16xi32>
    %add3A_74 = arith.constant 12 : i32
    %add3A_75 = vector.broadcast %add3A_74 : i32 to vector<16xi32>
    %add3A_76 = arith.addi %iota3A, %add3A_75 : vector<16xi32>
    %and3A_77 = arith.constant 15 : i32
    %and3A_78 = vector.broadcast %and3A_77 : i32 to vector<16xi32>
    %and3A_79 = arith.andi %add3A_76, %and3A_78 : vector<16xi32>
    %add3A_80 = arith.constant 13 : i32
    %add3A_81 = vector.broadcast %add3A_80 : i32 to vector<16xi32>
    %add3A_82 = arith.addi %iota3A, %add3A_81 : vector<16xi32>
    %and3A_83 = arith.constant 15 : i32
    %and3A_84 = vector.broadcast %and3A_83 : i32 to vector<16xi32>
    %and3A_85 = arith.andi %add3A_82, %and3A_84 : vector<16xi32>
    %add3A_86 = arith.constant 14 : i32
    %add3A_87 = vector.broadcast %add3A_86 : i32 to vector<16xi32>
    %add3A_88 = arith.addi %iota3A, %add3A_87 : vector<16xi32>
    %and3A_89 = arith.constant 15 : i32
    %and3A_90 = vector.broadcast %and3A_89 : i32 to vector<16xi32>
    %and3A_91 = arith.andi %add3A_88, %and3A_90 : vector<16xi32>
    %add3A_92 = arith.constant 15 : i32
    %add3A_93 = vector.broadcast %add3A_92 : i32 to vector<16xi32>
    %add3A_94 = arith.addi %iota3A, %add3A_93 : vector<16xi32>
    %and3A_95 = arith.constant 15 : i32
    %and3A_96 = vector.broadcast %and3A_95 : i32 to vector<16xi32>
    %and3A_97 = arith.andi %add3A_94, %and3A_96 : vector<16xi32>
    %add3A_98 = arith.constant 0 : i32
    %add3A_99 = vector.broadcast %add3A_98 : i32 to vector<16xi32>
    %add3A_100 = arith.addi %and3A_7, %add3A_99 : vector<16xi32>
    %add3A_101 = arith.constant 0 : i32
    %add3A_102 = vector.broadcast %add3A_101 : i32 to vector<16xi32>
    %add3A_103 = arith.addi %and3A_13, %add3A_102 : vector<16xi32>
    %add3A_104 = arith.constant 0 : i32
    %add3A_105 = vector.broadcast %add3A_104 : i32 to vector<16xi32>
    %add3A_106 = arith.addi %and3A_19, %add3A_105 : vector<16xi32>
    %add3A_107 = arith.constant 0 : i32
    %add3A_108 = vector.broadcast %add3A_107 : i32 to vector<16xi32>
    %add3A_109 = arith.addi %and3A_25, %add3A_108 : vector<16xi32>
    %add3A_110 = arith.constant 0 : i32
    %add3A_111 = vector.broadcast %add3A_110 : i32 to vector<16xi32>
    %add3A_112 = arith.addi %and3A_31, %add3A_111 : vector<16xi32>
    %add3A_113 = arith.constant 0 : i32
    %add3A_114 = vector.broadcast %add3A_113 : i32 to vector<16xi32>
    %add3A_115 = arith.addi %and3A_37, %add3A_114 : vector<16xi32>
    %add3A_116 = arith.constant 0 : i32
    %add3A_117 = vector.broadcast %add3A_116 : i32 to vector<16xi32>
    %add3A_118 = arith.addi %and3A_43, %add3A_117 : vector<16xi32>
    %add3A_119 = arith.constant 0 : i32
    %add3A_120 = vector.broadcast %add3A_119 : i32 to vector<16xi32>
    %add3A_121 = arith.addi %and3A_49, %add3A_120 : vector<16xi32>
    %add3A_122 = arith.constant 0 : i32
    %add3A_123 = vector.broadcast %add3A_122 : i32 to vector<16xi32>
    %add3A_124 = arith.addi %and3A_55, %add3A_123 : vector<16xi32>
    %add3A_125 = arith.constant 0 : i32
    %add3A_126 = vector.broadcast %add3A_125 : i32 to vector<16xi32>
    %add3A_127 = arith.addi %and3A_61, %add3A_126 : vector<16xi32>
    %add3A_128 = arith.constant 0 : i32
    %add3A_129 = vector.broadcast %add3A_128 : i32 to vector<16xi32>
    %add3A_130 = arith.addi %and3A_67, %add3A_129 : vector<16xi32>
    %add3A_131 = arith.constant 0 : i32
    %add3A_132 = vector.broadcast %add3A_131 : i32 to vector<16xi32>
    %add3A_133 = arith.addi %and3A_73, %add3A_132 : vector<16xi32>
    %add3A_134 = arith.constant 0 : i32
    %add3A_135 = vector.broadcast %add3A_134 : i32 to vector<16xi32>
    %add3A_136 = arith.addi %and3A_79, %add3A_135 : vector<16xi32>
    %add3A_137 = arith.constant 0 : i32
    %add3A_138 = vector.broadcast %add3A_137 : i32 to vector<16xi32>
    %add3A_139 = arith.addi %and3A_85, %add3A_138 : vector<16xi32>
    %add3A_140 = arith.constant 0 : i32
    %add3A_141 = vector.broadcast %add3A_140 : i32 to vector<16xi32>
    %add3A_142 = arith.addi %and3A_91, %add3A_141 : vector<16xi32>
    %add3A_143 = arith.constant 0 : i32
    %add3A_144 = vector.broadcast %add3A_143 : i32 to vector<16xi32>
    %add3A_145 = arith.addi %and3A_97, %add3A_144 : vector<16xi32>
    %add3A_146 = arith.constant 16 : i32
    %add3A_147 = vector.broadcast %add3A_146 : i32 to vector<16xi32>
    %add3A_148 = arith.addi %and3A_7, %add3A_147 : vector<16xi32>
    %add3A_149 = arith.constant 16 : i32
    %add3A_150 = vector.broadcast %add3A_149 : i32 to vector<16xi32>
    %add3A_151 = arith.addi %and3A_13, %add3A_150 : vector<16xi32>
    %add3A_152 = arith.constant 16 : i32
    %add3A_153 = vector.broadcast %add3A_152 : i32 to vector<16xi32>
    %add3A_154 = arith.addi %and3A_19, %add3A_153 : vector<16xi32>
    %add3A_155 = arith.constant 16 : i32
    %add3A_156 = vector.broadcast %add3A_155 : i32 to vector<16xi32>
    %add3A_157 = arith.addi %and3A_25, %add3A_156 : vector<16xi32>
    %add3A_158 = arith.constant 16 : i32
    %add3A_159 = vector.broadcast %add3A_158 : i32 to vector<16xi32>
    %add3A_160 = arith.addi %and3A_31, %add3A_159 : vector<16xi32>
    %add3A_161 = arith.constant 16 : i32
    %add3A_162 = vector.broadcast %add3A_161 : i32 to vector<16xi32>
    %add3A_163 = arith.addi %and3A_37, %add3A_162 : vector<16xi32>
    %add3A_164 = arith.constant 16 : i32
    %add3A_165 = vector.broadcast %add3A_164 : i32 to vector<16xi32>
    %add3A_166 = arith.addi %and3A_43, %add3A_165 : vector<16xi32>
    %add3A_167 = arith.constant 16 : i32
    %add3A_168 = vector.broadcast %add3A_167 : i32 to vector<16xi32>
    %add3A_169 = arith.addi %and3A_49, %add3A_168 : vector<16xi32>
    %add3A_170 = arith.constant 16 : i32
    %add3A_171 = vector.broadcast %add3A_170 : i32 to vector<16xi32>
    %add3A_172 = arith.addi %and3A_55, %add3A_171 : vector<16xi32>
    %add3A_173 = arith.constant 16 : i32
    %add3A_174 = vector.broadcast %add3A_173 : i32 to vector<16xi32>
    %add3A_175 = arith.addi %and3A_61, %add3A_174 : vector<16xi32>
    %add3A_176 = arith.constant 16 : i32
    %add3A_177 = vector.broadcast %add3A_176 : i32 to vector<16xi32>
    %add3A_178 = arith.addi %and3A_67, %add3A_177 : vector<16xi32>
    %add3A_179 = arith.constant 16 : i32
    %add3A_180 = vector.broadcast %add3A_179 : i32 to vector<16xi32>
    %add3A_181 = arith.addi %and3A_73, %add3A_180 : vector<16xi32>
    %add3A_182 = arith.constant 16 : i32
    %add3A_183 = vector.broadcast %add3A_182 : i32 to vector<16xi32>
    %add3A_184 = arith.addi %and3A_79, %add3A_183 : vector<16xi32>
    %add3A_185 = arith.constant 16 : i32
    %add3A_186 = vector.broadcast %add3A_185 : i32 to vector<16xi32>
    %add3A_187 = arith.addi %and3A_85, %add3A_186 : vector<16xi32>
    %add3A_188 = arith.constant 16 : i32
    %add3A_189 = vector.broadcast %add3A_188 : i32 to vector<16xi32>
    %add3A_190 = arith.addi %and3A_91, %add3A_189 : vector<16xi32>
    %add3A_191 = arith.constant 16 : i32
    %add3A_192 = vector.broadcast %add3A_191 : i32 to vector<16xi32>
    %add3A_193 = arith.addi %and3A_97, %add3A_192 : vector<16xi32>
    %shift_right_arithmetic3A = arith.constant 3 : i32
    %shift_right_arithmetic3A_194 = vector.broadcast %shift_right_arithmetic3A : i32 to vector<16xi32>
    %shift_right_arithmetic3A_195 = arith.shrsi %and3A_7, %shift_right_arithmetic3A_194 : vector<16xi32>
    %mul3A_196 = arith.constant 4096 : i32
    %mul3A_197 = vector.broadcast %mul3A_196 : i32 to vector<16xi32>
    %mul3A_198 = arith.muli %shift_right_arithmetic3A_195, %mul3A_197 : vector<16xi32>
    %and3A_199 = arith.constant 7 : i32
    %and3A_200 = vector.broadcast %and3A_199 : i32 to vector<16xi32>
    %and3A_201 = arith.andi %and3A_7, %and3A_200 : vector<16xi32>
    %mul3A_202 = arith.constant 128 : i32
    %mul3A_203 = vector.broadcast %mul3A_202 : i32 to vector<16xi32>
    %mul3A_204 = arith.muli %and3A_201, %mul3A_203 : vector<16xi32>
    %add3A_205 = arith.addi %mul3A_198, %mul3A_204 : vector<16xi32>
    %add3A_206 = arith.addi %add3A_205, %iota3A : vector<16xi32>
    %shift_right_arithmetic3A_207 = arith.constant 3 : i32
    %shift_right_arithmetic3A_208 = vector.broadcast %shift_right_arithmetic3A_207 : i32 to vector<16xi32>
    %shift_right_arithmetic3A_209 = arith.shrsi %and3A_13, %shift_right_arithmetic3A_208 : vector<16xi32>
    %mul3A_210 = arith.constant 4096 : i32
    %mul3A_211 = vector.broadcast %mul3A_210 : i32 to vector<16xi32>
    %mul3A_212 = arith.muli %shift_right_arithmetic3A_209, %mul3A_211 : vector<16xi32>
    %and3A_213 = arith.constant 7 : i32
    %and3A_214 = vector.broadcast %and3A_213 : i32 to vector<16xi32>
    %and3A_215 = arith.andi %and3A_13, %and3A_214 : vector<16xi32>
    %mul3A_216 = arith.constant 128 : i32
    %mul3A_217 = vector.broadcast %mul3A_216 : i32 to vector<16xi32>
    %mul3A_218 = arith.muli %and3A_215, %mul3A_217 : vector<16xi32>
    %add3A_219 = arith.addi %mul3A_212, %mul3A_218 : vector<16xi32>
    %add3A_220 = arith.addi %add3A_219, %iota3A : vector<16xi32>
    %shift_right_arithmetic3A_221 = arith.constant 3 : i32
    %shift_right_arithmetic3A_222 = vector.broadcast %shift_right_arithmetic3A_221 : i32 to vector<16xi32>
    %shift_right_arithmetic3A_223 = arith.shrsi %and3A_19, %shift_right_arithmetic3A_222 : vector<16xi32>
    %mul3A_224 = arith.constant 4096 : i32
    %mul3A_225 = vector.broadcast %mul3A_224 : i32 to vector<16xi32>
    %mul3A_226 = arith.muli %shift_right_arithmetic3A_223, %mul3A_225 : vector<16xi32>
    %and3A_227 = arith.constant 7 : i32
    %and3A_228 = vector.broadcast %and3A_227 : i32 to vector<16xi32>
    %and3A_229 = arith.andi %and3A_19, %and3A_228 : vector<16xi32>
    %mul3A_230 = arith.constant 128 : i32
    %mul3A_231 = vector.broadcast %mul3A_230 : i32 to vector<16xi32>
    %mul3A_232 = arith.muli %and3A_229, %mul3A_231 : vector<16xi32>
    %add3A_233 = arith.addi %mul3A_226, %mul3A_232 : vector<16xi32>
    %add3A_234 = arith.addi %add3A_233, %iota3A : vector<16xi32>
    %shift_right_arithmetic3A_235 = arith.constant 3 : i32
    %shift_right_arithmetic3A_236 = vector.broadcast %shift_right_arithmetic3A_235 : i32 to vector<16xi32>
    %shift_right_arithmetic3A_237 = arith.shrsi %and3A_25, %shift_right_arithmetic3A_236 : vector<16xi32>
    %mul3A_238 = arith.constant 4096 : i32
    %mul3A_239 = vector.broadcast %mul3A_238 : i32 to vector<16xi32>
    %mul3A_240 = arith.muli %shift_right_arithmetic3A_237, %mul3A_239 : vector<16xi32>
    %and3A_241 = arith.constant 7 : i32
    %and3A_242 = vector.broadcast %and3A_241 : i32 to vector<16xi32>
    %and3A_243 = arith.andi %and3A_25, %and3A_242 : vector<16xi32>
    %mul3A_244 = arith.constant 128 : i32
    %mul3A_245 = vector.broadcast %mul3A_244 : i32 to vector<16xi32>
    %mul3A_246 = arith.muli %and3A_243, %mul3A_245 : vector<16xi32>
    %add3A_247 = arith.addi %mul3A_240, %mul3A_246 : vector<16xi32>
    %add3A_248 = arith.addi %add3A_247, %iota3A : vector<16xi32>
    %shift_right_arithmetic3A_249 = arith.constant 3 : i32
    %shift_right_arithmetic3A_250 = vector.broadcast %shift_right_arithmetic3A_249 : i32 to vector<16xi32>
    %shift_right_arithmetic3A_251 = arith.shrsi %and3A_31, %shift_right_arithmetic3A_250 : vector<16xi32>
    %mul3A_252 = arith.constant 4096 : i32
    %mul3A_253 = vector.broadcast %mul3A_252 : i32 to vector<16xi32>
    %mul3A_254 = arith.muli %shift_right_arithmetic3A_251, %mul3A_253 : vector<16xi32>
    %and3A_255 = arith.constant 7 : i32
    %and3A_256 = vector.broadcast %and3A_255 : i32 to vector<16xi32>
    %and3A_257 = arith.andi %and3A_31, %and3A_256 : vector<16xi32>
    %mul3A_258 = arith.constant 128 : i32
    %mul3A_259 = vector.broadcast %mul3A_258 : i32 to vector<16xi32>
    %mul3A_260 = arith.muli %and3A_257, %mul3A_259 : vector<16xi32>
    %add3A_261 = arith.addi %mul3A_254, %mul3A_260 : vector<16xi32>
    %add3A_262 = arith.addi %add3A_261, %iota3A : vector<16xi32>
    %shift_right_arithmetic3A_263 = arith.constant 3 : i32
    %shift_right_arithmetic3A_264 = vector.broadcast %shift_right_arithmetic3A_263 : i32 to vector<16xi32>
    %shift_right_arithmetic3A_265 = arith.shrsi %and3A_37, %shift_right_arithmetic3A_264 : vector<16xi32>
    %mul3A_266 = arith.constant 4096 : i32
    %mul3A_267 = vector.broadcast %mul3A_266 : i32 to vector<16xi32>
    %mul3A_268 = arith.muli %shift_right_arithmetic3A_265, %mul3A_267 : vector<16xi32>
    %and3A_269 = arith.constant 7 : i32
    %and3A_270 = vector.broadcast %and3A_269 : i32 to vector<16xi32>
    %and3A_271 = arith.andi %and3A_37, %and3A_270 : vector<16xi32>
    %mul3A_272 = arith.constant 128 : i32
    %mul3A_273 = vector.broadcast %mul3A_272 : i32 to vector<16xi32>
    %mul3A_274 = arith.muli %and3A_271, %mul3A_273 : vector<16xi32>
    %add3A_275 = arith.addi %mul3A_268, %mul3A_274 : vector<16xi32>
    %add3A_276 = arith.addi %add3A_275, %iota3A : vector<16xi32>
    %shift_right_arithmetic3A_277 = arith.constant 3 : i32
    %shift_right_arithmetic3A_278 = vector.broadcast %shift_right_arithmetic3A_277 : i32 to vector<16xi32>
    %shift_right_arithmetic3A_279 = arith.shrsi %and3A_43, %shift_right_arithmetic3A_278 : vector<16xi32>
    %mul3A_280 = arith.constant 4096 : i32
    %mul3A_281 = vector.broadcast %mul3A_280 : i32 to vector<16xi32>
    %mul3A_282 = arith.muli %shift_right_arithmetic3A_279, %mul3A_281 : vector<16xi32>
    %and3A_283 = arith.constant 7 : i32
    %and3A_284 = vector.broadcast %and3A_283 : i32 to vector<16xi32>
    %and3A_285 = arith.andi %and3A_43, %and3A_284 : vector<16xi32>
    %mul3A_286 = arith.constant 128 : i32
    %mul3A_287 = vector.broadcast %mul3A_286 : i32 to vector<16xi32>
    %mul3A_288 = arith.muli %and3A_285, %mul3A_287 : vector<16xi32>
    %add3A_289 = arith.addi %mul3A_282, %mul3A_288 : vector<16xi32>
    %add3A_290 = arith.addi %add3A_289, %iota3A : vector<16xi32>
    %shift_right_arithmetic3A_291 = arith.constant 3 : i32
    %shift_right_arithmetic3A_292 = vector.broadcast %shift_right_arithmetic3A_291 : i32 to vector<16xi32>
    %shift_right_arithmetic3A_293 = arith.shrsi %and3A_49, %shift_right_arithmetic3A_292 : vector<16xi32>
    %mul3A_294 = arith.constant 4096 : i32
    %mul3A_295 = vector.broadcast %mul3A_294 : i32 to vector<16xi32>
    %mul3A_296 = arith.muli %shift_right_arithmetic3A_293, %mul3A_295 : vector<16xi32>
    %and3A_297 = arith.constant 7 : i32
    %and3A_298 = vector.broadcast %and3A_297 : i32 to vector<16xi32>
    %and3A_299 = arith.andi %and3A_49, %and3A_298 : vector<16xi32>
    %mul3A_300 = arith.constant 128 : i32
    %mul3A_301 = vector.broadcast %mul3A_300 : i32 to vector<16xi32>
    %mul3A_302 = arith.muli %and3A_299, %mul3A_301 : vector<16xi32>
    %add3A_303 = arith.addi %mul3A_296, %mul3A_302 : vector<16xi32>
    %add3A_304 = arith.addi %add3A_303, %iota3A : vector<16xi32>
    %shift_right_arithmetic3A_305 = arith.constant 3 : i32
    %shift_right_arithmetic3A_306 = vector.broadcast %shift_right_arithmetic3A_305 : i32 to vector<16xi32>
    %shift_right_arithmetic3A_307 = arith.shrsi %and3A_55, %shift_right_arithmetic3A_306 : vector<16xi32>
    %mul3A_308 = arith.constant 4096 : i32
    %mul3A_309 = vector.broadcast %mul3A_308 : i32 to vector<16xi32>
    %mul3A_310 = arith.muli %shift_right_arithmetic3A_307, %mul3A_309 : vector<16xi32>
    %and3A_311 = arith.constant 7 : i32
    %and3A_312 = vector.broadcast %and3A_311 : i32 to vector<16xi32>
    %and3A_313 = arith.andi %and3A_55, %and3A_312 : vector<16xi32>
    %mul3A_314 = arith.constant 128 : i32
    %mul3A_315 = vector.broadcast %mul3A_314 : i32 to vector<16xi32>
    %mul3A_316 = arith.muli %and3A_313, %mul3A_315 : vector<16xi32>
    %add3A_317 = arith.addi %mul3A_310, %mul3A_316 : vector<16xi32>
    %add3A_318 = arith.addi %add3A_317, %iota3A : vector<16xi32>
    %shift_right_arithmetic3A_319 = arith.constant 3 : i32
    %shift_right_arithmetic3A_320 = vector.broadcast %shift_right_arithmetic3A_319 : i32 to vector<16xi32>
    %shift_right_arithmetic3A_321 = arith.shrsi %and3A_61, %shift_right_arithmetic3A_320 : vector<16xi32>
    %mul3A_322 = arith.constant 4096 : i32
    %mul3A_323 = vector.broadcast %mul3A_322 : i32 to vector<16xi32>
    %mul3A_324 = arith.muli %shift_right_arithmetic3A_321, %mul3A_323 : vector<16xi32>
    %and3A_325 = arith.constant 7 : i32
    %and3A_326 = vector.broadcast %and3A_325 : i32 to vector<16xi32>
    %and3A_327 = arith.andi %and3A_61, %and3A_326 : vector<16xi32>
    %mul3A_328 = arith.constant 128 : i32
    %mul3A_329 = vector.broadcast %mul3A_328 : i32 to vector<16xi32>
    %mul3A_330 = arith.muli %and3A_327, %mul3A_329 : vector<16xi32>
    %add3A_331 = arith.addi %mul3A_324, %mul3A_330 : vector<16xi32>
    %add3A_332 = arith.addi %add3A_331, %iota3A : vector<16xi32>
    %shift_right_arithmetic3A_333 = arith.constant 3 : i32
    %shift_right_arithmetic3A_334 = vector.broadcast %shift_right_arithmetic3A_333 : i32 to vector<16xi32>
    %shift_right_arithmetic3A_335 = arith.shrsi %and3A_67, %shift_right_arithmetic3A_334 : vector<16xi32>
    %mul3A_336 = arith.constant 4096 : i32
    %mul3A_337 = vector.broadcast %mul3A_336 : i32 to vector<16xi32>
    %mul3A_338 = arith.muli %shift_right_arithmetic3A_335, %mul3A_337 : vector<16xi32>
    %and3A_339 = arith.constant 7 : i32
    %and3A_340 = vector.broadcast %and3A_339 : i32 to vector<16xi32>
    %and3A_341 = arith.andi %and3A_67, %and3A_340 : vector<16xi32>
    %mul3A_342 = arith.constant 128 : i32
    %mul3A_343 = vector.broadcast %mul3A_342 : i32 to vector<16xi32>
    %mul3A_344 = arith.muli %and3A_341, %mul3A_343 : vector<16xi32>
    %add3A_345 = arith.addi %mul3A_338, %mul3A_344 : vector<16xi32>
    %add3A_346 = arith.addi %add3A_345, %iota3A : vector<16xi32>
    %shift_right_arithmetic3A_347 = arith.constant 3 : i32
    %shift_right_arithmetic3A_348 = vector.broadcast %shift_right_arithmetic3A_347 : i32 to vector<16xi32>
    %shift_right_arithmetic3A_349 = arith.shrsi %and3A_73, %shift_right_arithmetic3A_348 : vector<16xi32>
    %mul3A_350 = arith.constant 4096 : i32
    %mul3A_351 = vector.broadcast %mul3A_350 : i32 to vector<16xi32>
    %mul3A_352 = arith.muli %shift_right_arithmetic3A_349, %mul3A_351 : vector<16xi32>
    %and3A_353 = arith.constant 7 : i32
    %and3A_354 = vector.broadcast %and3A_353 : i32 to vector<16xi32>
    %and3A_355 = arith.andi %and3A_73, %and3A_354 : vector<16xi32>
    %mul3A_356 = arith.constant 128 : i32
    %mul3A_357 = vector.broadcast %mul3A_356 : i32 to vector<16xi32>
    %mul3A_358 = arith.muli %and3A_355, %mul3A_357 : vector<16xi32>
    %add3A_359 = arith.addi %mul3A_352, %mul3A_358 : vector<16xi32>
    %add3A_360 = arith.addi %add3A_359, %iota3A : vector<16xi32>
    %shift_right_arithmetic3A_361 = arith.constant 3 : i32
    %shift_right_arithmetic3A_362 = vector.broadcast %shift_right_arithmetic3A_361 : i32 to vector<16xi32>
    %shift_right_arithmetic3A_363 = arith.shrsi %and3A_79, %shift_right_arithmetic3A_362 : vector<16xi32>
    %mul3A_364 = arith.constant 4096 : i32
    %mul3A_365 = vector.broadcast %mul3A_364 : i32 to vector<16xi32>
    %mul3A_366 = arith.muli %shift_right_arithmetic3A_363, %mul3A_365 : vector<16xi32>
    %and3A_367 = arith.constant 7 : i32
    %and3A_368 = vector.broadcast %and3A_367 : i32 to vector<16xi32>
    %and3A_369 = arith.andi %and3A_79, %and3A_368 : vector<16xi32>
    %mul3A_370 = arith.constant 128 : i32
    %mul3A_371 = vector.broadcast %mul3A_370 : i32 to vector<16xi32>
    %mul3A_372 = arith.muli %and3A_369, %mul3A_371 : vector<16xi32>
    %add3A_373 = arith.addi %mul3A_366, %mul3A_372 : vector<16xi32>
    %add3A_374 = arith.addi %add3A_373, %iota3A : vector<16xi32>
    %shift_right_arithmetic3A_375 = arith.constant 3 : i32
    %shift_right_arithmetic3A_376 = vector.broadcast %shift_right_arithmetic3A_375 : i32 to vector<16xi32>
    %shift_right_arithmetic3A_377 = arith.shrsi %and3A_85, %shift_right_arithmetic3A_376 : vector<16xi32>
    %mul3A_378 = arith.constant 4096 : i32
    %mul3A_379 = vector.broadcast %mul3A_378 : i32 to vector<16xi32>
    %mul3A_380 = arith.muli %shift_right_arithmetic3A_377, %mul3A_379 : vector<16xi32>
    %and3A_381 = arith.constant 7 : i32
    %and3A_382 = vector.broadcast %and3A_381 : i32 to vector<16xi32>
    %and3A_383 = arith.andi %and3A_85, %and3A_382 : vector<16xi32>
    %mul3A_384 = arith.constant 128 : i32
    %mul3A_385 = vector.broadcast %mul3A_384 : i32 to vector<16xi32>
    %mul3A_386 = arith.muli %and3A_383, %mul3A_385 : vector<16xi32>
    %add3A_387 = arith.addi %mul3A_380, %mul3A_386 : vector<16xi32>
    %add3A_388 = arith.addi %add3A_387, %iota3A : vector<16xi32>
    %shift_right_arithmetic3A_389 = arith.constant 3 : i32
    %shift_right_arithmetic3A_390 = vector.broadcast %shift_right_arithmetic3A_389 : i32 to vector<16xi32>
    %shift_right_arithmetic3A_391 = arith.shrsi %and3A_91, %shift_right_arithmetic3A_390 : vector<16xi32>
    %mul3A_392 = arith.constant 4096 : i32
    %mul3A_393 = vector.broadcast %mul3A_392 : i32 to vector<16xi32>
    %mul3A_394 = arith.muli %shift_right_arithmetic3A_391, %mul3A_393 : vector<16xi32>
    %and3A_395 = arith.constant 7 : i32
    %and3A_396 = vector.broadcast %and3A_395 : i32 to vector<16xi32>
    %and3A_397 = arith.andi %and3A_91, %and3A_396 : vector<16xi32>
    %mul3A_398 = arith.constant 128 : i32
    %mul3A_399 = vector.broadcast %mul3A_398 : i32 to vector<16xi32>
    %mul3A_400 = arith.muli %and3A_397, %mul3A_399 : vector<16xi32>
    %add3A_401 = arith.addi %mul3A_394, %mul3A_400 : vector<16xi32>
    %add3A_402 = arith.addi %add3A_401, %iota3A : vector<16xi32>
    %shift_right_arithmetic3A_403 = arith.constant 3 : i32
    %shift_right_arithmetic3A_404 = vector.broadcast %shift_right_arithmetic3A_403 : i32 to vector<16xi32>
    %shift_right_arithmetic3A_405 = arith.shrsi %and3A_97, %shift_right_arithmetic3A_404 : vector<16xi32>
    %mul3A_406 = arith.constant 4096 : i32
    %mul3A_407 = vector.broadcast %mul3A_406 : i32 to vector<16xi32>
    %mul3A_408 = arith.muli %shift_right_arithmetic3A_405, %mul3A_407 : vector<16xi32>
    %and3A_409 = arith.constant 7 : i32
    %and3A_410 = vector.broadcast %and3A_409 : i32 to vector<16xi32>
    %and3A_411 = arith.andi %and3A_97, %and3A_410 : vector<16xi32>
    %mul3A_412 = arith.constant 128 : i32
    %mul3A_413 = vector.broadcast %mul3A_412 : i32 to vector<16xi32>
    %mul3A_414 = arith.muli %and3A_411, %mul3A_413 : vector<16xi32>
    %add3A_415 = arith.addi %mul3A_408, %mul3A_414 : vector<16xi32>
    %add3A_416 = arith.addi %add3A_415, %iota3A : vector<16xi32>
    %dma_start3A = arith.constant 0 : i32
    %dma_start3A_417 = arith.constant 0 : i32
    %dma_start3A_418 = arith.constant 0 : i32
    %dma_start3A_419 = tpu.memref_slice %arg6[%dma_start3A_417, %dma_start3A_418] : memref<512x32xf32, #tpu.memory_space<vmem>> -> memref<128x32xf32, #tpu.memory_space<vmem>>
    %dma_start3A_420 = arith.constant 0 : i32
    %dma_start3A_421 = tpu.memref_slice %arg5[%dma_start3A, %dma_start3A_420] : memref<200x128xi32, #tpu.memory_space<vmem>> -> memref<1x128xi32, #tpu.memory_space<vmem>>
    %dma_start3A_422 = tpu.memref_squeeze %dma_start3A_421 : memref<1x128xi32, #tpu.memory_space<vmem>> -> memref<128xi32, #tpu.memory_space<vmem>>
    %dma_start3A_423 = arith.constant 0 : i32
    %dma_start3A_424 = arith.constant 0 : i32
    %dma_start3A_425 = tpu.memref_slice %arg3[%dma_start3A_423, %dma_start3A_424] : memref<1000000x32xf32, #tpu.memory_space<hbm>> -> memref<1000000x32xf32, #tpu.memory_space<hbm>>
    tpu.enqueue_indirect_dma source(%dma_start3A_425 : memref<1000000x32xf32, #tpu.memory_space<hbm>>) target(%dma_start3A_419 : memref<128x32xf32, #tpu.memory_space<vmem>>) offsets(%dma_start3A_422 : memref<128xi32, #tpu.memory_space<vmem>>) semaphore(%arg10 : memref<!tpu.dma_semaphore, #tpu.memory_space<semaphore_mem>>)
    %dma_start3A_426 = arith.constant 1 : i32
    %dma_start3A_427 = arith.constant 128 : i32
    %dma_start3A_428 = arith.constant 0 : i32
    %dma_start3A_429 = tpu.memref_slice %arg6[%dma_start3A_427, %dma_start3A_428] : memref<512x32xf32, #tpu.memory_space<vmem>> -> memref<128x32xf32, #tpu.memory_space<vmem>>
    %dma_start3A_430 = arith.constant 0 : i32
    %dma_start3A_431 = tpu.memref_slice %arg5[%dma_start3A_426, %dma_start3A_430] : memref<200x128xi32, #tpu.memory_space<vmem>> -> memref<1x128xi32, #tpu.memory_space<vmem>>
    %dma_start3A_432 = tpu.memref_squeeze %dma_start3A_431 : memref<1x128xi32, #tpu.memory_space<vmem>> -> memref<128xi32, #tpu.memory_space<vmem>>
    %dma_start3A_433 = arith.constant 0 : i32
    %dma_start3A_434 = arith.constant 0 : i32
    %dma_start3A_435 = tpu.memref_slice %arg3[%dma_start3A_433, %dma_start3A_434] : memref<1000000x32xf32, #tpu.memory_space<hbm>> -> memref<1000000x32xf32, #tpu.memory_space<hbm>>
    tpu.enqueue_indirect_dma source(%dma_start3A_435 : memref<1000000x32xf32, #tpu.memory_space<hbm>>) target(%dma_start3A_429 : memref<128x32xf32, #tpu.memory_space<vmem>>) offsets(%dma_start3A_432 : memref<128xi32, #tpu.memory_space<vmem>>) semaphore(%arg10 : memref<!tpu.dma_semaphore, #tpu.memory_space<semaphore_mem>>)
    %dma_start3A_436 = arith.constant 2 : i32
    %dma_start3A_437 = arith.constant 256 : i32
    %dma_start3A_438 = arith.constant 0 : i32
    %dma_start3A_439 = tpu.memref_slice %arg6[%dma_start3A_437, %dma_start3A_438] : memref<512x32xf32, #tpu.memory_space<vmem>> -> memref<128x32xf32, #tpu.memory_space<vmem>>
    %dma_start3A_440 = arith.constant 0 : i32
    %dma_start3A_441 = tpu.memref_slice %arg5[%dma_start3A_436, %dma_start3A_440] : memref<200x128xi32, #tpu.memory_space<vmem>> -> memref<1x128xi32, #tpu.memory_space<vmem>>
    %dma_start3A_442 = tpu.memref_squeeze %dma_start3A_441 : memref<1x128xi32, #tpu.memory_space<vmem>> -> memref<128xi32, #tpu.memory_space<vmem>>
    %dma_start3A_443 = arith.constant 0 : i32
    %dma_start3A_444 = arith.constant 0 : i32
    %dma_start3A_445 = tpu.memref_slice %arg3[%dma_start3A_443, %dma_start3A_444] : memref<1000000x32xf32, #tpu.memory_space<hbm>> -> memref<1000000x32xf32, #tpu.memory_space<hbm>>
    tpu.enqueue_indirect_dma source(%dma_start3A_445 : memref<1000000x32xf32, #tpu.memory_space<hbm>>) target(%dma_start3A_439 : memref<128x32xf32, #tpu.memory_space<vmem>>) offsets(%dma_start3A_442 : memref<128xi32, #tpu.memory_space<vmem>>) semaphore(%arg10 : memref<!tpu.dma_semaphore, #tpu.memory_space<semaphore_mem>>)
    %dma_start3A_446 = arith.constant 3 : i32
    %dma_start3A_447 = arith.constant 384 : i32
    %dma_start3A_448 = arith.constant 0 : i32
    %dma_start3A_449 = tpu.memref_slice %arg6[%dma_start3A_447, %dma_start3A_448] : memref<512x32xf32, #tpu.memory_space<vmem>> -> memref<128x32xf32, #tpu.memory_space<vmem>>
    %dma_start3A_450 = arith.constant 0 : i32
    %dma_start3A_451 = tpu.memref_slice %arg5[%dma_start3A_446, %dma_start3A_450] : memref<200x128xi32, #tpu.memory_space<vmem>> -> memref<1x128xi32, #tpu.memory_space<vmem>>
    %dma_start3A_452 = tpu.memref_squeeze %dma_start3A_451 : memref<1x128xi32, #tpu.memory_space<vmem>> -> memref<128xi32, #tpu.memory_space<vmem>>
    %dma_start3A_453 = arith.constant 0 : i32
    %dma_start3A_454 = arith.constant 0 : i32
    %dma_start3A_455 = tpu.memref_slice %arg3[%dma_start3A_453, %dma_start3A_454] : memref<1000000x32xf32, #tpu.memory_space<hbm>> -> memref<1000000x32xf32, #tpu.memory_space<hbm>>
    tpu.enqueue_indirect_dma source(%dma_start3A_455 : memref<1000000x32xf32, #tpu.memory_space<hbm>>) target(%dma_start3A_449 : memref<128x32xf32, #tpu.memory_space<vmem>>) offsets(%dma_start3A_452 : memref<128xi32, #tpu.memory_space<vmem>>) semaphore(%arg10 : memref<!tpu.dma_semaphore, #tpu.memory_space<semaphore_mem>>)
    %dma_start3A_456 = arith.constant 4 : i32
    %dma_start3A_457 = arith.constant 0 : i32
    %dma_start3A_458 = arith.constant 0 : i32
    %dma_start3A_459 = tpu.memref_slice %arg7[%dma_start3A_457, %dma_start3A_458] : memref<512x32xf32, #tpu.memory_space<vmem>> -> memref<128x32xf32, #tpu.memory_space<vmem>>
    %dma_start3A_460 = arith.constant 0 : i32
    %dma_start3A_461 = tpu.memref_slice %arg5[%dma_start3A_456, %dma_start3A_460] : memref<200x128xi32, #tpu.memory_space<vmem>> -> memref<1x128xi32, #tpu.memory_space<vmem>>
    %dma_start3A_462 = tpu.memref_squeeze %dma_start3A_461 : memref<1x128xi32, #tpu.memory_space<vmem>> -> memref<128xi32, #tpu.memory_space<vmem>>
    %dma_start3A_463 = arith.constant 0 : i32
    %dma_start3A_464 = arith.constant 0 : i32
    %dma_start3A_465 = tpu.memref_slice %arg3[%dma_start3A_463, %dma_start3A_464] : memref<1000000x32xf32, #tpu.memory_space<hbm>> -> memref<1000000x32xf32, #tpu.memory_space<hbm>>
    tpu.enqueue_indirect_dma source(%dma_start3A_465 : memref<1000000x32xf32, #tpu.memory_space<hbm>>) target(%dma_start3A_459 : memref<128x32xf32, #tpu.memory_space<vmem>>) offsets(%dma_start3A_462 : memref<128xi32, #tpu.memory_space<vmem>>) semaphore(%arg11 : memref<!tpu.dma_semaphore, #tpu.memory_space<semaphore_mem>>)
    %dma_start3A_466 = arith.constant 5 : i32
    %dma_start3A_467 = arith.constant 128 : i32
    %dma_start3A_468 = arith.constant 0 : i32
    %dma_start3A_469 = tpu.memref_slice %arg7[%dma_start3A_467, %dma_start3A_468] : memref<512x32xf32, #tpu.memory_space<vmem>> -> memref<128x32xf32, #tpu.memory_space<vmem>>
    %dma_start3A_470 = arith.constant 0 : i32
    %dma_start3A_471 = tpu.memref_slice %arg5[%dma_start3A_466, %dma_start3A_470] : memref<200x128xi32, #tpu.memory_space<vmem>> -> memref<1x128xi32, #tpu.memory_space<vmem>>
    %dma_start3A_472 = tpu.memref_squeeze %dma_start3A_471 : memref<1x128xi32, #tpu.memory_space<vmem>> -> memref<128xi32, #tpu.memory_space<vmem>>
    %dma_start3A_473 = arith.constant 0 : i32
    %dma_start3A_474 = arith.constant 0 : i32
    %dma_start3A_475 = tpu.memref_slice %arg3[%dma_start3A_473, %dma_start3A_474] : memref<1000000x32xf32, #tpu.memory_space<hbm>> -> memref<1000000x32xf32, #tpu.memory_space<hbm>>
    tpu.enqueue_indirect_dma source(%dma_start3A_475 : memref<1000000x32xf32, #tpu.memory_space<hbm>>) target(%dma_start3A_469 : memref<128x32xf32, #tpu.memory_space<vmem>>) offsets(%dma_start3A_472 : memref<128xi32, #tpu.memory_space<vmem>>) semaphore(%arg11 : memref<!tpu.dma_semaphore, #tpu.memory_space<semaphore_mem>>)
    %dma_start3A_476 = arith.constant 6 : i32
    %dma_start3A_477 = arith.constant 256 : i32
    %dma_start3A_478 = arith.constant 0 : i32
    %dma_start3A_479 = tpu.memref_slice %arg7[%dma_start3A_477, %dma_start3A_478] : memref<512x32xf32, #tpu.memory_space<vmem>> -> memref<128x32xf32, #tpu.memory_space<vmem>>
    %dma_start3A_480 = arith.constant 0 : i32
    %dma_start3A_481 = tpu.memref_slice %arg5[%dma_start3A_476, %dma_start3A_480] : memref<200x128xi32, #tpu.memory_space<vmem>> -> memref<1x128xi32, #tpu.memory_space<vmem>>
    %dma_start3A_482 = tpu.memref_squeeze %dma_start3A_481 : memref<1x128xi32, #tpu.memory_space<vmem>> -> memref<128xi32, #tpu.memory_space<vmem>>
    %dma_start3A_483 = arith.constant 0 : i32
    %dma_start3A_484 = arith.constant 0 : i32
    %dma_start3A_485 = tpu.memref_slice %arg3[%dma_start3A_483, %dma_start3A_484] : memref<1000000x32xf32, #tpu.memory_space<hbm>> -> memref<1000000x32xf32, #tpu.memory_space<hbm>>
    tpu.enqueue_indirect_dma source(%dma_start3A_485 : memref<1000000x32xf32, #tpu.memory_space<hbm>>) target(%dma_start3A_479 : memref<128x32xf32, #tpu.memory_space<vmem>>) offsets(%dma_start3A_482 : memref<128xi32, #tpu.memory_space<vmem>>) semaphore(%arg11 : memref<!tpu.dma_semaphore, #tpu.memory_space<semaphore_mem>>)
    %dma_start3A_486 = arith.constant 7 : i32
    %dma_start3A_487 = arith.constant 384 : i32
    %dma_start3A_488 = arith.constant 0 : i32
    %dma_start3A_489 = tpu.memref_slice %arg7[%dma_start3A_487, %dma_start3A_488] : memref<512x32xf32, #tpu.memory_space<vmem>> -> memref<128x32xf32, #tpu.memory_space<vmem>>
    %dma_start3A_490 = arith.constant 0 : i32
    %dma_start3A_491 = tpu.memref_slice %arg5[%dma_start3A_486, %dma_start3A_490] : memref<200x128xi32, #tpu.memory_space<vmem>> -> memref<1x128xi32, #tpu.memory_space<vmem>>
    %dma_start3A_492 = tpu.memref_squeeze %dma_start3A_491 : memref<1x128xi32, #tpu.memory_space<vmem>> -> memref<128xi32, #tpu.memory_space<vmem>>
    %dma_start3A_493 = arith.constant 0 : i32
    %dma_start3A_494 = arith.constant 0 : i32
    %dma_start3A_495 = tpu.memref_slice %arg3[%dma_start3A_493, %dma_start3A_494] : memref<1000000x32xf32, #tpu.memory_space<hbm>> -> memref<1000000x32xf32, #tpu.memory_space<hbm>>
    tpu.enqueue_indirect_dma source(%dma_start3A_495 : memref<1000000x32xf32, #tpu.memory_space<hbm>>) target(%dma_start3A_489 : memref<128x32xf32, #tpu.memory_space<vmem>>) offsets(%dma_start3A_492 : memref<128xi32, #tpu.memory_space<vmem>>) semaphore(%arg11 : memref<!tpu.dma_semaphore, #tpu.memory_space<semaphore_mem>>)
    %scan3A = arith.constant 0 : i32
    %scan3A_496 = arith.constant 0 : i32
    %scan3A_497 = arith.constant 25 : i32
    %scan3A_498 = arith.addi %scan3A_496, %scan3A_497 : i32
    %scan3A_499 = arith.constant 1 : i32
    %scan3A_500 = scf.for %scan3A_605 = %scan3A_496 to %scan3A_498 step %scan3A_499 iter_args(%scan3A_606 = %scan3A) -> (i32)  : i32 {
      %mul3A_607 = arith.constant 2 : i32
      %mul3A_608 = arith.muli %mul3A_607, %scan3A_605 : i32
      %add3A_609 = arith.constant 0 : i32
      %add3A_610 = arith.addi %mul3A_608, %add3A_609 : i32
      %mul3A_611 = arith.constant 4 : i32
      %mul3A_612 = arith.muli %add3A_610, %mul3A_611 : i32
      %add3A_613 = arith.addi %mul3A_2, %mul3A_612 : i32
      %shift_right_arithmetic3A_614 = arith.constant 7 : i32
      %shift_right_arithmetic3A_615 = arith.shrsi %add3A_613, %shift_right_arithmetic3A_614 : i32
      %and3A_616 = arith.constant 127 : i32
      %and3A_617 = arith.andi %add3A_613, %and3A_616 : i32
      %shift_right_arithmetic3A_618 = arith.constant 2 : i32
      %shift_right_arithmetic3A_619 = arith.shrsi %and3A_617, %shift_right_arithmetic3A_618 : i32
      %mul3A_620 = arith.constant 4 : i32
      %mul3A_621 = arith.muli %add3A_610, %mul3A_620 : i32
      %add3A_622 = arith.constant 0 : i32
      %add3A_623 = arith.addi %mul3A_621, %add3A_622 : i32
      %dma_wait3A_624 = arith.constant 0 : i32
      %dma_wait3A_625 = arith.constant 0 : i32
      %dma_wait3A_626 = tpu.memref_slice %arg6[%dma_wait3A_624, %dma_wait3A_625] : memref<512x32xf32, #tpu.memory_space<vmem>> -> memref<128x32xf32, #tpu.memory_space<vmem>>
      %dma_wait3A_627 = arith.constant 0 : i32
      %dma_wait3A_628 = tpu.memref_slice %arg5[%add3A_623, %dma_wait3A_627] : memref<200x128xi32, #tpu.memory_space<vmem>> -> memref<1x128xi32, #tpu.memory_space<vmem>>
      %dma_wait3A_629 = tpu.memref_squeeze %dma_wait3A_628 : memref<1x128xi32, #tpu.memory_space<vmem>> -> memref<128xi32, #tpu.memory_space<vmem>>
      %dma_wait3A_630 = arith.constant 0 : i32
      %dma_wait3A_631 = arith.constant 0 : i32
      %dma_wait3A_632 = tpu.memref_slice %arg3[%dma_wait3A_630, %dma_wait3A_631] : memref<1000000x32xf32, #tpu.memory_space<hbm>> -> memref<1000000x32xf32, #tpu.memory_space<hbm>>
      tpu.wait_indirect_dma semaphore(%arg10 : memref<!tpu.dma_semaphore, #tpu.memory_space<semaphore_mem>>) src(%dma_wait3A_632 : memref<1000000x32xf32, #tpu.memory_space<hbm>>) dst(%dma_wait3A_626 : memref<128x32xf32, #tpu.memory_space<vmem>>)
      %mul3A_633 = arith.constant 4 : i32
      %mul3A_634 = arith.muli %add3A_610, %mul3A_633 : i32
      %add3A_635 = arith.constant 1 : i32
      %add3A_636 = arith.addi %mul3A_634, %add3A_635 : i32
      %dma_wait3A_637 = arith.constant 128 : i32
      %dma_wait3A_638 = arith.constant 0 : i32
      %dma_wait3A_639 = tpu.memref_slice %arg6[%dma_wait3A_637, %dma_wait3A_638] : memref<512x32xf32, #tpu.memory_space<vmem>> -> memref<128x32xf32, #tpu.memory_space<vmem>>
      %dma_wait3A_640 = arith.constant 0 : i32
      %dma_wait3A_641 = tpu.memref_slice %arg5[%add3A_636, %dma_wait3A_640] : memref<200x128xi32, #tpu.memory_space<vmem>> -> memref<1x128xi32, #tpu.memory_space<vmem>>
      %dma_wait3A_642 = tpu.memref_squeeze %dma_wait3A_641 : memref<1x128xi32, #tpu.memory_space<vmem>> -> memref<128xi32, #tpu.memory_space<vmem>>
      %dma_wait3A_643 = arith.constant 0 : i32
      %dma_wait3A_644 = arith.constant 0 : i32
      %dma_wait3A_645 = tpu.memref_slice %arg3[%dma_wait3A_643, %dma_wait3A_644] : memref<1000000x32xf32, #tpu.memory_space<hbm>> -> memref<1000000x32xf32, #tpu.memory_space<hbm>>
      tpu.wait_indirect_dma semaphore(%arg10 : memref<!tpu.dma_semaphore, #tpu.memory_space<semaphore_mem>>) src(%dma_wait3A_645 : memref<1000000x32xf32, #tpu.memory_space<hbm>>) dst(%dma_wait3A_639 : memref<128x32xf32, #tpu.memory_space<vmem>>)
      %mul3A_646 = arith.constant 4 : i32
      %mul3A_647 = arith.muli %add3A_610, %mul3A_646 : i32
      %add3A_648 = arith.constant 2 : i32
      %add3A_649 = arith.addi %mul3A_647, %add3A_648 : i32
      %dma_wait3A_650 = arith.constant 256 : i32
      %dma_wait3A_651 = arith.constant 0 : i32
      %dma_wait3A_652 = tpu.memref_slice %arg6[%dma_wait3A_650, %dma_wait3A_651] : memref<512x32xf32, #tpu.memory_space<vmem>> -> memref<128x32xf32, #tpu.memory_space<vmem>>
      %dma_wait3A_653 = arith.constant 0 : i32
      %dma_wait3A_654 = tpu.memref_slice %arg5[%add3A_649, %dma_wait3A_653] : memref<200x128xi32, #tpu.memory_space<vmem>> -> memref<1x128xi32, #tpu.memory_space<vmem>>
      %dma_wait3A_655 = tpu.memref_squeeze %dma_wait3A_654 : memref<1x128xi32, #tpu.memory_space<vmem>> -> memref<128xi32, #tpu.memory_space<vmem>>
      %dma_wait3A_656 = arith.constant 0 : i32
      %dma_wait3A_657 = arith.constant 0 : i32
      %dma_wait3A_658 = tpu.memref_slice %arg3[%dma_wait3A_656, %dma_wait3A_657] : memref<1000000x32xf32, #tpu.memory_space<hbm>> -> memref<1000000x32xf32, #tpu.memory_space<hbm>>
      tpu.wait_indirect_dma semaphore(%arg10 : memref<!tpu.dma_semaphore, #tpu.memory_space<semaphore_mem>>) src(%dma_wait3A_658 : memref<1000000x32xf32, #tpu.memory_space<hbm>>) dst(%dma_wait3A_652 : memref<128x32xf32, #tpu.memory_space<vmem>>)
      %mul3A_659 = arith.constant 4 : i32
      %mul3A_660 = arith.muli %add3A_610, %mul3A_659 : i32
      %add3A_661 = arith.constant 3 : i32
      %add3A_662 = arith.addi %mul3A_660, %add3A_661 : i32
      %dma_wait3A_663 = arith.constant 384 : i32
      %dma_wait3A_664 = arith.constant 0 : i32
      %dma_wait3A_665 = tpu.memref_slice %arg6[%dma_wait3A_663, %dma_wait3A_664] : memref<512x32xf32, #tpu.memory_space<vmem>> -> memref<128x32xf32, #tpu.memory_space<vmem>>
      %dma_wait3A_666 = arith.constant 0 : i32
      %dma_wait3A_667 = tpu.memref_slice %arg5[%add3A_662, %dma_wait3A_666] : memref<200x128xi32, #tpu.memory_space<vmem>> -> memref<1x128xi32, #tpu.memory_space<vmem>>
      %dma_wait3A_668 = tpu.memref_squeeze %dma_wait3A_667 : memref<1x128xi32, #tpu.memory_space<vmem>> -> memref<128xi32, #tpu.memory_space<vmem>>
      %dma_wait3A_669 = arith.constant 0 : i32
      %dma_wait3A_670 = arith.constant 0 : i32
      %dma_wait3A_671 = tpu.memref_slice %arg3[%dma_wait3A_669, %dma_wait3A_670] : memref<1000000x32xf32, #tpu.memory_space<hbm>> -> memref<1000000x32xf32, #tpu.memory_space<hbm>>
      tpu.wait_indirect_dma semaphore(%arg10 : memref<!tpu.dma_semaphore, #tpu.memory_space<semaphore_mem>>) src(%dma_wait3A_671 : memref<1000000x32xf32, #tpu.memory_space<hbm>>) dst(%dma_wait3A_665 : memref<128x32xf32, #tpu.memory_space<vmem>>)
      %gt3A = arith.constant 0 : i32
      %gt3A_672 = arith.cmpi sgt, %scan3A_605, %gt3A : i32
      %convert_element_type3A = arith.extui %gt3A_672 : i1 to i32
      %cond3A = arith.constant 0 : i32
      %cond3A_673 = arith.cmpi ne, %convert_element_type3A, %cond3A : i32
      scf.if %cond3A_673 {
        %sub3A = arith.constant 2 : i32
        %sub3A_860 = arith.subi %add3A_610, %sub3A : i32
        %mul3A_861 = arith.constant 4 : i32
        %mul3A_862 = arith.muli %sub3A_860, %mul3A_861 : i32
        %add3A_863 = arith.addi %mul3A_2, %mul3A_862 : i32
        %shift_right_arithmetic3A_864 = arith.constant 7 : i32
        %shift_right_arithmetic3A_865 = arith.shrsi %add3A_863, %shift_right_arithmetic3A_864 : i32
        %and3A_866 = arith.constant 127 : i32
        %and3A_867 = arith.andi %add3A_863, %and3A_866 : i32
        %shift_right_arithmetic3A_868 = arith.constant 2 : i32
        %shift_right_arithmetic3A_869 = arith.shrsi %and3A_867, %shift_right_arithmetic3A_868 : i32
        %dma_wait3A_870 = arith.constant 0 : i32
        %dma_wait3A_871 = arith.constant 0 : i32
        %dma_wait3A_872 = tpu.memref_slice %arg8[%dma_wait3A_871] : memref<16384xf32, #tpu.memory_space<vmem>> -> memref<4096xf32, #tpu.memory_space<vmem>>
        %dma_wait3A_873 = arith.constant 0 : i32
        %dma_wait3A_874 = tpu.memref_slice %arg4[%shift_right_arithmetic3A_865, %dma_wait3A_870, %shift_right_arithmetic3A_869, %dma_wait3A_873] : memref<50x4x32x4096xf32, #tpu.memory_space<hbm>> -> memref<1x1x1x4096xf32, #tpu.memory_space<hbm>>
        %dma_wait3A_875 = tpu.memref_squeeze %dma_wait3A_874 : memref<1x1x1x4096xf32, #tpu.memory_space<hbm>> -> memref<4096xf32, #tpu.memory_space<hbm>>
        %dma_wait3A_876 = arith.constant 0 : i32
        %dma_wait3A_877 = tpu.memref_slice %arg4[%shift_right_arithmetic3A_865, %dma_wait3A_870, %shift_right_arithmetic3A_869, %dma_wait3A_876] : memref<50x4x32x4096xf32, #tpu.memory_space<hbm>> -> memref<1x1x1x4096xf32, #tpu.memory_space<hbm>>
        %dma_wait3A_878 = tpu.memref_squeeze %dma_wait3A_877 : memref<1x1x1x4096xf32, #tpu.memory_space<hbm>> -> memref<4096xf32, #tpu.memory_space<hbm>>
        %dma_wait3A_879 = arith.constant 0 : i32
        %dma_wait3A_880 = tpu.memref_slice %arg8[%dma_wait3A_879] : memref<16384xf32, #tpu.memory_space<vmem>> -> memref<4096xf32, #tpu.memory_space<vmem>>
        tpu.wait_dma2 semaphore(%arg12 : memref<!tpu.dma_semaphore, #tpu.memory_space<semaphore_mem>>) src(%dma_wait3A_880 : memref<4096xf32, #tpu.memory_space<vmem>>) dst(%dma_wait3A_878 : memref<4096xf32, #tpu.memory_space<hbm>>)
        %dma_wait3A_881 = arith.constant 1 : i32
        %dma_wait3A_882 = arith.constant 4096 : i32
        %dma_wait3A_883 = tpu.memref_slice %arg8[%dma_wait3A_882] : memref<16384xf32, #tpu.memory_space<vmem>> -> memref<4096xf32, #tpu.memory_space<vmem>>
        %dma_wait3A_884 = arith.constant 0 : i32
        %dma_wait3A_885 = tpu.memref_slice %arg4[%shift_right_arithmetic3A_865, %dma_wait3A_881, %shift_right_arithmetic3A_869, %dma_wait3A_884] : memref<50x4x32x4096xf32, #tpu.memory_space<hbm>> -> memref<1x1x1x4096xf32, #tpu.memory_space<hbm>>
        %dma_wait3A_886 = tpu.memref_squeeze %dma_wait3A_885 : memref<1x1x1x4096xf32, #tpu.memory_space<hbm>> -> memref<4096xf32, #tpu.memory_space<hbm>>
        %dma_wait3A_887 = arith.constant 0 : i32
        %dma_wait3A_888 = tpu.memref_slice %arg4[%shift_right_arithmetic3A_865, %dma_wait3A_881, %shift_right_arithmetic3A_869, %dma_wait3A_887] : memref<50x4x32x4096xf32, #tpu.memory_space<hbm>> -> memref<1x1x1x4096xf32, #tpu.memory_space<hbm>>
        %dma_wait3A_889 = tpu.memref_squeeze %dma_wait3A_888 : memref<1x1x1x4096xf32, #tpu.memory_space<hbm>> -> memref<4096xf32, #tpu.memory_space<hbm>>
        %dma_wait3A_890 = arith.constant 4096 : i32
        %dma_wait3A_891 = tpu.memref_slice %arg8[%dma_wait3A_890] : memref<16384xf32, #tpu.memory_space<vmem>> -> memref<4096xf32, #tpu.memory_space<vmem>>
        tpu.wait_dma2 semaphore(%arg12 : memref<!tpu.dma_semaphore, #tpu.memory_space<semaphore_mem>>) src(%dma_wait3A_891 : memref<4096xf32, #tpu.memory_space<vmem>>) dst(%dma_wait3A_889 : memref<4096xf32, #tpu.memory_space<hbm>>)
        %dma_wait3A_892 = arith.constant 2 : i32
        %dma_wait3A_893 = arith.constant 8192 : i32
        %dma_wait3A_894 = tpu.memref_slice %arg8[%dma_wait3A_893] : memref<16384xf32, #tpu.memory_space<vmem>> -> memref<4096xf32, #tpu.memory_space<vmem>>
        %dma_wait3A_895 = arith.constant 0 : i32
        %dma_wait3A_896 = tpu.memref_slice %arg4[%shift_right_arithmetic3A_865, %dma_wait3A_892, %shift_right_arithmetic3A_869, %dma_wait3A_895] : memref<50x4x32x4096xf32, #tpu.memory_space<hbm>> -> memref<1x1x1x4096xf32, #tpu.memory_space<hbm>>
        %dma_wait3A_897 = tpu.memref_squeeze %dma_wait3A_896 : memref<1x1x1x4096xf32, #tpu.memory_space<hbm>> -> memref<4096xf32, #tpu.memory_space<hbm>>
        %dma_wait3A_898 = arith.constant 0 : i32
        %dma_wait3A_899 = tpu.memref_slice %arg4[%shift_right_arithmetic3A_865, %dma_wait3A_892, %shift_right_arithmetic3A_869, %dma_wait3A_898] : memref<50x4x32x4096xf32, #tpu.memory_space<hbm>> -> memref<1x1x1x4096xf32, #tpu.memory_space<hbm>>
        %dma_wait3A_900 = tpu.memref_squeeze %dma_wait3A_899 : memref<1x1x1x4096xf32, #tpu.memory_space<hbm>> -> memref<4096xf32, #tpu.memory_space<hbm>>
        %dma_wait3A_901 = arith.constant 8192 : i32
        %dma_wait3A_902 = tpu.memref_slice %arg8[%dma_wait3A_901] : memref<16384xf32, #tpu.memory_space<vmem>> -> memref<4096xf32, #tpu.memory_space<vmem>>
        tpu.wait_dma2 semaphore(%arg12 : memref<!tpu.dma_semaphore, #tpu.memory_space<semaphore_mem>>) src(%dma_wait3A_902 : memref<4096xf32, #tpu.memory_space<vmem>>) dst(%dma_wait3A_900 : memref<4096xf32, #tpu.memory_space<hbm>>)
        %dma_wait3A_903 = arith.constant 3 : i32
        %dma_wait3A_904 = arith.constant 12288 : i32
        %dma_wait3A_905 = tpu.memref_slice %arg8[%dma_wait3A_904] : memref<16384xf32, #tpu.memory_space<vmem>> -> memref<4096xf32, #tpu.memory_space<vmem>>
        %dma_wait3A_906 = arith.constant 0 : i32
        %dma_wait3A_907 = tpu.memref_slice %arg4[%shift_right_arithmetic3A_865, %dma_wait3A_903, %shift_right_arithmetic3A_869, %dma_wait3A_906] : memref<50x4x32x4096xf32, #tpu.memory_space<hbm>> -> memref<1x1x1x4096xf32, #tpu.memory_space<hbm>>
        %dma_wait3A_908 = tpu.memref_squeeze %dma_wait3A_907 : memref<1x1x1x4096xf32, #tpu.memory_space<hbm>> -> memref<4096xf32, #tpu.memory_space<hbm>>
        %dma_wait3A_909 = arith.constant 0 : i32
        %dma_wait3A_910 = tpu.memref_slice %arg4[%shift_right_arithmetic3A_865, %dma_wait3A_903, %shift_right_arithmetic3A_869, %dma_wait3A_909] : memref<50x4x32x4096xf32, #tpu.memory_space<hbm>> -> memref<1x1x1x4096xf32, #tpu.memory_space<hbm>>
        %dma_wait3A_911 = tpu.memref_squeeze %dma_wait3A_910 : memref<1x1x1x4096xf32, #tpu.memory_space<hbm>> -> memref<4096xf32, #tpu.memory_space<hbm>>
        %dma_wait3A_912 = arith.constant 12288 : i32
        %dma_wait3A_913 = tpu.memref_slice %arg8[%dma_wait3A_912] : memref<16384xf32, #tpu.memory_space<vmem>> -> memref<4096xf32, #tpu.memory_space<vmem>>
        tpu.wait_dma2 semaphore(%arg12 : memref<!tpu.dma_semaphore, #tpu.memory_space<semaphore_mem>>) src(%dma_wait3A_913 : memref<4096xf32, #tpu.memory_space<vmem>>) dst(%dma_wait3A_911 : memref<4096xf32, #tpu.memory_space<hbm>>)
      } else {
      }
      %scan3A_674 = arith.constant 0 : i32
      %scan3A_675 = arith.constant 0 : i32
      %scan3A_676 = arith.constant 8 : i32
      %scan3A_677 = arith.addi %scan3A_675, %scan3A_676 : i32
      %scan3A_678 = arith.constant 1 : i32
      %scan3A_679 = scf.for %scan3A_860 = %scan3A_675 to %scan3A_677 step %scan3A_678 iter_args(%scan3A_861 = %scan3A_674) -> (i32)  : i32 {
        %mul3A_862 = arith.constant 16 : i32
        %mul3A_863 = arith.muli %scan3A_860, %mul3A_862 : i32
        %add3A_864 = arith.constant 0 : i32
        %add3A_865 = arith.addi %add3A_864, %mul3A_863 : i32
        %add3A_866 = vector.broadcast %add3A_865 : i32 to vector<16xi32>
        %add3A_867 = arith.addi %iota3A, %add3A_866 : vector<16xi32>
        %add3A_868 = arith.constant 0 : i32
        %add3A_869 = arith.addi %add3A_868, %mul3A_863 : i32
        %broadcast_in_dim3A = vector.broadcast %add3A_869 : i32 to vector<16xi32>
        %gather3A = tpu.vector_load_idx %arg6[%add3A_867, %add3A_100] : memref<512x32xf32, #tpu.memory_space<vmem>>[vector<16xi32>, vector<16xi32>], vector<16xf32>,
        %add3A_870 = arith.addi %add3A_206, %broadcast_in_dim3A : vector<16xi32>
        %mul3A_871 = arith.constant 5.65685415 : f32
        %mul3A_872 = vector.broadcast %mul3A_871 : f32 to vector<16xf32>
        %mul3A_873 = arith.mulf %gather3A, %mul3A_872 : vector<16xf32>
        tpu.vector_store_idx %arg8[%add3A_870], %mul3A_873 : memref<16384xf32, #tpu.memory_space<vmem>>[vector<16xi32>], vector<16xf32>,
        %gather3A_874 = tpu.vector_load_idx %arg6[%add3A_867, %add3A_103] : memref<512x32xf32, #tpu.memory_space<vmem>>[vector<16xi32>, vector<16xi32>], vector<16xf32>,
        %add3A_875 = arith.addi %add3A_220, %broadcast_in_dim3A : vector<16xi32>
        %mul3A_876 = arith.constant 5.65685415 : f32
        %mul3A_877 = vector.broadcast %mul3A_876 : f32 to vector<16xf32>
        %mul3A_878 = arith.mulf %gather3A_874, %mul3A_877 : vector<16xf32>
        tpu.vector_store_idx %arg8[%add3A_875], %mul3A_878 : memref<16384xf32, #tpu.memory_space<vmem>>[vector<16xi32>], vector<16xf32>,
        %gather3A_879 = tpu.vector_load_idx %arg6[%add3A_867, %add3A_106] : memref<512x32xf32, #tpu.memory_space<vmem>>[vector<16xi32>, vector<16xi32>], vector<16xf32>,
        %add3A_880 = arith.addi %add3A_234, %broadcast_in_dim3A : vector<16xi32>
        %mul3A_881 = arith.constant 5.65685415 : f32
        %mul3A_882 = vector.broadcast %mul3A_881 : f32 to vector<16xf32>
        %mul3A_883 = arith.mulf %gather3A_879, %mul3A_882 : vector<16xf32>
        tpu.vector_store_idx %arg8[%add3A_880], %mul3A_883 : memref<16384xf32, #tpu.memory_space<vmem>>[vector<16xi32>], vector<16xf32>,
        %gather3A_884 = tpu.vector_load_idx %arg6[%add3A_867, %add3A_109] : memref<512x32xf32, #tpu.memory_space<vmem>>[vector<16xi32>, vector<16xi32>], vector<16xf32>,
        %add3A_885 = arith.addi %add3A_248, %broadcast_in_dim3A : vector<16xi32>
        %mul3A_886 = arith.constant 5.65685415 : f32
        %mul3A_887 = vector.broadcast %mul3A_886 : f32 to vector<16xf32>
        %mul3A_888 = arith.mulf %gather3A_884, %mul3A_887 : vector<16xf32>
        tpu.vector_store_idx %arg8[%add3A_885], %mul3A_888 : memref<16384xf32, #tpu.memory_space<vmem>>[vector<16xi32>], vector<16xf32>,
        %gather3A_889 = tpu.vector_load_idx %arg6[%add3A_867, %add3A_112] : memref<512x32xf32, #tpu.memory_space<vmem>>[vector<16xi32>, vector<16xi32>], vector<16xf32>,
        %add3A_890 = arith.addi %add3A_262, %broadcast_in_dim3A : vector<16xi32>
        %mul3A_891 = arith.constant 5.65685415 : f32
        %mul3A_892 = vector.broadcast %mul3A_891 : f32 to vector<16xf32>
        %mul3A_893 = arith.mulf %gather3A_889, %mul3A_892 : vector<16xf32>
        tpu.vector_store_idx %arg8[%add3A_890], %mul3A_893 : memref<16384xf32, #tpu.memory_space<vmem>>[vector<16xi32>], vector<16xf32>,
        %gather3A_894 = tpu.vector_load_idx %arg6[%add3A_867, %add3A_115] : memref<512x32xf32, #tpu.memory_space<vmem>>[vector<16xi32>, vector<16xi32>], vector<16xf32>,
        %add3A_895 = arith.addi %add3A_276, %broadcast_in_dim3A : vector<16xi32>
        %mul3A_896 = arith.constant 5.65685415 : f32
        %mul3A_897 = vector.broadcast %mul3A_896 : f32 to vector<16xf32>
        %mul3A_898 = arith.mulf %gather3A_894, %mul3A_897 : vector<16xf32>
        tpu.vector_store_idx %arg8[%add3A_895], %mul3A_898 : memref<16384xf32, #tpu.memory_space<vmem>>[vector<16xi32>], vector<16xf32>,
        %gather3A_899 = tpu.vector_load_idx %arg6[%add3A_867, %add3A_118] : memref<512x32xf32, #tpu.memory_space<vmem>>[vector<16xi32>, vector<16xi32>], vector<16xf32>,
        %add3A_900 = arith.addi %add3A_290, %broadcast_in_dim3A : vector<16xi32>
        %mul3A_901 = arith.constant 5.65685415 : f32
        %mul3A_902 = vector.broadcast %mul3A_901 : f32 to vector<16xf32>
        %mul3A_903 = arith.mulf %gather3A_899, %mul3A_902 : vector<16xf32>
        tpu.vector_store_idx %arg8[%add3A_900], %mul3A_903 : memref<16384xf32, #tpu.memory_space<vmem>>[vector<16xi32>], vector<16xf32>,
        %gather3A_904 = tpu.vector_load_idx %arg6[%add3A_867, %add3A_121] : memref<512x32xf32, #tpu.memory_space<vmem>>[vector<16xi32>, vector<16xi32>], vector<16xf32>,
        %add3A_905 = arith.addi %add3A_304, %broadcast_in_dim3A : vector<16xi32>
        %mul3A_906 = arith.constant 5.65685415 : f32
        %mul3A_907 = vector.broadcast %mul3A_906 : f32 to vector<16xf32>
        %mul3A_908 = arith.mulf %gather3A_904, %mul3A_907 : vector<16xf32>
        tpu.vector_store_idx %arg8[%add3A_905], %mul3A_908 : memref<16384xf32, #tpu.memory_space<vmem>>[vector<16xi32>], vector<16xf32>,
        %gather3A_909 = tpu.vector_load_idx %arg6[%add3A_867, %add3A_124] : memref<512x32xf32, #tpu.memory_space<vmem>>[vector<16xi32>, vector<16xi32>], vector<16xf32>,
        %add3A_910 = arith.addi %add3A_318, %broadcast_in_dim3A : vector<16xi32>
        %mul3A_911 = arith.constant 5.65685415 : f32
        %mul3A_912 = vector.broadcast %mul3A_911 : f32 to vector<16xf32>
        %mul3A_913 = arith.mulf %gather3A_909, %mul3A_912 : vector<16xf32>
        tpu.vector_store_idx %arg8[%add3A_910], %mul3A_913 : memref<16384xf32, #tpu.memory_space<vmem>>[vector<16xi32>], vector<16xf32>,
        %gather3A_914 = tpu.vector_load_idx %arg6[%add3A_867, %add3A_127] : memref<512x32xf32, #tpu.memory_space<vmem>>[vector<16xi32>, vector<16xi32>], vector<16xf32>,
        %add3A_915 = arith.addi %add3A_332, %broadcast_in_dim3A : vector<16xi32>
        %mul3A_916 = arith.constant 5.65685415 : f32
        %mul3A_917 = vector.broadcast %mul3A_916 : f32 to vector<16xf32>
        %mul3A_918 = arith.mulf %gather3A_914, %mul3A_917 : vector<16xf32>
        tpu.vector_store_idx %arg8[%add3A_915], %mul3A_918 : memref<16384xf32, #tpu.memory_space<vmem>>[vector<16xi32>], vector<16xf32>,
        %gather3A_919 = tpu.vector_load_idx %arg6[%add3A_867, %add3A_130] : memref<512x32xf32, #tpu.memory_space<vmem>>[vector<16xi32>, vector<16xi32>], vector<16xf32>,
        %add3A_920 = arith.addi %add3A_346, %broadcast_in_dim3A : vector<16xi32>
        %mul3A_921 = arith.constant 5.65685415 : f32
        %mul3A_922 = vector.broadcast %mul3A_921 : f32 to vector<16xf32>
        %mul3A_923 = arith.mulf %gather3A_919, %mul3A_922 : vector<16xf32>
        tpu.vector_store_idx %arg8[%add3A_920], %mul3A_923 : memref<16384xf32, #tpu.memory_space<vmem>>[vector<16xi32>], vector<16xf32>,
        %gather3A_924 = tpu.vector_load_idx %arg6[%add3A_867, %add3A_133] : memref<512x32xf32, #tpu.memory_space<vmem>>[vector<16xi32>, vector<16xi32>], vector<16xf32>,
        %add3A_925 = arith.addi %add3A_360, %broadcast_in_dim3A : vector<16xi32>
        %mul3A_926 = arith.constant 5.65685415 : f32
        %mul3A_927 = vector.broadcast %mul3A_926 : f32 to vector<16xf32>
        %mul3A_928 = arith.mulf %gather3A_924, %mul3A_927 : vector<16xf32>
        tpu.vector_store_idx %arg8[%add3A_925], %mul3A_928 : memref<16384xf32, #tpu.memory_space<vmem>>[vector<16xi32>], vector<16xf32>,
        %gather3A_929 = tpu.vector_load_idx %arg6[%add3A_867, %add3A_136] : memref<512x32xf32, #tpu.memory_space<vmem>>[vector<16xi32>, vector<16xi32>], vector<16xf32>,
        %add3A_930 = arith.addi %add3A_374, %broadcast_in_dim3A : vector<16xi32>
        %mul3A_931 = arith.constant 5.65685415 : f32
        %mul3A_932 = vector.broadcast %mul3A_931 : f32 to vector<16xf32>
        %mul3A_933 = arith.mulf %gather3A_929, %mul3A_932 : vector<16xf32>
        tpu.vector_store_idx %arg8[%add3A_930], %mul3A_933 : memref<16384xf32, #tpu.memory_space<vmem>>[vector<16xi32>], vector<16xf32>,
        %gather3A_934 = tpu.vector_load_idx %arg6[%add3A_867, %add3A_139] : memref<512x32xf32, #tpu.memory_space<vmem>>[vector<16xi32>, vector<16xi32>], vector<16xf32>,
        %add3A_935 = arith.addi %add3A_388, %broadcast_in_dim3A : vector<16xi32>
        %mul3A_936 = arith.constant 5.65685415 : f32
        %mul3A_937 = vector.broadcast %mul3A_936 : f32 to vector<16xf32>
        %mul3A_938 = arith.mulf %gather3A_934, %mul3A_937 : vector<16xf32>
        tpu.vector_store_idx %arg8[%add3A_935], %mul3A_938 : memref<16384xf32, #tpu.memory_space<vmem>>[vector<16xi32>], vector<16xf32>,
        %gather3A_939 = tpu.vector_load_idx %arg6[%add3A_867, %add3A_142] : memref<512x32xf32, #tpu.memory_space<vmem>>[vector<16xi32>, vector<16xi32>], vector<16xf32>,
        %add3A_940 = arith.addi %add3A_402, %broadcast_in_dim3A : vector<16xi32>
        %mul3A_941 = arith.constant 5.65685415 : f32
        %mul3A_942 = vector.broadcast %mul3A_941 : f32 to vector<16xf32>
        %mul3A_943 = arith.mulf %gather3A_939, %mul3A_942 : vector<16xf32>
        tpu.vector_store_idx %arg8[%add3A_940], %mul3A_943 : memref<16384xf32, #tpu.memory_space<vmem>>[vector<16xi32>], vector<16xf32>,
        %gather3A_944 = tpu.vector_load_idx %arg6[%add3A_867, %add3A_145] : memref<512x32xf32, #tpu.memory_space<vmem>>[vector<16xi32>, vector<16xi32>], vector<16xf32>,
        %add3A_945 = arith.addi %add3A_416, %broadcast_in_dim3A : vector<16xi32>
        %mul3A_946 = arith.constant 5.65685415 : f32
        %mul3A_947 = vector.broadcast %mul3A_946 : f32 to vector<16xf32>
        %mul3A_948 = arith.mulf %gather3A_944, %mul3A_947 : vector<16xf32>
        tpu.vector_store_idx %arg8[%add3A_945], %mul3A_948 : memref<16384xf32, #tpu.memory_space<vmem>>[vector<16xi32>], vector<16xf32>,
        %add3A_949 = arith.constant 8192 : i32
        %add3A_950 = arith.addi %add3A_949, %mul3A_863 : i32
        %broadcast_in_dim3A_951 = vector.broadcast %add3A_950 : i32 to vector<16xi32>
        %gather3A_952 = tpu.vector_load_idx %arg6[%add3A_867, %add3A_148] : memref<512x32xf32, #tpu.memory_space<vmem>>[vector<16xi32>, vector<16xi32>], vector<16xf32>,
        %add3A_953 = arith.addi %add3A_206, %broadcast_in_dim3A_951 : vector<16xi32>
        %mul3A_954 = arith.constant 5.65685415 : f32
        %mul3A_955 = vector.broadcast %mul3A_954 : f32 to vector<16xf32>
        %mul3A_956 = arith.mulf %gather3A_952, %mul3A_955 : vector<16xf32>
        tpu.vector_store_idx %arg8[%add3A_953], %mul3A_956 : memref<16384xf32, #tpu.memory_space<vmem>>[vector<16xi32>], vector<16xf32>,
        %gather3A_957 = tpu.vector_load_idx %arg6[%add3A_867, %add3A_151] : memref<512x32xf32, #tpu.memory_space<vmem>>[vector<16xi32>, vector<16xi32>], vector<16xf32>,
        %add3A_958 = arith.addi %add3A_220, %broadcast_in_dim3A_951 : vector<16xi32>
        %mul3A_959 = arith.constant 5.65685415 : f32
        %mul3A_960 = vector.broadcast %mul3A_959 : f32 to vector<16xf32>
        %mul3A_961 = arith.mulf %gather3A_957, %mul3A_960 : vector<16xf32>
        tpu.vector_store_idx %arg8[%add3A_958], %mul3A_961 : memref<16384xf32, #tpu.memory_space<vmem>>[vector<16xi32>], vector<16xf32>,
        %gather3A_962 = tpu.vector_load_idx %arg6[%add3A_867, %add3A_154] : memref<512x32xf32, #tpu.memory_space<vmem>>[vector<16xi32>, vector<16xi32>], vector<16xf32>,
        %add3A_963 = arith.addi %add3A_234, %broadcast_in_dim3A_951 : vector<16xi32>
        %mul3A_964 = arith.constant 5.65685415 : f32
        %mul3A_965 = vector.broadcast %mul3A_964 : f32 to vector<16xf32>
        %mul3A_966 = arith.mulf %gather3A_962, %mul3A_965 : vector<16xf32>
        tpu.vector_store_idx %arg8[%add3A_963], %mul3A_966 : memref<16384xf32, #tpu.memory_space<vmem>>[vector<16xi32>], vector<16xf32>,
        %gather3A_967 = tpu.vector_load_idx %arg6[%add3A_867, %add3A_157] : memref<512x32xf32, #tpu.memory_space<vmem>>[vector<16xi32>, vector<16xi32>], vector<16xf32>,
        %add3A_968 = arith.addi %add3A_248, %broadcast_in_dim3A_951 : vector<16xi32>
        %mul3A_969 = arith.constant 5.65685415 : f32
        %mul3A_970 = vector.broadcast %mul3A_969 : f32 to vector<16xf32>
        %mul3A_971 = arith.mulf %gather3A_967, %mul3A_970 : vector<16xf32>
        tpu.vector_store_idx %arg8[%add3A_968], %mul3A_971 : memref<16384xf32, #tpu.memory_space<vmem>>[vector<16xi32>], vector<16xf32>,
        %gather3A_972 = tpu.vector_load_idx %arg6[%add3A_867, %add3A_160] : memref<512x32xf32, #tpu.memory_space<vmem>>[vector<16xi32>, vector<16xi32>], vector<16xf32>,
        %add3A_973 = arith.addi %add3A_262, %broadcast_in_dim3A_951 : vector<16xi32>
        %mul3A_974 = arith.constant 5.65685415 : f32
        %mul3A_975 = vector.broadcast %mul3A_974 : f32 to vector<16xf32>
        %mul3A_976 = arith.mulf %gather3A_972, %mul3A_975 : vector<16xf32>
        tpu.vector_store_idx %arg8[%add3A_973], %mul3A_976 : memref<16384xf32, #tpu.memory_space<vmem>>[vector<16xi32>], vector<16xf32>,
        %gather3A_977 = tpu.vector_load_idx %arg6[%add3A_867, %add3A_163] : memref<512x32xf32, #tpu.memory_space<vmem>>[vector<16xi32>, vector<16xi32>], vector<16xf32>,
        %add3A_978 = arith.addi %add3A_276, %broadcast_in_dim3A_951 : vector<16xi32>
        %mul3A_979 = arith.constant 5.65685415 : f32
        %mul3A_980 = vector.broadcast %mul3A_979 : f32 to vector<16xf32>
        %mul3A_981 = arith.mulf %gather3A_977, %mul3A_980 : vector<16xf32>
        tpu.vector_store_idx %arg8[%add3A_978], %mul3A_981 : memref<16384xf32, #tpu.memory_space<vmem>>[vector<16xi32>], vector<16xf32>,
        %gather3A_982 = tpu.vector_load_idx %arg6[%add3A_867, %add3A_166] : memref<512x32xf32, #tpu.memory_space<vmem>>[vector<16xi32>, vector<16xi32>], vector<16xf32>,
        %add3A_983 = arith.addi %add3A_290, %broadcast_in_dim3A_951 : vector<16xi32>
        %mul3A_984 = arith.constant 5.65685415 : f32
        %mul3A_985 = vector.broadcast %mul3A_984 : f32 to vector<16xf32>
        %mul3A_986 = arith.mulf %gather3A_982, %mul3A_985 : vector<16xf32>
        tpu.vector_store_idx %arg8[%add3A_983], %mul3A_986 : memref<16384xf32, #tpu.memory_space<vmem>>[vector<16xi32>], vector<16xf32>,
        %gather3A_987 = tpu.vector_load_idx %arg6[%add3A_867, %add3A_169] : memref<512x32xf32, #tpu.memory_space<vmem>>[vector<16xi32>, vector<16xi32>], vector<16xf32>,
        %add3A_988 = arith.addi %add3A_304, %broadcast_in_dim3A_951 : vector<16xi32>
        %mul3A_989 = arith.constant 5.65685415 : f32
        %mul3A_990 = vector.broadcast %mul3A_989 : f32 to vector<16xf32>
        %mul3A_991 = arith.mulf %gather3A_987, %mul3A_990 : vector<16xf32>
        tpu.vector_store_idx %arg8[%add3A_988], %mul3A_991 : memref<16384xf32, #tpu.memory_space<vmem>>[vector<16xi32>], vector<16xf32>,
        %gather3A_992 = tpu.vector_load_idx %arg6[%add3A_867, %add3A_172] : memref<512x32xf32, #tpu.memory_space<vmem>>[vector<16xi32>, vector<16xi32>], vector<16xf32>,
        %add3A_993 = arith.addi %add3A_318, %broadcast_in_dim3A_951 : vector<16xi32>
        %mul3A_994 = arith.constant 5.65685415 : f32
        %mul3A_995 = vector.broadcast %mul3A_994 : f32 to vector<16xf32>
        %mul3A_996 = arith.mulf %gather3A_992, %mul3A_995 : vector<16xf32>
        tpu.vector_store_idx %arg8[%add3A_993], %mul3A_996 : memref<16384xf32, #tpu.memory_space<vmem>>[vector<16xi32>], vector<16xf32>,
        %gather3A_997 = tpu.vector_load_idx %arg6[%add3A_867, %add3A_175] : memref<512x32xf32, #tpu.memory_space<vmem>>[vector<16xi32>, vector<16xi32>], vector<16xf32>,
        %add3A_998 = arith.addi %add3A_332, %broadcast_in_dim3A_951 : vector<16xi32>
        %mul3A_999 = arith.constant 5.65685415 : f32
        %mul3A_1000 = vector.broadcast %mul3A_999 : f32 to vector<16xf32>
        %mul3A_1001 = arith.mulf %gather3A_997, %mul3A_1000 : vector<16xf32>
        tpu.vector_store_idx %arg8[%add3A_998], %mul3A_1001 : memref<16384xf32, #tpu.memory_space<vmem>>[vector<16xi32>], vector<16xf32>,
        %gather3A_1002 = tpu.vector_load_idx %arg6[%add3A_867, %add3A_178] : memref<512x32xf32, #tpu.memory_space<vmem>>[vector<16xi32>, vector<16xi32>], vector<16xf32>,
        %add3A_1003 = arith.addi %add3A_346, %broadcast_in_dim3A_951 : vector<16xi32>
        %mul3A_1004 = arith.constant 5.65685415 : f32
        %mul3A_1005 = vector.broadcast %mul3A_1004 : f32 to vector<16xf32>
        %mul3A_1006 = arith.mulf %gather3A_1002, %mul3A_1005 : vector<16xf32>
        tpu.vector_store_idx %arg8[%add3A_1003], %mul3A_1006 : memref<16384xf32, #tpu.memory_space<vmem>>[vector<16xi32>], vector<16xf32>,
        %gather3A_1007 = tpu.vector_load_idx %arg6[%add3A_867, %add3A_181] : memref<512x32xf32, #tpu.memory_space<vmem>>[vector<16xi32>, vector<16xi32>], vector<16xf32>,
        %add3A_1008 = arith.addi %add3A_360, %broadcast_in_dim3A_951 : vector<16xi32>
        %mul3A_1009 = arith.constant 5.65685415 : f32
        %mul3A_1010 = vector.broadcast %mul3A_1009 : f32 to vector<16xf32>
        %mul3A_1011 = arith.mulf %gather3A_1007, %mul3A_1010 : vector<16xf32>
        tpu.vector_store_idx %arg8[%add3A_1008], %mul3A_1011 : memref<16384xf32, #tpu.memory_space<vmem>>[vector<16xi32>], vector<16xf32>,
        %gather3A_1012 = tpu.vector_load_idx %arg6[%add3A_867, %add3A_184] : memref<512x32xf32, #tpu.memory_space<vmem>>[vector<16xi32>, vector<16xi32>], vector<16xf32>,
        %add3A_1013 = arith.addi %add3A_374, %broadcast_in_dim3A_951 : vector<16xi32>
        %mul3A_1014 = arith.constant 5.65685415 : f32
        %mul3A_1015 = vector.broadcast %mul3A_1014 : f32 to vector<16xf32>
        %mul3A_1016 = arith.mulf %gather3A_1012, %mul3A_1015 : vector<16xf32>
        tpu.vector_store_idx %arg8[%add3A_1013], %mul3A_1016 : memref<16384xf32, #tpu.memory_space<vmem>>[vector<16xi32>], vector<16xf32>,
        %gather3A_1017 = tpu.vector_load_idx %arg6[%add3A_867, %add3A_187] : memref<512x32xf32, #tpu.memory_space<vmem>>[vector<16xi32>, vector<16xi32>], vector<16xf32>,
        %add3A_1018 = arith.addi %add3A_388, %broadcast_in_dim3A_951 : vector<16xi32>
        %mul3A_1019 = arith.constant 5.65685415 : f32
        %mul3A_1020 = vector.broadcast %mul3A_1019 : f32 to vector<16xf32>
        %mul3A_1021 = arith.mulf %gather3A_1017, %mul3A_1020 : vector<16xf32>
        tpu.vector_store_idx %arg8[%add3A_1018], %mul3A_1021 : memref<16384xf32, #tpu.memory_space<vmem>>[vector<16xi32>], vector<16xf32>,
        %gather3A_1022 = tpu.vector_load_idx %arg6[%add3A_867, %add3A_190] : memref<512x32xf32, #tpu.memory_space<vmem>>[vector<16xi32>, vector<16xi32>], vector<16xf32>,
        %add3A_1023 = arith.addi %add3A_402, %broadcast_in_dim3A_951 : vector<16xi32>
        %mul3A_1024 = arith.constant 5.65685415 : f32
        %mul3A_1025 = vector.broadcast %mul3A_1024 : f32 to vector<16xf32>
        %mul3A_1026 = arith.mulf %gather3A_1022, %mul3A_1025 : vector<16xf32>
        tpu.vector_store_idx %arg8[%add3A_1023], %mul3A_1026 : memref<16384xf32, #tpu.memory_space<vmem>>[vector<16xi32>], vector<16xf32>,
        %gather3A_1027 = tpu.vector_load_idx %arg6[%add3A_867, %add3A_193] : memref<512x32xf32, #tpu.memory_space<vmem>>[vector<16xi32>, vector<16xi32>], vector<16xf32>,
        %add3A_1028 = arith.addi %add3A_416, %broadcast_in_dim3A_951 : vector<16xi32>
        %mul3A_1029 = arith.constant 5.65685415 : f32
        %mul3A_1030 = vector.broadcast %mul3A_1029 : f32 to vector<16xf32>
        %mul3A_1031 = arith.mulf %gather3A_1027, %mul3A_1030 : vector<16xf32>
        tpu.vector_store_idx %arg8[%add3A_1028], %mul3A_1031 : memref<16384xf32, #tpu.memory_space<vmem>>[vector<16xi32>], vector<16xf32>,
        %add3A_1032 = arith.constant 128 : i32
        %add3A_1033 = arith.addi %add3A_1032, %mul3A_863 : i32
        %add3A_1034 = vector.broadcast %add3A_1033 : i32 to vector<16xi32>
        %add3A_1035 = arith.addi %iota3A, %add3A_1034 : vector<16xi32>
        %add3A_1036 = arith.constant 1024 : i32
        %add3A_1037 = arith.addi %add3A_1036, %mul3A_863 : i32
        %broadcast_in_dim3A_1038 = vector.broadcast %add3A_1037 : i32 to vector<16xi32>
        %gather3A_1039 = tpu.vector_load_idx %arg6[%add3A_1035, %add3A_100] : memref<512x32xf32, #tpu.memory_space<vmem>>[vector<16xi32>, vector<16xi32>], vector<16xf32>,
        %add3A_1040 = arith.addi %add3A_206, %broadcast_in_dim3A_1038 : vector<16xi32>
        %mul3A_1041 = arith.constant 5.65685415 : f32
        %mul3A_1042 = vector.broadcast %mul3A_1041 : f32 to vector<16xf32>
        %mul3A_1043 = arith.mulf %gather3A_1039, %mul3A_1042 : vector<16xf32>
        tpu.vector_store_idx %arg8[%add3A_1040], %mul3A_1043 : memref<16384xf32, #tpu.memory_space<vmem>>[vector<16xi32>], vector<16xf32>,
        %gather3A_1044 = tpu.vector_load_idx %arg6[%add3A_1035, %add3A_103] : memref<512x32xf32, #tpu.memory_space<vmem>>[vector<16xi32>, vector<16xi32>], vector<16xf32>,
        %add3A_1045 = arith.addi %add3A_220, %broadcast_in_dim3A_1038 : vector<16xi32>
        %mul3A_1046 = arith.constant 5.65685415 : f32
        %mul3A_1047 = vector.broadcast %mul3A_1046 : f32 to vector<16xf32>
        %mul3A_1048 = arith.mulf %gather3A_1044, %mul3A_1047 : vector<16xf32>
        tpu.vector_store_idx %arg8[%add3A_1045], %mul3A_1048 : memref<16384xf32, #tpu.memory_space<vmem>>[vector<16xi32>], vector<16xf32>,
        %gather3A_1049 = tpu.vector_load_idx %arg6[%add3A_1035, %add3A_106] : memref<512x32xf32, #tpu.memory_space<vmem>>[vector<16xi32>, vector<16xi32>], vector<16xf32>,
        %add3A_1050 = arith.addi %add3A_234, %broadcast_in_dim3A_1038 : vector<16xi32>
        %mul3A_1051 = arith.constant 5.65685415 : f32
        %mul3A_1052 = vector.broadcast %mul3A_1051 : f32 to vector<16xf32>
        %mul3A_1053 = arith.mulf %gather3A_1049, %mul3A_1052 : vector<16xf32>
        tpu.vector_store_idx %arg8[%add3A_1050], %mul3A_1053 : memref<16384xf32, #tpu.memory_space<vmem>>[vector<16xi32>], vector<16xf32>,
        %gather3A_1054 = tpu.vector_load_idx %arg6[%add3A_1035, %add3A_109] : memref<512x32xf32, #tpu.memory_space<vmem>>[vector<16xi32>, vector<16xi32>], vector<16xf32>,
        %add3A_1055 = arith.addi %add3A_248, %broadcast_in_dim3A_1038 : vector<16xi32>
        %mul3A_1056 = arith.constant 5.65685415 : f32
        %mul3A_1057 = vector.broadcast %mul3A_1056 : f32 to vector<16xf32>
        %mul3A_1058 = arith.mulf %gather3A_1054, %mul3A_1057 : vector<16xf32>
        tpu.vector_store_idx %arg8[%add3A_1055], %mul3A_1058 : memref<16384xf32, #tpu.memory_space<vmem>>[vector<16xi32>], vector<16xf32>,
        %gather3A_1059 = tpu.vector_load_idx %arg6[%add3A_1035, %add3A_112] : memref<512x32xf32, #tpu.memory_space<vmem>>[vector<16xi32>, vector<16xi32>], vector<16xf32>,
        %add3A_1060 = arith.addi %add3A_262, %broadcast_in_dim3A_1038 : vector<16xi32>
        %mul3A_1061 = arith.constant 5.65685415 : f32
        %mul3A_1062 = vector.broadcast %mul3A_1061 : f32 to vector<16xf32>
        %mul3A_1063 = arith.mulf %gather3A_1059, %mul3A_1062 : vector<16xf32>
        tpu.vector_store_idx %arg8[%add3A_1060], %mul3A_1063 : memref<16384xf32, #tpu.memory_space<vmem>>[vector<16xi32>], vector<16xf32>,
        %gather3A_1064 = tpu.vector_load_idx %arg6[%add3A_1035, %add3A_115] : memref<512x32xf32, #tpu.memory_space<vmem>>[vector<16xi32>, vector<16xi32>], vector<16xf32>,
        %add3A_1065 = arith.addi %add3A_276, %broadcast_in_dim3A_1038 : vector<16xi32>
        %mul3A_1066 = arith.constant 5.65685415 : f32
        %mul3A_1067 = vector.broadcast %mul3A_1066 : f32 to vector<16xf32>
        %mul3A_1068 = arith.mulf %gather3A_1064, %mul3A_1067 : vector<16xf32>
        tpu.vector_store_idx %arg8[%add3A_1065], %mul3A_1068 : memref<16384xf32, #tpu.memory_space<vmem>>[vector<16xi32>], vector<16xf32>,
        %gather3A_1069 = tpu.vector_load_idx %arg6[%add3A_1035, %add3A_118] : memref<512x32xf32, #tpu.memory_space<vmem>>[vector<16xi32>, vector<16xi32>], vector<16xf32>,
        %add3A_1070 = arith.addi %add3A_290, %broadcast_in_dim3A_1038 : vector<16xi32>
        %mul3A_1071 = arith.constant 5.65685415 : f32
        %mul3A_1072 = vector.broadcast %mul3A_1071 : f32 to vector<16xf32>
        %mul3A_1073 = arith.mulf %gather3A_1069, %mul3A_1072 : vector<16xf32>
        tpu.vector_store_idx %arg8[%add3A_1070], %mul3A_1073 : memref<16384xf32, #tpu.memory_space<vmem>>[vector<16xi32>], vector<16xf32>,
        %gather3A_1074 = tpu.vector_load_idx %arg6[%add3A_1035, %add3A_121] : memref<512x32xf32, #tpu.memory_space<vmem>>[vector<16xi32>, vector<16xi32>], vector<16xf32>,
        %add3A_1075 = arith.addi %add3A_304, %broadcast_in_dim3A_1038 : vector<16xi32>
        %mul3A_1076 = arith.constant 5.65685415 : f32
        %mul3A_1077 = vector.broadcast %mul3A_1076 : f32 to vector<16xf32>
        %mul3A_1078 = arith.mulf %gather3A_1074, %mul3A_1077 : vector<16xf32>
        tpu.vector_store_idx %arg8[%add3A_1075], %mul3A_1078 : memref<16384xf32, #tpu.memory_space<vmem>>[vector<16xi32>], vector<16xf32>,
        %gather3A_1079 = tpu.vector_load_idx %arg6[%add3A_1035, %add3A_124] : memref<512x32xf32, #tpu.memory_space<vmem>>[vector<16xi32>, vector<16xi32>], vector<16xf32>,
        %add3A_1080 = arith.addi %add3A_318, %broadcast_in_dim3A_1038 : vector<16xi32>
        %mul3A_1081 = arith.constant 5.65685415 : f32
        %mul3A_1082 = vector.broadcast %mul3A_1081 : f32 to vector<16xf32>
        %mul3A_1083 = arith.mulf %gather3A_1079, %mul3A_1082 : vector<16xf32>
        tpu.vector_store_idx %arg8[%add3A_1080], %mul3A_1083 : memref<16384xf32, #tpu.memory_space<vmem>>[vector<16xi32>], vector<16xf32>,
        %gather3A_1084 = tpu.vector_load_idx %arg6[%add3A_1035, %add3A_127] : memref<512x32xf32, #tpu.memory_space<vmem>>[vector<16xi32>, vector<16xi32>], vector<16xf32>,
        %add3A_1085 = arith.addi %add3A_332, %broadcast_in_dim3A_1038 : vector<16xi32>
        %mul3A_1086 = arith.constant 5.65685415 : f32
        %mul3A_1087 = vector.broadcast %mul3A_1086 : f32 to vector<16xf32>
        %mul3A_1088 = arith.mulf %gather3A_1084, %mul3A_1087 : vector<16xf32>
        tpu.vector_store_idx %arg8[%add3A_1085], %mul3A_1088 : memref<16384xf32, #tpu.memory_space<vmem>>[vector<16xi32>], vector<16xf32>,
        %gather3A_1089 = tpu.vector_load_idx %arg6[%add3A_1035, %add3A_130] : memref<512x32xf32, #tpu.memory_space<vmem>>[vector<16xi32>, vector<16xi32>], vector<16xf32>,
        %add3A_1090 = arith.addi %add3A_346, %broadcast_in_dim3A_1038 : vector<16xi32>
        %mul3A_1091 = arith.constant 5.65685415 : f32
        %mul3A_1092 = vector.broadcast %mul3A_1091 : f32 to vector<16xf32>
        %mul3A_1093 = arith.mulf %gather3A_1089, %mul3A_1092 : vector<16xf32>
        tpu.vector_store_idx %arg8[%add3A_1090], %mul3A_1093 : memref<16384xf32, #tpu.memory_space<vmem>>[vector<16xi32>], vector<16xf32>,
        %gather3A_1094 = tpu.vector_load_idx %arg6[%add3A_1035, %add3A_133] : memref<512x32xf32, #tpu.memory_space<vmem>>[vector<16xi32>, vector<16xi32>], vector<16xf32>,
        %add3A_1095 = arith.addi %add3A_360, %broadcast_in_dim3A_1038 : vector<16xi32>
        %mul3A_1096 = arith.constant 5.65685415 : f32
        %mul3A_1097 = vector.broadcast %mul3A_1096 : f32 to vector<16xf32>
        %mul3A_1098 = arith.mulf %gather3A_1094, %mul3A_1097 : vector<16xf32>
        tpu.vector_store_idx %arg8[%add3A_1095], %mul3A_1098 : memref<16384xf32, #tpu.memory_space<vmem>>[vector<16xi32>], vector<16xf32>,
        %gather3A_1099 = tpu.vector_load_idx %arg6[%add3A_1035, %add3A_136] : memref<512x32xf32, #tpu.memory_space<vmem>>[vector<16xi32>, vector<16xi32>], vector<16xf32>,
        %add3A_1100 = arith.addi %add3A_374, %broadcast_in_dim3A_1038 : vector<16xi32>
        %mul3A_1101 = arith.constant 5.65685415 : f32
        %mul3A_1102 = vector.broadcast %mul3A_1101 : f32 to vector<16xf32>
        %mul3A_1103 = arith.mulf %gather3A_1099, %mul3A_1102 : vector<16xf32>
        tpu.vector_store_idx %arg8[%add3A_1100], %mul3A_1103 : memref<16384xf32, #tpu.memory_space<vmem>>[vector<16xi32>], vector<16xf32>,
        %gather3A_1104 = tpu.vector_load_idx %arg6[%add3A_1035, %add3A_139] : memref<512x32xf32, #tpu.memory_space<vmem>>[vector<16xi32>, vector<16xi32>], vector<16xf32>,
        %add3A_1105 = arith.addi %add3A_388, %broadcast_in_dim3A_1038 : vector<16xi32>
        %mul3A_1106 = arith.constant 5.65685415 : f32
        %mul3A_1107 = vector.broadcast %mul3A_1106 : f32 to vector<16xf32>
        %mul3A_1108 = arith.mulf %gather3A_1104, %mul3A_1107 : vector<16xf32>
        tpu.vector_store_idx %arg8[%add3A_1105], %mul3A_1108 : memref<16384xf32, #tpu.memory_space<vmem>>[vector<16xi32>], vector<16xf32>,
        %gather3A_1109 = tpu.vector_load_idx %arg6[%add3A_1035, %add3A_142] : memref<512x32xf32, #tpu.memory_space<vmem>>[vector<16xi32>, vector<16xi32>], vector<16xf32>,
        %add3A_1110 = arith.addi %add3A_402, %broadcast_in_dim3A_1038 : vector<16xi32>
        %mul3A_1111 = arith.constant 5.65685415 : f32
        %mul3A_1112 = vector.broadcast %mul3A_1111 : f32 to vector<16xf32>
        %mul3A_1113 = arith.mulf %gather3A_1109, %mul3A_1112 : vector<16xf32>
        tpu.vector_store_idx %arg8[%add3A_1110], %mul3A_1113 : memref<16384xf32, #tpu.memory_space<vmem>>[vector<16xi32>], vector<16xf32>,
        %gather3A_1114 = tpu.vector_load_idx %arg6[%add3A_1035, %add3A_145] : memref<512x32xf32, #tpu.memory_space<vmem>>[vector<16xi32>, vector<16xi32>], vector<16xf32>,
        %add3A_1115 = arith.addi %add3A_416, %broadcast_in_dim3A_1038 : vector<16xi32>
        %mul3A_1116 = arith.constant 5.65685415 : f32
        %mul3A_1117 = vector.broadcast %mul3A_1116 : f32 to vector<16xf32>
        %mul3A_1118 = arith.mulf %gather3A_1114, %mul3A_1117 : vector<16xf32>
        tpu.vector_store_idx %arg8[%add3A_1115], %mul3A_1118 : memref<16384xf32, #tpu.memory_space<vmem>>[vector<16xi32>], vector<16xf32>,
        %add3A_1119 = arith.constant 9216 : i32
        %add3A_1120 = arith.addi %add3A_1119, %mul3A_863 : i32
        %broadcast_in_dim3A_1121 = vector.broadcast %add3A_1120 : i32 to vector<16xi32>
        %gather3A_1122 = tpu.vector_load_idx %arg6[%add3A_1035, %add3A_148] : memref<512x32xf32, #tpu.memory_space<vmem>>[vector<16xi32>, vector<16xi32>], vector<16xf32>,
        %add3A_1123 = arith.addi %add3A_206, %broadcast_in_dim3A_1121 : vector<16xi32>
        %mul3A_1124 = arith.constant 5.65685415 : f32
        %mul3A_1125 = vector.broadcast %mul3A_1124 : f32 to vector<16xf32>
        %mul3A_1126 = arith.mulf %gather3A_1122, %mul3A_1125 : vector<16xf32>
        tpu.vector_store_idx %arg8[%add3A_1123], %mul3A_1126 : memref<16384xf32, #tpu.memory_space<vmem>>[vector<16xi32>], vector<16xf32>,
        %gather3A_1127 = tpu.vector_load_idx %arg6[%add3A_1035, %add3A_151] : memref<512x32xf32, #tpu.memory_space<vmem>>[vector<16xi32>, vector<16xi32>], vector<16xf32>,
        %add3A_1128 = arith.addi %add3A_220, %broadcast_in_dim3A_1121 : vector<16xi32>
        %mul3A_1129 = arith.constant 5.65685415 : f32
        %mul3A_1130 = vector.broadcast %mul3A_1129 : f32 to vector<16xf32>
        %mul3A_1131 = arith.mulf %gather3A_1127, %mul3A_1130 : vector<16xf32>
        tpu.vector_store_idx %arg8[%add3A_1128], %mul3A_1131 : memref<16384xf32, #tpu.memory_space<vmem>>[vector<16xi32>], vector<16xf32>,
        %gather3A_1132 = tpu.vector_load_idx %arg6[%add3A_1035, %add3A_154] : memref<512x32xf32, #tpu.memory_space<vmem>>[vector<16xi32>, vector<16xi32>], vector<16xf32>,
        %add3A_1133 = arith.addi %add3A_234, %broadcast_in_dim3A_1121 : vector<16xi32>
        %mul3A_1134 = arith.constant 5.65685415 : f32
        %mul3A_1135 = vector.broadcast %mul3A_1134 : f32 to vector<16xf32>
        %mul3A_1136 = arith.mulf %gather3A_1132, %mul3A_1135 : vector<16xf32>
        tpu.vector_store_idx %arg8[%add3A_1133], %mul3A_1136 : memref<16384xf32, #tpu.memory_space<vmem>>[vector<16xi32>], vector<16xf32>,
        %gather3A_1137 = tpu.vector_load_idx %arg6[%add3A_1035, %add3A_157] : memref<512x32xf32, #tpu.memory_space<vmem>>[vector<16xi32>, vector<16xi32>], vector<16xf32>,
        %add3A_1138 = arith.addi %add3A_248, %broadcast_in_dim3A_1121 : vector<16xi32>
        %mul3A_1139 = arith.constant 5.65685415 : f32
        %mul3A_1140 = vector.broadcast %mul3A_1139 : f32 to vector<16xf32>
        %mul3A_1141 = arith.mulf %gather3A_1137, %mul3A_1140 : vector<16xf32>
        tpu.vector_store_idx %arg8[%add3A_1138], %mul3A_1141 : memref<16384xf32, #tpu.memory_space<vmem>>[vector<16xi32>], vector<16xf32>,
        %gather3A_1142 = tpu.vector_load_idx %arg6[%add3A_1035, %add3A_160] : memref<512x32xf32, #tpu.memory_space<vmem>>[vector<16xi32>, vector<16xi32>], vector<16xf32>,
        %add3A_1143 = arith.addi %add3A_262, %broadcast_in_dim3A_1121 : vector<16xi32>
        %mul3A_1144 = arith.constant 5.65685415 : f32
        %mul3A_1145 = vector.broadcast %mul3A_1144 : f32 to vector<16xf32>
        %mul3A_1146 = arith.mulf %gather3A_1142, %mul3A_1145 : vector<16xf32>
        tpu.vector_store_idx %arg8[%add3A_1143], %mul3A_1146 : memref<16384xf32, #tpu.memory_space<vmem>>[vector<16xi32>], vector<16xf32>,
        %gather3A_1147 = tpu.vector_load_idx %arg6[%add3A_1035, %add3A_163] : memref<512x32xf32, #tpu.memory_space<vmem>>[vector<16xi32>, vector<16xi32>], vector<16xf32>,
        %add3A_1148 = arith.addi %add3A_276, %broadcast_in_dim3A_1121 : vector<16xi32>
        %mul3A_1149 = arith.constant 5.65685415 : f32
        %mul3A_1150 = vector.broadcast %mul3A_1149 : f32 to vector<16xf32>
        %mul3A_1151 = arith.mulf %gather3A_1147, %mul3A_1150 : vector<16xf32>
        tpu.vector_store_idx %arg8[%add3A_1148], %mul3A_1151 : memref<16384xf32, #tpu.memory_space<vmem>>[vector<16xi32>], vector<16xf32>,
        %gather3A_1152 = tpu.vector_load_idx %arg6[%add3A_1035, %add3A_166] : memref<512x32xf32, #tpu.memory_space<vmem>>[vector<16xi32>, vector<16xi32>], vector<16xf32>,
        %add3A_1153 = arith.addi %add3A_290, %broadcast_in_dim3A_1121 : vector<16xi32>
        %mul3A_1154 = arith.constant 5.65685415 : f32
        %mul3A_1155 = vector.broadcast %mul3A_1154 : f32 to vector<16xf32>
        %mul3A_1156 = arith.mulf %gather3A_1152, %mul3A_1155 : vector<16xf32>
        tpu.vector_store_idx %arg8[%add3A_1153], %mul3A_1156 : memref<16384xf32, #tpu.memory_space<vmem>>[vector<16xi32>], vector<16xf32>,
        %gather3A_1157 = tpu.vector_load_idx %arg6[%add3A_1035, %add3A_169] : memref<512x32xf32, #tpu.memory_space<vmem>>[vector<16xi32>, vector<16xi32>], vector<16xf32>,
        %add3A_1158 = arith.addi %add3A_304, %broadcast_in_dim3A_1121 : vector<16xi32>
        %mul3A_1159 = arith.constant 5.65685415 : f32
        %mul3A_1160 = vector.broadcast %mul3A_1159 : f32 to vector<16xf32>
        %mul3A_1161 = arith.mulf %gather3A_1157, %mul3A_1160 : vector<16xf32>
        tpu.vector_store_idx %arg8[%add3A_1158], %mul3A_1161 : memref<16384xf32, #tpu.memory_space<vmem>>[vector<16xi32>], vector<16xf32>,
        %gather3A_1162 = tpu.vector_load_idx %arg6[%add3A_1035, %add3A_172] : memref<512x32xf32, #tpu.memory_space<vmem>>[vector<16xi32>, vector<16xi32>], vector<16xf32>,
        %add3A_1163 = arith.addi %add3A_318, %broadcast_in_dim3A_1121 : vector<16xi32>
        %mul3A_1164 = arith.constant 5.65685415 : f32
        %mul3A_1165 = vector.broadcast %mul3A_1164 : f32 to vector<16xf32>
        %mul3A_1166 = arith.mulf %gather3A_1162, %mul3A_1165 : vector<16xf32>
        tpu.vector_store_idx %arg8[%add3A_1163], %mul3A_1166 : memref<16384xf32, #tpu.memory_space<vmem>>[vector<16xi32>], vector<16xf32>,
        %gather3A_1167 = tpu.vector_load_idx %arg6[%add3A_1035, %add3A_175] : memref<512x32xf32, #tpu.memory_space<vmem>>[vector<16xi32>, vector<16xi32>], vector<16xf32>,
        %add3A_1168 = arith.addi %add3A_332, %broadcast_in_dim3A_1121 : vector<16xi32>
        %mul3A_1169 = arith.constant 5.65685415 : f32
        %mul3A_1170 = vector.broadcast %mul3A_1169 : f32 to vector<16xf32>
        %mul3A_1171 = arith.mulf %gather3A_1167, %mul3A_1170 : vector<16xf32>
        tpu.vector_store_idx %arg8[%add3A_1168], %mul3A_1171 : memref<16384xf32, #tpu.memory_space<vmem>>[vector<16xi32>], vector<16xf32>,
        %gather3A_1172 = tpu.vector_load_idx %arg6[%add3A_1035, %add3A_178] : memref<512x32xf32, #tpu.memory_space<vmem>>[vector<16xi32>, vector<16xi32>], vector<16xf32>,
        %add3A_1173 = arith.addi %add3A_346, %broadcast_in_dim3A_1121 : vector<16xi32>
        %mul3A_1174 = arith.constant 5.65685415 : f32
        %mul3A_1175 = vector.broadcast %mul3A_1174 : f32 to vector<16xf32>
        %mul3A_1176 = arith.mulf %gather3A_1172, %mul3A_1175 : vector<16xf32>
        tpu.vector_store_idx %arg8[%add3A_1173], %mul3A_1176 : memref<16384xf32, #tpu.memory_space<vmem>>[vector<16xi32>], vector<16xf32>,
        %gather3A_1177 = tpu.vector_load_idx %arg6[%add3A_1035, %add3A_181] : memref<512x32xf32, #tpu.memory_space<vmem>>[vector<16xi32>, vector<16xi32>], vector<16xf32>,
        %add3A_1178 = arith.addi %add3A_360, %broadcast_in_dim3A_1121 : vector<16xi32>
        %mul3A_1179 = arith.constant 5.65685415 : f32
        %mul3A_1180 = vector.broadcast %mul3A_1179 : f32 to vector<16xf32>
        %mul3A_1181 = arith.mulf %gather3A_1177, %mul3A_1180 : vector<16xf32>
        tpu.vector_store_idx %arg8[%add3A_1178], %mul3A_1181 : memref<16384xf32, #tpu.memory_space<vmem>>[vector<16xi32>], vector<16xf32>,
        %gather3A_1182 = tpu.vector_load_idx %arg6[%add3A_1035, %add3A_184] : memref<512x32xf32, #tpu.memory_space<vmem>>[vector<16xi32>, vector<16xi32>], vector<16xf32>,
        %add3A_1183 = arith.addi %add3A_374, %broadcast_in_dim3A_1121 : vector<16xi32>
        %mul3A_1184 = arith.constant 5.65685415 : f32
        %mul3A_1185 = vector.broadcast %mul3A_1184 : f32 to vector<16xf32>
        %mul3A_1186 = arith.mulf %gather3A_1182, %mul3A_1185 : vector<16xf32>
        tpu.vector_store_idx %arg8[%add3A_1183], %mul3A_1186 : memref<16384xf32, #tpu.memory_space<vmem>>[vector<16xi32>], vector<16xf32>,
        %gather3A_1187 = tpu.vector_load_idx %arg6[%add3A_1035, %add3A_187] : memref<512x32xf32, #tpu.memory_space<vmem>>[vector<16xi32>, vector<16xi32>], vector<16xf32>,
        %add3A_1188 = arith.addi %add3A_388, %broadcast_in_dim3A_1121 : vector<16xi32>
        %mul3A_1189 = arith.constant 5.65685415 : f32
        %mul3A_1190 = vector.broadcast %mul3A_1189 : f32 to vector<16xf32>
        %mul3A_1191 = arith.mulf %gather3A_1187, %mul3A_1190 : vector<16xf32>
        tpu.vector_store_idx %arg8[%add3A_1188], %mul3A_1191 : memref<16384xf32, #tpu.memory_space<vmem>>[vector<16xi32>], vector<16xf32>,
        %gather3A_1192 = tpu.vector_load_idx %arg6[%add3A_1035, %add3A_190] : memref<512x32xf32, #tpu.memory_space<vmem>>[vector<16xi32>, vector<16xi32>], vector<16xf32>,
        %add3A_1193 = arith.addi %add3A_402, %broadcast_in_dim3A_1121 : vector<16xi32>
        %mul3A_1194 = arith.constant 5.65685415 : f32
        %mul3A_1195 = vector.broadcast %mul3A_1194 : f32 to vector<16xf32>
        %mul3A_1196 = arith.mulf %gather3A_1192, %mul3A_1195 : vector<16xf32>
        tpu.vector_store_idx %arg8[%add3A_1193], %mul3A_1196 : memref<16384xf32, #tpu.memory_space<vmem>>[vector<16xi32>], vector<16xf32>,
        %gather3A_1197 = tpu.vector_load_idx %arg6[%add3A_1035, %add3A_193] : memref<512x32xf32, #tpu.memory_space<vmem>>[vector<16xi32>, vector<16xi32>], vector<16xf32>,
        %add3A_1198 = arith.addi %add3A_416, %broadcast_in_dim3A_1121 : vector<16xi32>
        %mul3A_1199 = arith.constant 5.65685415 : f32
        %mul3A_1200 = vector.broadcast %mul3A_1199 : f32 to vector<16xf32>
        %mul3A_1201 = arith.mulf %gather3A_1197, %mul3A_1200 : vector<16xf32>
        tpu.vector_store_idx %arg8[%add3A_1198], %mul3A_1201 : memref<16384xf32, #tpu.memory_space<vmem>>[vector<16xi32>], vector<16xf32>,
        %add3A_1202 = arith.constant 256 : i32
        %add3A_1203 = arith.addi %add3A_1202, %mul3A_863 : i32
        %add3A_1204 = vector.broadcast %add3A_1203 : i32 to vector<16xi32>
        %add3A_1205 = arith.addi %iota3A, %add3A_1204 : vector<16xi32>
        %add3A_1206 = arith.constant 2048 : i32
        %add3A_1207 = arith.addi %add3A_1206, %mul3A_863 : i32
        %broadcast_in_dim3A_1208 = vector.broadcast %add3A_1207 : i32 to vector<16xi32>
        %gather3A_1209 = tpu.vector_load_idx %arg6[%add3A_1205, %add3A_100] : memref<512x32xf32, #tpu.memory_space<vmem>>[vector<16xi32>, vector<16xi32>], vector<16xf32>,
        %add3A_1210 = arith.addi %add3A_206, %broadcast_in_dim3A_1208 : vector<16xi32>
        %mul3A_1211 = arith.constant 5.65685415 : f32
        %mul3A_1212 = vector.broadcast %mul3A_1211 : f32 to vector<16xf32>
        %mul3A_1213 = arith.mulf %gather3A_1209, %mul3A_1212 : vector<16xf32>
        tpu.vector_store_idx %arg8[%add3A_1210], %mul3A_1213 : memref<16384xf32, #tpu.memory_space<vmem>>[vector<16xi32>], vector<16xf32>,
        %gather3A_1214 = tpu.vector_load_idx %arg6[%add3A_1205, %add3A_103] : memref<512x32xf32, #tpu.memory_space<vmem>>[vector<16xi32>, vector<16xi32>], vector<16xf32>,
        %add3A_1215 = arith.addi %add3A_220, %broadcast_in_dim3A_1208 : vector<16xi32>
        %mul3A_1216 = arith.constant 5.65685415 : f32
        %mul3A_1217 = vector.broadcast %mul3A_1216 : f32 to vector<16xf32>
        %mul3A_1218 = arith.mulf %gather3A_1214, %mul3A_1217 : vector<16xf32>
        tpu.vector_store_idx %arg8[%add3A_1215], %mul3A_1218 : memref<16384xf32, #tpu.memory_space<vmem>>[vector<16xi32>], vector<16xf32>,
        %gather3A_1219 = tpu.vector_load_idx %arg6[%add3A_1205, %add3A_106] : memref<512x32xf32, #tpu.memory_space<vmem>>[vector<16xi32>, vector<16xi32>], vector<16xf32>,
        %add3A_1220 = arith.addi %add3A_234, %broadcast_in_dim3A_1208 : vector<16xi32>
        %mul3A_1221 = arith.constant 5.65685415 : f32
        %mul3A_1222 = vector.broadcast %mul3A_1221 : f32 to vector<16xf32>
        %mul3A_1223 = arith.mulf %gather3A_1219, %mul3A_1222 : vector<16xf32>
        tpu.vector_store_idx %arg8[%add3A_1220], %mul3A_1223 : memref<16384xf32, #tpu.memory_space<vmem>>[vector<16xi32>], vector<16xf32>,
        %gather3A_1224 = tpu.vector_load_idx %arg6[%add3A_1205, %add3A_109] : memref<512x32xf32, #tpu.memory_space<vmem>>[vector<16xi32>, vector<16xi32>], vector<16xf32>,
        %add3A_1225 = arith.addi %add3A_248, %broadcast_in_dim3A_1208 : vector<16xi32>
        %mul3A_1226 = arith.constant 5.65685415 : f32
        %mul3A_1227 = vector.broadcast %mul3A_1226 : f32 to vector<16xf32>
        %mul3A_1228 = arith.mulf %gather3A_1224, %mul3A_1227 : vector<16xf32>
        tpu.vector_store_idx %arg8[%add3A_1225], %mul3A_1228 : memref<16384xf32, #tpu.memory_space<vmem>>[vector<16xi32>], vector<16xf32>,
        %gather3A_1229 = tpu.vector_load_idx %arg6[%add3A_1205, %add3A_112] : memref<512x32xf32, #tpu.memory_space<vmem>>[vector<16xi32>, vector<16xi32>], vector<16xf32>,
        %add3A_1230 = arith.addi %add3A_262, %broadcast_in_dim3A_1208 : vector<16xi32>
        %mul3A_1231 = arith.constant 5.65685415 : f32
        %mul3A_1232 = vector.broadcast %mul3A_1231 : f32 to vector<16xf32>
        %mul3A_1233 = arith.mulf %gather3A_1229, %mul3A_1232 : vector<16xf32>
        tpu.vector_store_idx %arg8[%add3A_1230], %mul3A_1233 : memref<16384xf32, #tpu.memory_space<vmem>>[vector<16xi32>], vector<16xf32>,
        %gather3A_1234 = tpu.vector_load_idx %arg6[%add3A_1205, %add3A_115] : memref<512x32xf32, #tpu.memory_space<vmem>>[vector<16xi32>, vector<16xi32>], vector<16xf32>,
        %add3A_1235 = arith.addi %add3A_276, %broadcast_in_dim3A_1208 : vector<16xi32>
        %mul3A_1236 = arith.constant 5.65685415 : f32
        %mul3A_1237 = vector.broadcast %mul3A_1236 : f32 to vector<16xf32>
        %mul3A_1238 = arith.mulf %gather3A_1234, %mul3A_1237 : vector<16xf32>
        tpu.vector_store_idx %arg8[%add3A_1235], %mul3A_1238 : memref<16384xf32, #tpu.memory_space<vmem>>[vector<16xi32>], vector<16xf32>,
        %gather3A_1239 = tpu.vector_load_idx %arg6[%add3A_1205, %add3A_118] : memref<512x32xf32, #tpu.memory_space<vmem>>[vector<16xi32>, vector<16xi32>], vector<16xf32>,
        %add3A_1240 = arith.addi %add3A_290, %broadcast_in_dim3A_1208 : vector<16xi32>
        %mul3A_1241 = arith.constant 5.65685415 : f32
        %mul3A_1242 = vector.broadcast %mul3A_1241 : f32 to vector<16xf32>
        %mul3A_1243 = arith.mulf %gather3A_1239, %mul3A_1242 : vector<16xf32>
        tpu.vector_store_idx %arg8[%add3A_1240], %mul3A_1243 : memref<16384xf32, #tpu.memory_space<vmem>>[vector<16xi32>], vector<16xf32>,
        %gather3A_1244 = tpu.vector_load_idx %arg6[%add3A_1205, %add3A_121] : memref<512x32xf32, #tpu.memory_space<vmem>>[vector<16xi32>, vector<16xi32>], vector<16xf32>,
        %add3A_1245 = arith.addi %add3A_304, %broadcast_in_dim3A_1208 : vector<16xi32>
        %mul3A_1246 = arith.constant 5.65685415 : f32
        %mul3A_1247 = vector.broadcast %mul3A_1246 : f32 to vector<16xf32>
        %mul3A_1248 = arith.mulf %gather3A_1244, %mul3A_1247 : vector<16xf32>
        tpu.vector_store_idx %arg8[%add3A_1245], %mul3A_1248 : memref<16384xf32, #tpu.memory_space<vmem>>[vector<16xi32>], vector<16xf32>,
        %gather3A_1249 = tpu.vector_load_idx %arg6[%add3A_1205, %add3A_124] : memref<512x32xf32, #tpu.memory_space<vmem>>[vector<16xi32>, vector<16xi32>], vector<16xf32>,
        %add3A_1250 = arith.addi %add3A_318, %broadcast_in_dim3A_1208 : vector<16xi32>
        %mul3A_1251 = arith.constant 5.65685415 : f32
        %mul3A_1252 = vector.broadcast %mul3A_1251 : f32 to vector<16xf32>
        %mul3A_1253 = arith.mulf %gather3A_1249, %mul3A_1252 : vector<16xf32>
        tpu.vector_store_idx %arg8[%add3A_1250], %mul3A_1253 : memref<16384xf32, #tpu.memory_space<vmem>>[vector<16xi32>], vector<16xf32>,
        %gather3A_1254 = tpu.vector_load_idx %arg6[%add3A_1205, %add3A_127] : memref<512x32xf32, #tpu.memory_space<vmem>>[vector<16xi32>, vector<16xi32>], vector<16xf32>,
        %add3A_1255 = arith.addi %add3A_332, %broadcast_in_dim3A_1208 : vector<16xi32>
        %mul3A_1256 = arith.constant 5.65685415 : f32
        %mul3A_1257 = vector.broadcast %mul3A_1256 : f32 to vector<16xf32>
        %mul3A_1258 = arith.mulf %gather3A_1254, %mul3A_1257 : vector<16xf32>
        tpu.vector_store_idx %arg8[%add3A_1255], %mul3A_1258 : memref<16384xf32, #tpu.memory_space<vmem>>[vector<16xi32>], vector<16xf32>,
        %gather3A_1259 = tpu.vector_load_idx %arg6[%add3A_1205, %add3A_130] : memref<512x32xf32, #tpu.memory_space<vmem>>[vector<16xi32>, vector<16xi32>], vector<16xf32>,
        %add3A_1260 = arith.addi %add3A_346, %broadcast_in_dim3A_1208 : vector<16xi32>
        %mul3A_1261 = arith.constant 5.65685415 : f32
        %mul3A_1262 = vector.broadcast %mul3A_1261 : f32 to vector<16xf32>
        %mul3A_1263 = arith.mulf %gather3A_1259, %mul3A_1262 : vector<16xf32>
        tpu.vector_store_idx %arg8[%add3A_1260], %mul3A_1263 : memref<16384xf32, #tpu.memory_space<vmem>>[vector<16xi32>], vector<16xf32>,
        %gather3A_1264 = tpu.vector_load_idx %arg6[%add3A_1205, %add3A_133] : memref<512x32xf32, #tpu.memory_space<vmem>>[vector<16xi32>, vector<16xi32>], vector<16xf32>,
        %add3A_1265 = arith.addi %add3A_360, %broadcast_in_dim3A_1208 : vector<16xi32>
        %mul3A_1266 = arith.constant 5.65685415 : f32
        %mul3A_1267 = vector.broadcast %mul3A_1266 : f32 to vector<16xf32>
        %mul3A_1268 = arith.mulf %gather3A_1264, %mul3A_1267 : vector<16xf32>
        tpu.vector_store_idx %arg8[%add3A_1265], %mul3A_1268 : memref<16384xf32, #tpu.memory_space<vmem>>[vector<16xi32>], vector<16xf32>,
        %gather3A_1269 = tpu.vector_load_idx %arg6[%add3A_1205, %add3A_136] : memref<512x32xf32, #tpu.memory_space<vmem>>[vector<16xi32>, vector<16xi32>], vector<16xf32>,
        %add3A_1270 = arith.addi %add3A_374, %broadcast_in_dim3A_1208 : vector<16xi32>
        %mul3A_1271 = arith.constant 5.65685415 : f32
        %mul3A_1272 = vector.broadcast %mul3A_1271 : f32 to vector<16xf32>
        %mul3A_1273 = arith.mulf %gather3A_1269, %mul3A_1272 : vector<16xf32>
        tpu.vector_store_idx %arg8[%add3A_1270], %mul3A_1273 : memref<16384xf32, #tpu.memory_space<vmem>>[vector<16xi32>], vector<16xf32>,
        %gather3A_1274 = tpu.vector_load_idx %arg6[%add3A_1205, %add3A_139] : memref<512x32xf32, #tpu.memory_space<vmem>>[vector<16xi32>, vector<16xi32>], vector<16xf32>,
        %add3A_1275 = arith.addi %add3A_388, %broadcast_in_dim3A_1208 : vector<16xi32>
        %mul3A_1276 = arith.constant 5.65685415 : f32
        %mul3A_1277 = vector.broadcast %mul3A_1276 : f32 to vector<16xf32>
        %mul3A_1278 = arith.mulf %gather3A_1274, %mul3A_1277 : vector<16xf32>
        tpu.vector_store_idx %arg8[%add3A_1275], %mul3A_1278 : memref<16384xf32, #tpu.memory_space<vmem>>[vector<16xi32>], vector<16xf32>,
        %gather3A_1279 = tpu.vector_load_idx %arg6[%add3A_1205, %add3A_142] : memref<512x32xf32, #tpu.memory_space<vmem>>[vector<16xi32>, vector<16xi32>], vector<16xf32>,
        %add3A_1280 = arith.addi %add3A_402, %broadcast_in_dim3A_1208 : vector<16xi32>
        %mul3A_1281 = arith.constant 5.65685415 : f32
        %mul3A_1282 = vector.broadcast %mul3A_1281 : f32 to vector<16xf32>
        %mul3A_1283 = arith.mulf %gather3A_1279, %mul3A_1282 : vector<16xf32>
        tpu.vector_store_idx %arg8[%add3A_1280], %mul3A_1283 : memref<16384xf32, #tpu.memory_space<vmem>>[vector<16xi32>], vector<16xf32>,
        %gather3A_1284 = tpu.vector_load_idx %arg6[%add3A_1205, %add3A_145] : memref<512x32xf32, #tpu.memory_space<vmem>>[vector<16xi32>, vector<16xi32>], vector<16xf32>,
        %add3A_1285 = arith.addi %add3A_416, %broadcast_in_dim3A_1208 : vector<16xi32>
        %mul3A_1286 = arith.constant 5.65685415 : f32
        %mul3A_1287 = vector.broadcast %mul3A_1286 : f32 to vector<16xf32>
        %mul3A_1288 = arith.mulf %gather3A_1284, %mul3A_1287 : vector<16xf32>
        tpu.vector_store_idx %arg8[%add3A_1285], %mul3A_1288 : memref<16384xf32, #tpu.memory_space<vmem>>[vector<16xi32>], vector<16xf32>,
        %add3A_1289 = arith.constant 10240 : i32
        %add3A_1290 = arith.addi %add3A_1289, %mul3A_863 : i32
        %broadcast_in_dim3A_1291 = vector.broadcast %add3A_1290 : i32 to vector<16xi32>
        %gather3A_1292 = tpu.vector_load_idx %arg6[%add3A_1205, %add3A_148] : memref<512x32xf32, #tpu.memory_space<vmem>>[vector<16xi32>, vector<16xi32>], vector<16xf32>,
        %add3A_1293 = arith.addi %add3A_206, %broadcast_in_dim3A_1291 : vector<16xi32>
        %mul3A_1294 = arith.constant 5.65685415 : f32
        %mul3A_1295 = vector.broadcast %mul3A_1294 : f32 to vector<16xf32>
        %mul3A_1296 = arith.mulf %gather3A_1292, %mul3A_1295 : vector<16xf32>
        tpu.vector_store_idx %arg8[%add3A_1293], %mul3A_1296 : memref<16384xf32, #tpu.memory_space<vmem>>[vector<16xi32>], vector<16xf32>,
        %gather3A_1297 = tpu.vector_load_idx %arg6[%add3A_1205, %add3A_151] : memref<512x32xf32, #tpu.memory_space<vmem>>[vector<16xi32>, vector<16xi32>], vector<16xf32>,
        %add3A_1298 = arith.addi %add3A_220, %broadcast_in_dim3A_1291 : vector<16xi32>
        %mul3A_1299 = arith.constant 5.65685415 : f32
        %mul3A_1300 = vector.broadcast %mul3A_1299 : f32 to vector<16xf32>
        %mul3A_1301 = arith.mulf %gather3A_1297, %mul3A_1300 : vector<16xf32>
        tpu.vector_store_idx %arg8[%add3A_1298], %mul3A_1301 : memref<16384xf32, #tpu.memory_space<vmem>>[vector<16xi32>], vector<16xf32>,
        %gather3A_1302 = tpu.vector_load_idx %arg6[%add3A_1205, %add3A_154] : memref<512x32xf32, #tpu.memory_space<vmem>>[vector<16xi32>, vector<16xi32>], vector<16xf32>,
        %add3A_1303 = arith.addi %add3A_234, %broadcast_in_dim3A_1291 : vector<16xi32>
        %mul3A_1304 = arith.constant 5.65685415 : f32
        %mul3A_1305 = vector.broadcast %mul3A_1304 : f32 to vector<16xf32>
        %mul3A_1306 = arith.mulf %gather3A_1302, %mul3A_1305 : vector<16xf32>
        tpu.vector_store_idx %arg8[%add3A_1303], %mul3A_1306 : memref<16384xf32, #tpu.memory_space<vmem>>[vector<16xi32>], vector<16xf32>,
        %gather3A_1307 = tpu.vector_load_idx %arg6[%add3A_1205, %add3A_157] : memref<512x32xf32, #tpu.memory_space<vmem>>[vector<16xi32>, vector<16xi32>], vector<16xf32>,
        %add3A_1308 = arith.addi %add3A_248, %broadcast_in_dim3A_1291 : vector<16xi32>
        %mul3A_1309 = arith.constant 5.65685415 : f32
        %mul3A_1310 = vector.broadcast %mul3A_1309 : f32 to vector<16xf32>
        %mul3A_1311 = arith.mulf %gather3A_1307, %mul3A_1310 : vector<16xf32>
        tpu.vector_store_idx %arg8[%add3A_1308], %mul3A_1311 : memref<16384xf32, #tpu.memory_space<vmem>>[vector<16xi32>], vector<16xf32>,
        %gather3A_1312 = tpu.vector_load_idx %arg6[%add3A_1205, %add3A_160] : memref<512x32xf32, #tpu.memory_space<vmem>>[vector<16xi32>, vector<16xi32>], vector<16xf32>,
        %add3A_1313 = arith.addi %add3A_262, %broadcast_in_dim3A_1291 : vector<16xi32>
        %mul3A_1314 = arith.constant 5.65685415 : f32
        %mul3A_1315 = vector.broadcast %mul3A_1314 : f32 to vector<16xf32>
        %mul3A_1316 = arith.mulf %gather3A_1312, %mul3A_1315 : vector<16xf32>
        tpu.vector_store_idx %arg8[%add3A_1313], %mul3A_1316 : memref<16384xf32, #tpu.memory_space<vmem>>[vector<16xi32>], vector<16xf32>,
        %gather3A_1317 = tpu.vector_load_idx %arg6[%add3A_1205, %add3A_163] : memref<512x32xf32, #tpu.memory_space<vmem>>[vector<16xi32>, vector<16xi32>], vector<16xf32>,
        %add3A_1318 = arith.addi %add3A_276, %broadcast_in_dim3A_1291 : vector<16xi32>
        %mul3A_1319 = arith.constant 5.65685415 : f32
        %mul3A_1320 = vector.broadcast %mul3A_1319 : f32 to vector<16xf32>
        %mul3A_1321 = arith.mulf %gather3A_1317, %mul3A_1320 : vector<16xf32>
        tpu.vector_store_idx %arg8[%add3A_1318], %mul3A_1321 : memref<16384xf32, #tpu.memory_space<vmem>>[vector<16xi32>], vector<16xf32>,
        %gather3A_1322 = tpu.vector_load_idx %arg6[%add3A_1205, %add3A_166] : memref<512x32xf32, #tpu.memory_space<vmem>>[vector<16xi32>, vector<16xi32>], vector<16xf32>,
        %add3A_1323 = arith.addi %add3A_290, %broadcast_in_dim3A_1291 : vector<16xi32>
        %mul3A_1324 = arith.constant 5.65685415 : f32
        %mul3A_1325 = vector.broadcast %mul3A_1324 : f32 to vector<16xf32>
        %mul3A_1326 = arith.mulf %gather3A_1322, %mul3A_1325 : vector<16xf32>
        tpu.vector_store_idx %arg8[%add3A_1323], %mul3A_1326 : memref<16384xf32, #tpu.memory_space<vmem>>[vector<16xi32>], vector<16xf32>,
        %gather3A_1327 = tpu.vector_load_idx %arg6[%add3A_1205, %add3A_169] : memref<512x32xf32, #tpu.memory_space<vmem>>[vector<16xi32>, vector<16xi32>], vector<16xf32>,
        %add3A_1328 = arith.addi %add3A_304, %broadcast_in_dim3A_1291 : vector<16xi32>
        %mul3A_1329 = arith.constant 5.65685415 : f32
        %mul3A_1330 = vector.broadcast %mul3A_1329 : f32 to vector<16xf32>
        %mul3A_1331 = arith.mulf %gather3A_1327, %mul3A_1330 : vector<16xf32>
        tpu.vector_store_idx %arg8[%add3A_1328], %mul3A_1331 : memref<16384xf32, #tpu.memory_space<vmem>>[vector<16xi32>], vector<16xf32>,
        %gather3A_1332 = tpu.vector_load_idx %arg6[%add3A_1205, %add3A_172] : memref<512x32xf32, #tpu.memory_space<vmem>>[vector<16xi32>, vector<16xi32>], vector<16xf32>,
        %add3A_1333 = arith.addi %add3A_318, %broadcast_in_dim3A_1291 : vector<16xi32>
        %mul3A_1334 = arith.constant 5.65685415 : f32
        %mul3A_1335 = vector.broadcast %mul3A_1334 : f32 to vector<16xf32>
        %mul3A_1336 = arith.mulf %gather3A_1332, %mul3A_1335 : vector<16xf32>
        tpu.vector_store_idx %arg8[%add3A_1333], %mul3A_1336 : memref<16384xf32, #tpu.memory_space<vmem>>[vector<16xi32>], vector<16xf32>,
        %gather3A_1337 = tpu.vector_load_idx %arg6[%add3A_1205, %add3A_175] : memref<512x32xf32, #tpu.memory_space<vmem>>[vector<16xi32>, vector<16xi32>], vector<16xf32>,
        %add3A_1338 = arith.addi %add3A_332, %broadcast_in_dim3A_1291 : vector<16xi32>
        %mul3A_1339 = arith.constant 5.65685415 : f32
        %mul3A_1340 = vector.broadcast %mul3A_1339 : f32 to vector<16xf32>
        %mul3A_1341 = arith.mulf %gather3A_1337, %mul3A_1340 : vector<16xf32>
        tpu.vector_store_idx %arg8[%add3A_1338], %mul3A_1341 : memref<16384xf32, #tpu.memory_space<vmem>>[vector<16xi32>], vector<16xf32>,
        %gather3A_1342 = tpu.vector_load_idx %arg6[%add3A_1205, %add3A_178] : memref<512x32xf32, #tpu.memory_space<vmem>>[vector<16xi32>, vector<16xi32>], vector<16xf32>,
        %add3A_1343 = arith.addi %add3A_346, %broadcast_in_dim3A_1291 : vector<16xi32>
        %mul3A_1344 = arith.constant 5.65685415 : f32
        %mul3A_1345 = vector.broadcast %mul3A_1344 : f32 to vector<16xf32>
        %mul3A_1346 = arith.mulf %gather3A_1342, %mul3A_1345 : vector<16xf32>
        tpu.vector_store_idx %arg8[%add3A_1343], %mul3A_1346 : memref<16384xf32, #tpu.memory_space<vmem>>[vector<16xi32>], vector<16xf32>,
        %gather3A_1347 = tpu.vector_load_idx %arg6[%add3A_1205, %add3A_181] : memref<512x32xf32, #tpu.memory_space<vmem>>[vector<16xi32>, vector<16xi32>], vector<16xf32>,
        %add3A_1348 = arith.addi %add3A_360, %broadcast_in_dim3A_1291 : vector<16xi32>
        %mul3A_1349 = arith.constant 5.65685415 : f32
        %mul3A_1350 = vector.broadcast %mul3A_1349 : f32 to vector<16xf32>
        %mul3A_1351 = arith.mulf %gather3A_1347, %mul3A_1350 : vector<16xf32>
        tpu.vector_store_idx %arg8[%add3A_1348], %mul3A_1351 : memref<16384xf32, #tpu.memory_space<vmem>>[vector<16xi32>], vector<16xf32>,
        %gather3A_1352 = tpu.vector_load_idx %arg6[%add3A_1205, %add3A_184] : memref<512x32xf32, #tpu.memory_space<vmem>>[vector<16xi32>, vector<16xi32>], vector<16xf32>,
        %add3A_1353 = arith.addi %add3A_374, %broadcast_in_dim3A_1291 : vector<16xi32>
        %mul3A_1354 = arith.constant 5.65685415 : f32
        %mul3A_1355 = vector.broadcast %mul3A_1354 : f32 to vector<16xf32>
        %mul3A_1356 = arith.mulf %gather3A_1352, %mul3A_1355 : vector<16xf32>
        tpu.vector_store_idx %arg8[%add3A_1353], %mul3A_1356 : memref<16384xf32, #tpu.memory_space<vmem>>[vector<16xi32>], vector<16xf32>,
        %gather3A_1357 = tpu.vector_load_idx %arg6[%add3A_1205, %add3A_187] : memref<512x32xf32, #tpu.memory_space<vmem>>[vector<16xi32>, vector<16xi32>], vector<16xf32>,
        %add3A_1358 = arith.addi %add3A_388, %broadcast_in_dim3A_1291 : vector<16xi32>
        %mul3A_1359 = arith.constant 5.65685415 : f32
        %mul3A_1360 = vector.broadcast %mul3A_1359 : f32 to vector<16xf32>
        %mul3A_1361 = arith.mulf %gather3A_1357, %mul3A_1360 : vector<16xf32>
        tpu.vector_store_idx %arg8[%add3A_1358], %mul3A_1361 : memref<16384xf32, #tpu.memory_space<vmem>>[vector<16xi32>], vector<16xf32>,
        %gather3A_1362 = tpu.vector_load_idx %arg6[%add3A_1205, %add3A_190] : memref<512x32xf32, #tpu.memory_space<vmem>>[vector<16xi32>, vector<16xi32>], vector<16xf32>,
        %add3A_1363 = arith.addi %add3A_402, %broadcast_in_dim3A_1291 : vector<16xi32>
        %mul3A_1364 = arith.constant 5.65685415 : f32
        %mul3A_1365 = vector.broadcast %mul3A_1364 : f32 to vector<16xf32>
        %mul3A_1366 = arith.mulf %gather3A_1362, %mul3A_1365 : vector<16xf32>
        tpu.vector_store_idx %arg8[%add3A_1363], %mul3A_1366 : memref<16384xf32, #tpu.memory_space<vmem>>[vector<16xi32>], vector<16xf32>,
        %gather3A_1367 = tpu.vector_load_idx %arg6[%add3A_1205, %add3A_193] : memref<512x32xf32, #tpu.memory_space<vmem>>[vector<16xi32>, vector<16xi32>], vector<16xf32>,
        %add3A_1368 = arith.addi %add3A_416, %broadcast_in_dim3A_1291 : vector<16xi32>
        %mul3A_1369 = arith.constant 5.65685415 : f32
        %mul3A_1370 = vector.broadcast %mul3A_1369 : f32 to vector<16xf32>
        %mul3A_1371 = arith.mulf %gather3A_1367, %mul3A_1370 : vector<16xf32>
        tpu.vector_store_idx %arg8[%add3A_1368], %mul3A_1371 : memref<16384xf32, #tpu.memory_space<vmem>>[vector<16xi32>], vector<16xf32>,
        %add3A_1372 = arith.constant 384 : i32
        %add3A_1373 = arith.addi %add3A_1372, %mul3A_863 : i32
        %add3A_1374 = vector.broadcast %add3A_1373 : i32 to vector<16xi32>
        %add3A_1375 = arith.addi %iota3A, %add3A_1374 : vector<16xi32>
        %add3A_1376 = arith.constant 3072 : i32
        %add3A_1377 = arith.addi %add3A_1376, %mul3A_863 : i32
        %broadcast_in_dim3A_1378 = vector.broadcast %add3A_1377 : i32 to vector<16xi32>
        %gather3A_1379 = tpu.vector_load_idx %arg6[%add3A_1375, %add3A_100] : memref<512x32xf32, #tpu.memory_space<vmem>>[vector<16xi32>, vector<16xi32>], vector<16xf32>,
        %add3A_1380 = arith.addi %add3A_206, %broadcast_in_dim3A_1378 : vector<16xi32>
        %mul3A_1381 = arith.constant 5.65685415 : f32
        %mul3A_1382 = vector.broadcast %mul3A_1381 : f32 to vector<16xf32>
        %mul3A_1383 = arith.mulf %gather3A_1379, %mul3A_1382 : vector<16xf32>
        tpu.vector_store_idx %arg8[%add3A_1380], %mul3A_1383 : memref<16384xf32, #tpu.memory_space<vmem>>[vector<16xi32>], vector<16xf32>,
        %gather3A_1384 = tpu.vector_load_idx %arg6[%add3A_1375, %add3A_103] : memref<512x32xf32, #tpu.memory_space<vmem>>[vector<16xi32>, vector<16xi32>], vector<16xf32>,
        %add3A_1385 = arith.addi %add3A_220, %broadcast_in_dim3A_1378 : vector<16xi32>
        %mul3A_1386 = arith.constant 5.65685415 : f32
        %mul3A_1387 = vector.broadcast %mul3A_1386 : f32 to vector<16xf32>
        %mul3A_1388 = arith.mulf %gather3A_1384, %mul3A_1387 : vector<16xf32>
        tpu.vector_store_idx %arg8[%add3A_1385], %mul3A_1388 : memref<16384xf32, #tpu.memory_space<vmem>>[vector<16xi32>], vector<16xf32>,
        %gather3A_1389 = tpu.vector_load_idx %arg6[%add3A_1375, %add3A_106] : memref<512x32xf32, #tpu.memory_space<vmem>>[vector<16xi32>, vector<16xi32>], vector<16xf32>,
        %add3A_1390 = arith.addi %add3A_234, %broadcast_in_dim3A_1378 : vector<16xi32>
        %mul3A_1391 = arith.constant 5.65685415 : f32
        %mul3A_1392 = vector.broadcast %mul3A_1391 : f32 to vector<16xf32>
        %mul3A_1393 = arith.mulf %gather3A_1389, %mul3A_1392 : vector<16xf32>
        tpu.vector_store_idx %arg8[%add3A_1390], %mul3A_1393 : memref<16384xf32, #tpu.memory_space<vmem>>[vector<16xi32>], vector<16xf32>,
        %gather3A_1394 = tpu.vector_load_idx %arg6[%add3A_1375, %add3A_109] : memref<512x32xf32, #tpu.memory_space<vmem>>[vector<16xi32>, vector<16xi32>], vector<16xf32>,
        %add3A_1395 = arith.addi %add3A_248, %broadcast_in_dim3A_1378 : vector<16xi32>
        %mul3A_1396 = arith.constant 5.65685415 : f32
        %mul3A_1397 = vector.broadcast %mul3A_1396 : f32 to vector<16xf32>
        %mul3A_1398 = arith.mulf %gather3A_1394, %mul3A_1397 : vector<16xf32>
        tpu.vector_store_idx %arg8[%add3A_1395], %mul3A_1398 : memref<16384xf32, #tpu.memory_space<vmem>>[vector<16xi32>], vector<16xf32>,
        %gather3A_1399 = tpu.vector_load_idx %arg6[%add3A_1375, %add3A_112] : memref<512x32xf32, #tpu.memory_space<vmem>>[vector<16xi32>, vector<16xi32>], vector<16xf32>,
        %add3A_1400 = arith.addi %add3A_262, %broadcast_in_dim3A_1378 : vector<16xi32>
        %mul3A_1401 = arith.constant 5.65685415 : f32
        %mul3A_1402 = vector.broadcast %mul3A_1401 : f32 to vector<16xf32>
        %mul3A_1403 = arith.mulf %gather3A_1399, %mul3A_1402 : vector<16xf32>
        tpu.vector_store_idx %arg8[%add3A_1400], %mul3A_1403 : memref<16384xf32, #tpu.memory_space<vmem>>[vector<16xi32>], vector<16xf32>,
        %gather3A_1404 = tpu.vector_load_idx %arg6[%add3A_1375, %add3A_115] : memref<512x32xf32, #tpu.memory_space<vmem>>[vector<16xi32>, vector<16xi32>], vector<16xf32>,
        %add3A_1405 = arith.addi %add3A_276, %broadcast_in_dim3A_1378 : vector<16xi32>
        %mul3A_1406 = arith.constant 5.65685415 : f32
        %mul3A_1407 = vector.broadcast %mul3A_1406 : f32 to vector<16xf32>
        %mul3A_1408 = arith.mulf %gather3A_1404, %mul3A_1407 : vector<16xf32>
        tpu.vector_store_idx %arg8[%add3A_1405], %mul3A_1408 : memref<16384xf32, #tpu.memory_space<vmem>>[vector<16xi32>], vector<16xf32>,
        %gather3A_1409 = tpu.vector_load_idx %arg6[%add3A_1375, %add3A_118] : memref<512x32xf32, #tpu.memory_space<vmem>>[vector<16xi32>, vector<16xi32>], vector<16xf32>,
        %add3A_1410 = arith.addi %add3A_290, %broadcast_in_dim3A_1378 : vector<16xi32>
        %mul3A_1411 = arith.constant 5.65685415 : f32
        %mul3A_1412 = vector.broadcast %mul3A_1411 : f32 to vector<16xf32>
        %mul3A_1413 = arith.mulf %gather3A_1409, %mul3A_1412 : vector<16xf32>
        tpu.vector_store_idx %arg8[%add3A_1410], %mul3A_1413 : memref<16384xf32, #tpu.memory_space<vmem>>[vector<16xi32>], vector<16xf32>,
        %gather3A_1414 = tpu.vector_load_idx %arg6[%add3A_1375, %add3A_121] : memref<512x32xf32, #tpu.memory_space<vmem>>[vector<16xi32>, vector<16xi32>], vector<16xf32>,
        %add3A_1415 = arith.addi %add3A_304, %broadcast_in_dim3A_1378 : vector<16xi32>
        %mul3A_1416 = arith.constant 5.65685415 : f32
        %mul3A_1417 = vector.broadcast %mul3A_1416 : f32 to vector<16xf32>
        %mul3A_1418 = arith.mulf %gather3A_1414, %mul3A_1417 : vector<16xf32>
        tpu.vector_store_idx %arg8[%add3A_1415], %mul3A_1418 : memref<16384xf32, #tpu.memory_space<vmem>>[vector<16xi32>], vector<16xf32>,
        %gather3A_1419 = tpu.vector_load_idx %arg6[%add3A_1375, %add3A_124] : memref<512x32xf32, #tpu.memory_space<vmem>>[vector<16xi32>, vector<16xi32>], vector<16xf32>,
        %add3A_1420 = arith.addi %add3A_318, %broadcast_in_dim3A_1378 : vector<16xi32>
        %mul3A_1421 = arith.constant 5.65685415 : f32
        %mul3A_1422 = vector.broadcast %mul3A_1421 : f32 to vector<16xf32>
        %mul3A_1423 = arith.mulf %gather3A_1419, %mul3A_1422 : vector<16xf32>
        tpu.vector_store_idx %arg8[%add3A_1420], %mul3A_1423 : memref<16384xf32, #tpu.memory_space<vmem>>[vector<16xi32>], vector<16xf32>,
        %gather3A_1424 = tpu.vector_load_idx %arg6[%add3A_1375, %add3A_127] : memref<512x32xf32, #tpu.memory_space<vmem>>[vector<16xi32>, vector<16xi32>], vector<16xf32>,
        %add3A_1425 = arith.addi %add3A_332, %broadcast_in_dim3A_1378 : vector<16xi32>
        %mul3A_1426 = arith.constant 5.65685415 : f32
        %mul3A_1427 = vector.broadcast %mul3A_1426 : f32 to vector<16xf32>
        %mul3A_1428 = arith.mulf %gather3A_1424, %mul3A_1427 : vector<16xf32>
        tpu.vector_store_idx %arg8[%add3A_1425], %mul3A_1428 : memref<16384xf32, #tpu.memory_space<vmem>>[vector<16xi32>], vector<16xf32>,
        %gather3A_1429 = tpu.vector_load_idx %arg6[%add3A_1375, %add3A_130] : memref<512x32xf32, #tpu.memory_space<vmem>>[vector<16xi32>, vector<16xi32>], vector<16xf32>,
        %add3A_1430 = arith.addi %add3A_346, %broadcast_in_dim3A_1378 : vector<16xi32>
        %mul3A_1431 = arith.constant 5.65685415 : f32
        %mul3A_1432 = vector.broadcast %mul3A_1431 : f32 to vector<16xf32>
        %mul3A_1433 = arith.mulf %gather3A_1429, %mul3A_1432 : vector<16xf32>
        tpu.vector_store_idx %arg8[%add3A_1430], %mul3A_1433 : memref<16384xf32, #tpu.memory_space<vmem>>[vector<16xi32>], vector<16xf32>,
        %gather3A_1434 = tpu.vector_load_idx %arg6[%add3A_1375, %add3A_133] : memref<512x32xf32, #tpu.memory_space<vmem>>[vector<16xi32>, vector<16xi32>], vector<16xf32>,
        %add3A_1435 = arith.addi %add3A_360, %broadcast_in_dim3A_1378 : vector<16xi32>
        %mul3A_1436 = arith.constant 5.65685415 : f32
        %mul3A_1437 = vector.broadcast %mul3A_1436 : f32 to vector<16xf32>
        %mul3A_1438 = arith.mulf %gather3A_1434, %mul3A_1437 : vector<16xf32>
        tpu.vector_store_idx %arg8[%add3A_1435], %mul3A_1438 : memref<16384xf32, #tpu.memory_space<vmem>>[vector<16xi32>], vector<16xf32>,
        %gather3A_1439 = tpu.vector_load_idx %arg6[%add3A_1375, %add3A_136] : memref<512x32xf32, #tpu.memory_space<vmem>>[vector<16xi32>, vector<16xi32>], vector<16xf32>,
        %add3A_1440 = arith.addi %add3A_374, %broadcast_in_dim3A_1378 : vector<16xi32>
        %mul3A_1441 = arith.constant 5.65685415 : f32
        %mul3A_1442 = vector.broadcast %mul3A_1441 : f32 to vector<16xf32>
        %mul3A_1443 = arith.mulf %gather3A_1439, %mul3A_1442 : vector<16xf32>
        tpu.vector_store_idx %arg8[%add3A_1440], %mul3A_1443 : memref<16384xf32, #tpu.memory_space<vmem>>[vector<16xi32>], vector<16xf32>,
        %gather3A_1444 = tpu.vector_load_idx %arg6[%add3A_1375, %add3A_139] : memref<512x32xf32, #tpu.memory_space<vmem>>[vector<16xi32>, vector<16xi32>], vector<16xf32>,
        %add3A_1445 = arith.addi %add3A_388, %broadcast_in_dim3A_1378 : vector<16xi32>
        %mul3A_1446 = arith.constant 5.65685415 : f32
        %mul3A_1447 = vector.broadcast %mul3A_1446 : f32 to vector<16xf32>
        %mul3A_1448 = arith.mulf %gather3A_1444, %mul3A_1447 : vector<16xf32>
        tpu.vector_store_idx %arg8[%add3A_1445], %mul3A_1448 : memref<16384xf32, #tpu.memory_space<vmem>>[vector<16xi32>], vector<16xf32>,
        %gather3A_1449 = tpu.vector_load_idx %arg6[%add3A_1375, %add3A_142] : memref<512x32xf32, #tpu.memory_space<vmem>>[vector<16xi32>, vector<16xi32>], vector<16xf32>,
        %add3A_1450 = arith.addi %add3A_402, %broadcast_in_dim3A_1378 : vector<16xi32>
        %mul3A_1451 = arith.constant 5.65685415 : f32
        %mul3A_1452 = vector.broadcast %mul3A_1451 : f32 to vector<16xf32>
        %mul3A_1453 = arith.mulf %gather3A_1449, %mul3A_1452 : vector<16xf32>
        tpu.vector_store_idx %arg8[%add3A_1450], %mul3A_1453 : memref<16384xf32, #tpu.memory_space<vmem>>[vector<16xi32>], vector<16xf32>,
        %gather3A_1454 = tpu.vector_load_idx %arg6[%add3A_1375, %add3A_145] : memref<512x32xf32, #tpu.memory_space<vmem>>[vector<16xi32>, vector<16xi32>], vector<16xf32>,
        %add3A_1455 = arith.addi %add3A_416, %broadcast_in_dim3A_1378 : vector<16xi32>
        %mul3A_1456 = arith.constant 5.65685415 : f32
        %mul3A_1457 = vector.broadcast %mul3A_1456 : f32 to vector<16xf32>
        %mul3A_1458 = arith.mulf %gather3A_1454, %mul3A_1457 : vector<16xf32>
        tpu.vector_store_idx %arg8[%add3A_1455], %mul3A_1458 : memref<16384xf32, #tpu.memory_space<vmem>>[vector<16xi32>], vector<16xf32>,
        %add3A_1459 = arith.constant 11264 : i32
        %add3A_1460 = arith.addi %add3A_1459, %mul3A_863 : i32
        %broadcast_in_dim3A_1461 = vector.broadcast %add3A_1460 : i32 to vector<16xi32>
        %gather3A_1462 = tpu.vector_load_idx %arg6[%add3A_1375, %add3A_148] : memref<512x32xf32, #tpu.memory_space<vmem>>[vector<16xi32>, vector<16xi32>], vector<16xf32>,
        %add3A_1463 = arith.addi %add3A_206, %broadcast_in_dim3A_1461 : vector<16xi32>
        %mul3A_1464 = arith.constant 5.65685415 : f32
        %mul3A_1465 = vector.broadcast %mul3A_1464 : f32 to vector<16xf32>
        %mul3A_1466 = arith.mulf %gather3A_1462, %mul3A_1465 : vector<16xf32>
        tpu.vector_store_idx %arg8[%add3A_1463], %mul3A_1466 : memref<16384xf32, #tpu.memory_space<vmem>>[vector<16xi32>], vector<16xf32>,
        %gather3A_1467 = tpu.vector_load_idx %arg6[%add3A_1375, %add3A_151] : memref<512x32xf32, #tpu.memory_space<vmem>>[vector<16xi32>, vector<16xi32>], vector<16xf32>,
        %add3A_1468 = arith.addi %add3A_220, %broadcast_in_dim3A_1461 : vector<16xi32>
        %mul3A_1469 = arith.constant 5.65685415 : f32
        %mul3A_1470 = vector.broadcast %mul3A_1469 : f32 to vector<16xf32>
        %mul3A_1471 = arith.mulf %gather3A_1467, %mul3A_1470 : vector<16xf32>
        tpu.vector_store_idx %arg8[%add3A_1468], %mul3A_1471 : memref<16384xf32, #tpu.memory_space<vmem>>[vector<16xi32>], vector<16xf32>,
        %gather3A_1472 = tpu.vector_load_idx %arg6[%add3A_1375, %add3A_154] : memref<512x32xf32, #tpu.memory_space<vmem>>[vector<16xi32>, vector<16xi32>], vector<16xf32>,
        %add3A_1473 = arith.addi %add3A_234, %broadcast_in_dim3A_1461 : vector<16xi32>
        %mul3A_1474 = arith.constant 5.65685415 : f32
        %mul3A_1475 = vector.broadcast %mul3A_1474 : f32 to vector<16xf32>
        %mul3A_1476 = arith.mulf %gather3A_1472, %mul3A_1475 : vector<16xf32>
        tpu.vector_store_idx %arg8[%add3A_1473], %mul3A_1476 : memref<16384xf32, #tpu.memory_space<vmem>>[vector<16xi32>], vector<16xf32>,
        %gather3A_1477 = tpu.vector_load_idx %arg6[%add3A_1375, %add3A_157] : memref<512x32xf32, #tpu.memory_space<vmem>>[vector<16xi32>, vector<16xi32>], vector<16xf32>,
        %add3A_1478 = arith.addi %add3A_248, %broadcast_in_dim3A_1461 : vector<16xi32>
        %mul3A_1479 = arith.constant 5.65685415 : f32
        %mul3A_1480 = vector.broadcast %mul3A_1479 : f32 to vector<16xf32>
        %mul3A_1481 = arith.mulf %gather3A_1477, %mul3A_1480 : vector<16xf32>
        tpu.vector_store_idx %arg8[%add3A_1478], %mul3A_1481 : memref<16384xf32, #tpu.memory_space<vmem>>[vector<16xi32>], vector<16xf32>,
        %gather3A_1482 = tpu.vector_load_idx %arg6[%add3A_1375, %add3A_160] : memref<512x32xf32, #tpu.memory_space<vmem>>[vector<16xi32>, vector<16xi32>], vector<16xf32>,
        %add3A_1483 = arith.addi %add3A_262, %broadcast_in_dim3A_1461 : vector<16xi32>
        %mul3A_1484 = arith.constant 5.65685415 : f32
        %mul3A_1485 = vector.broadcast %mul3A_1484 : f32 to vector<16xf32>
        %mul3A_1486 = arith.mulf %gather3A_1482, %mul3A_1485 : vector<16xf32>
        tpu.vector_store_idx %arg8[%add3A_1483], %mul3A_1486 : memref<16384xf32, #tpu.memory_space<vmem>>[vector<16xi32>], vector<16xf32>,
        %gather3A_1487 = tpu.vector_load_idx %arg6[%add3A_1375, %add3A_163] : memref<512x32xf32, #tpu.memory_space<vmem>>[vector<16xi32>, vector<16xi32>], vector<16xf32>,
        %add3A_1488 = arith.addi %add3A_276, %broadcast_in_dim3A_1461 : vector<16xi32>
        %mul3A_1489 = arith.constant 5.65685415 : f32
        %mul3A_1490 = vector.broadcast %mul3A_1489 : f32 to vector<16xf32>
        %mul3A_1491 = arith.mulf %gather3A_1487, %mul3A_1490 : vector<16xf32>
        tpu.vector_store_idx %arg8[%add3A_1488], %mul3A_1491 : memref<16384xf32, #tpu.memory_space<vmem>>[vector<16xi32>], vector<16xf32>,
        %gather3A_1492 = tpu.vector_load_idx %arg6[%add3A_1375, %add3A_166] : memref<512x32xf32, #tpu.memory_space<vmem>>[vector<16xi32>, vector<16xi32>], vector<16xf32>,
        %add3A_1493 = arith.addi %add3A_290, %broadcast_in_dim3A_1461 : vector<16xi32>
        %mul3A_1494 = arith.constant 5.65685415 : f32
        %mul3A_1495 = vector.broadcast %mul3A_1494 : f32 to vector<16xf32>
        %mul3A_1496 = arith.mulf %gather3A_1492, %mul3A_1495 : vector<16xf32>
        tpu.vector_store_idx %arg8[%add3A_1493], %mul3A_1496 : memref<16384xf32, #tpu.memory_space<vmem>>[vector<16xi32>], vector<16xf32>,
        %gather3A_1497 = tpu.vector_load_idx %arg6[%add3A_1375, %add3A_169] : memref<512x32xf32, #tpu.memory_space<vmem>>[vector<16xi32>, vector<16xi32>], vector<16xf32>,
        %add3A_1498 = arith.addi %add3A_304, %broadcast_in_dim3A_1461 : vector<16xi32>
        %mul3A_1499 = arith.constant 5.65685415 : f32
        %mul3A_1500 = vector.broadcast %mul3A_1499 : f32 to vector<16xf32>
        %mul3A_1501 = arith.mulf %gather3A_1497, %mul3A_1500 : vector<16xf32>
        tpu.vector_store_idx %arg8[%add3A_1498], %mul3A_1501 : memref<16384xf32, #tpu.memory_space<vmem>>[vector<16xi32>], vector<16xf32>,
        %gather3A_1502 = tpu.vector_load_idx %arg6[%add3A_1375, %add3A_172] : memref<512x32xf32, #tpu.memory_space<vmem>>[vector<16xi32>, vector<16xi32>], vector<16xf32>,
        %add3A_1503 = arith.addi %add3A_318, %broadcast_in_dim3A_1461 : vector<16xi32>
        %mul3A_1504 = arith.constant 5.65685415 : f32
        %mul3A_1505 = vector.broadcast %mul3A_1504 : f32 to vector<16xf32>
        %mul3A_1506 = arith.mulf %gather3A_1502, %mul3A_1505 : vector<16xf32>
        tpu.vector_store_idx %arg8[%add3A_1503], %mul3A_1506 : memref<16384xf32, #tpu.memory_space<vmem>>[vector<16xi32>], vector<16xf32>,
        %gather3A_1507 = tpu.vector_load_idx %arg6[%add3A_1375, %add3A_175] : memref<512x32xf32, #tpu.memory_space<vmem>>[vector<16xi32>, vector<16xi32>], vector<16xf32>,
        %add3A_1508 = arith.addi %add3A_332, %broadcast_in_dim3A_1461 : vector<16xi32>
        %mul3A_1509 = arith.constant 5.65685415 : f32
        %mul3A_1510 = vector.broadcast %mul3A_1509 : f32 to vector<16xf32>
        %mul3A_1511 = arith.mulf %gather3A_1507, %mul3A_1510 : vector<16xf32>
        tpu.vector_store_idx %arg8[%add3A_1508], %mul3A_1511 : memref<16384xf32, #tpu.memory_space<vmem>>[vector<16xi32>], vector<16xf32>,
        %gather3A_1512 = tpu.vector_load_idx %arg6[%add3A_1375, %add3A_178] : memref<512x32xf32, #tpu.memory_space<vmem>>[vector<16xi32>, vector<16xi32>], vector<16xf32>,
        %add3A_1513 = arith.addi %add3A_346, %broadcast_in_dim3A_1461 : vector<16xi32>
        %mul3A_1514 = arith.constant 5.65685415 : f32
        %mul3A_1515 = vector.broadcast %mul3A_1514 : f32 to vector<16xf32>
        %mul3A_1516 = arith.mulf %gather3A_1512, %mul3A_1515 : vector<16xf32>
        tpu.vector_store_idx %arg8[%add3A_1513], %mul3A_1516 : memref<16384xf32, #tpu.memory_space<vmem>>[vector<16xi32>], vector<16xf32>,
        %gather3A_1517 = tpu.vector_load_idx %arg6[%add3A_1375, %add3A_181] : memref<512x32xf32, #tpu.memory_space<vmem>>[vector<16xi32>, vector<16xi32>], vector<16xf32>,
        %add3A_1518 = arith.addi %add3A_360, %broadcast_in_dim3A_1461 : vector<16xi32>
        %mul3A_1519 = arith.constant 5.65685415 : f32
        %mul3A_1520 = vector.broadcast %mul3A_1519 : f32 to vector<16xf32>
        %mul3A_1521 = arith.mulf %gather3A_1517, %mul3A_1520 : vector<16xf32>
        tpu.vector_store_idx %arg8[%add3A_1518], %mul3A_1521 : memref<16384xf32, #tpu.memory_space<vmem>>[vector<16xi32>], vector<16xf32>,
        %gather3A_1522 = tpu.vector_load_idx %arg6[%add3A_1375, %add3A_184] : memref<512x32xf32, #tpu.memory_space<vmem>>[vector<16xi32>, vector<16xi32>], vector<16xf32>,
        %add3A_1523 = arith.addi %add3A_374, %broadcast_in_dim3A_1461 : vector<16xi32>
        %mul3A_1524 = arith.constant 5.65685415 : f32
        %mul3A_1525 = vector.broadcast %mul3A_1524 : f32 to vector<16xf32>
        %mul3A_1526 = arith.mulf %gather3A_1522, %mul3A_1525 : vector<16xf32>
        tpu.vector_store_idx %arg8[%add3A_1523], %mul3A_1526 : memref<16384xf32, #tpu.memory_space<vmem>>[vector<16xi32>], vector<16xf32>,
        %gather3A_1527 = tpu.vector_load_idx %arg6[%add3A_1375, %add3A_187] : memref<512x32xf32, #tpu.memory_space<vmem>>[vector<16xi32>, vector<16xi32>], vector<16xf32>,
        %add3A_1528 = arith.addi %add3A_388, %broadcast_in_dim3A_1461 : vector<16xi32>
        %mul3A_1529 = arith.constant 5.65685415 : f32
        %mul3A_1530 = vector.broadcast %mul3A_1529 : f32 to vector<16xf32>
        %mul3A_1531 = arith.mulf %gather3A_1527, %mul3A_1530 : vector<16xf32>
        tpu.vector_store_idx %arg8[%add3A_1528], %mul3A_1531 : memref<16384xf32, #tpu.memory_space<vmem>>[vector<16xi32>], vector<16xf32>,
        %gather3A_1532 = tpu.vector_load_idx %arg6[%add3A_1375, %add3A_190] : memref<512x32xf32, #tpu.memory_space<vmem>>[vector<16xi32>, vector<16xi32>], vector<16xf32>,
        %add3A_1533 = arith.addi %add3A_402, %broadcast_in_dim3A_1461 : vector<16xi32>
        %mul3A_1534 = arith.constant 5.65685415 : f32
        %mul3A_1535 = vector.broadcast %mul3A_1534 : f32 to vector<16xf32>
        %mul3A_1536 = arith.mulf %gather3A_1532, %mul3A_1535 : vector<16xf32>
        tpu.vector_store_idx %arg8[%add3A_1533], %mul3A_1536 : memref<16384xf32, #tpu.memory_space<vmem>>[vector<16xi32>], vector<16xf32>,
        %gather3A_1537 = tpu.vector_load_idx %arg6[%add3A_1375, %add3A_193] : memref<512x32xf32, #tpu.memory_space<vmem>>[vector<16xi32>, vector<16xi32>], vector<16xf32>,
        %add3A_1538 = arith.addi %add3A_416, %broadcast_in_dim3A_1461 : vector<16xi32>
        %mul3A_1539 = arith.constant 5.65685415 : f32
        %mul3A_1540 = vector.broadcast %mul3A_1539 : f32 to vector<16xf32>
        %mul3A_1541 = arith.mulf %gather3A_1537, %mul3A_1540 : vector<16xf32>
        tpu.vector_store_idx %arg8[%add3A_1538], %mul3A_1541 : memref<16384xf32, #tpu.memory_space<vmem>>[vector<16xi32>], vector<16xf32>,
        %scan3A_1542 = arith.constant 0 : i32
        scf.yield %scan3A_1542 : i32
      }
      %scan3A_680 = arith.constant 8 : i32
      %add3A_681 = arith.constant 2 : i32
      %add3A_682 = arith.addi %add3A_610, %add3A_681 : i32
      %lt3A = arith.constant 50 : i32
      %lt3A_683 = arith.cmpi slt, %add3A_682, %lt3A : i32
      %convert_element_type3A_684 = arith.extui %lt3A_683 : i1 to i32
      %cond3A_685 = arith.constant 0 : i32
      %cond3A_686 = arith.cmpi ne, %convert_element_type3A_684, %cond3A_685 : i32
      scf.if %cond3A_686 {
        %add3A_860 = arith.constant 2 : i32
        %add3A_861 = arith.addi %add3A_610, %add3A_860 : i32
        %mul3A_862 = arith.constant 4 : i32
        %mul3A_863 = arith.muli %add3A_861, %mul3A_862 : i32
        %add3A_864 = arith.constant 0 : i32
        %add3A_865 = arith.addi %mul3A_863, %add3A_864 : i32
        %dma_start3A_866 = arith.constant 0 : i32
        %dma_start3A_867 = arith.constant 0 : i32
        %dma_start3A_868 = tpu.memref_slice %arg6[%dma_start3A_866, %dma_start3A_867] : memref<512x32xf32, #tpu.memory_space<vmem>> -> memref<128x32xf32, #tpu.memory_space<vmem>>
        %dma_start3A_869 = arith.constant 0 : i32
        %dma_start3A_870 = tpu.memref_slice %arg5[%add3A_865, %dma_start3A_869] : memref<200x128xi32, #tpu.memory_space<vmem>> -> memref<1x128xi32, #tpu.memory_space<vmem>>
        %dma_start3A_871 = tpu.memref_squeeze %dma_start3A_870 : memref<1x128xi32, #tpu.memory_space<vmem>> -> memref<128xi32, #tpu.memory_space<vmem>>
        %dma_start3A_872 = arith.constant 0 : i32
        %dma_start3A_873 = arith.constant 0 : i32
        %dma_start3A_874 = tpu.memref_slice %arg3[%dma_start3A_872, %dma_start3A_873] : memref<1000000x32xf32, #tpu.memory_space<hbm>> -> memref<1000000x32xf32, #tpu.memory_space<hbm>>
        tpu.enqueue_indirect_dma source(%dma_start3A_874 : memref<1000000x32xf32, #tpu.memory_space<hbm>>) target(%dma_start3A_868 : memref<128x32xf32, #tpu.memory_space<vmem>>) offsets(%dma_start3A_871 : memref<128xi32, #tpu.memory_space<vmem>>) semaphore(%arg10 : memref<!tpu.dma_semaphore, #tpu.memory_space<semaphore_mem>>)
        %mul3A_875 = arith.constant 4 : i32
        %mul3A_876 = arith.muli %add3A_861, %mul3A_875 : i32
        %add3A_877 = arith.constant 1 : i32
        %add3A_878 = arith.addi %mul3A_876, %add3A_877 : i32
        %dma_start3A_879 = arith.constant 128 : i32
        %dma_start3A_880 = arith.constant 0 : i32
        %dma_start3A_881 = tpu.memref_slice %arg6[%dma_start3A_879, %dma_start3A_880] : memref<512x32xf32, #tpu.memory_space<vmem>> -> memref<128x32xf32, #tpu.memory_space<vmem>>
        %dma_start3A_882 = arith.constant 0 : i32
        %dma_start3A_883 = tpu.memref_slice %arg5[%add3A_878, %dma_start3A_882] : memref<200x128xi32, #tpu.memory_space<vmem>> -> memref<1x128xi32, #tpu.memory_space<vmem>>
        %dma_start3A_884 = tpu.memref_squeeze %dma_start3A_883 : memref<1x128xi32, #tpu.memory_space<vmem>> -> memref<128xi32, #tpu.memory_space<vmem>>
        %dma_start3A_885 = arith.constant 0 : i32
        %dma_start3A_886 = arith.constant 0 : i32
        %dma_start3A_887 = tpu.memref_slice %arg3[%dma_start3A_885, %dma_start3A_886] : memref<1000000x32xf32, #tpu.memory_space<hbm>> -> memref<1000000x32xf32, #tpu.memory_space<hbm>>
        tpu.enqueue_indirect_dma source(%dma_start3A_887 : memref<1000000x32xf32, #tpu.memory_space<hbm>>) target(%dma_start3A_881 : memref<128x32xf32, #tpu.memory_space<vmem>>) offsets(%dma_start3A_884 : memref<128xi32, #tpu.memory_space<vmem>>) semaphore(%arg10 : memref<!tpu.dma_semaphore, #tpu.memory_space<semaphore_mem>>)
        %mul3A_888 = arith.constant 4 : i32
        %mul3A_889 = arith.muli %add3A_861, %mul3A_888 : i32
        %add3A_890 = arith.constant 2 : i32
        %add3A_891 = arith.addi %mul3A_889, %add3A_890 : i32
        %dma_start3A_892 = arith.constant 256 : i32
        %dma_start3A_893 = arith.constant 0 : i32
        %dma_start3A_894 = tpu.memref_slice %arg6[%dma_start3A_892, %dma_start3A_893] : memref<512x32xf32, #tpu.memory_space<vmem>> -> memref<128x32xf32, #tpu.memory_space<vmem>>
        %dma_start3A_895 = arith.constant 0 : i32
        %dma_start3A_896 = tpu.memref_slice %arg5[%add3A_891, %dma_start3A_895] : memref<200x128xi32, #tpu.memory_space<vmem>> -> memref<1x128xi32, #tpu.memory_space<vmem>>
        %dma_start3A_897 = tpu.memref_squeeze %dma_start3A_896 : memref<1x128xi32, #tpu.memory_space<vmem>> -> memref<128xi32, #tpu.memory_space<vmem>>
        %dma_start3A_898 = arith.constant 0 : i32
        %dma_start3A_899 = arith.constant 0 : i32
        %dma_start3A_900 = tpu.memref_slice %arg3[%dma_start3A_898, %dma_start3A_899] : memref<1000000x32xf32, #tpu.memory_space<hbm>> -> memref<1000000x32xf32, #tpu.memory_space<hbm>>
        tpu.enqueue_indirect_dma source(%dma_start3A_900 : memref<1000000x32xf32, #tpu.memory_space<hbm>>) target(%dma_start3A_894 : memref<128x32xf32, #tpu.memory_space<vmem>>) offsets(%dma_start3A_897 : memref<128xi32, #tpu.memory_space<vmem>>) semaphore(%arg10 : memref<!tpu.dma_semaphore, #tpu.memory_space<semaphore_mem>>)
        %mul3A_901 = arith.constant 4 : i32
        %mul3A_902 = arith.muli %add3A_861, %mul3A_901 : i32
        %add3A_903 = arith.constant 3 : i32
        %add3A_904 = arith.addi %mul3A_902, %add3A_903 : i32
        %dma_start3A_905 = arith.constant 384 : i32
        %dma_start3A_906 = arith.constant 0 : i32
        %dma_start3A_907 = tpu.memref_slice %arg6[%dma_start3A_905, %dma_start3A_906] : memref<512x32xf32, #tpu.memory_space<vmem>> -> memref<128x32xf32, #tpu.memory_space<vmem>>
        %dma_start3A_908 = arith.constant 0 : i32
        %dma_start3A_909 = tpu.memref_slice %arg5[%add3A_904, %dma_start3A_908] : memref<200x128xi32, #tpu.memory_space<vmem>> -> memref<1x128xi32, #tpu.memory_space<vmem>>
        %dma_start3A_910 = tpu.memref_squeeze %dma_start3A_909 : memref<1x128xi32, #tpu.memory_space<vmem>> -> memref<128xi32, #tpu.memory_space<vmem>>
        %dma_start3A_911 = arith.constant 0 : i32
        %dma_start3A_912 = arith.constant 0 : i32
        %dma_start3A_913 = tpu.memref_slice %arg3[%dma_start3A_911, %dma_start3A_912] : memref<1000000x32xf32, #tpu.memory_space<hbm>> -> memref<1000000x32xf32, #tpu.memory_space<hbm>>
        tpu.enqueue_indirect_dma source(%dma_start3A_913 : memref<1000000x32xf32, #tpu.memory_space<hbm>>) target(%dma_start3A_907 : memref<128x32xf32, #tpu.memory_space<vmem>>) offsets(%dma_start3A_910 : memref<128xi32, #tpu.memory_space<vmem>>) semaphore(%arg10 : memref<!tpu.dma_semaphore, #tpu.memory_space<semaphore_mem>>)
      } else {
      }
      %dma_start3A_687 = arith.constant 0 : i32
      %dma_start3A_688 = arith.constant 0 : i32
      %dma_start3A_689 = tpu.memref_slice %arg8[%dma_start3A_688] : memref<16384xf32, #tpu.memory_space<vmem>> -> memref<4096xf32, #tpu.memory_space<vmem>>
      %dma_start3A_690 = arith.constant 0 : i32
      %dma_start3A_691 = tpu.memref_slice %arg4[%shift_right_arithmetic3A_615, %dma_start3A_687, %shift_right_arithmetic3A_619, %dma_start3A_690] : memref<50x4x32x4096xf32, #tpu.memory_space<hbm>> -> memref<1x1x1x4096xf32, #tpu.memory_space<hbm>>
      %dma_start3A_692 = tpu.memref_squeeze %dma_start3A_691 : memref<1x1x1x4096xf32, #tpu.memory_space<hbm>> -> memref<4096xf32, #tpu.memory_space<hbm>>
      %dma_start3A_693 = arith.constant 0 : i32
      %dma_start3A_694 = tpu.memref_slice %arg4[%shift_right_arithmetic3A_615, %dma_start3A_687, %shift_right_arithmetic3A_619, %dma_start3A_693] : memref<50x4x32x4096xf32, #tpu.memory_space<hbm>> -> memref<1x1x1x4096xf32, #tpu.memory_space<hbm>>
      %dma_start3A_695 = tpu.memref_squeeze %dma_start3A_694 : memref<1x1x1x4096xf32, #tpu.memory_space<hbm>> -> memref<4096xf32, #tpu.memory_space<hbm>>
      %dma_start3A_696 = arith.constant 0 : i32
      %dma_start3A_697 = tpu.memref_slice %arg8[%dma_start3A_696] : memref<16384xf32, #tpu.memory_space<vmem>> -> memref<4096xf32, #tpu.memory_space<vmem>>
      tpu.enqueue_dma source(%dma_start3A_697 : memref<4096xf32, #tpu.memory_space<vmem>>) target(%dma_start3A_695 : memref<4096xf32, #tpu.memory_space<hbm>>) target_semaphore(%arg12 : memref<!tpu.dma_semaphore, #tpu.memory_space<semaphore_mem>>)
      %dma_start3A_698 = arith.constant 1 : i32
      %dma_start3A_699 = arith.constant 4096 : i32
      %dma_start3A_700 = tpu.memref_slice %arg8[%dma_start3A_699] : memref<16384xf32, #tpu.memory_space<vmem>> -> memref<4096xf32, #tpu.memory_space<vmem>>
      %dma_start3A_701 = arith.constant 0 : i32
      %dma_start3A_702 = tpu.memref_slice %arg4[%shift_right_arithmetic3A_615, %dma_start3A_698, %shift_right_arithmetic3A_619, %dma_start3A_701] : memref<50x4x32x4096xf32, #tpu.memory_space<hbm>> -> memref<1x1x1x4096xf32, #tpu.memory_space<hbm>>
      %dma_start3A_703 = tpu.memref_squeeze %dma_start3A_702 : memref<1x1x1x4096xf32, #tpu.memory_space<hbm>> -> memref<4096xf32, #tpu.memory_space<hbm>>
      %dma_start3A_704 = arith.constant 0 : i32
      %dma_start3A_705 = tpu.memref_slice %arg4[%shift_right_arithmetic3A_615, %dma_start3A_698, %shift_right_arithmetic3A_619, %dma_start3A_704] : memref<50x4x32x4096xf32, #tpu.memory_space<hbm>> -> memref<1x1x1x4096xf32, #tpu.memory_space<hbm>>
      %dma_start3A_706 = tpu.memref_squeeze %dma_start3A_705 : memref<1x1x1x4096xf32, #tpu.memory_space<hbm>> -> memref<4096xf32, #tpu.memory_space<hbm>>
      %dma_start3A_707 = arith.constant 4096 : i32
      %dma_start3A_708 = tpu.memref_slice %arg8[%dma_start3A_707] : memref<16384xf32, #tpu.memory_space<vmem>> -> memref<4096xf32, #tpu.memory_space<vmem>>
      tpu.enqueue_dma source(%dma_start3A_708 : memref<4096xf32, #tpu.memory_space<vmem>>) target(%dma_start3A_706 : memref<4096xf32, #tpu.memory_space<hbm>>) target_semaphore(%arg12 : memref<!tpu.dma_semaphore, #tpu.memory_space<semaphore_mem>>)
      %dma_start3A_709 = arith.constant 2 : i32
      %dma_start3A_710 = arith.constant 8192 : i32
      %dma_start3A_711 = tpu.memref_slice %arg8[%dma_start3A_710] : memref<16384xf32, #tpu.memory_space<vmem>> -> memref<4096xf32, #tpu.memory_space<vmem>>
      %dma_start3A_712 = arith.constant 0 : i32
      %dma_start3A_713 = tpu.memref_slice %arg4[%shift_right_arithmetic3A_615, %dma_start3A_709, %shift_right_arithmetic3A_619, %dma_start3A_712] : memref<50x4x32x4096xf32, #tpu.memory_space<hbm>> -> memref<1x1x1x4096xf32, #tpu.memory_space<hbm>>
      %dma_start3A_714 = tpu.memref_squeeze %dma_start3A_713 : memref<1x1x1x4096xf32, #tpu.memory_space<hbm>> -> memref<4096xf32, #tpu.memory_space<hbm>>
      %dma_start3A_715 = arith.constant 0 : i32
      %dma_start3A_716 = tpu.memref_slice %arg4[%shift_right_arithmetic3A_615, %dma_start3A_709, %shift_right_arithmetic3A_619, %dma_start3A_715] : memref<50x4x32x4096xf32, #tpu.memory_space<hbm>> -> memref<1x1x1x4096xf32, #tpu.memory_space<hbm>>
      %dma_start3A_717 = tpu.memref_squeeze %dma_start3A_716 : memref<1x1x1x4096xf32, #tpu.memory_space<hbm>> -> memref<4096xf32, #tpu.memory_space<hbm>>
      %dma_start3A_718 = arith.constant 8192 : i32
      %dma_start3A_719 = tpu.memref_slice %arg8[%dma_start3A_718] : memref<16384xf32, #tpu.memory_space<vmem>> -> memref<4096xf32, #tpu.memory_space<vmem>>
      tpu.enqueue_dma source(%dma_start3A_719 : memref<4096xf32, #tpu.memory_space<vmem>>) target(%dma_start3A_717 : memref<4096xf32, #tpu.memory_space<hbm>>) target_semaphore(%arg12 : memref<!tpu.dma_semaphore, #tpu.memory_space<semaphore_mem>>)
      %dma_start3A_720 = arith.constant 3 : i32
      %dma_start3A_721 = arith.constant 12288 : i32
      %dma_start3A_722 = tpu.memref_slice %arg8[%dma_start3A_721] : memref<16384xf32, #tpu.memory_space<vmem>> -> memref<4096xf32, #tpu.memory_space<vmem>>
      %dma_start3A_723 = arith.constant 0 : i32
      %dma_start3A_724 = tpu.memref_slice %arg4[%shift_right_arithmetic3A_615, %dma_start3A_720, %shift_right_arithmetic3A_619, %dma_start3A_723] : memref<50x4x32x4096xf32, #tpu.memory_space<hbm>> -> memref<1x1x1x4096xf32, #tpu.memory_space<hbm>>
      %dma_start3A_725 = tpu.memref_squeeze %dma_start3A_724 : memref<1x1x1x4096xf32, #tpu.memory_space<hbm>> -> memref<4096xf32, #tpu.memory_space<hbm>>
      %dma_start3A_726 = arith.constant 0 : i32
      %dma_start3A_727 = tpu.memref_slice %arg4[%shift_right_arithmetic3A_615, %dma_start3A_720, %shift_right_arithmetic3A_619, %dma_start3A_726] : memref<50x4x32x4096xf32, #tpu.memory_space<hbm>> -> memref<1x1x1x4096xf32, #tpu.memory_space<hbm>>
      %dma_start3A_728 = tpu.memref_squeeze %dma_start3A_727 : memref<1x1x1x4096xf32, #tpu.memory_space<hbm>> -> memref<4096xf32, #tpu.memory_space<hbm>>
      %dma_start3A_729 = arith.constant 12288 : i32
      %dma_start3A_730 = tpu.memref_slice %arg8[%dma_start3A_729] : memref<16384xf32, #tpu.memory_space<vmem>> -> memref<4096xf32, #tpu.memory_space<vmem>>
      tpu.enqueue_dma source(%dma_start3A_730 : memref<4096xf32, #tpu.memory_space<vmem>>) target(%dma_start3A_728 : memref<4096xf32, #tpu.memory_space<hbm>>) target_semaphore(%arg12 : memref<!tpu.dma_semaphore, #tpu.memory_space<semaphore_mem>>)
      %mul3A_731 = arith.constant 2 : i32
      %mul3A_732 = arith.muli %mul3A_731, %scan3A_605 : i32
      %add3A_733 = arith.constant 1 : i32
      %add3A_734 = arith.addi %mul3A_732, %add3A_733 : i32
      %mul3A_735 = arith.constant 4 : i32
      %mul3A_736 = arith.muli %add3A_734, %mul3A_735 : i32
      %add3A_737 = arith.addi %mul3A_2, %mul3A_736 : i32
      %shift_right_arithmetic3A_738 = arith.constant 7 : i32
      %shift_right_arithmetic3A_739 = arith.shrsi %add3A_737, %shift_right_arithmetic3A_738 : i32
      %and3A_740 = arith.constant 127 : i32
      %and3A_741 = arith.andi %add3A_737, %and3A_740 : i32
      %shift_right_arithmetic3A_742 = arith.constant 2 : i32
      %shift_right_arithmetic3A_743 = arith.shrsi %and3A_741, %shift_right_arithmetic3A_742 : i32
      %mul3A_744 = arith.constant 4 : i32
      %mul3A_745 = arith.muli %add3A_734, %mul3A_744 : i32
      %add3A_746 = arith.constant 0 : i32
      %add3A_747 = arith.addi %mul3A_745, %add3A_746 : i32
      %dma_wait3A_748 = arith.constant 0 : i32
      %dma_wait3A_749 = arith.constant 0 : i32
      %dma_wait3A_750 = tpu.memref_slice %arg7[%dma_wait3A_748, %dma_wait3A_749] : memref<512x32xf32, #tpu.memory_space<vmem>> -> memref<128x32xf32, #tpu.memory_space<vmem>>
      %dma_wait3A_751 = arith.constant 0 : i32
      %dma_wait3A_752 = tpu.memref_slice %arg5[%add3A_747, %dma_wait3A_751] : memref<200x128xi32, #tpu.memory_space<vmem>> -> memref<1x128xi32, #tpu.memory_space<vmem>>
      %dma_wait3A_753 = tpu.memref_squeeze %dma_wait3A_752 : memref<1x128xi32, #tpu.memory_space<vmem>> -> memref<128xi32, #tpu.memory_space<vmem>>
      %dma_wait3A_754 = arith.constant 0 : i32
      %dma_wait3A_755 = arith.constant 0 : i32
      %dma_wait3A_756 = tpu.memref_slice %arg3[%dma_wait3A_754, %dma_wait3A_755] : memref<1000000x32xf32, #tpu.memory_space<hbm>> -> memref<1000000x32xf32, #tpu.memory_space<hbm>>
      tpu.wait_indirect_dma semaphore(%arg11 : memref<!tpu.dma_semaphore, #tpu.memory_space<semaphore_mem>>) src(%dma_wait3A_756 : memref<1000000x32xf32, #tpu.memory_space<hbm>>) dst(%dma_wait3A_750 : memref<128x32xf32, #tpu.memory_space<vmem>>)
      %mul3A_757 = arith.constant 4 : i32
      %mul3A_758 = arith.muli %add3A_734, %mul3A_757 : i32
      %add3A_759 = arith.constant 1 : i32
      %add3A_760 = arith.addi %mul3A_758, %add3A_759 : i32
      %dma_wait3A_761 = arith.constant 128 : i32
      %dma_wait3A_762 = arith.constant 0 : i32
      %dma_wait3A_763 = tpu.memref_slice %arg7[%dma_wait3A_761, %dma_wait3A_762] : memref<512x32xf32, #tpu.memory_space<vmem>> -> memref<128x32xf32, #tpu.memory_space<vmem>>
      %dma_wait3A_764 = arith.constant 0 : i32
      %dma_wait3A_765 = tpu.memref_slice %arg5[%add3A_760, %dma_wait3A_764] : memref<200x128xi32, #tpu.memory_space<vmem>> -> memref<1x128xi32, #tpu.memory_space<vmem>>
      %dma_wait3A_766 = tpu.memref_squeeze %dma_wait3A_765 : memref<1x128xi32, #tpu.memory_space<vmem>> -> memref<128xi32, #tpu.memory_space<vmem>>
      %dma_wait3A_767 = arith.constant 0 : i32
      %dma_wait3A_768 = arith.constant 0 : i32
      %dma_wait3A_769 = tpu.memref_slice %arg3[%dma_wait3A_767, %dma_wait3A_768] : memref<1000000x32xf32, #tpu.memory_space<hbm>> -> memref<1000000x32xf32, #tpu.memory_space<hbm>>
      tpu.wait_indirect_dma semaphore(%arg11 : memref<!tpu.dma_semaphore, #tpu.memory_space<semaphore_mem>>) src(%dma_wait3A_769 : memref<1000000x32xf32, #tpu.memory_space<hbm>>) dst(%dma_wait3A_763 : memref<128x32xf32, #tpu.memory_space<vmem>>)
      %mul3A_770 = arith.constant 4 : i32
      %mul3A_771 = arith.muli %add3A_734, %mul3A_770 : i32
      %add3A_772 = arith.constant 2 : i32
      %add3A_773 = arith.addi %mul3A_771, %add3A_772 : i32
      %dma_wait3A_774 = arith.constant 256 : i32
      %dma_wait3A_775 = arith.constant 0 : i32
      %dma_wait3A_776 = tpu.memref_slice %arg7[%dma_wait3A_774, %dma_wait3A_775] : memref<512x32xf32, #tpu.memory_space<vmem>> -> memref<128x32xf32, #tpu.memory_space<vmem>>
      %dma_wait3A_777 = arith.constant 0 : i32
      %dma_wait3A_778 = tpu.memref_slice %arg5[%add3A_773, %dma_wait3A_777] : memref<200x128xi32, #tpu.memory_space<vmem>> -> memref<1x128xi32, #tpu.memory_space<vmem>>
      %dma_wait3A_779 = tpu.memref_squeeze %dma_wait3A_778 : memref<1x128xi32, #tpu.memory_space<vmem>> -> memref<128xi32, #tpu.memory_space<vmem>>
      %dma_wait3A_780 = arith.constant 0 : i32
      %dma_wait3A_781 = arith.constant 0 : i32
      %dma_wait3A_782 = tpu.memref_slice %arg3[%dma_wait3A_780, %dma_wait3A_781] : memref<1000000x32xf32, #tpu.memory_space<hbm>> -> memref<1000000x32xf32, #tpu.memory_space<hbm>>
      tpu.wait_indirect_dma semaphore(%arg11 : memref<!tpu.dma_semaphore, #tpu.memory_space<semaphore_mem>>) src(%dma_wait3A_782 : memref<1000000x32xf32, #tpu.memory_space<hbm>>) dst(%dma_wait3A_776 : memref<128x32xf32, #tpu.memory_space<vmem>>)
      %mul3A_783 = arith.constant 4 : i32
      %mul3A_784 = arith.muli %add3A_734, %mul3A_783 : i32
      %add3A_785 = arith.constant 3 : i32
      %add3A_786 = arith.addi %mul3A_784, %add3A_785 : i32
      %dma_wait3A_787 = arith.constant 384 : i32
      %dma_wait3A_788 = arith.constant 0 : i32
      %dma_wait3A_789 = tpu.memref_slice %arg7[%dma_wait3A_787, %dma_wait3A_788] : memref<512x32xf32, #tpu.memory_space<vmem>> -> memref<128x32xf32, #tpu.memory_space<vmem>>
      %dma_wait3A_790 = arith.constant 0 : i32
      %dma_wait3A_791 = tpu.memref_slice %arg5[%add3A_786, %dma_wait3A_790] : memref<200x128xi32, #tpu.memory_space<vmem>> -> memref<1x128xi32, #tpu.memory_space<vmem>>
      %dma_wait3A_792 = tpu.memref_squeeze %dma_wait3A_791 : memref<1x128xi32, #tpu.memory_space<vmem>> -> memref<128xi32, #tpu.memory_space<vmem>>
      %dma_wait3A_793 = arith.constant 0 : i32
      %dma_wait3A_794 = arith.constant 0 : i32
      %dma_wait3A_795 = tpu.memref_slice %arg3[%dma_wait3A_793, %dma_wait3A_794] : memref<1000000x32xf32, #tpu.memory_space<hbm>> -> memref<1000000x32xf32, #tpu.memory_space<hbm>>
      tpu.wait_indirect_dma semaphore(%arg11 : memref<!tpu.dma_semaphore, #tpu.memory_space<semaphore_mem>>) src(%dma_wait3A_795 : memref<1000000x32xf32, #tpu.memory_space<hbm>>) dst(%dma_wait3A_789 : memref<128x32xf32, #tpu.memory_space<vmem>>)
      %gt3A_796 = arith.constant 0 : i32
      %gt3A_797 = arith.cmpi sgt, %scan3A_605, %gt3A_796 : i32
      %convert_element_type3A_798 = arith.extui %gt3A_797 : i1 to i32
      %cond3A_799 = arith.constant 0 : i32
      %cond3A_800 = arith.cmpi ne, %convert_element_type3A_798, %cond3A_799 : i32
      scf.if %cond3A_800 {
        %sub3A = arith.constant 2 : i32
        %sub3A_860 = arith.subi %add3A_734, %sub3A : i32
        %mul3A_861 = arith.constant 4 : i32
        %mul3A_862 = arith.muli %sub3A_860, %mul3A_861 : i32
        %add3A_863 = arith.addi %mul3A_2, %mul3A_862 : i32
        %shift_right_arithmetic3A_864 = arith.constant 7 : i32
        %shift_right_arithmetic3A_865 = arith.shrsi %add3A_863, %shift_right_arithmetic3A_864 : i32
        %and3A_866 = arith.constant 127 : i32
        %and3A_867 = arith.andi %add3A_863, %and3A_866 : i32
        %shift_right_arithmetic3A_868 = arith.constant 2 : i32
        %shift_right_arithmetic3A_869 = arith.shrsi %and3A_867, %shift_right_arithmetic3A_868 : i32
        %dma_wait3A_870 = arith.constant 0 : i32
        %dma_wait3A_871 = arith.constant 0 : i32
        %dma_wait3A_872 = tpu.memref_slice %arg9[%dma_wait3A_871] : memref<16384xf32, #tpu.memory_space<vmem>> -> memref<4096xf32, #tpu.memory_space<vmem>>
        %dma_wait3A_873 = arith.constant 0 : i32
        %dma_wait3A_874 = tpu.memref_slice %arg4[%shift_right_arithmetic3A_865, %dma_wait3A_870, %shift_right_arithmetic3A_869, %dma_wait3A_873] : memref<50x4x32x4096xf32, #tpu.memory_space<hbm>> -> memref<1x1x1x4096xf32, #tpu.memory_space<hbm>>
        %dma_wait3A_875 = tpu.memref_squeeze %dma_wait3A_874 : memref<1x1x1x4096xf32, #tpu.memory_space<hbm>> -> memref<4096xf32, #tpu.memory_space<hbm>>
        %dma_wait3A_876 = arith.constant 0 : i32
        %dma_wait3A_877 = tpu.memref_slice %arg4[%shift_right_arithmetic3A_865, %dma_wait3A_870, %shift_right_arithmetic3A_869, %dma_wait3A_876] : memref<50x4x32x4096xf32, #tpu.memory_space<hbm>> -> memref<1x1x1x4096xf32, #tpu.memory_space<hbm>>
        %dma_wait3A_878 = tpu.memref_squeeze %dma_wait3A_877 : memref<1x1x1x4096xf32, #tpu.memory_space<hbm>> -> memref<4096xf32, #tpu.memory_space<hbm>>
        %dma_wait3A_879 = arith.constant 0 : i32
        %dma_wait3A_880 = tpu.memref_slice %arg9[%dma_wait3A_879] : memref<16384xf32, #tpu.memory_space<vmem>> -> memref<4096xf32, #tpu.memory_space<vmem>>
        tpu.wait_dma2 semaphore(%arg13 : memref<!tpu.dma_semaphore, #tpu.memory_space<semaphore_mem>>) src(%dma_wait3A_880 : memref<4096xf32, #tpu.memory_space<vmem>>) dst(%dma_wait3A_878 : memref<4096xf32, #tpu.memory_space<hbm>>)
        %dma_wait3A_881 = arith.constant 1 : i32
        %dma_wait3A_882 = arith.constant 4096 : i32
        %dma_wait3A_883 = tpu.memref_slice %arg9[%dma_wait3A_882] : memref<16384xf32, #tpu.memory_space<vmem>> -> memref<4096xf32, #tpu.memory_space<vmem>>
        %dma_wait3A_884 = arith.constant 0 : i32
        %dma_wait3A_885 = tpu.memref_slice %arg4[%shift_right_arithmetic3A_865, %dma_wait3A_881, %shift_right_arithmetic3A_869, %dma_wait3A_884] : memref<50x4x32x4096xf32, #tpu.memory_space<hbm>> -> memref<1x1x1x4096xf32, #tpu.memory_space<hbm>>
        %dma_wait3A_886 = tpu.memref_squeeze %dma_wait3A_885 : memref<1x1x1x4096xf32, #tpu.memory_space<hbm>> -> memref<4096xf32, #tpu.memory_space<hbm>>
        %dma_wait3A_887 = arith.constant 0 : i32
        %dma_wait3A_888 = tpu.memref_slice %arg4[%shift_right_arithmetic3A_865, %dma_wait3A_881, %shift_right_arithmetic3A_869, %dma_wait3A_887] : memref<50x4x32x4096xf32, #tpu.memory_space<hbm>> -> memref<1x1x1x4096xf32, #tpu.memory_space<hbm>>
        %dma_wait3A_889 = tpu.memref_squeeze %dma_wait3A_888 : memref<1x1x1x4096xf32, #tpu.memory_space<hbm>> -> memref<4096xf32, #tpu.memory_space<hbm>>
        %dma_wait3A_890 = arith.constant 4096 : i32
        %dma_wait3A_891 = tpu.memref_slice %arg9[%dma_wait3A_890] : memref<16384xf32, #tpu.memory_space<vmem>> -> memref<4096xf32, #tpu.memory_space<vmem>>
        tpu.wait_dma2 semaphore(%arg13 : memref<!tpu.dma_semaphore, #tpu.memory_space<semaphore_mem>>) src(%dma_wait3A_891 : memref<4096xf32, #tpu.memory_space<vmem>>) dst(%dma_wait3A_889 : memref<4096xf32, #tpu.memory_space<hbm>>)
        %dma_wait3A_892 = arith.constant 2 : i32
        %dma_wait3A_893 = arith.constant 8192 : i32
        %dma_wait3A_894 = tpu.memref_slice %arg9[%dma_wait3A_893] : memref<16384xf32, #tpu.memory_space<vmem>> -> memref<4096xf32, #tpu.memory_space<vmem>>
        %dma_wait3A_895 = arith.constant 0 : i32
        %dma_wait3A_896 = tpu.memref_slice %arg4[%shift_right_arithmetic3A_865, %dma_wait3A_892, %shift_right_arithmetic3A_869, %dma_wait3A_895] : memref<50x4x32x4096xf32, #tpu.memory_space<hbm>> -> memref<1x1x1x4096xf32, #tpu.memory_space<hbm>>
        %dma_wait3A_897 = tpu.memref_squeeze %dma_wait3A_896 : memref<1x1x1x4096xf32, #tpu.memory_space<hbm>> -> memref<4096xf32, #tpu.memory_space<hbm>>
        %dma_wait3A_898 = arith.constant 0 : i32
        %dma_wait3A_899 = tpu.memref_slice %arg4[%shift_right_arithmetic3A_865, %dma_wait3A_892, %shift_right_arithmetic3A_869, %dma_wait3A_898] : memref<50x4x32x4096xf32, #tpu.memory_space<hbm>> -> memref<1x1x1x4096xf32, #tpu.memory_space<hbm>>
        %dma_wait3A_900 = tpu.memref_squeeze %dma_wait3A_899 : memref<1x1x1x4096xf32, #tpu.memory_space<hbm>> -> memref<4096xf32, #tpu.memory_space<hbm>>
        %dma_wait3A_901 = arith.constant 8192 : i32
        %dma_wait3A_902 = tpu.memref_slice %arg9[%dma_wait3A_901] : memref<16384xf32, #tpu.memory_space<vmem>> -> memref<4096xf32, #tpu.memory_space<vmem>>
        tpu.wait_dma2 semaphore(%arg13 : memref<!tpu.dma_semaphore, #tpu.memory_space<semaphore_mem>>) src(%dma_wait3A_902 : memref<4096xf32, #tpu.memory_space<vmem>>) dst(%dma_wait3A_900 : memref<4096xf32, #tpu.memory_space<hbm>>)
        %dma_wait3A_903 = arith.constant 3 : i32
        %dma_wait3A_904 = arith.constant 12288 : i32
        %dma_wait3A_905 = tpu.memref_slice %arg9[%dma_wait3A_904] : memref<16384xf32, #tpu.memory_space<vmem>> -> memref<4096xf32, #tpu.memory_space<vmem>>
        %dma_wait3A_906 = arith.constant 0 : i32
        %dma_wait3A_907 = tpu.memref_slice %arg4[%shift_right_arithmetic3A_865, %dma_wait3A_903, %shift_right_arithmetic3A_869, %dma_wait3A_906] : memref<50x4x32x4096xf32, #tpu.memory_space<hbm>> -> memref<1x1x1x4096xf32, #tpu.memory_space<hbm>>
        %dma_wait3A_908 = tpu.memref_squeeze %dma_wait3A_907 : memref<1x1x1x4096xf32, #tpu.memory_space<hbm>> -> memref<4096xf32, #tpu.memory_space<hbm>>
        %dma_wait3A_909 = arith.constant 0 : i32
        %dma_wait3A_910 = tpu.memref_slice %arg4[%shift_right_arithmetic3A_865, %dma_wait3A_903, %shift_right_arithmetic3A_869, %dma_wait3A_909] : memref<50x4x32x4096xf32, #tpu.memory_space<hbm>> -> memref<1x1x1x4096xf32, #tpu.memory_space<hbm>>
        %dma_wait3A_911 = tpu.memref_squeeze %dma_wait3A_910 : memref<1x1x1x4096xf32, #tpu.memory_space<hbm>> -> memref<4096xf32, #tpu.memory_space<hbm>>
        %dma_wait3A_912 = arith.constant 12288 : i32
        %dma_wait3A_913 = tpu.memref_slice %arg9[%dma_wait3A_912] : memref<16384xf32, #tpu.memory_space<vmem>> -> memref<4096xf32, #tpu.memory_space<vmem>>
        tpu.wait_dma2 semaphore(%arg13 : memref<!tpu.dma_semaphore, #tpu.memory_space<semaphore_mem>>) src(%dma_wait3A_913 : memref<4096xf32, #tpu.memory_space<vmem>>) dst(%dma_wait3A_911 : memref<4096xf32, #tpu.memory_space<hbm>>)
      } else {
      }
      %scan3A_801 = arith.constant 0 : i32
      %scan3A_802 = arith.constant 0 : i32
      %scan3A_803 = arith.constant 8 : i32
      %scan3A_804 = arith.addi %scan3A_802, %scan3A_803 : i32
      %scan3A_805 = arith.constant 1 : i32
      %scan3A_806 = scf.for %scan3A_860 = %scan3A_802 to %scan3A_804 step %scan3A_805 iter_args(%scan3A_861 = %scan3A_801) -> (i32)  : i32 {
        %mul3A_862 = arith.constant 16 : i32
        %mul3A_863 = arith.muli %scan3A_860, %mul3A_862 : i32
        %add3A_864 = arith.constant 0 : i32
        %add3A_865 = arith.addi %add3A_864, %mul3A_863 : i32
        %add3A_866 = vector.broadcast %add3A_865 : i32 to vector<16xi32>
        %add3A_867 = arith.addi %iota3A, %add3A_866 : vector<16xi32>
        %add3A_868 = arith.constant 0 : i32
        %add3A_869 = arith.addi %add3A_868, %mul3A_863 : i32
        %broadcast_in_dim3A = vector.broadcast %add3A_869 : i32 to vector<16xi32>
        %gather3A = tpu.vector_load_idx %arg7[%add3A_867, %add3A_100] : memref<512x32xf32, #tpu.memory_space<vmem>>[vector<16xi32>, vector<16xi32>], vector<16xf32>,
        %add3A_870 = arith.addi %add3A_206, %broadcast_in_dim3A : vector<16xi32>
        %mul3A_871 = arith.constant 5.65685415 : f32
        %mul3A_872 = vector.broadcast %mul3A_871 : f32 to vector<16xf32>
        %mul3A_873 = arith.mulf %gather3A, %mul3A_872 : vector<16xf32>
        tpu.vector_store_idx %arg9[%add3A_870], %mul3A_873 : memref<16384xf32, #tpu.memory_space<vmem>>[vector<16xi32>], vector<16xf32>,
        %gather3A_874 = tpu.vector_load_idx %arg7[%add3A_867, %add3A_103] : memref<512x32xf32, #tpu.memory_space<vmem>>[vector<16xi32>, vector<16xi32>], vector<16xf32>,
        %add3A_875 = arith.addi %add3A_220, %broadcast_in_dim3A : vector<16xi32>
        %mul3A_876 = arith.constant 5.65685415 : f32
        %mul3A_877 = vector.broadcast %mul3A_876 : f32 to vector<16xf32>
        %mul3A_878 = arith.mulf %gather3A_874, %mul3A_877 : vector<16xf32>
        tpu.vector_store_idx %arg9[%add3A_875], %mul3A_878 : memref<16384xf32, #tpu.memory_space<vmem>>[vector<16xi32>], vector<16xf32>,
        %gather3A_879 = tpu.vector_load_idx %arg7[%add3A_867, %add3A_106] : memref<512x32xf32, #tpu.memory_space<vmem>>[vector<16xi32>, vector<16xi32>], vector<16xf32>,
        %add3A_880 = arith.addi %add3A_234, %broadcast_in_dim3A : vector<16xi32>
        %mul3A_881 = arith.constant 5.65685415 : f32
        %mul3A_882 = vector.broadcast %mul3A_881 : f32 to vector<16xf32>
        %mul3A_883 = arith.mulf %gather3A_879, %mul3A_882 : vector<16xf32>
        tpu.vector_store_idx %arg9[%add3A_880], %mul3A_883 : memref<16384xf32, #tpu.memory_space<vmem>>[vector<16xi32>], vector<16xf32>,
        %gather3A_884 = tpu.vector_load_idx %arg7[%add3A_867, %add3A_109] : memref<512x32xf32, #tpu.memory_space<vmem>>[vector<16xi32>, vector<16xi32>], vector<16xf32>,
        %add3A_885 = arith.addi %add3A_248, %broadcast_in_dim3A : vector<16xi32>
        %mul3A_886 = arith.constant 5.65685415 : f32
        %mul3A_887 = vector.broadcast %mul3A_886 : f32 to vector<16xf32>
        %mul3A_888 = arith.mulf %gather3A_884, %mul3A_887 : vector<16xf32>
        tpu.vector_store_idx %arg9[%add3A_885], %mul3A_888 : memref<16384xf32, #tpu.memory_space<vmem>>[vector<16xi32>], vector<16xf32>,
        %gather3A_889 = tpu.vector_load_idx %arg7[%add3A_867, %add3A_112] : memref<512x32xf32, #tpu.memory_space<vmem>>[vector<16xi32>, vector<16xi32>], vector<16xf32>,
        %add3A_890 = arith.addi %add3A_262, %broadcast_in_dim3A : vector<16xi32>
        %mul3A_891 = arith.constant 5.65685415 : f32
        %mul3A_892 = vector.broadcast %mul3A_891 : f32 to vector<16xf32>
        %mul3A_893 = arith.mulf %gather3A_889, %mul3A_892 : vector<16xf32>
        tpu.vector_store_idx %arg9[%add3A_890], %mul3A_893 : memref<16384xf32, #tpu.memory_space<vmem>>[vector<16xi32>], vector<16xf32>,
        %gather3A_894 = tpu.vector_load_idx %arg7[%add3A_867, %add3A_115] : memref<512x32xf32, #tpu.memory_space<vmem>>[vector<16xi32>, vector<16xi32>], vector<16xf32>,
        %add3A_895 = arith.addi %add3A_276, %broadcast_in_dim3A : vector<16xi32>
        %mul3A_896 = arith.constant 5.65685415 : f32
        %mul3A_897 = vector.broadcast %mul3A_896 : f32 to vector<16xf32>
        %mul3A_898 = arith.mulf %gather3A_894, %mul3A_897 : vector<16xf32>
        tpu.vector_store_idx %arg9[%add3A_895], %mul3A_898 : memref<16384xf32, #tpu.memory_space<vmem>>[vector<16xi32>], vector<16xf32>,
        %gather3A_899 = tpu.vector_load_idx %arg7[%add3A_867, %add3A_118] : memref<512x32xf32, #tpu.memory_space<vmem>>[vector<16xi32>, vector<16xi32>], vector<16xf32>,
        %add3A_900 = arith.addi %add3A_290, %broadcast_in_dim3A : vector<16xi32>
        %mul3A_901 = arith.constant 5.65685415 : f32
        %mul3A_902 = vector.broadcast %mul3A_901 : f32 to vector<16xf32>
        %mul3A_903 = arith.mulf %gather3A_899, %mul3A_902 : vector<16xf32>
        tpu.vector_store_idx %arg9[%add3A_900], %mul3A_903 : memref<16384xf32, #tpu.memory_space<vmem>>[vector<16xi32>], vector<16xf32>,
        %gather3A_904 = tpu.vector_load_idx %arg7[%add3A_867, %add3A_121] : memref<512x32xf32, #tpu.memory_space<vmem>>[vector<16xi32>, vector<16xi32>], vector<16xf32>,
        %add3A_905 = arith.addi %add3A_304, %broadcast_in_dim3A : vector<16xi32>
        %mul3A_906 = arith.constant 5.65685415 : f32
        %mul3A_907 = vector.broadcast %mul3A_906 : f32 to vector<16xf32>
        %mul3A_908 = arith.mulf %gather3A_904, %mul3A_907 : vector<16xf32>
        tpu.vector_store_idx %arg9[%add3A_905], %mul3A_908 : memref<16384xf32, #tpu.memory_space<vmem>>[vector<16xi32>], vector<16xf32>,
        %gather3A_909 = tpu.vector_load_idx %arg7[%add3A_867, %add3A_124] : memref<512x32xf32, #tpu.memory_space<vmem>>[vector<16xi32>, vector<16xi32>], vector<16xf32>,
        %add3A_910 = arith.addi %add3A_318, %broadcast_in_dim3A : vector<16xi32>
        %mul3A_911 = arith.constant 5.65685415 : f32
        %mul3A_912 = vector.broadcast %mul3A_911 : f32 to vector<16xf32>
        %mul3A_913 = arith.mulf %gather3A_909, %mul3A_912 : vector<16xf32>
        tpu.vector_store_idx %arg9[%add3A_910], %mul3A_913 : memref<16384xf32, #tpu.memory_space<vmem>>[vector<16xi32>], vector<16xf32>,
        %gather3A_914 = tpu.vector_load_idx %arg7[%add3A_867, %add3A_127] : memref<512x32xf32, #tpu.memory_space<vmem>>[vector<16xi32>, vector<16xi32>], vector<16xf32>,
        %add3A_915 = arith.addi %add3A_332, %broadcast_in_dim3A : vector<16xi32>
        %mul3A_916 = arith.constant 5.65685415 : f32
        %mul3A_917 = vector.broadcast %mul3A_916 : f32 to vector<16xf32>
        %mul3A_918 = arith.mulf %gather3A_914, %mul3A_917 : vector<16xf32>
        tpu.vector_store_idx %arg9[%add3A_915], %mul3A_918 : memref<16384xf32, #tpu.memory_space<vmem>>[vector<16xi32>], vector<16xf32>,
        %gather3A_919 = tpu.vector_load_idx %arg7[%add3A_867, %add3A_130] : memref<512x32xf32, #tpu.memory_space<vmem>>[vector<16xi32>, vector<16xi32>], vector<16xf32>,
        %add3A_920 = arith.addi %add3A_346, %broadcast_in_dim3A : vector<16xi32>
        %mul3A_921 = arith.constant 5.65685415 : f32
        %mul3A_922 = vector.broadcast %mul3A_921 : f32 to vector<16xf32>
        %mul3A_923 = arith.mulf %gather3A_919, %mul3A_922 : vector<16xf32>
        tpu.vector_store_idx %arg9[%add3A_920], %mul3A_923 : memref<16384xf32, #tpu.memory_space<vmem>>[vector<16xi32>], vector<16xf32>,
        %gather3A_924 = tpu.vector_load_idx %arg7[%add3A_867, %add3A_133] : memref<512x32xf32, #tpu.memory_space<vmem>>[vector<16xi32>, vector<16xi32>], vector<16xf32>,
        %add3A_925 = arith.addi %add3A_360, %broadcast_in_dim3A : vector<16xi32>
        %mul3A_926 = arith.constant 5.65685415 : f32
        %mul3A_927 = vector.broadcast %mul3A_926 : f32 to vector<16xf32>
        %mul3A_928 = arith.mulf %gather3A_924, %mul3A_927 : vector<16xf32>
        tpu.vector_store_idx %arg9[%add3A_925], %mul3A_928 : memref<16384xf32, #tpu.memory_space<vmem>>[vector<16xi32>], vector<16xf32>,
        %gather3A_929 = tpu.vector_load_idx %arg7[%add3A_867, %add3A_136] : memref<512x32xf32, #tpu.memory_space<vmem>>[vector<16xi32>, vector<16xi32>], vector<16xf32>,
        %add3A_930 = arith.addi %add3A_374, %broadcast_in_dim3A : vector<16xi32>
        %mul3A_931 = arith.constant 5.65685415 : f32
        %mul3A_932 = vector.broadcast %mul3A_931 : f32 to vector<16xf32>
        %mul3A_933 = arith.mulf %gather3A_929, %mul3A_932 : vector<16xf32>
        tpu.vector_store_idx %arg9[%add3A_930], %mul3A_933 : memref<16384xf32, #tpu.memory_space<vmem>>[vector<16xi32>], vector<16xf32>,
        %gather3A_934 = tpu.vector_load_idx %arg7[%add3A_867, %add3A_139] : memref<512x32xf32, #tpu.memory_space<vmem>>[vector<16xi32>, vector<16xi32>], vector<16xf32>,
        %add3A_935 = arith.addi %add3A_388, %broadcast_in_dim3A : vector<16xi32>
        %mul3A_936 = arith.constant 5.65685415 : f32
        %mul3A_937 = vector.broadcast %mul3A_936 : f32 to vector<16xf32>
        %mul3A_938 = arith.mulf %gather3A_934, %mul3A_937 : vector<16xf32>
        tpu.vector_store_idx %arg9[%add3A_935], %mul3A_938 : memref<16384xf32, #tpu.memory_space<vmem>>[vector<16xi32>], vector<16xf32>,
        %gather3A_939 = tpu.vector_load_idx %arg7[%add3A_867, %add3A_142] : memref<512x32xf32, #tpu.memory_space<vmem>>[vector<16xi32>, vector<16xi32>], vector<16xf32>,
        %add3A_940 = arith.addi %add3A_402, %broadcast_in_dim3A : vector<16xi32>
        %mul3A_941 = arith.constant 5.65685415 : f32
        %mul3A_942 = vector.broadcast %mul3A_941 : f32 to vector<16xf32>
        %mul3A_943 = arith.mulf %gather3A_939, %mul3A_942 : vector<16xf32>
        tpu.vector_store_idx %arg9[%add3A_940], %mul3A_943 : memref<16384xf32, #tpu.memory_space<vmem>>[vector<16xi32>], vector<16xf32>,
        %gather3A_944 = tpu.vector_load_idx %arg7[%add3A_867, %add3A_145] : memref<512x32xf32, #tpu.memory_space<vmem>>[vector<16xi32>, vector<16xi32>], vector<16xf32>,
        %add3A_945 = arith.addi %add3A_416, %broadcast_in_dim3A : vector<16xi32>
        %mul3A_946 = arith.constant 5.65685415 : f32
        %mul3A_947 = vector.broadcast %mul3A_946 : f32 to vector<16xf32>
        %mul3A_948 = arith.mulf %gather3A_944, %mul3A_947 : vector<16xf32>
        tpu.vector_store_idx %arg9[%add3A_945], %mul3A_948 : memref<16384xf32, #tpu.memory_space<vmem>>[vector<16xi32>], vector<16xf32>,
        %add3A_949 = arith.constant 8192 : i32
        %add3A_950 = arith.addi %add3A_949, %mul3A_863 : i32
        %broadcast_in_dim3A_951 = vector.broadcast %add3A_950 : i32 to vector<16xi32>
        %gather3A_952 = tpu.vector_load_idx %arg7[%add3A_867, %add3A_148] : memref<512x32xf32, #tpu.memory_space<vmem>>[vector<16xi32>, vector<16xi32>], vector<16xf32>,
        %add3A_953 = arith.addi %add3A_206, %broadcast_in_dim3A_951 : vector<16xi32>
        %mul3A_954 = arith.constant 5.65685415 : f32
        %mul3A_955 = vector.broadcast %mul3A_954 : f32 to vector<16xf32>
        %mul3A_956 = arith.mulf %gather3A_952, %mul3A_955 : vector<16xf32>
        tpu.vector_store_idx %arg9[%add3A_953], %mul3A_956 : memref<16384xf32, #tpu.memory_space<vmem>>[vector<16xi32>], vector<16xf32>,
        %gather3A_957 = tpu.vector_load_idx %arg7[%add3A_867, %add3A_151] : memref<512x32xf32, #tpu.memory_space<vmem>>[vector<16xi32>, vector<16xi32>], vector<16xf32>,
        %add3A_958 = arith.addi %add3A_220, %broadcast_in_dim3A_951 : vector<16xi32>
        %mul3A_959 = arith.constant 5.65685415 : f32
        %mul3A_960 = vector.broadcast %mul3A_959 : f32 to vector<16xf32>
        %mul3A_961 = arith.mulf %gather3A_957, %mul3A_960 : vector<16xf32>
        tpu.vector_store_idx %arg9[%add3A_958], %mul3A_961 : memref<16384xf32, #tpu.memory_space<vmem>>[vector<16xi32>], vector<16xf32>,
        %gather3A_962 = tpu.vector_load_idx %arg7[%add3A_867, %add3A_154] : memref<512x32xf32, #tpu.memory_space<vmem>>[vector<16xi32>, vector<16xi32>], vector<16xf32>,
        %add3A_963 = arith.addi %add3A_234, %broadcast_in_dim3A_951 : vector<16xi32>
        %mul3A_964 = arith.constant 5.65685415 : f32
        %mul3A_965 = vector.broadcast %mul3A_964 : f32 to vector<16xf32>
        %mul3A_966 = arith.mulf %gather3A_962, %mul3A_965 : vector<16xf32>
        tpu.vector_store_idx %arg9[%add3A_963], %mul3A_966 : memref<16384xf32, #tpu.memory_space<vmem>>[vector<16xi32>], vector<16xf32>,
        %gather3A_967 = tpu.vector_load_idx %arg7[%add3A_867, %add3A_157] : memref<512x32xf32, #tpu.memory_space<vmem>>[vector<16xi32>, vector<16xi32>], vector<16xf32>,
        %add3A_968 = arith.addi %add3A_248, %broadcast_in_dim3A_951 : vector<16xi32>
        %mul3A_969 = arith.constant 5.65685415 : f32
        %mul3A_970 = vector.broadcast %mul3A_969 : f32 to vector<16xf32>
        %mul3A_971 = arith.mulf %gather3A_967, %mul3A_970 : vector<16xf32>
        tpu.vector_store_idx %arg9[%add3A_968], %mul3A_971 : memref<16384xf32, #tpu.memory_space<vmem>>[vector<16xi32>], vector<16xf32>,
        %gather3A_972 = tpu.vector_load_idx %arg7[%add3A_867, %add3A_160] : memref<512x32xf32, #tpu.memory_space<vmem>>[vector<16xi32>, vector<16xi32>], vector<16xf32>,
        %add3A_973 = arith.addi %add3A_262, %broadcast_in_dim3A_951 : vector<16xi32>
        %mul3A_974 = arith.constant 5.65685415 : f32
        %mul3A_975 = vector.broadcast %mul3A_974 : f32 to vector<16xf32>
        %mul3A_976 = arith.mulf %gather3A_972, %mul3A_975 : vector<16xf32>
        tpu.vector_store_idx %arg9[%add3A_973], %mul3A_976 : memref<16384xf32, #tpu.memory_space<vmem>>[vector<16xi32>], vector<16xf32>,
        %gather3A_977 = tpu.vector_load_idx %arg7[%add3A_867, %add3A_163] : memref<512x32xf32, #tpu.memory_space<vmem>>[vector<16xi32>, vector<16xi32>], vector<16xf32>,
        %add3A_978 = arith.addi %add3A_276, %broadcast_in_dim3A_951 : vector<16xi32>
        %mul3A_979 = arith.constant 5.65685415 : f32
        %mul3A_980 = vector.broadcast %mul3A_979 : f32 to vector<16xf32>
        %mul3A_981 = arith.mulf %gather3A_977, %mul3A_980 : vector<16xf32>
        tpu.vector_store_idx %arg9[%add3A_978], %mul3A_981 : memref<16384xf32, #tpu.memory_space<vmem>>[vector<16xi32>], vector<16xf32>,
        %gather3A_982 = tpu.vector_load_idx %arg7[%add3A_867, %add3A_166] : memref<512x32xf32, #tpu.memory_space<vmem>>[vector<16xi32>, vector<16xi32>], vector<16xf32>,
        %add3A_983 = arith.addi %add3A_290, %broadcast_in_dim3A_951 : vector<16xi32>
        %mul3A_984 = arith.constant 5.65685415 : f32
        %mul3A_985 = vector.broadcast %mul3A_984 : f32 to vector<16xf32>
        %mul3A_986 = arith.mulf %gather3A_982, %mul3A_985 : vector<16xf32>
        tpu.vector_store_idx %arg9[%add3A_983], %mul3A_986 : memref<16384xf32, #tpu.memory_space<vmem>>[vector<16xi32>], vector<16xf32>,
        %gather3A_987 = tpu.vector_load_idx %arg7[%add3A_867, %add3A_169] : memref<512x32xf32, #tpu.memory_space<vmem>>[vector<16xi32>, vector<16xi32>], vector<16xf32>,
        %add3A_988 = arith.addi %add3A_304, %broadcast_in_dim3A_951 : vector<16xi32>
        %mul3A_989 = arith.constant 5.65685415 : f32
        %mul3A_990 = vector.broadcast %mul3A_989 : f32 to vector<16xf32>
        %mul3A_991 = arith.mulf %gather3A_987, %mul3A_990 : vector<16xf32>
        tpu.vector_store_idx %arg9[%add3A_988], %mul3A_991 : memref<16384xf32, #tpu.memory_space<vmem>>[vector<16xi32>], vector<16xf32>,
        %gather3A_992 = tpu.vector_load_idx %arg7[%add3A_867, %add3A_172] : memref<512x32xf32, #tpu.memory_space<vmem>>[vector<16xi32>, vector<16xi32>], vector<16xf32>,
        %add3A_993 = arith.addi %add3A_318, %broadcast_in_dim3A_951 : vector<16xi32>
        %mul3A_994 = arith.constant 5.65685415 : f32
        %mul3A_995 = vector.broadcast %mul3A_994 : f32 to vector<16xf32>
        %mul3A_996 = arith.mulf %gather3A_992, %mul3A_995 : vector<16xf32>
        tpu.vector_store_idx %arg9[%add3A_993], %mul3A_996 : memref<16384xf32, #tpu.memory_space<vmem>>[vector<16xi32>], vector<16xf32>,
        %gather3A_997 = tpu.vector_load_idx %arg7[%add3A_867, %add3A_175] : memref<512x32xf32, #tpu.memory_space<vmem>>[vector<16xi32>, vector<16xi32>], vector<16xf32>,
        %add3A_998 = arith.addi %add3A_332, %broadcast_in_dim3A_951 : vector<16xi32>
        %mul3A_999 = arith.constant 5.65685415 : f32
        %mul3A_1000 = vector.broadcast %mul3A_999 : f32 to vector<16xf32>
        %mul3A_1001 = arith.mulf %gather3A_997, %mul3A_1000 : vector<16xf32>
        tpu.vector_store_idx %arg9[%add3A_998], %mul3A_1001 : memref<16384xf32, #tpu.memory_space<vmem>>[vector<16xi32>], vector<16xf32>,
        %gather3A_1002 = tpu.vector_load_idx %arg7[%add3A_867, %add3A_178] : memref<512x32xf32, #tpu.memory_space<vmem>>[vector<16xi32>, vector<16xi32>], vector<16xf32>,
        %add3A_1003 = arith.addi %add3A_346, %broadcast_in_dim3A_951 : vector<16xi32>
        %mul3A_1004 = arith.constant 5.65685415 : f32
        %mul3A_1005 = vector.broadcast %mul3A_1004 : f32 to vector<16xf32>
        %mul3A_1006 = arith.mulf %gather3A_1002, %mul3A_1005 : vector<16xf32>
        tpu.vector_store_idx %arg9[%add3A_1003], %mul3A_1006 : memref<16384xf32, #tpu.memory_space<vmem>>[vector<16xi32>], vector<16xf32>,
        %gather3A_1007 = tpu.vector_load_idx %arg7[%add3A_867, %add3A_181] : memref<512x32xf32, #tpu.memory_space<vmem>>[vector<16xi32>, vector<16xi32>], vector<16xf32>,
        %add3A_1008 = arith.addi %add3A_360, %broadcast_in_dim3A_951 : vector<16xi32>
        %mul3A_1009 = arith.constant 5.65685415 : f32
        %mul3A_1010 = vector.broadcast %mul3A_1009 : f32 to vector<16xf32>
        %mul3A_1011 = arith.mulf %gather3A_1007, %mul3A_1010 : vector<16xf32>
        tpu.vector_store_idx %arg9[%add3A_1008], %mul3A_1011 : memref<16384xf32, #tpu.memory_space<vmem>>[vector<16xi32>], vector<16xf32>,
        %gather3A_1012 = tpu.vector_load_idx %arg7[%add3A_867, %add3A_184] : memref<512x32xf32, #tpu.memory_space<vmem>>[vector<16xi32>, vector<16xi32>], vector<16xf32>,
        %add3A_1013 = arith.addi %add3A_374, %broadcast_in_dim3A_951 : vector<16xi32>
        %mul3A_1014 = arith.constant 5.65685415 : f32
        %mul3A_1015 = vector.broadcast %mul3A_1014 : f32 to vector<16xf32>
        %mul3A_1016 = arith.mulf %gather3A_1012, %mul3A_1015 : vector<16xf32>
        tpu.vector_store_idx %arg9[%add3A_1013], %mul3A_1016 : memref<16384xf32, #tpu.memory_space<vmem>>[vector<16xi32>], vector<16xf32>,
        %gather3A_1017 = tpu.vector_load_idx %arg7[%add3A_867, %add3A_187] : memref<512x32xf32, #tpu.memory_space<vmem>>[vector<16xi32>, vector<16xi32>], vector<16xf32>,
        %add3A_1018 = arith.addi %add3A_388, %broadcast_in_dim3A_951 : vector<16xi32>
        %mul3A_1019 = arith.constant 5.65685415 : f32
        %mul3A_1020 = vector.broadcast %mul3A_1019 : f32 to vector<16xf32>
        %mul3A_1021 = arith.mulf %gather3A_1017, %mul3A_1020 : vector<16xf32>
        tpu.vector_store_idx %arg9[%add3A_1018], %mul3A_1021 : memref<16384xf32, #tpu.memory_space<vmem>>[vector<16xi32>], vector<16xf32>,
        %gather3A_1022 = tpu.vector_load_idx %arg7[%add3A_867, %add3A_190] : memref<512x32xf32, #tpu.memory_space<vmem>>[vector<16xi32>, vector<16xi32>], vector<16xf32>,
        %add3A_1023 = arith.addi %add3A_402, %broadcast_in_dim3A_951 : vector<16xi32>
        %mul3A_1024 = arith.constant 5.65685415 : f32
        %mul3A_1025 = vector.broadcast %mul3A_1024 : f32 to vector<16xf32>
        %mul3A_1026 = arith.mulf %gather3A_1022, %mul3A_1025 : vector<16xf32>
        tpu.vector_store_idx %arg9[%add3A_1023], %mul3A_1026 : memref<16384xf32, #tpu.memory_space<vmem>>[vector<16xi32>], vector<16xf32>,
        %gather3A_1027 = tpu.vector_load_idx %arg7[%add3A_867, %add3A_193] : memref<512x32xf32, #tpu.memory_space<vmem>>[vector<16xi32>, vector<16xi32>], vector<16xf32>,
        %add3A_1028 = arith.addi %add3A_416, %broadcast_in_dim3A_951 : vector<16xi32>
        %mul3A_1029 = arith.constant 5.65685415 : f32
        %mul3A_1030 = vector.broadcast %mul3A_1029 : f32 to vector<16xf32>
        %mul3A_1031 = arith.mulf %gather3A_1027, %mul3A_1030 : vector<16xf32>
        tpu.vector_store_idx %arg9[%add3A_1028], %mul3A_1031 : memref<16384xf32, #tpu.memory_space<vmem>>[vector<16xi32>], vector<16xf32>,
        %add3A_1032 = arith.constant 128 : i32
        %add3A_1033 = arith.addi %add3A_1032, %mul3A_863 : i32
        %add3A_1034 = vector.broadcast %add3A_1033 : i32 to vector<16xi32>
        %add3A_1035 = arith.addi %iota3A, %add3A_1034 : vector<16xi32>
        %add3A_1036 = arith.constant 1024 : i32
        %add3A_1037 = arith.addi %add3A_1036, %mul3A_863 : i32
        %broadcast_in_dim3A_1038 = vector.broadcast %add3A_1037 : i32 to vector<16xi32>
        %gather3A_1039 = tpu.vector_load_idx %arg7[%add3A_1035, %add3A_100] : memref<512x32xf32, #tpu.memory_space<vmem>>[vector<16xi32>, vector<16xi32>], vector<16xf32>,
        %add3A_1040 = arith.addi %add3A_206, %broadcast_in_dim3A_1038 : vector<16xi32>
        %mul3A_1041 = arith.constant 5.65685415 : f32
        %mul3A_1042 = vector.broadcast %mul3A_1041 : f32 to vector<16xf32>
        %mul3A_1043 = arith.mulf %gather3A_1039, %mul3A_1042 : vector<16xf32>
        tpu.vector_store_idx %arg9[%add3A_1040], %mul3A_1043 : memref<16384xf32, #tpu.memory_space<vmem>>[vector<16xi32>], vector<16xf32>,
        %gather3A_1044 = tpu.vector_load_idx %arg7[%add3A_1035, %add3A_103] : memref<512x32xf32, #tpu.memory_space<vmem>>[vector<16xi32>, vector<16xi32>], vector<16xf32>,
        %add3A_1045 = arith.addi %add3A_220, %broadcast_in_dim3A_1038 : vector<16xi32>
        %mul3A_1046 = arith.constant 5.65685415 : f32
        %mul3A_1047 = vector.broadcast %mul3A_1046 : f32 to vector<16xf32>
        %mul3A_1048 = arith.mulf %gather3A_1044, %mul3A_1047 : vector<16xf32>
        tpu.vector_store_idx %arg9[%add3A_1045], %mul3A_1048 : memref<16384xf32, #tpu.memory_space<vmem>>[vector<16xi32>], vector<16xf32>,
        %gather3A_1049 = tpu.vector_load_idx %arg7[%add3A_1035, %add3A_106] : memref<512x32xf32, #tpu.memory_space<vmem>>[vector<16xi32>, vector<16xi32>], vector<16xf32>,
        %add3A_1050 = arith.addi %add3A_234, %broadcast_in_dim3A_1038 : vector<16xi32>
        %mul3A_1051 = arith.constant 5.65685415 : f32
        %mul3A_1052 = vector.broadcast %mul3A_1051 : f32 to vector<16xf32>
        %mul3A_1053 = arith.mulf %gather3A_1049, %mul3A_1052 : vector<16xf32>
        tpu.vector_store_idx %arg9[%add3A_1050], %mul3A_1053 : memref<16384xf32, #tpu.memory_space<vmem>>[vector<16xi32>], vector<16xf32>,
        %gather3A_1054 = tpu.vector_load_idx %arg7[%add3A_1035, %add3A_109] : memref<512x32xf32, #tpu.memory_space<vmem>>[vector<16xi32>, vector<16xi32>], vector<16xf32>,
        %add3A_1055 = arith.addi %add3A_248, %broadcast_in_dim3A_1038 : vector<16xi32>
        %mul3A_1056 = arith.constant 5.65685415 : f32
        %mul3A_1057 = vector.broadcast %mul3A_1056 : f32 to vector<16xf32>
        %mul3A_1058 = arith.mulf %gather3A_1054, %mul3A_1057 : vector<16xf32>
        tpu.vector_store_idx %arg9[%add3A_1055], %mul3A_1058 : memref<16384xf32, #tpu.memory_space<vmem>>[vector<16xi32>], vector<16xf32>,
        %gather3A_1059 = tpu.vector_load_idx %arg7[%add3A_1035, %add3A_112] : memref<512x32xf32, #tpu.memory_space<vmem>>[vector<16xi32>, vector<16xi32>], vector<16xf32>,
        %add3A_1060 = arith.addi %add3A_262, %broadcast_in_dim3A_1038 : vector<16xi32>
        %mul3A_1061 = arith.constant 5.65685415 : f32
        %mul3A_1062 = vector.broadcast %mul3A_1061 : f32 to vector<16xf32>
        %mul3A_1063 = arith.mulf %gather3A_1059, %mul3A_1062 : vector<16xf32>
        tpu.vector_store_idx %arg9[%add3A_1060], %mul3A_1063 : memref<16384xf32, #tpu.memory_space<vmem>>[vector<16xi32>], vector<16xf32>,
        %gather3A_1064 = tpu.vector_load_idx %arg7[%add3A_1035, %add3A_115] : memref<512x32xf32, #tpu.memory_space<vmem>>[vector<16xi32>, vector<16xi32>], vector<16xf32>,
        %add3A_1065 = arith.addi %add3A_276, %broadcast_in_dim3A_1038 : vector<16xi32>
        %mul3A_1066 = arith.constant 5.65685415 : f32
        %mul3A_1067 = vector.broadcast %mul3A_1066 : f32 to vector<16xf32>
        %mul3A_1068 = arith.mulf %gather3A_1064, %mul3A_1067 : vector<16xf32>
        tpu.vector_store_idx %arg9[%add3A_1065], %mul3A_1068 : memref<16384xf32, #tpu.memory_space<vmem>>[vector<16xi32>], vector<16xf32>,
        %gather3A_1069 = tpu.vector_load_idx %arg7[%add3A_1035, %add3A_118] : memref<512x32xf32, #tpu.memory_space<vmem>>[vector<16xi32>, vector<16xi32>], vector<16xf32>,
        %add3A_1070 = arith.addi %add3A_290, %broadcast_in_dim3A_1038 : vector<16xi32>
        %mul3A_1071 = arith.constant 5.65685415 : f32
        %mul3A_1072 = vector.broadcast %mul3A_1071 : f32 to vector<16xf32>
        %mul3A_1073 = arith.mulf %gather3A_1069, %mul3A_1072 : vector<16xf32>
        tpu.vector_store_idx %arg9[%add3A_1070], %mul3A_1073 : memref<16384xf32, #tpu.memory_space<vmem>>[vector<16xi32>], vector<16xf32>,
        %gather3A_1074 = tpu.vector_load_idx %arg7[%add3A_1035, %add3A_121] : memref<512x32xf32, #tpu.memory_space<vmem>>[vector<16xi32>, vector<16xi32>], vector<16xf32>,
        %add3A_1075 = arith.addi %add3A_304, %broadcast_in_dim3A_1038 : vector<16xi32>
        %mul3A_1076 = arith.constant 5.65685415 : f32
        %mul3A_1077 = vector.broadcast %mul3A_1076 : f32 to vector<16xf32>
        %mul3A_1078 = arith.mulf %gather3A_1074, %mul3A_1077 : vector<16xf32>
        tpu.vector_store_idx %arg9[%add3A_1075], %mul3A_1078 : memref<16384xf32, #tpu.memory_space<vmem>>[vector<16xi32>], vector<16xf32>,
        %gather3A_1079 = tpu.vector_load_idx %arg7[%add3A_1035, %add3A_124] : memref<512x32xf32, #tpu.memory_space<vmem>>[vector<16xi32>, vector<16xi32>], vector<16xf32>,
        %add3A_1080 = arith.addi %add3A_318, %broadcast_in_dim3A_1038 : vector<16xi32>
        %mul3A_1081 = arith.constant 5.65685415 : f32
        %mul3A_1082 = vector.broadcast %mul3A_1081 : f32 to vector<16xf32>
        %mul3A_1083 = arith.mulf %gather3A_1079, %mul3A_1082 : vector<16xf32>
        tpu.vector_store_idx %arg9[%add3A_1080], %mul3A_1083 : memref<16384xf32, #tpu.memory_space<vmem>>[vector<16xi32>], vector<16xf32>,
        %gather3A_1084 = tpu.vector_load_idx %arg7[%add3A_1035, %add3A_127] : memref<512x32xf32, #tpu.memory_space<vmem>>[vector<16xi32>, vector<16xi32>], vector<16xf32>,
        %add3A_1085 = arith.addi %add3A_332, %broadcast_in_dim3A_1038 : vector<16xi32>
        %mul3A_1086 = arith.constant 5.65685415 : f32
        %mul3A_1087 = vector.broadcast %mul3A_1086 : f32 to vector<16xf32>
        %mul3A_1088 = arith.mulf %gather3A_1084, %mul3A_1087 : vector<16xf32>
        tpu.vector_store_idx %arg9[%add3A_1085], %mul3A_1088 : memref<16384xf32, #tpu.memory_space<vmem>>[vector<16xi32>], vector<16xf32>,
        %gather3A_1089 = tpu.vector_load_idx %arg7[%add3A_1035, %add3A_130] : memref<512x32xf32, #tpu.memory_space<vmem>>[vector<16xi32>, vector<16xi32>], vector<16xf32>,
        %add3A_1090 = arith.addi %add3A_346, %broadcast_in_dim3A_1038 : vector<16xi32>
        %mul3A_1091 = arith.constant 5.65685415 : f32
        %mul3A_1092 = vector.broadcast %mul3A_1091 : f32 to vector<16xf32>
        %mul3A_1093 = arith.mulf %gather3A_1089, %mul3A_1092 : vector<16xf32>
        tpu.vector_store_idx %arg9[%add3A_1090], %mul3A_1093 : memref<16384xf32, #tpu.memory_space<vmem>>[vector<16xi32>], vector<16xf32>,
        %gather3A_1094 = tpu.vector_load_idx %arg7[%add3A_1035, %add3A_133] : memref<512x32xf32, #tpu.memory_space<vmem>>[vector<16xi32>, vector<16xi32>], vector<16xf32>,
        %add3A_1095 = arith.addi %add3A_360, %broadcast_in_dim3A_1038 : vector<16xi32>
        %mul3A_1096 = arith.constant 5.65685415 : f32
        %mul3A_1097 = vector.broadcast %mul3A_1096 : f32 to vector<16xf32>
        %mul3A_1098 = arith.mulf %gather3A_1094, %mul3A_1097 : vector<16xf32>
        tpu.vector_store_idx %arg9[%add3A_1095], %mul3A_1098 : memref<16384xf32, #tpu.memory_space<vmem>>[vector<16xi32>], vector<16xf32>,
        %gather3A_1099 = tpu.vector_load_idx %arg7[%add3A_1035, %add3A_136] : memref<512x32xf32, #tpu.memory_space<vmem>>[vector<16xi32>, vector<16xi32>], vector<16xf32>,
        %add3A_1100 = arith.addi %add3A_374, %broadcast_in_dim3A_1038 : vector<16xi32>
        %mul3A_1101 = arith.constant 5.65685415 : f32
        %mul3A_1102 = vector.broadcast %mul3A_1101 : f32 to vector<16xf32>
        %mul3A_1103 = arith.mulf %gather3A_1099, %mul3A_1102 : vector<16xf32>
        tpu.vector_store_idx %arg9[%add3A_1100], %mul3A_1103 : memref<16384xf32, #tpu.memory_space<vmem>>[vector<16xi32>], vector<16xf32>,
        %gather3A_1104 = tpu.vector_load_idx %arg7[%add3A_1035, %add3A_139] : memref<512x32xf32, #tpu.memory_space<vmem>>[vector<16xi32>, vector<16xi32>], vector<16xf32>,
        %add3A_1105 = arith.addi %add3A_388, %broadcast_in_dim3A_1038 : vector<16xi32>
        %mul3A_1106 = arith.constant 5.65685415 : f32
        %mul3A_1107 = vector.broadcast %mul3A_1106 : f32 to vector<16xf32>
        %mul3A_1108 = arith.mulf %gather3A_1104, %mul3A_1107 : vector<16xf32>
        tpu.vector_store_idx %arg9[%add3A_1105], %mul3A_1108 : memref<16384xf32, #tpu.memory_space<vmem>>[vector<16xi32>], vector<16xf32>,
        %gather3A_1109 = tpu.vector_load_idx %arg7[%add3A_1035, %add3A_142] : memref<512x32xf32, #tpu.memory_space<vmem>>[vector<16xi32>, vector<16xi32>], vector<16xf32>,
        %add3A_1110 = arith.addi %add3A_402, %broadcast_in_dim3A_1038 : vector<16xi32>
        %mul3A_1111 = arith.constant 5.65685415 : f32
        %mul3A_1112 = vector.broadcast %mul3A_1111 : f32 to vector<16xf32>
        %mul3A_1113 = arith.mulf %gather3A_1109, %mul3A_1112 : vector<16xf32>
        tpu.vector_store_idx %arg9[%add3A_1110], %mul3A_1113 : memref<16384xf32, #tpu.memory_space<vmem>>[vector<16xi32>], vector<16xf32>,
        %gather3A_1114 = tpu.vector_load_idx %arg7[%add3A_1035, %add3A_145] : memref<512x32xf32, #tpu.memory_space<vmem>>[vector<16xi32>, vector<16xi32>], vector<16xf32>,
        %add3A_1115 = arith.addi %add3A_416, %broadcast_in_dim3A_1038 : vector<16xi32>
        %mul3A_1116 = arith.constant 5.65685415 : f32
        %mul3A_1117 = vector.broadcast %mul3A_1116 : f32 to vector<16xf32>
        %mul3A_1118 = arith.mulf %gather3A_1114, %mul3A_1117 : vector<16xf32>
        tpu.vector_store_idx %arg9[%add3A_1115], %mul3A_1118 : memref<16384xf32, #tpu.memory_space<vmem>>[vector<16xi32>], vector<16xf32>,
        %add3A_1119 = arith.constant 9216 : i32
        %add3A_1120 = arith.addi %add3A_1119, %mul3A_863 : i32
        %broadcast_in_dim3A_1121 = vector.broadcast %add3A_1120 : i32 to vector<16xi32>
        %gather3A_1122 = tpu.vector_load_idx %arg7[%add3A_1035, %add3A_148] : memref<512x32xf32, #tpu.memory_space<vmem>>[vector<16xi32>, vector<16xi32>], vector<16xf32>,
        %add3A_1123 = arith.addi %add3A_206, %broadcast_in_dim3A_1121 : vector<16xi32>
        %mul3A_1124 = arith.constant 5.65685415 : f32
        %mul3A_1125 = vector.broadcast %mul3A_1124 : f32 to vector<16xf32>
        %mul3A_1126 = arith.mulf %gather3A_1122, %mul3A_1125 : vector<16xf32>
        tpu.vector_store_idx %arg9[%add3A_1123], %mul3A_1126 : memref<16384xf32, #tpu.memory_space<vmem>>[vector<16xi32>], vector<16xf32>,
        %gather3A_1127 = tpu.vector_load_idx %arg7[%add3A_1035, %add3A_151] : memref<512x32xf32, #tpu.memory_space<vmem>>[vector<16xi32>, vector<16xi32>], vector<16xf32>,
        %add3A_1128 = arith.addi %add3A_220, %broadcast_in_dim3A_1121 : vector<16xi32>
        %mul3A_1129 = arith.constant 5.65685415 : f32
        %mul3A_1130 = vector.broadcast %mul3A_1129 : f32 to vector<16xf32>
        %mul3A_1131 = arith.mulf %gather3A_1127, %mul3A_1130 : vector<16xf32>
        tpu.vector_store_idx %arg9[%add3A_1128], %mul3A_1131 : memref<16384xf32, #tpu.memory_space<vmem>>[vector<16xi32>], vector<16xf32>,
        %gather3A_1132 = tpu.vector_load_idx %arg7[%add3A_1035, %add3A_154] : memref<512x32xf32, #tpu.memory_space<vmem>>[vector<16xi32>, vector<16xi32>], vector<16xf32>,
        %add3A_1133 = arith.addi %add3A_234, %broadcast_in_dim3A_1121 : vector<16xi32>
        %mul3A_1134 = arith.constant 5.65685415 : f32
        %mul3A_1135 = vector.broadcast %mul3A_1134 : f32 to vector<16xf32>
        %mul3A_1136 = arith.mulf %gather3A_1132, %mul3A_1135 : vector<16xf32>
        tpu.vector_store_idx %arg9[%add3A_1133], %mul3A_1136 : memref<16384xf32, #tpu.memory_space<vmem>>[vector<16xi32>], vector<16xf32>,
        %gather3A_1137 = tpu.vector_load_idx %arg7[%add3A_1035, %add3A_157] : memref<512x32xf32, #tpu.memory_space<vmem>>[vector<16xi32>, vector<16xi32>], vector<16xf32>,
        %add3A_1138 = arith.addi %add3A_248, %broadcast_in_dim3A_1121 : vector<16xi32>
        %mul3A_1139 = arith.constant 5.65685415 : f32
        %mul3A_1140 = vector.broadcast %mul3A_1139 : f32 to vector<16xf32>
        %mul3A_1141 = arith.mulf %gather3A_1137, %mul3A_1140 : vector<16xf32>
        tpu.vector_store_idx %arg9[%add3A_1138], %mul3A_1141 : memref<16384xf32, #tpu.memory_space<vmem>>[vector<16xi32>], vector<16xf32>,
        %gather3A_1142 = tpu.vector_load_idx %arg7[%add3A_1035, %add3A_160] : memref<512x32xf32, #tpu.memory_space<vmem>>[vector<16xi32>, vector<16xi32>], vector<16xf32>,
        %add3A_1143 = arith.addi %add3A_262, %broadcast_in_dim3A_1121 : vector<16xi32>
        %mul3A_1144 = arith.constant 5.65685415 : f32
        %mul3A_1145 = vector.broadcast %mul3A_1144 : f32 to vector<16xf32>
        %mul3A_1146 = arith.mulf %gather3A_1142, %mul3A_1145 : vector<16xf32>
        tpu.vector_store_idx %arg9[%add3A_1143], %mul3A_1146 : memref<16384xf32, #tpu.memory_space<vmem>>[vector<16xi32>], vector<16xf32>,
        %gather3A_1147 = tpu.vector_load_idx %arg7[%add3A_1035, %add3A_163] : memref<512x32xf32, #tpu.memory_space<vmem>>[vector<16xi32>, vector<16xi32>], vector<16xf32>,
        %add3A_1148 = arith.addi %add3A_276, %broadcast_in_dim3A_1121 : vector<16xi32>
        %mul3A_1149 = arith.constant 5.65685415 : f32
        %mul3A_1150 = vector.broadcast %mul3A_1149 : f32 to vector<16xf32>
        %mul3A_1151 = arith.mulf %gather3A_1147, %mul3A_1150 : vector<16xf32>
        tpu.vector_store_idx %arg9[%add3A_1148], %mul3A_1151 : memref<16384xf32, #tpu.memory_space<vmem>>[vector<16xi32>], vector<16xf32>,
        %gather3A_1152 = tpu.vector_load_idx %arg7[%add3A_1035, %add3A_166] : memref<512x32xf32, #tpu.memory_space<vmem>>[vector<16xi32>, vector<16xi32>], vector<16xf32>,
        %add3A_1153 = arith.addi %add3A_290, %broadcast_in_dim3A_1121 : vector<16xi32>
        %mul3A_1154 = arith.constant 5.65685415 : f32
        %mul3A_1155 = vector.broadcast %mul3A_1154 : f32 to vector<16xf32>
        %mul3A_1156 = arith.mulf %gather3A_1152, %mul3A_1155 : vector<16xf32>
        tpu.vector_store_idx %arg9[%add3A_1153], %mul3A_1156 : memref<16384xf32, #tpu.memory_space<vmem>>[vector<16xi32>], vector<16xf32>,
        %gather3A_1157 = tpu.vector_load_idx %arg7[%add3A_1035, %add3A_169] : memref<512x32xf32, #tpu.memory_space<vmem>>[vector<16xi32>, vector<16xi32>], vector<16xf32>,
        %add3A_1158 = arith.addi %add3A_304, %broadcast_in_dim3A_1121 : vector<16xi32>
        %mul3A_1159 = arith.constant 5.65685415 : f32
        %mul3A_1160 = vector.broadcast %mul3A_1159 : f32 to vector<16xf32>
        %mul3A_1161 = arith.mulf %gather3A_1157, %mul3A_1160 : vector<16xf32>
        tpu.vector_store_idx %arg9[%add3A_1158], %mul3A_1161 : memref<16384xf32, #tpu.memory_space<vmem>>[vector<16xi32>], vector<16xf32>,
        %gather3A_1162 = tpu.vector_load_idx %arg7[%add3A_1035, %add3A_172] : memref<512x32xf32, #tpu.memory_space<vmem>>[vector<16xi32>, vector<16xi32>], vector<16xf32>,
        %add3A_1163 = arith.addi %add3A_318, %broadcast_in_dim3A_1121 : vector<16xi32>
        %mul3A_1164 = arith.constant 5.65685415 : f32
        %mul3A_1165 = vector.broadcast %mul3A_1164 : f32 to vector<16xf32>
        %mul3A_1166 = arith.mulf %gather3A_1162, %mul3A_1165 : vector<16xf32>
        tpu.vector_store_idx %arg9[%add3A_1163], %mul3A_1166 : memref<16384xf32, #tpu.memory_space<vmem>>[vector<16xi32>], vector<16xf32>,
        %gather3A_1167 = tpu.vector_load_idx %arg7[%add3A_1035, %add3A_175] : memref<512x32xf32, #tpu.memory_space<vmem>>[vector<16xi32>, vector<16xi32>], vector<16xf32>,
        %add3A_1168 = arith.addi %add3A_332, %broadcast_in_dim3A_1121 : vector<16xi32>
        %mul3A_1169 = arith.constant 5.65685415 : f32
        %mul3A_1170 = vector.broadcast %mul3A_1169 : f32 to vector<16xf32>
        %mul3A_1171 = arith.mulf %gather3A_1167, %mul3A_1170 : vector<16xf32>
        tpu.vector_store_idx %arg9[%add3A_1168], %mul3A_1171 : memref<16384xf32, #tpu.memory_space<vmem>>[vector<16xi32>], vector<16xf32>,
        %gather3A_1172 = tpu.vector_load_idx %arg7[%add3A_1035, %add3A_178] : memref<512x32xf32, #tpu.memory_space<vmem>>[vector<16xi32>, vector<16xi32>], vector<16xf32>,
        %add3A_1173 = arith.addi %add3A_346, %broadcast_in_dim3A_1121 : vector<16xi32>
        %mul3A_1174 = arith.constant 5.65685415 : f32
        %mul3A_1175 = vector.broadcast %mul3A_1174 : f32 to vector<16xf32>
        %mul3A_1176 = arith.mulf %gather3A_1172, %mul3A_1175 : vector<16xf32>
        tpu.vector_store_idx %arg9[%add3A_1173], %mul3A_1176 : memref<16384xf32, #tpu.memory_space<vmem>>[vector<16xi32>], vector<16xf32>,
        %gather3A_1177 = tpu.vector_load_idx %arg7[%add3A_1035, %add3A_181] : memref<512x32xf32, #tpu.memory_space<vmem>>[vector<16xi32>, vector<16xi32>], vector<16xf32>,
        %add3A_1178 = arith.addi %add3A_360, %broadcast_in_dim3A_1121 : vector<16xi32>
        %mul3A_1179 = arith.constant 5.65685415 : f32
        %mul3A_1180 = vector.broadcast %mul3A_1179 : f32 to vector<16xf32>
        %mul3A_1181 = arith.mulf %gather3A_1177, %mul3A_1180 : vector<16xf32>
        tpu.vector_store_idx %arg9[%add3A_1178], %mul3A_1181 : memref<16384xf32, #tpu.memory_space<vmem>>[vector<16xi32>], vector<16xf32>,
        %gather3A_1182 = tpu.vector_load_idx %arg7[%add3A_1035, %add3A_184] : memref<512x32xf32, #tpu.memory_space<vmem>>[vector<16xi32>, vector<16xi32>], vector<16xf32>,
        %add3A_1183 = arith.addi %add3A_374, %broadcast_in_dim3A_1121 : vector<16xi32>
        %mul3A_1184 = arith.constant 5.65685415 : f32
        %mul3A_1185 = vector.broadcast %mul3A_1184 : f32 to vector<16xf32>
        %mul3A_1186 = arith.mulf %gather3A_1182, %mul3A_1185 : vector<16xf32>
        tpu.vector_store_idx %arg9[%add3A_1183], %mul3A_1186 : memref<16384xf32, #tpu.memory_space<vmem>>[vector<16xi32>], vector<16xf32>,
        %gather3A_1187 = tpu.vector_load_idx %arg7[%add3A_1035, %add3A_187] : memref<512x32xf32, #tpu.memory_space<vmem>>[vector<16xi32>, vector<16xi32>], vector<16xf32>,
        %add3A_1188 = arith.addi %add3A_388, %broadcast_in_dim3A_1121 : vector<16xi32>
        %mul3A_1189 = arith.constant 5.65685415 : f32
        %mul3A_1190 = vector.broadcast %mul3A_1189 : f32 to vector<16xf32>
        %mul3A_1191 = arith.mulf %gather3A_1187, %mul3A_1190 : vector<16xf32>
        tpu.vector_store_idx %arg9[%add3A_1188], %mul3A_1191 : memref<16384xf32, #tpu.memory_space<vmem>>[vector<16xi32>], vector<16xf32>,
        %gather3A_1192 = tpu.vector_load_idx %arg7[%add3A_1035, %add3A_190] : memref<512x32xf32, #tpu.memory_space<vmem>>[vector<16xi32>, vector<16xi32>], vector<16xf32>,
        %add3A_1193 = arith.addi %add3A_402, %broadcast_in_dim3A_1121 : vector<16xi32>
        %mul3A_1194 = arith.constant 5.65685415 : f32
        %mul3A_1195 = vector.broadcast %mul3A_1194 : f32 to vector<16xf32>
        %mul3A_1196 = arith.mulf %gather3A_1192, %mul3A_1195 : vector<16xf32>
        tpu.vector_store_idx %arg9[%add3A_1193], %mul3A_1196 : memref<16384xf32, #tpu.memory_space<vmem>>[vector<16xi32>], vector<16xf32>,
        %gather3A_1197 = tpu.vector_load_idx %arg7[%add3A_1035, %add3A_193] : memref<512x32xf32, #tpu.memory_space<vmem>>[vector<16xi32>, vector<16xi32>], vector<16xf32>,
        %add3A_1198 = arith.addi %add3A_416, %broadcast_in_dim3A_1121 : vector<16xi32>
        %mul3A_1199 = arith.constant 5.65685415 : f32
        %mul3A_1200 = vector.broadcast %mul3A_1199 : f32 to vector<16xf32>
        %mul3A_1201 = arith.mulf %gather3A_1197, %mul3A_1200 : vector<16xf32>
        tpu.vector_store_idx %arg9[%add3A_1198], %mul3A_1201 : memref<16384xf32, #tpu.memory_space<vmem>>[vector<16xi32>], vector<16xf32>,
        %add3A_1202 = arith.constant 256 : i32
        %add3A_1203 = arith.addi %add3A_1202, %mul3A_863 : i32
        %add3A_1204 = vector.broadcast %add3A_1203 : i32 to vector<16xi32>
        %add3A_1205 = arith.addi %iota3A, %add3A_1204 : vector<16xi32>
        %add3A_1206 = arith.constant 2048 : i32
        %add3A_1207 = arith.addi %add3A_1206, %mul3A_863 : i32
        %broadcast_in_dim3A_1208 = vector.broadcast %add3A_1207 : i32 to vector<16xi32>
        %gather3A_1209 = tpu.vector_load_idx %arg7[%add3A_1205, %add3A_100] : memref<512x32xf32, #tpu.memory_space<vmem>>[vector<16xi32>, vector<16xi32>], vector<16xf32>,
        %add3A_1210 = arith.addi %add3A_206, %broadcast_in_dim3A_1208 : vector<16xi32>
        %mul3A_1211 = arith.constant 5.65685415 : f32
        %mul3A_1212 = vector.broadcast %mul3A_1211 : f32 to vector<16xf32>
        %mul3A_1213 = arith.mulf %gather3A_1209, %mul3A_1212 : vector<16xf32>
        tpu.vector_store_idx %arg9[%add3A_1210], %mul3A_1213 : memref<16384xf32, #tpu.memory_space<vmem>>[vector<16xi32>], vector<16xf32>,
        %gather3A_1214 = tpu.vector_load_idx %arg7[%add3A_1205, %add3A_103] : memref<512x32xf32, #tpu.memory_space<vmem>>[vector<16xi32>, vector<16xi32>], vector<16xf32>,
        %add3A_1215 = arith.addi %add3A_220, %broadcast_in_dim3A_1208 : vector<16xi32>
        %mul3A_1216 = arith.constant 5.65685415 : f32
        %mul3A_1217 = vector.broadcast %mul3A_1216 : f32 to vector<16xf32>
        %mul3A_1218 = arith.mulf %gather3A_1214, %mul3A_1217 : vector<16xf32>
        tpu.vector_store_idx %arg9[%add3A_1215], %mul3A_1218 : memref<16384xf32, #tpu.memory_space<vmem>>[vector<16xi32>], vector<16xf32>,
        %gather3A_1219 = tpu.vector_load_idx %arg7[%add3A_1205, %add3A_106] : memref<512x32xf32, #tpu.memory_space<vmem>>[vector<16xi32>, vector<16xi32>], vector<16xf32>,
        %add3A_1220 = arith.addi %add3A_234, %broadcast_in_dim3A_1208 : vector<16xi32>
        %mul3A_1221 = arith.constant 5.65685415 : f32
        %mul3A_1222 = vector.broadcast %mul3A_1221 : f32 to vector<16xf32>
        %mul3A_1223 = arith.mulf %gather3A_1219, %mul3A_1222 : vector<16xf32>
        tpu.vector_store_idx %arg9[%add3A_1220], %mul3A_1223 : memref<16384xf32, #tpu.memory_space<vmem>>[vector<16xi32>], vector<16xf32>,
        %gather3A_1224 = tpu.vector_load_idx %arg7[%add3A_1205, %add3A_109] : memref<512x32xf32, #tpu.memory_space<vmem>>[vector<16xi32>, vector<16xi32>], vector<16xf32>,
        %add3A_1225 = arith.addi %add3A_248, %broadcast_in_dim3A_1208 : vector<16xi32>
        %mul3A_1226 = arith.constant 5.65685415 : f32
        %mul3A_1227 = vector.broadcast %mul3A_1226 : f32 to vector<16xf32>
        %mul3A_1228 = arith.mulf %gather3A_1224, %mul3A_1227 : vector<16xf32>
        tpu.vector_store_idx %arg9[%add3A_1225], %mul3A_1228 : memref<16384xf32, #tpu.memory_space<vmem>>[vector<16xi32>], vector<16xf32>,
        %gather3A_1229 = tpu.vector_load_idx %arg7[%add3A_1205, %add3A_112] : memref<512x32xf32, #tpu.memory_space<vmem>>[vector<16xi32>, vector<16xi32>], vector<16xf32>,
        %add3A_1230 = arith.addi %add3A_262, %broadcast_in_dim3A_1208 : vector<16xi32>
        %mul3A_1231 = arith.constant 5.65685415 : f32
        %mul3A_1232 = vector.broadcast %mul3A_1231 : f32 to vector<16xf32>
        %mul3A_1233 = arith.mulf %gather3A_1229, %mul3A_1232 : vector<16xf32>
        tpu.vector_store_idx %arg9[%add3A_1230], %mul3A_1233 : memref<16384xf32, #tpu.memory_space<vmem>>[vector<16xi32>], vector<16xf32>,
        %gather3A_1234 = tpu.vector_load_idx %arg7[%add3A_1205, %add3A_115] : memref<512x32xf32, #tpu.memory_space<vmem>>[vector<16xi32>, vector<16xi32>], vector<16xf32>,
        %add3A_1235 = arith.addi %add3A_276, %broadcast_in_dim3A_1208 : vector<16xi32>
        %mul3A_1236 = arith.constant 5.65685415 : f32
        %mul3A_1237 = vector.broadcast %mul3A_1236 : f32 to vector<16xf32>
        %mul3A_1238 = arith.mulf %gather3A_1234, %mul3A_1237 : vector<16xf32>
        tpu.vector_store_idx %arg9[%add3A_1235], %mul3A_1238 : memref<16384xf32, #tpu.memory_space<vmem>>[vector<16xi32>], vector<16xf32>,
        %gather3A_1239 = tpu.vector_load_idx %arg7[%add3A_1205, %add3A_118] : memref<512x32xf32, #tpu.memory_space<vmem>>[vector<16xi32>, vector<16xi32>], vector<16xf32>,
        %add3A_1240 = arith.addi %add3A_290, %broadcast_in_dim3A_1208 : vector<16xi32>
        %mul3A_1241 = arith.constant 5.65685415 : f32
        %mul3A_1242 = vector.broadcast %mul3A_1241 : f32 to vector<16xf32>
        %mul3A_1243 = arith.mulf %gather3A_1239, %mul3A_1242 : vector<16xf32>
        tpu.vector_store_idx %arg9[%add3A_1240], %mul3A_1243 : memref<16384xf32, #tpu.memory_space<vmem>>[vector<16xi32>], vector<16xf32>,
        %gather3A_1244 = tpu.vector_load_idx %arg7[%add3A_1205, %add3A_121] : memref<512x32xf32, #tpu.memory_space<vmem>>[vector<16xi32>, vector<16xi32>], vector<16xf32>,
        %add3A_1245 = arith.addi %add3A_304, %broadcast_in_dim3A_1208 : vector<16xi32>
        %mul3A_1246 = arith.constant 5.65685415 : f32
        %mul3A_1247 = vector.broadcast %mul3A_1246 : f32 to vector<16xf32>
        %mul3A_1248 = arith.mulf %gather3A_1244, %mul3A_1247 : vector<16xf32>
        tpu.vector_store_idx %arg9[%add3A_1245], %mul3A_1248 : memref<16384xf32, #tpu.memory_space<vmem>>[vector<16xi32>], vector<16xf32>,
        %gather3A_1249 = tpu.vector_load_idx %arg7[%add3A_1205, %add3A_124] : memref<512x32xf32, #tpu.memory_space<vmem>>[vector<16xi32>, vector<16xi32>], vector<16xf32>,
        %add3A_1250 = arith.addi %add3A_318, %broadcast_in_dim3A_1208 : vector<16xi32>
        %mul3A_1251 = arith.constant 5.65685415 : f32
        %mul3A_1252 = vector.broadcast %mul3A_1251 : f32 to vector<16xf32>
        %mul3A_1253 = arith.mulf %gather3A_1249, %mul3A_1252 : vector<16xf32>
        tpu.vector_store_idx %arg9[%add3A_1250], %mul3A_1253 : memref<16384xf32, #tpu.memory_space<vmem>>[vector<16xi32>], vector<16xf32>,
        %gather3A_1254 = tpu.vector_load_idx %arg7[%add3A_1205, %add3A_127] : memref<512x32xf32, #tpu.memory_space<vmem>>[vector<16xi32>, vector<16xi32>], vector<16xf32>,
        %add3A_1255 = arith.addi %add3A_332, %broadcast_in_dim3A_1208 : vector<16xi32>
        %mul3A_1256 = arith.constant 5.65685415 : f32
        %mul3A_1257 = vector.broadcast %mul3A_1256 : f32 to vector<16xf32>
        %mul3A_1258 = arith.mulf %gather3A_1254, %mul3A_1257 : vector<16xf32>
        tpu.vector_store_idx %arg9[%add3A_1255], %mul3A_1258 : memref<16384xf32, #tpu.memory_space<vmem>>[vector<16xi32>], vector<16xf32>,
        %gather3A_1259 = tpu.vector_load_idx %arg7[%add3A_1205, %add3A_130] : memref<512x32xf32, #tpu.memory_space<vmem>>[vector<16xi32>, vector<16xi32>], vector<16xf32>,
        %add3A_1260 = arith.addi %add3A_346, %broadcast_in_dim3A_1208 : vector<16xi32>
        %mul3A_1261 = arith.constant 5.65685415 : f32
        %mul3A_1262 = vector.broadcast %mul3A_1261 : f32 to vector<16xf32>
        %mul3A_1263 = arith.mulf %gather3A_1259, %mul3A_1262 : vector<16xf32>
        tpu.vector_store_idx %arg9[%add3A_1260], %mul3A_1263 : memref<16384xf32, #tpu.memory_space<vmem>>[vector<16xi32>], vector<16xf32>,
        %gather3A_1264 = tpu.vector_load_idx %arg7[%add3A_1205, %add3A_133] : memref<512x32xf32, #tpu.memory_space<vmem>>[vector<16xi32>, vector<16xi32>], vector<16xf32>,
        %add3A_1265 = arith.addi %add3A_360, %broadcast_in_dim3A_1208 : vector<16xi32>
        %mul3A_1266 = arith.constant 5.65685415 : f32
        %mul3A_1267 = vector.broadcast %mul3A_1266 : f32 to vector<16xf32>
        %mul3A_1268 = arith.mulf %gather3A_1264, %mul3A_1267 : vector<16xf32>
        tpu.vector_store_idx %arg9[%add3A_1265], %mul3A_1268 : memref<16384xf32, #tpu.memory_space<vmem>>[vector<16xi32>], vector<16xf32>,
        %gather3A_1269 = tpu.vector_load_idx %arg7[%add3A_1205, %add3A_136] : memref<512x32xf32, #tpu.memory_space<vmem>>[vector<16xi32>, vector<16xi32>], vector<16xf32>,
        %add3A_1270 = arith.addi %add3A_374, %broadcast_in_dim3A_1208 : vector<16xi32>
        %mul3A_1271 = arith.constant 5.65685415 : f32
        %mul3A_1272 = vector.broadcast %mul3A_1271 : f32 to vector<16xf32>
        %mul3A_1273 = arith.mulf %gather3A_1269, %mul3A_1272 : vector<16xf32>
        tpu.vector_store_idx %arg9[%add3A_1270], %mul3A_1273 : memref<16384xf32, #tpu.memory_space<vmem>>[vector<16xi32>], vector<16xf32>,
        %gather3A_1274 = tpu.vector_load_idx %arg7[%add3A_1205, %add3A_139] : memref<512x32xf32, #tpu.memory_space<vmem>>[vector<16xi32>, vector<16xi32>], vector<16xf32>,
        %add3A_1275 = arith.addi %add3A_388, %broadcast_in_dim3A_1208 : vector<16xi32>
        %mul3A_1276 = arith.constant 5.65685415 : f32
        %mul3A_1277 = vector.broadcast %mul3A_1276 : f32 to vector<16xf32>
        %mul3A_1278 = arith.mulf %gather3A_1274, %mul3A_1277 : vector<16xf32>
        tpu.vector_store_idx %arg9[%add3A_1275], %mul3A_1278 : memref<16384xf32, #tpu.memory_space<vmem>>[vector<16xi32>], vector<16xf32>,
        %gather3A_1279 = tpu.vector_load_idx %arg7[%add3A_1205, %add3A_142] : memref<512x32xf32, #tpu.memory_space<vmem>>[vector<16xi32>, vector<16xi32>], vector<16xf32>,
        %add3A_1280 = arith.addi %add3A_402, %broadcast_in_dim3A_1208 : vector<16xi32>
        %mul3A_1281 = arith.constant 5.65685415 : f32
        %mul3A_1282 = vector.broadcast %mul3A_1281 : f32 to vector<16xf32>
        %mul3A_1283 = arith.mulf %gather3A_1279, %mul3A_1282 : vector<16xf32>
        tpu.vector_store_idx %arg9[%add3A_1280], %mul3A_1283 : memref<16384xf32, #tpu.memory_space<vmem>>[vector<16xi32>], vector<16xf32>,
        %gather3A_1284 = tpu.vector_load_idx %arg7[%add3A_1205, %add3A_145] : memref<512x32xf32, #tpu.memory_space<vmem>>[vector<16xi32>, vector<16xi32>], vector<16xf32>,
        %add3A_1285 = arith.addi %add3A_416, %broadcast_in_dim3A_1208 : vector<16xi32>
        %mul3A_1286 = arith.constant 5.65685415 : f32
        %mul3A_1287 = vector.broadcast %mul3A_1286 : f32 to vector<16xf32>
        %mul3A_1288 = arith.mulf %gather3A_1284, %mul3A_1287 : vector<16xf32>
        tpu.vector_store_idx %arg9[%add3A_1285], %mul3A_1288 : memref<16384xf32, #tpu.memory_space<vmem>>[vector<16xi32>], vector<16xf32>,
        %add3A_1289 = arith.constant 10240 : i32
        %add3A_1290 = arith.addi %add3A_1289, %mul3A_863 : i32
        %broadcast_in_dim3A_1291 = vector.broadcast %add3A_1290 : i32 to vector<16xi32>
        %gather3A_1292 = tpu.vector_load_idx %arg7[%add3A_1205, %add3A_148] : memref<512x32xf32, #tpu.memory_space<vmem>>[vector<16xi32>, vector<16xi32>], vector<16xf32>,
        %add3A_1293 = arith.addi %add3A_206, %broadcast_in_dim3A_1291 : vector<16xi32>
        %mul3A_1294 = arith.constant 5.65685415 : f32
        %mul3A_1295 = vector.broadcast %mul3A_1294 : f32 to vector<16xf32>
        %mul3A_1296 = arith.mulf %gather3A_1292, %mul3A_1295 : vector<16xf32>
        tpu.vector_store_idx %arg9[%add3A_1293], %mul3A_1296 : memref<16384xf32, #tpu.memory_space<vmem>>[vector<16xi32>], vector<16xf32>,
        %gather3A_1297 = tpu.vector_load_idx %arg7[%add3A_1205, %add3A_151] : memref<512x32xf32, #tpu.memory_space<vmem>>[vector<16xi32>, vector<16xi32>], vector<16xf32>,
        %add3A_1298 = arith.addi %add3A_220, %broadcast_in_dim3A_1291 : vector<16xi32>
        %mul3A_1299 = arith.constant 5.65685415 : f32
        %mul3A_1300 = vector.broadcast %mul3A_1299 : f32 to vector<16xf32>
        %mul3A_1301 = arith.mulf %gather3A_1297, %mul3A_1300 : vector<16xf32>
        tpu.vector_store_idx %arg9[%add3A_1298], %mul3A_1301 : memref<16384xf32, #tpu.memory_space<vmem>>[vector<16xi32>], vector<16xf32>,
        %gather3A_1302 = tpu.vector_load_idx %arg7[%add3A_1205, %add3A_154] : memref<512x32xf32, #tpu.memory_space<vmem>>[vector<16xi32>, vector<16xi32>], vector<16xf32>,
        %add3A_1303 = arith.addi %add3A_234, %broadcast_in_dim3A_1291 : vector<16xi32>
        %mul3A_1304 = arith.constant 5.65685415 : f32
        %mul3A_1305 = vector.broadcast %mul3A_1304 : f32 to vector<16xf32>
        %mul3A_1306 = arith.mulf %gather3A_1302, %mul3A_1305 : vector<16xf32>
        tpu.vector_store_idx %arg9[%add3A_1303], %mul3A_1306 : memref<16384xf32, #tpu.memory_space<vmem>>[vector<16xi32>], vector<16xf32>,
        %gather3A_1307 = tpu.vector_load_idx %arg7[%add3A_1205, %add3A_157] : memref<512x32xf32, #tpu.memory_space<vmem>>[vector<16xi32>, vector<16xi32>], vector<16xf32>,
        %add3A_1308 = arith.addi %add3A_248, %broadcast_in_dim3A_1291 : vector<16xi32>
        %mul3A_1309 = arith.constant 5.65685415 : f32
        %mul3A_1310 = vector.broadcast %mul3A_1309 : f32 to vector<16xf32>
        %mul3A_1311 = arith.mulf %gather3A_1307, %mul3A_1310 : vector<16xf32>
        tpu.vector_store_idx %arg9[%add3A_1308], %mul3A_1311 : memref<16384xf32, #tpu.memory_space<vmem>>[vector<16xi32>], vector<16xf32>,
        %gather3A_1312 = tpu.vector_load_idx %arg7[%add3A_1205, %add3A_160] : memref<512x32xf32, #tpu.memory_space<vmem>>[vector<16xi32>, vector<16xi32>], vector<16xf32>,
        %add3A_1313 = arith.addi %add3A_262, %broadcast_in_dim3A_1291 : vector<16xi32>
        %mul3A_1314 = arith.constant 5.65685415 : f32
        %mul3A_1315 = vector.broadcast %mul3A_1314 : f32 to vector<16xf32>
        %mul3A_1316 = arith.mulf %gather3A_1312, %mul3A_1315 : vector<16xf32>
        tpu.vector_store_idx %arg9[%add3A_1313], %mul3A_1316 : memref<16384xf32, #tpu.memory_space<vmem>>[vector<16xi32>], vector<16xf32>,
        %gather3A_1317 = tpu.vector_load_idx %arg7[%add3A_1205, %add3A_163] : memref<512x32xf32, #tpu.memory_space<vmem>>[vector<16xi32>, vector<16xi32>], vector<16xf32>,
        %add3A_1318 = arith.addi %add3A_276, %broadcast_in_dim3A_1291 : vector<16xi32>
        %mul3A_1319 = arith.constant 5.65685415 : f32
        %mul3A_1320 = vector.broadcast %mul3A_1319 : f32 to vector<16xf32>
        %mul3A_1321 = arith.mulf %gather3A_1317, %mul3A_1320 : vector<16xf32>
        tpu.vector_store_idx %arg9[%add3A_1318], %mul3A_1321 : memref<16384xf32, #tpu.memory_space<vmem>>[vector<16xi32>], vector<16xf32>,
        %gather3A_1322 = tpu.vector_load_idx %arg7[%add3A_1205, %add3A_166] : memref<512x32xf32, #tpu.memory_space<vmem>>[vector<16xi32>, vector<16xi32>], vector<16xf32>,
        %add3A_1323 = arith.addi %add3A_290, %broadcast_in_dim3A_1291 : vector<16xi32>
        %mul3A_1324 = arith.constant 5.65685415 : f32
        %mul3A_1325 = vector.broadcast %mul3A_1324 : f32 to vector<16xf32>
        %mul3A_1326 = arith.mulf %gather3A_1322, %mul3A_1325 : vector<16xf32>
        tpu.vector_store_idx %arg9[%add3A_1323], %mul3A_1326 : memref<16384xf32, #tpu.memory_space<vmem>>[vector<16xi32>], vector<16xf32>,
        %gather3A_1327 = tpu.vector_load_idx %arg7[%add3A_1205, %add3A_169] : memref<512x32xf32, #tpu.memory_space<vmem>>[vector<16xi32>, vector<16xi32>], vector<16xf32>,
        %add3A_1328 = arith.addi %add3A_304, %broadcast_in_dim3A_1291 : vector<16xi32>
        %mul3A_1329 = arith.constant 5.65685415 : f32
        %mul3A_1330 = vector.broadcast %mul3A_1329 : f32 to vector<16xf32>
        %mul3A_1331 = arith.mulf %gather3A_1327, %mul3A_1330 : vector<16xf32>
        tpu.vector_store_idx %arg9[%add3A_1328], %mul3A_1331 : memref<16384xf32, #tpu.memory_space<vmem>>[vector<16xi32>], vector<16xf32>,
        %gather3A_1332 = tpu.vector_load_idx %arg7[%add3A_1205, %add3A_172] : memref<512x32xf32, #tpu.memory_space<vmem>>[vector<16xi32>, vector<16xi32>], vector<16xf32>,
        %add3A_1333 = arith.addi %add3A_318, %broadcast_in_dim3A_1291 : vector<16xi32>
        %mul3A_1334 = arith.constant 5.65685415 : f32
        %mul3A_1335 = vector.broadcast %mul3A_1334 : f32 to vector<16xf32>
        %mul3A_1336 = arith.mulf %gather3A_1332, %mul3A_1335 : vector<16xf32>
        tpu.vector_store_idx %arg9[%add3A_1333], %mul3A_1336 : memref<16384xf32, #tpu.memory_space<vmem>>[vector<16xi32>], vector<16xf32>,
        %gather3A_1337 = tpu.vector_load_idx %arg7[%add3A_1205, %add3A_175] : memref<512x32xf32, #tpu.memory_space<vmem>>[vector<16xi32>, vector<16xi32>], vector<16xf32>,
        %add3A_1338 = arith.addi %add3A_332, %broadcast_in_dim3A_1291 : vector<16xi32>
        %mul3A_1339 = arith.constant 5.65685415 : f32
        %mul3A_1340 = vector.broadcast %mul3A_1339 : f32 to vector<16xf32>
        %mul3A_1341 = arith.mulf %gather3A_1337, %mul3A_1340 : vector<16xf32>
        tpu.vector_store_idx %arg9[%add3A_1338], %mul3A_1341 : memref<16384xf32, #tpu.memory_space<vmem>>[vector<16xi32>], vector<16xf32>,
        %gather3A_1342 = tpu.vector_load_idx %arg7[%add3A_1205, %add3A_178] : memref<512x32xf32, #tpu.memory_space<vmem>>[vector<16xi32>, vector<16xi32>], vector<16xf32>,
        %add3A_1343 = arith.addi %add3A_346, %broadcast_in_dim3A_1291 : vector<16xi32>
        %mul3A_1344 = arith.constant 5.65685415 : f32
        %mul3A_1345 = vector.broadcast %mul3A_1344 : f32 to vector<16xf32>
        %mul3A_1346 = arith.mulf %gather3A_1342, %mul3A_1345 : vector<16xf32>
        tpu.vector_store_idx %arg9[%add3A_1343], %mul3A_1346 : memref<16384xf32, #tpu.memory_space<vmem>>[vector<16xi32>], vector<16xf32>,
        %gather3A_1347 = tpu.vector_load_idx %arg7[%add3A_1205, %add3A_181] : memref<512x32xf32, #tpu.memory_space<vmem>>[vector<16xi32>, vector<16xi32>], vector<16xf32>,
        %add3A_1348 = arith.addi %add3A_360, %broadcast_in_dim3A_1291 : vector<16xi32>
        %mul3A_1349 = arith.constant 5.65685415 : f32
        %mul3A_1350 = vector.broadcast %mul3A_1349 : f32 to vector<16xf32>
        %mul3A_1351 = arith.mulf %gather3A_1347, %mul3A_1350 : vector<16xf32>
        tpu.vector_store_idx %arg9[%add3A_1348], %mul3A_1351 : memref<16384xf32, #tpu.memory_space<vmem>>[vector<16xi32>], vector<16xf32>,
        %gather3A_1352 = tpu.vector_load_idx %arg7[%add3A_1205, %add3A_184] : memref<512x32xf32, #tpu.memory_space<vmem>>[vector<16xi32>, vector<16xi32>], vector<16xf32>,
        %add3A_1353 = arith.addi %add3A_374, %broadcast_in_dim3A_1291 : vector<16xi32>
        %mul3A_1354 = arith.constant 5.65685415 : f32
        %mul3A_1355 = vector.broadcast %mul3A_1354 : f32 to vector<16xf32>
        %mul3A_1356 = arith.mulf %gather3A_1352, %mul3A_1355 : vector<16xf32>
        tpu.vector_store_idx %arg9[%add3A_1353], %mul3A_1356 : memref<16384xf32, #tpu.memory_space<vmem>>[vector<16xi32>], vector<16xf32>,
        %gather3A_1357 = tpu.vector_load_idx %arg7[%add3A_1205, %add3A_187] : memref<512x32xf32, #tpu.memory_space<vmem>>[vector<16xi32>, vector<16xi32>], vector<16xf32>,
        %add3A_1358 = arith.addi %add3A_388, %broadcast_in_dim3A_1291 : vector<16xi32>
        %mul3A_1359 = arith.constant 5.65685415 : f32
        %mul3A_1360 = vector.broadcast %mul3A_1359 : f32 to vector<16xf32>
        %mul3A_1361 = arith.mulf %gather3A_1357, %mul3A_1360 : vector<16xf32>
        tpu.vector_store_idx %arg9[%add3A_1358], %mul3A_1361 : memref<16384xf32, #tpu.memory_space<vmem>>[vector<16xi32>], vector<16xf32>,
        %gather3A_1362 = tpu.vector_load_idx %arg7[%add3A_1205, %add3A_190] : memref<512x32xf32, #tpu.memory_space<vmem>>[vector<16xi32>, vector<16xi32>], vector<16xf32>,
        %add3A_1363 = arith.addi %add3A_402, %broadcast_in_dim3A_1291 : vector<16xi32>
        %mul3A_1364 = arith.constant 5.65685415 : f32
        %mul3A_1365 = vector.broadcast %mul3A_1364 : f32 to vector<16xf32>
        %mul3A_1366 = arith.mulf %gather3A_1362, %mul3A_1365 : vector<16xf32>
        tpu.vector_store_idx %arg9[%add3A_1363], %mul3A_1366 : memref<16384xf32, #tpu.memory_space<vmem>>[vector<16xi32>], vector<16xf32>,
        %gather3A_1367 = tpu.vector_load_idx %arg7[%add3A_1205, %add3A_193] : memref<512x32xf32, #tpu.memory_space<vmem>>[vector<16xi32>, vector<16xi32>], vector<16xf32>,
        %add3A_1368 = arith.addi %add3A_416, %broadcast_in_dim3A_1291 : vector<16xi32>
        %mul3A_1369 = arith.constant 5.65685415 : f32
        %mul3A_1370 = vector.broadcast %mul3A_1369 : f32 to vector<16xf32>
        %mul3A_1371 = arith.mulf %gather3A_1367, %mul3A_1370 : vector<16xf32>
        tpu.vector_store_idx %arg9[%add3A_1368], %mul3A_1371 : memref<16384xf32, #tpu.memory_space<vmem>>[vector<16xi32>], vector<16xf32>,
        %add3A_1372 = arith.constant 384 : i32
        %add3A_1373 = arith.addi %add3A_1372, %mul3A_863 : i32
        %add3A_1374 = vector.broadcast %add3A_1373 : i32 to vector<16xi32>
        %add3A_1375 = arith.addi %iota3A, %add3A_1374 : vector<16xi32>
        %add3A_1376 = arith.constant 3072 : i32
        %add3A_1377 = arith.addi %add3A_1376, %mul3A_863 : i32
        %broadcast_in_dim3A_1378 = vector.broadcast %add3A_1377 : i32 to vector<16xi32>
        %gather3A_1379 = tpu.vector_load_idx %arg7[%add3A_1375, %add3A_100] : memref<512x32xf32, #tpu.memory_space<vmem>>[vector<16xi32>, vector<16xi32>], vector<16xf32>,
        %add3A_1380 = arith.addi %add3A_206, %broadcast_in_dim3A_1378 : vector<16xi32>
        %mul3A_1381 = arith.constant 5.65685415 : f32
        %mul3A_1382 = vector.broadcast %mul3A_1381 : f32 to vector<16xf32>
        %mul3A_1383 = arith.mulf %gather3A_1379, %mul3A_1382 : vector<16xf32>
        tpu.vector_store_idx %arg9[%add3A_1380], %mul3A_1383 : memref<16384xf32, #tpu.memory_space<vmem>>[vector<16xi32>], vector<16xf32>,
        %gather3A_1384 = tpu.vector_load_idx %arg7[%add3A_1375, %add3A_103] : memref<512x32xf32, #tpu.memory_space<vmem>>[vector<16xi32>, vector<16xi32>], vector<16xf32>,
        %add3A_1385 = arith.addi %add3A_220, %broadcast_in_dim3A_1378 : vector<16xi32>
        %mul3A_1386 = arith.constant 5.65685415 : f32
        %mul3A_1387 = vector.broadcast %mul3A_1386 : f32 to vector<16xf32>
        %mul3A_1388 = arith.mulf %gather3A_1384, %mul3A_1387 : vector<16xf32>
        tpu.vector_store_idx %arg9[%add3A_1385], %mul3A_1388 : memref<16384xf32, #tpu.memory_space<vmem>>[vector<16xi32>], vector<16xf32>,
        %gather3A_1389 = tpu.vector_load_idx %arg7[%add3A_1375, %add3A_106] : memref<512x32xf32, #tpu.memory_space<vmem>>[vector<16xi32>, vector<16xi32>], vector<16xf32>,
        %add3A_1390 = arith.addi %add3A_234, %broadcast_in_dim3A_1378 : vector<16xi32>
        %mul3A_1391 = arith.constant 5.65685415 : f32
        %mul3A_1392 = vector.broadcast %mul3A_1391 : f32 to vector<16xf32>
        %mul3A_1393 = arith.mulf %gather3A_1389, %mul3A_1392 : vector<16xf32>
        tpu.vector_store_idx %arg9[%add3A_1390], %mul3A_1393 : memref<16384xf32, #tpu.memory_space<vmem>>[vector<16xi32>], vector<16xf32>,
        %gather3A_1394 = tpu.vector_load_idx %arg7[%add3A_1375, %add3A_109] : memref<512x32xf32, #tpu.memory_space<vmem>>[vector<16xi32>, vector<16xi32>], vector<16xf32>,
        %add3A_1395 = arith.addi %add3A_248, %broadcast_in_dim3A_1378 : vector<16xi32>
        %mul3A_1396 = arith.constant 5.65685415 : f32
        %mul3A_1397 = vector.broadcast %mul3A_1396 : f32 to vector<16xf32>
        %mul3A_1398 = arith.mulf %gather3A_1394, %mul3A_1397 : vector<16xf32>
        tpu.vector_store_idx %arg9[%add3A_1395], %mul3A_1398 : memref<16384xf32, #tpu.memory_space<vmem>>[vector<16xi32>], vector<16xf32>,
        %gather3A_1399 = tpu.vector_load_idx %arg7[%add3A_1375, %add3A_112] : memref<512x32xf32, #tpu.memory_space<vmem>>[vector<16xi32>, vector<16xi32>], vector<16xf32>,
        %add3A_1400 = arith.addi %add3A_262, %broadcast_in_dim3A_1378 : vector<16xi32>
        %mul3A_1401 = arith.constant 5.65685415 : f32
        %mul3A_1402 = vector.broadcast %mul3A_1401 : f32 to vector<16xf32>
        %mul3A_1403 = arith.mulf %gather3A_1399, %mul3A_1402 : vector<16xf32>
        tpu.vector_store_idx %arg9[%add3A_1400], %mul3A_1403 : memref<16384xf32, #tpu.memory_space<vmem>>[vector<16xi32>], vector<16xf32>,
        %gather3A_1404 = tpu.vector_load_idx %arg7[%add3A_1375, %add3A_115] : memref<512x32xf32, #tpu.memory_space<vmem>>[vector<16xi32>, vector<16xi32>], vector<16xf32>,
        %add3A_1405 = arith.addi %add3A_276, %broadcast_in_dim3A_1378 : vector<16xi32>
        %mul3A_1406 = arith.constant 5.65685415 : f32
        %mul3A_1407 = vector.broadcast %mul3A_1406 : f32 to vector<16xf32>
        %mul3A_1408 = arith.mulf %gather3A_1404, %mul3A_1407 : vector<16xf32>
        tpu.vector_store_idx %arg9[%add3A_1405], %mul3A_1408 : memref<16384xf32, #tpu.memory_space<vmem>>[vector<16xi32>], vector<16xf32>,
        %gather3A_1409 = tpu.vector_load_idx %arg7[%add3A_1375, %add3A_118] : memref<512x32xf32, #tpu.memory_space<vmem>>[vector<16xi32>, vector<16xi32>], vector<16xf32>,
        %add3A_1410 = arith.addi %add3A_290, %broadcast_in_dim3A_1378 : vector<16xi32>
        %mul3A_1411 = arith.constant 5.65685415 : f32
        %mul3A_1412 = vector.broadcast %mul3A_1411 : f32 to vector<16xf32>
        %mul3A_1413 = arith.mulf %gather3A_1409, %mul3A_1412 : vector<16xf32>
        tpu.vector_store_idx %arg9[%add3A_1410], %mul3A_1413 : memref<16384xf32, #tpu.memory_space<vmem>>[vector<16xi32>], vector<16xf32>,
        %gather3A_1414 = tpu.vector_load_idx %arg7[%add3A_1375, %add3A_121] : memref<512x32xf32, #tpu.memory_space<vmem>>[vector<16xi32>, vector<16xi32>], vector<16xf32>,
        %add3A_1415 = arith.addi %add3A_304, %broadcast_in_dim3A_1378 : vector<16xi32>
        %mul3A_1416 = arith.constant 5.65685415 : f32
        %mul3A_1417 = vector.broadcast %mul3A_1416 : f32 to vector<16xf32>
        %mul3A_1418 = arith.mulf %gather3A_1414, %mul3A_1417 : vector<16xf32>
        tpu.vector_store_idx %arg9[%add3A_1415], %mul3A_1418 : memref<16384xf32, #tpu.memory_space<vmem>>[vector<16xi32>], vector<16xf32>,
        %gather3A_1419 = tpu.vector_load_idx %arg7[%add3A_1375, %add3A_124] : memref<512x32xf32, #tpu.memory_space<vmem>>[vector<16xi32>, vector<16xi32>], vector<16xf32>,
        %add3A_1420 = arith.addi %add3A_318, %broadcast_in_dim3A_1378 : vector<16xi32>
        %mul3A_1421 = arith.constant 5.65685415 : f32
        %mul3A_1422 = vector.broadcast %mul3A_1421 : f32 to vector<16xf32>
        %mul3A_1423 = arith.mulf %gather3A_1419, %mul3A_1422 : vector<16xf32>
        tpu.vector_store_idx %arg9[%add3A_1420], %mul3A_1423 : memref<16384xf32, #tpu.memory_space<vmem>>[vector<16xi32>], vector<16xf32>,
        %gather3A_1424 = tpu.vector_load_idx %arg7[%add3A_1375, %add3A_127] : memref<512x32xf32, #tpu.memory_space<vmem>>[vector<16xi32>, vector<16xi32>], vector<16xf32>,
        %add3A_1425 = arith.addi %add3A_332, %broadcast_in_dim3A_1378 : vector<16xi32>
        %mul3A_1426 = arith.constant 5.65685415 : f32
        %mul3A_1427 = vector.broadcast %mul3A_1426 : f32 to vector<16xf32>
        %mul3A_1428 = arith.mulf %gather3A_1424, %mul3A_1427 : vector<16xf32>
        tpu.vector_store_idx %arg9[%add3A_1425], %mul3A_1428 : memref<16384xf32, #tpu.memory_space<vmem>>[vector<16xi32>], vector<16xf32>,
        %gather3A_1429 = tpu.vector_load_idx %arg7[%add3A_1375, %add3A_130] : memref<512x32xf32, #tpu.memory_space<vmem>>[vector<16xi32>, vector<16xi32>], vector<16xf32>,
        %add3A_1430 = arith.addi %add3A_346, %broadcast_in_dim3A_1378 : vector<16xi32>
        %mul3A_1431 = arith.constant 5.65685415 : f32
        %mul3A_1432 = vector.broadcast %mul3A_1431 : f32 to vector<16xf32>
        %mul3A_1433 = arith.mulf %gather3A_1429, %mul3A_1432 : vector<16xf32>
        tpu.vector_store_idx %arg9[%add3A_1430], %mul3A_1433 : memref<16384xf32, #tpu.memory_space<vmem>>[vector<16xi32>], vector<16xf32>,
        %gather3A_1434 = tpu.vector_load_idx %arg7[%add3A_1375, %add3A_133] : memref<512x32xf32, #tpu.memory_space<vmem>>[vector<16xi32>, vector<16xi32>], vector<16xf32>,
        %add3A_1435 = arith.addi %add3A_360, %broadcast_in_dim3A_1378 : vector<16xi32>
        %mul3A_1436 = arith.constant 5.65685415 : f32
        %mul3A_1437 = vector.broadcast %mul3A_1436 : f32 to vector<16xf32>
        %mul3A_1438 = arith.mulf %gather3A_1434, %mul3A_1437 : vector<16xf32>
        tpu.vector_store_idx %arg9[%add3A_1435], %mul3A_1438 : memref<16384xf32, #tpu.memory_space<vmem>>[vector<16xi32>], vector<16xf32>,
        %gather3A_1439 = tpu.vector_load_idx %arg7[%add3A_1375, %add3A_136] : memref<512x32xf32, #tpu.memory_space<vmem>>[vector<16xi32>, vector<16xi32>], vector<16xf32>,
        %add3A_1440 = arith.addi %add3A_374, %broadcast_in_dim3A_1378 : vector<16xi32>
        %mul3A_1441 = arith.constant 5.65685415 : f32
        %mul3A_1442 = vector.broadcast %mul3A_1441 : f32 to vector<16xf32>
        %mul3A_1443 = arith.mulf %gather3A_1439, %mul3A_1442 : vector<16xf32>
        tpu.vector_store_idx %arg9[%add3A_1440], %mul3A_1443 : memref<16384xf32, #tpu.memory_space<vmem>>[vector<16xi32>], vector<16xf32>,
        %gather3A_1444 = tpu.vector_load_idx %arg7[%add3A_1375, %add3A_139] : memref<512x32xf32, #tpu.memory_space<vmem>>[vector<16xi32>, vector<16xi32>], vector<16xf32>,
        %add3A_1445 = arith.addi %add3A_388, %broadcast_in_dim3A_1378 : vector<16xi32>
        %mul3A_1446 = arith.constant 5.65685415 : f32
        %mul3A_1447 = vector.broadcast %mul3A_1446 : f32 to vector<16xf32>
        %mul3A_1448 = arith.mulf %gather3A_1444, %mul3A_1447 : vector<16xf32>
        tpu.vector_store_idx %arg9[%add3A_1445], %mul3A_1448 : memref<16384xf32, #tpu.memory_space<vmem>>[vector<16xi32>], vector<16xf32>,
        %gather3A_1449 = tpu.vector_load_idx %arg7[%add3A_1375, %add3A_142] : memref<512x32xf32, #tpu.memory_space<vmem>>[vector<16xi32>, vector<16xi32>], vector<16xf32>,
        %add3A_1450 = arith.addi %add3A_402, %broadcast_in_dim3A_1378 : vector<16xi32>
        %mul3A_1451 = arith.constant 5.65685415 : f32
        %mul3A_1452 = vector.broadcast %mul3A_1451 : f32 to vector<16xf32>
        %mul3A_1453 = arith.mulf %gather3A_1449, %mul3A_1452 : vector<16xf32>
        tpu.vector_store_idx %arg9[%add3A_1450], %mul3A_1453 : memref<16384xf32, #tpu.memory_space<vmem>>[vector<16xi32>], vector<16xf32>,
        %gather3A_1454 = tpu.vector_load_idx %arg7[%add3A_1375, %add3A_145] : memref<512x32xf32, #tpu.memory_space<vmem>>[vector<16xi32>, vector<16xi32>], vector<16xf32>,
        %add3A_1455 = arith.addi %add3A_416, %broadcast_in_dim3A_1378 : vector<16xi32>
        %mul3A_1456 = arith.constant 5.65685415 : f32
        %mul3A_1457 = vector.broadcast %mul3A_1456 : f32 to vector<16xf32>
        %mul3A_1458 = arith.mulf %gather3A_1454, %mul3A_1457 : vector<16xf32>
        tpu.vector_store_idx %arg9[%add3A_1455], %mul3A_1458 : memref<16384xf32, #tpu.memory_space<vmem>>[vector<16xi32>], vector<16xf32>,
        %add3A_1459 = arith.constant 11264 : i32
        %add3A_1460 = arith.addi %add3A_1459, %mul3A_863 : i32
        %broadcast_in_dim3A_1461 = vector.broadcast %add3A_1460 : i32 to vector<16xi32>
        %gather3A_1462 = tpu.vector_load_idx %arg7[%add3A_1375, %add3A_148] : memref<512x32xf32, #tpu.memory_space<vmem>>[vector<16xi32>, vector<16xi32>], vector<16xf32>,
        %add3A_1463 = arith.addi %add3A_206, %broadcast_in_dim3A_1461 : vector<16xi32>
        %mul3A_1464 = arith.constant 5.65685415 : f32
        %mul3A_1465 = vector.broadcast %mul3A_1464 : f32 to vector<16xf32>
        %mul3A_1466 = arith.mulf %gather3A_1462, %mul3A_1465 : vector<16xf32>
        tpu.vector_store_idx %arg9[%add3A_1463], %mul3A_1466 : memref<16384xf32, #tpu.memory_space<vmem>>[vector<16xi32>], vector<16xf32>,
        %gather3A_1467 = tpu.vector_load_idx %arg7[%add3A_1375, %add3A_151] : memref<512x32xf32, #tpu.memory_space<vmem>>[vector<16xi32>, vector<16xi32>], vector<16xf32>,
        %add3A_1468 = arith.addi %add3A_220, %broadcast_in_dim3A_1461 : vector<16xi32>
        %mul3A_1469 = arith.constant 5.65685415 : f32
        %mul3A_1470 = vector.broadcast %mul3A_1469 : f32 to vector<16xf32>
        %mul3A_1471 = arith.mulf %gather3A_1467, %mul3A_1470 : vector<16xf32>
        tpu.vector_store_idx %arg9[%add3A_1468], %mul3A_1471 : memref<16384xf32, #tpu.memory_space<vmem>>[vector<16xi32>], vector<16xf32>,
        %gather3A_1472 = tpu.vector_load_idx %arg7[%add3A_1375, %add3A_154] : memref<512x32xf32, #tpu.memory_space<vmem>>[vector<16xi32>, vector<16xi32>], vector<16xf32>,
        %add3A_1473 = arith.addi %add3A_234, %broadcast_in_dim3A_1461 : vector<16xi32>
        %mul3A_1474 = arith.constant 5.65685415 : f32
        %mul3A_1475 = vector.broadcast %mul3A_1474 : f32 to vector<16xf32>
        %mul3A_1476 = arith.mulf %gather3A_1472, %mul3A_1475 : vector<16xf32>
        tpu.vector_store_idx %arg9[%add3A_1473], %mul3A_1476 : memref<16384xf32, #tpu.memory_space<vmem>>[vector<16xi32>], vector<16xf32>,
        %gather3A_1477 = tpu.vector_load_idx %arg7[%add3A_1375, %add3A_157] : memref<512x32xf32, #tpu.memory_space<vmem>>[vector<16xi32>, vector<16xi32>], vector<16xf32>,
        %add3A_1478 = arith.addi %add3A_248, %broadcast_in_dim3A_1461 : vector<16xi32>
        %mul3A_1479 = arith.constant 5.65685415 : f32
        %mul3A_1480 = vector.broadcast %mul3A_1479 : f32 to vector<16xf32>
        %mul3A_1481 = arith.mulf %gather3A_1477, %mul3A_1480 : vector<16xf32>
        tpu.vector_store_idx %arg9[%add3A_1478], %mul3A_1481 : memref<16384xf32, #tpu.memory_space<vmem>>[vector<16xi32>], vector<16xf32>,
        %gather3A_1482 = tpu.vector_load_idx %arg7[%add3A_1375, %add3A_160] : memref<512x32xf32, #tpu.memory_space<vmem>>[vector<16xi32>, vector<16xi32>], vector<16xf32>,
        %add3A_1483 = arith.addi %add3A_262, %broadcast_in_dim3A_1461 : vector<16xi32>
        %mul3A_1484 = arith.constant 5.65685415 : f32
        %mul3A_1485 = vector.broadcast %mul3A_1484 : f32 to vector<16xf32>
        %mul3A_1486 = arith.mulf %gather3A_1482, %mul3A_1485 : vector<16xf32>
        tpu.vector_store_idx %arg9[%add3A_1483], %mul3A_1486 : memref<16384xf32, #tpu.memory_space<vmem>>[vector<16xi32>], vector<16xf32>,
        %gather3A_1487 = tpu.vector_load_idx %arg7[%add3A_1375, %add3A_163] : memref<512x32xf32, #tpu.memory_space<vmem>>[vector<16xi32>, vector<16xi32>], vector<16xf32>,
        %add3A_1488 = arith.addi %add3A_276, %broadcast_in_dim3A_1461 : vector<16xi32>
        %mul3A_1489 = arith.constant 5.65685415 : f32
        %mul3A_1490 = vector.broadcast %mul3A_1489 : f32 to vector<16xf32>
        %mul3A_1491 = arith.mulf %gather3A_1487, %mul3A_1490 : vector<16xf32>
        tpu.vector_store_idx %arg9[%add3A_1488], %mul3A_1491 : memref<16384xf32, #tpu.memory_space<vmem>>[vector<16xi32>], vector<16xf32>,
        %gather3A_1492 = tpu.vector_load_idx %arg7[%add3A_1375, %add3A_166] : memref<512x32xf32, #tpu.memory_space<vmem>>[vector<16xi32>, vector<16xi32>], vector<16xf32>,
        %add3A_1493 = arith.addi %add3A_290, %broadcast_in_dim3A_1461 : vector<16xi32>
        %mul3A_1494 = arith.constant 5.65685415 : f32
        %mul3A_1495 = vector.broadcast %mul3A_1494 : f32 to vector<16xf32>
        %mul3A_1496 = arith.mulf %gather3A_1492, %mul3A_1495 : vector<16xf32>
        tpu.vector_store_idx %arg9[%add3A_1493], %mul3A_1496 : memref<16384xf32, #tpu.memory_space<vmem>>[vector<16xi32>], vector<16xf32>,
        %gather3A_1497 = tpu.vector_load_idx %arg7[%add3A_1375, %add3A_169] : memref<512x32xf32, #tpu.memory_space<vmem>>[vector<16xi32>, vector<16xi32>], vector<16xf32>,
        %add3A_1498 = arith.addi %add3A_304, %broadcast_in_dim3A_1461 : vector<16xi32>
        %mul3A_1499 = arith.constant 5.65685415 : f32
        %mul3A_1500 = vector.broadcast %mul3A_1499 : f32 to vector<16xf32>
        %mul3A_1501 = arith.mulf %gather3A_1497, %mul3A_1500 : vector<16xf32>
        tpu.vector_store_idx %arg9[%add3A_1498], %mul3A_1501 : memref<16384xf32, #tpu.memory_space<vmem>>[vector<16xi32>], vector<16xf32>,
        %gather3A_1502 = tpu.vector_load_idx %arg7[%add3A_1375, %add3A_172] : memref<512x32xf32, #tpu.memory_space<vmem>>[vector<16xi32>, vector<16xi32>], vector<16xf32>,
        %add3A_1503 = arith.addi %add3A_318, %broadcast_in_dim3A_1461 : vector<16xi32>
        %mul3A_1504 = arith.constant 5.65685415 : f32
        %mul3A_1505 = vector.broadcast %mul3A_1504 : f32 to vector<16xf32>
        %mul3A_1506 = arith.mulf %gather3A_1502, %mul3A_1505 : vector<16xf32>
        tpu.vector_store_idx %arg9[%add3A_1503], %mul3A_1506 : memref<16384xf32, #tpu.memory_space<vmem>>[vector<16xi32>], vector<16xf32>,
        %gather3A_1507 = tpu.vector_load_idx %arg7[%add3A_1375, %add3A_175] : memref<512x32xf32, #tpu.memory_space<vmem>>[vector<16xi32>, vector<16xi32>], vector<16xf32>,
        %add3A_1508 = arith.addi %add3A_332, %broadcast_in_dim3A_1461 : vector<16xi32>
        %mul3A_1509 = arith.constant 5.65685415 : f32
        %mul3A_1510 = vector.broadcast %mul3A_1509 : f32 to vector<16xf32>
        %mul3A_1511 = arith.mulf %gather3A_1507, %mul3A_1510 : vector<16xf32>
        tpu.vector_store_idx %arg9[%add3A_1508], %mul3A_1511 : memref<16384xf32, #tpu.memory_space<vmem>>[vector<16xi32>], vector<16xf32>,
        %gather3A_1512 = tpu.vector_load_idx %arg7[%add3A_1375, %add3A_178] : memref<512x32xf32, #tpu.memory_space<vmem>>[vector<16xi32>, vector<16xi32>], vector<16xf32>,
        %add3A_1513 = arith.addi %add3A_346, %broadcast_in_dim3A_1461 : vector<16xi32>
        %mul3A_1514 = arith.constant 5.65685415 : f32
        %mul3A_1515 = vector.broadcast %mul3A_1514 : f32 to vector<16xf32>
        %mul3A_1516 = arith.mulf %gather3A_1512, %mul3A_1515 : vector<16xf32>
        tpu.vector_store_idx %arg9[%add3A_1513], %mul3A_1516 : memref<16384xf32, #tpu.memory_space<vmem>>[vector<16xi32>], vector<16xf32>,
        %gather3A_1517 = tpu.vector_load_idx %arg7[%add3A_1375, %add3A_181] : memref<512x32xf32, #tpu.memory_space<vmem>>[vector<16xi32>, vector<16xi32>], vector<16xf32>,
        %add3A_1518 = arith.addi %add3A_360, %broadcast_in_dim3A_1461 : vector<16xi32>
        %mul3A_1519 = arith.constant 5.65685415 : f32
        %mul3A_1520 = vector.broadcast %mul3A_1519 : f32 to vector<16xf32>
        %mul3A_1521 = arith.mulf %gather3A_1517, %mul3A_1520 : vector<16xf32>
        tpu.vector_store_idx %arg9[%add3A_1518], %mul3A_1521 : memref<16384xf32, #tpu.memory_space<vmem>>[vector<16xi32>], vector<16xf32>,
        %gather3A_1522 = tpu.vector_load_idx %arg7[%add3A_1375, %add3A_184] : memref<512x32xf32, #tpu.memory_space<vmem>>[vector<16xi32>, vector<16xi32>], vector<16xf32>,
        %add3A_1523 = arith.addi %add3A_374, %broadcast_in_dim3A_1461 : vector<16xi32>
        %mul3A_1524 = arith.constant 5.65685415 : f32
        %mul3A_1525 = vector.broadcast %mul3A_1524 : f32 to vector<16xf32>
        %mul3A_1526 = arith.mulf %gather3A_1522, %mul3A_1525 : vector<16xf32>
        tpu.vector_store_idx %arg9[%add3A_1523], %mul3A_1526 : memref<16384xf32, #tpu.memory_space<vmem>>[vector<16xi32>], vector<16xf32>,
        %gather3A_1527 = tpu.vector_load_idx %arg7[%add3A_1375, %add3A_187] : memref<512x32xf32, #tpu.memory_space<vmem>>[vector<16xi32>, vector<16xi32>], vector<16xf32>,
        %add3A_1528 = arith.addi %add3A_388, %broadcast_in_dim3A_1461 : vector<16xi32>
        %mul3A_1529 = arith.constant 5.65685415 : f32
        %mul3A_1530 = vector.broadcast %mul3A_1529 : f32 to vector<16xf32>
        %mul3A_1531 = arith.mulf %gather3A_1527, %mul3A_1530 : vector<16xf32>
        tpu.vector_store_idx %arg9[%add3A_1528], %mul3A_1531 : memref<16384xf32, #tpu.memory_space<vmem>>[vector<16xi32>], vector<16xf32>,
        %gather3A_1532 = tpu.vector_load_idx %arg7[%add3A_1375, %add3A_190] : memref<512x32xf32, #tpu.memory_space<vmem>>[vector<16xi32>, vector<16xi32>], vector<16xf32>,
        %add3A_1533 = arith.addi %add3A_402, %broadcast_in_dim3A_1461 : vector<16xi32>
        %mul3A_1534 = arith.constant 5.65685415 : f32
        %mul3A_1535 = vector.broadcast %mul3A_1534 : f32 to vector<16xf32>
        %mul3A_1536 = arith.mulf %gather3A_1532, %mul3A_1535 : vector<16xf32>
        tpu.vector_store_idx %arg9[%add3A_1533], %mul3A_1536 : memref<16384xf32, #tpu.memory_space<vmem>>[vector<16xi32>], vector<16xf32>,
        %gather3A_1537 = tpu.vector_load_idx %arg7[%add3A_1375, %add3A_193] : memref<512x32xf32, #tpu.memory_space<vmem>>[vector<16xi32>, vector<16xi32>], vector<16xf32>,
        %add3A_1538 = arith.addi %add3A_416, %broadcast_in_dim3A_1461 : vector<16xi32>
        %mul3A_1539 = arith.constant 5.65685415 : f32
        %mul3A_1540 = vector.broadcast %mul3A_1539 : f32 to vector<16xf32>
        %mul3A_1541 = arith.mulf %gather3A_1537, %mul3A_1540 : vector<16xf32>
        tpu.vector_store_idx %arg9[%add3A_1538], %mul3A_1541 : memref<16384xf32, #tpu.memory_space<vmem>>[vector<16xi32>], vector<16xf32>,
        %scan3A_1542 = arith.constant 0 : i32
        scf.yield %scan3A_1542 : i32
      }
      %scan3A_807 = arith.constant 8 : i32
      %add3A_808 = arith.constant 2 : i32
      %add3A_809 = arith.addi %add3A_734, %add3A_808 : i32
      %lt3A_810 = arith.constant 50 : i32
      %lt3A_811 = arith.cmpi slt, %add3A_809, %lt3A_810 : i32
      %convert_element_type3A_812 = arith.extui %lt3A_811 : i1 to i32
      %cond3A_813 = arith.constant 0 : i32
      %cond3A_814 = arith.cmpi ne, %convert_element_type3A_812, %cond3A_813 : i32
      scf.if %cond3A_814 {
        %add3A_860 = arith.constant 2 : i32
        %add3A_861 = arith.addi %add3A_734, %add3A_860 : i32
        %mul3A_862 = arith.constant 4 : i32
        %mul3A_863 = arith.muli %add3A_861, %mul3A_862 : i32
        %add3A_864 = arith.constant 0 : i32
        %add3A_865 = arith.addi %mul3A_863, %add3A_864 : i32
        %dma_start3A_866 = arith.constant 0 : i32
        %dma_start3A_867 = arith.constant 0 : i32
        %dma_start3A_868 = tpu.memref_slice %arg7[%dma_start3A_866, %dma_start3A_867] : memref<512x32xf32, #tpu.memory_space<vmem>> -> memref<128x32xf32, #tpu.memory_space<vmem>>
        %dma_start3A_869 = arith.constant 0 : i32
        %dma_start3A_870 = tpu.memref_slice %arg5[%add3A_865, %dma_start3A_869] : memref<200x128xi32, #tpu.memory_space<vmem>> -> memref<1x128xi32, #tpu.memory_space<vmem>>
        %dma_start3A_871 = tpu.memref_squeeze %dma_start3A_870 : memref<1x128xi32, #tpu.memory_space<vmem>> -> memref<128xi32, #tpu.memory_space<vmem>>
        %dma_start3A_872 = arith.constant 0 : i32
        %dma_start3A_873 = arith.constant 0 : i32
        %dma_start3A_874 = tpu.memref_slice %arg3[%dma_start3A_872, %dma_start3A_873] : memref<1000000x32xf32, #tpu.memory_space<hbm>> -> memref<1000000x32xf32, #tpu.memory_space<hbm>>
        tpu.enqueue_indirect_dma source(%dma_start3A_874 : memref<1000000x32xf32, #tpu.memory_space<hbm>>) target(%dma_start3A_868 : memref<128x32xf32, #tpu.memory_space<vmem>>) offsets(%dma_start3A_871 : memref<128xi32, #tpu.memory_space<vmem>>) semaphore(%arg11 : memref<!tpu.dma_semaphore, #tpu.memory_space<semaphore_mem>>)
        %mul3A_875 = arith.constant 4 : i32
        %mul3A_876 = arith.muli %add3A_861, %mul3A_875 : i32
        %add3A_877 = arith.constant 1 : i32
        %add3A_878 = arith.addi %mul3A_876, %add3A_877 : i32
        %dma_start3A_879 = arith.constant 128 : i32
        %dma_start3A_880 = arith.constant 0 : i32
        %dma_start3A_881 = tpu.memref_slice %arg7[%dma_start3A_879, %dma_start3A_880] : memref<512x32xf32, #tpu.memory_space<vmem>> -> memref<128x32xf32, #tpu.memory_space<vmem>>
        %dma_start3A_882 = arith.constant 0 : i32
        %dma_start3A_883 = tpu.memref_slice %arg5[%add3A_878, %dma_start3A_882] : memref<200x128xi32, #tpu.memory_space<vmem>> -> memref<1x128xi32, #tpu.memory_space<vmem>>
        %dma_start3A_884 = tpu.memref_squeeze %dma_start3A_883 : memref<1x128xi32, #tpu.memory_space<vmem>> -> memref<128xi32, #tpu.memory_space<vmem>>
        %dma_start3A_885 = arith.constant 0 : i32
        %dma_start3A_886 = arith.constant 0 : i32
        %dma_start3A_887 = tpu.memref_slice %arg3[%dma_start3A_885, %dma_start3A_886] : memref<1000000x32xf32, #tpu.memory_space<hbm>> -> memref<1000000x32xf32, #tpu.memory_space<hbm>>
        tpu.enqueue_indirect_dma source(%dma_start3A_887 : memref<1000000x32xf32, #tpu.memory_space<hbm>>) target(%dma_start3A_881 : memref<128x32xf32, #tpu.memory_space<vmem>>) offsets(%dma_start3A_884 : memref<128xi32, #tpu.memory_space<vmem>>) semaphore(%arg11 : memref<!tpu.dma_semaphore, #tpu.memory_space<semaphore_mem>>)
        %mul3A_888 = arith.constant 4 : i32
        %mul3A_889 = arith.muli %add3A_861, %mul3A_888 : i32
        %add3A_890 = arith.constant 2 : i32
        %add3A_891 = arith.addi %mul3A_889, %add3A_890 : i32
        %dma_start3A_892 = arith.constant 256 : i32
        %dma_start3A_893 = arith.constant 0 : i32
        %dma_start3A_894 = tpu.memref_slice %arg7[%dma_start3A_892, %dma_start3A_893] : memref<512x32xf32, #tpu.memory_space<vmem>> -> memref<128x32xf32, #tpu.memory_space<vmem>>
        %dma_start3A_895 = arith.constant 0 : i32
        %dma_start3A_896 = tpu.memref_slice %arg5[%add3A_891, %dma_start3A_895] : memref<200x128xi32, #tpu.memory_space<vmem>> -> memref<1x128xi32, #tpu.memory_space<vmem>>
        %dma_start3A_897 = tpu.memref_squeeze %dma_start3A_896 : memref<1x128xi32, #tpu.memory_space<vmem>> -> memref<128xi32, #tpu.memory_space<vmem>>
        %dma_start3A_898 = arith.constant 0 : i32
        %dma_start3A_899 = arith.constant 0 : i32
        %dma_start3A_900 = tpu.memref_slice %arg3[%dma_start3A_898, %dma_start3A_899] : memref<1000000x32xf32, #tpu.memory_space<hbm>> -> memref<1000000x32xf32, #tpu.memory_space<hbm>>
        tpu.enqueue_indirect_dma source(%dma_start3A_900 : memref<1000000x32xf32, #tpu.memory_space<hbm>>) target(%dma_start3A_894 : memref<128x32xf32, #tpu.memory_space<vmem>>) offsets(%dma_start3A_897 : memref<128xi32, #tpu.memory_space<vmem>>) semaphore(%arg11 : memref<!tpu.dma_semaphore, #tpu.memory_space<semaphore_mem>>)
        %mul3A_901 = arith.constant 4 : i32
        %mul3A_902 = arith.muli %add3A_861, %mul3A_901 : i32
        %add3A_903 = arith.constant 3 : i32
        %add3A_904 = arith.addi %mul3A_902, %add3A_903 : i32
        %dma_start3A_905 = arith.constant 384 : i32
        %dma_start3A_906 = arith.constant 0 : i32
        %dma_start3A_907 = tpu.memref_slice %arg7[%dma_start3A_905, %dma_start3A_906] : memref<512x32xf32, #tpu.memory_space<vmem>> -> memref<128x32xf32, #tpu.memory_space<vmem>>
        %dma_start3A_908 = arith.constant 0 : i32
        %dma_start3A_909 = tpu.memref_slice %arg5[%add3A_904, %dma_start3A_908] : memref<200x128xi32, #tpu.memory_space<vmem>> -> memref<1x128xi32, #tpu.memory_space<vmem>>
        %dma_start3A_910 = tpu.memref_squeeze %dma_start3A_909 : memref<1x128xi32, #tpu.memory_space<vmem>> -> memref<128xi32, #tpu.memory_space<vmem>>
        %dma_start3A_911 = arith.constant 0 : i32
        %dma_start3A_912 = arith.constant 0 : i32
        %dma_start3A_913 = tpu.memref_slice %arg3[%dma_start3A_911, %dma_start3A_912] : memref<1000000x32xf32, #tpu.memory_space<hbm>> -> memref<1000000x32xf32, #tpu.memory_space<hbm>>
        tpu.enqueue_indirect_dma source(%dma_start3A_913 : memref<1000000x32xf32, #tpu.memory_space<hbm>>) target(%dma_start3A_907 : memref<128x32xf32, #tpu.memory_space<vmem>>) offsets(%dma_start3A_910 : memref<128xi32, #tpu.memory_space<vmem>>) semaphore(%arg11 : memref<!tpu.dma_semaphore, #tpu.memory_space<semaphore_mem>>)
      } else {
      }
      %dma_start3A_815 = arith.constant 0 : i32
      %dma_start3A_816 = arith.constant 0 : i32
      %dma_start3A_817 = tpu.memref_slice %arg9[%dma_start3A_816] : memref<16384xf32, #tpu.memory_space<vmem>> -> memref<4096xf32, #tpu.memory_space<vmem>>
      %dma_start3A_818 = arith.constant 0 : i32
      %dma_start3A_819 = tpu.memref_slice %arg4[%shift_right_arithmetic3A_739, %dma_start3A_815, %shift_right_arithmetic3A_743, %dma_start3A_818] : memref<50x4x32x4096xf32, #tpu.memory_space<hbm>> -> memref<1x1x1x4096xf32, #tpu.memory_space<hbm>>
      %dma_start3A_820 = tpu.memref_squeeze %dma_start3A_819 : memref<1x1x1x4096xf32, #tpu.memory_space<hbm>> -> memref<4096xf32, #tpu.memory_space<hbm>>
      %dma_start3A_821 = arith.constant 0 : i32
      %dma_start3A_822 = tpu.memref_slice %arg4[%shift_right_arithmetic3A_739, %dma_start3A_815, %shift_right_arithmetic3A_743, %dma_start3A_821] : memref<50x4x32x4096xf32, #tpu.memory_space<hbm>> -> memref<1x1x1x4096xf32, #tpu.memory_space<hbm>>
      %dma_start3A_823 = tpu.memref_squeeze %dma_start3A_822 : memref<1x1x1x4096xf32, #tpu.memory_space<hbm>> -> memref<4096xf32, #tpu.memory_space<hbm>>
      %dma_start3A_824 = arith.constant 0 : i32
      %dma_start3A_825 = tpu.memref_slice %arg9[%dma_start3A_824] : memref<16384xf32, #tpu.memory_space<vmem>> -> memref<4096xf32, #tpu.memory_space<vmem>>
      tpu.enqueue_dma source(%dma_start3A_825 : memref<4096xf32, #tpu.memory_space<vmem>>) target(%dma_start3A_823 : memref<4096xf32, #tpu.memory_space<hbm>>) target_semaphore(%arg13 : memref<!tpu.dma_semaphore, #tpu.memory_space<semaphore_mem>>)
      %dma_start3A_826 = arith.constant 1 : i32
      %dma_start3A_827 = arith.constant 4096 : i32
      %dma_start3A_828 = tpu.memref_slice %arg9[%dma_start3A_827] : memref<16384xf32, #tpu.memory_space<vmem>> -> memref<4096xf32, #tpu.memory_space<vmem>>
      %dma_start3A_829 = arith.constant 0 : i32
      %dma_start3A_830 = tpu.memref_slice %arg4[%shift_right_arithmetic3A_739, %dma_start3A_826, %shift_right_arithmetic3A_743, %dma_start3A_829] : memref<50x4x32x4096xf32, #tpu.memory_space<hbm>> -> memref<1x1x1x4096xf32, #tpu.memory_space<hbm>>
      %dma_start3A_831 = tpu.memref_squeeze %dma_start3A_830 : memref<1x1x1x4096xf32, #tpu.memory_space<hbm>> -> memref<4096xf32, #tpu.memory_space<hbm>>
      %dma_start3A_832 = arith.constant 0 : i32
      %dma_start3A_833 = tpu.memref_slice %arg4[%shift_right_arithmetic3A_739, %dma_start3A_826, %shift_right_arithmetic3A_743, %dma_start3A_832] : memref<50x4x32x4096xf32, #tpu.memory_space<hbm>> -> memref<1x1x1x4096xf32, #tpu.memory_space<hbm>>
      %dma_start3A_834 = tpu.memref_squeeze %dma_start3A_833 : memref<1x1x1x4096xf32, #tpu.memory_space<hbm>> -> memref<4096xf32, #tpu.memory_space<hbm>>
      %dma_start3A_835 = arith.constant 4096 : i32
      %dma_start3A_836 = tpu.memref_slice %arg9[%dma_start3A_835] : memref<16384xf32, #tpu.memory_space<vmem>> -> memref<4096xf32, #tpu.memory_space<vmem>>
      tpu.enqueue_dma source(%dma_start3A_836 : memref<4096xf32, #tpu.memory_space<vmem>>) target(%dma_start3A_834 : memref<4096xf32, #tpu.memory_space<hbm>>) target_semaphore(%arg13 : memref<!tpu.dma_semaphore, #tpu.memory_space<semaphore_mem>>)
      %dma_start3A_837 = arith.constant 2 : i32
      %dma_start3A_838 = arith.constant 8192 : i32
      %dma_start3A_839 = tpu.memref_slice %arg9[%dma_start3A_838] : memref<16384xf32, #tpu.memory_space<vmem>> -> memref<4096xf32, #tpu.memory_space<vmem>>
      %dma_start3A_840 = arith.constant 0 : i32
      %dma_start3A_841 = tpu.memref_slice %arg4[%shift_right_arithmetic3A_739, %dma_start3A_837, %shift_right_arithmetic3A_743, %dma_start3A_840] : memref<50x4x32x4096xf32, #tpu.memory_space<hbm>> -> memref<1x1x1x4096xf32, #tpu.memory_space<hbm>>
      %dma_start3A_842 = tpu.memref_squeeze %dma_start3A_841 : memref<1x1x1x4096xf32, #tpu.memory_space<hbm>> -> memref<4096xf32, #tpu.memory_space<hbm>>
      %dma_start3A_843 = arith.constant 0 : i32
      %dma_start3A_844 = tpu.memref_slice %arg4[%shift_right_arithmetic3A_739, %dma_start3A_837, %shift_right_arithmetic3A_743, %dma_start3A_843] : memref<50x4x32x4096xf32, #tpu.memory_space<hbm>> -> memref<1x1x1x4096xf32, #tpu.memory_space<hbm>>
      %dma_start3A_845 = tpu.memref_squeeze %dma_start3A_844 : memref<1x1x1x4096xf32, #tpu.memory_space<hbm>> -> memref<4096xf32, #tpu.memory_space<hbm>>
      %dma_start3A_846 = arith.constant 8192 : i32
      %dma_start3A_847 = tpu.memref_slice %arg9[%dma_start3A_846] : memref<16384xf32, #tpu.memory_space<vmem>> -> memref<4096xf32, #tpu.memory_space<vmem>>
      tpu.enqueue_dma source(%dma_start3A_847 : memref<4096xf32, #tpu.memory_space<vmem>>) target(%dma_start3A_845 : memref<4096xf32, #tpu.memory_space<hbm>>) target_semaphore(%arg13 : memref<!tpu.dma_semaphore, #tpu.memory_space<semaphore_mem>>)
      %dma_start3A_848 = arith.constant 3 : i32
      %dma_start3A_849 = arith.constant 12288 : i32
      %dma_start3A_850 = tpu.memref_slice %arg9[%dma_start3A_849] : memref<16384xf32, #tpu.memory_space<vmem>> -> memref<4096xf32, #tpu.memory_space<vmem>>
      %dma_start3A_851 = arith.constant 0 : i32
      %dma_start3A_852 = tpu.memref_slice %arg4[%shift_right_arithmetic3A_739, %dma_start3A_848, %shift_right_arithmetic3A_743, %dma_start3A_851] : memref<50x4x32x4096xf32, #tpu.memory_space<hbm>> -> memref<1x1x1x4096xf32, #tpu.memory_space<hbm>>
      %dma_start3A_853 = tpu.memref_squeeze %dma_start3A_852 : memref<1x1x1x4096xf32, #tpu.memory_space<hbm>> -> memref<4096xf32, #tpu.memory_space<hbm>>
      %dma_start3A_854 = arith.constant 0 : i32
      %dma_start3A_855 = tpu.memref_slice %arg4[%shift_right_arithmetic3A_739, %dma_start3A_848, %shift_right_arithmetic3A_743, %dma_start3A_854] : memref<50x4x32x4096xf32, #tpu.memory_space<hbm>> -> memref<1x1x1x4096xf32, #tpu.memory_space<hbm>>
      %dma_start3A_856 = tpu.memref_squeeze %dma_start3A_855 : memref<1x1x1x4096xf32, #tpu.memory_space<hbm>> -> memref<4096xf32, #tpu.memory_space<hbm>>
      %dma_start3A_857 = arith.constant 12288 : i32
      %dma_start3A_858 = tpu.memref_slice %arg9[%dma_start3A_857] : memref<16384xf32, #tpu.memory_space<vmem>> -> memref<4096xf32, #tpu.memory_space<vmem>>
      tpu.enqueue_dma source(%dma_start3A_858 : memref<4096xf32, #tpu.memory_space<vmem>>) target(%dma_start3A_856 : memref<4096xf32, #tpu.memory_space<hbm>>) target_semaphore(%arg13 : memref<!tpu.dma_semaphore, #tpu.memory_space<semaphore_mem>>)
      %scan3A_859 = arith.constant 0 : i32
      scf.yield %scan3A_859 : i32
    }
    %scan3A_501 = arith.constant 25 : i32
    %add3A_502 = arith.constant 192 : i32
    %add3A_503 = arith.addi %mul3A_2, %add3A_502 : i32
    %shift_right_arithmetic3A_504 = arith.constant 7 : i32
    %shift_right_arithmetic3A_505 = arith.shrsi %add3A_503, %shift_right_arithmetic3A_504 : i32
    %and3A_506 = arith.constant 127 : i32
    %and3A_507 = arith.andi %add3A_503, %and3A_506 : i32
    %shift_right_arithmetic3A_508 = arith.constant 2 : i32
    %shift_right_arithmetic3A_509 = arith.shrsi %and3A_507, %shift_right_arithmetic3A_508 : i32
    %dma_wait3A = arith.constant 0 : i32
    %dma_wait3A_510 = arith.constant 0 : i32
    %dma_wait3A_511 = tpu.memref_slice %arg8[%dma_wait3A_510] : memref<16384xf32, #tpu.memory_space<vmem>> -> memref<4096xf32, #tpu.memory_space<vmem>>
    %dma_wait3A_512 = arith.constant 0 : i32
    %dma_wait3A_513 = tpu.memref_slice %arg4[%shift_right_arithmetic3A_505, %dma_wait3A, %shift_right_arithmetic3A_509, %dma_wait3A_512] : memref<50x4x32x4096xf32, #tpu.memory_space<hbm>> -> memref<1x1x1x4096xf32, #tpu.memory_space<hbm>>
    %dma_wait3A_514 = tpu.memref_squeeze %dma_wait3A_513 : memref<1x1x1x4096xf32, #tpu.memory_space<hbm>> -> memref<4096xf32, #tpu.memory_space<hbm>>
    %dma_wait3A_515 = arith.constant 0 : i32
    %dma_wait3A_516 = tpu.memref_slice %arg4[%shift_right_arithmetic3A_505, %dma_wait3A, %shift_right_arithmetic3A_509, %dma_wait3A_515] : memref<50x4x32x4096xf32, #tpu.memory_space<hbm>> -> memref<1x1x1x4096xf32, #tpu.memory_space<hbm>>
    %dma_wait3A_517 = tpu.memref_squeeze %dma_wait3A_516 : memref<1x1x1x4096xf32, #tpu.memory_space<hbm>> -> memref<4096xf32, #tpu.memory_space<hbm>>
    %dma_wait3A_518 = arith.constant 0 : i32
    %dma_wait3A_519 = tpu.memref_slice %arg8[%dma_wait3A_518] : memref<16384xf32, #tpu.memory_space<vmem>> -> memref<4096xf32, #tpu.memory_space<vmem>>
    tpu.wait_dma2 semaphore(%arg12 : memref<!tpu.dma_semaphore, #tpu.memory_space<semaphore_mem>>) src(%dma_wait3A_519 : memref<4096xf32, #tpu.memory_space<vmem>>) dst(%dma_wait3A_517 : memref<4096xf32, #tpu.memory_space<hbm>>)
    %dma_wait3A_520 = arith.constant 1 : i32
    %dma_wait3A_521 = arith.constant 4096 : i32
    %dma_wait3A_522 = tpu.memref_slice %arg8[%dma_wait3A_521] : memref<16384xf32, #tpu.memory_space<vmem>> -> memref<4096xf32, #tpu.memory_space<vmem>>
    %dma_wait3A_523 = arith.constant 0 : i32
    %dma_wait3A_524 = tpu.memref_slice %arg4[%shift_right_arithmetic3A_505, %dma_wait3A_520, %shift_right_arithmetic3A_509, %dma_wait3A_523] : memref<50x4x32x4096xf32, #tpu.memory_space<hbm>> -> memref<1x1x1x4096xf32, #tpu.memory_space<hbm>>
    %dma_wait3A_525 = tpu.memref_squeeze %dma_wait3A_524 : memref<1x1x1x4096xf32, #tpu.memory_space<hbm>> -> memref<4096xf32, #tpu.memory_space<hbm>>
    %dma_wait3A_526 = arith.constant 0 : i32
    %dma_wait3A_527 = tpu.memref_slice %arg4[%shift_right_arithmetic3A_505, %dma_wait3A_520, %shift_right_arithmetic3A_509, %dma_wait3A_526] : memref<50x4x32x4096xf32, #tpu.memory_space<hbm>> -> memref<1x1x1x4096xf32, #tpu.memory_space<hbm>>
    %dma_wait3A_528 = tpu.memref_squeeze %dma_wait3A_527 : memref<1x1x1x4096xf32, #tpu.memory_space<hbm>> -> memref<4096xf32, #tpu.memory_space<hbm>>
    %dma_wait3A_529 = arith.constant 4096 : i32
    %dma_wait3A_530 = tpu.memref_slice %arg8[%dma_wait3A_529] : memref<16384xf32, #tpu.memory_space<vmem>> -> memref<4096xf32, #tpu.memory_space<vmem>>
    tpu.wait_dma2 semaphore(%arg12 : memref<!tpu.dma_semaphore, #tpu.memory_space<semaphore_mem>>) src(%dma_wait3A_530 : memref<4096xf32, #tpu.memory_space<vmem>>) dst(%dma_wait3A_528 : memref<4096xf32, #tpu.memory_space<hbm>>)
    %dma_wait3A_531 = arith.constant 2 : i32
    %dma_wait3A_532 = arith.constant 8192 : i32
    %dma_wait3A_533 = tpu.memref_slice %arg8[%dma_wait3A_532] : memref<16384xf32, #tpu.memory_space<vmem>> -> memref<4096xf32, #tpu.memory_space<vmem>>
    %dma_wait3A_534 = arith.constant 0 : i32
    %dma_wait3A_535 = tpu.memref_slice %arg4[%shift_right_arithmetic3A_505, %dma_wait3A_531, %shift_right_arithmetic3A_509, %dma_wait3A_534] : memref<50x4x32x4096xf32, #tpu.memory_space<hbm>> -> memref<1x1x1x4096xf32, #tpu.memory_space<hbm>>
    %dma_wait3A_536 = tpu.memref_squeeze %dma_wait3A_535 : memref<1x1x1x4096xf32, #tpu.memory_space<hbm>> -> memref<4096xf32, #tpu.memory_space<hbm>>
    %dma_wait3A_537 = arith.constant 0 : i32
    %dma_wait3A_538 = tpu.memref_slice %arg4[%shift_right_arithmetic3A_505, %dma_wait3A_531, %shift_right_arithmetic3A_509, %dma_wait3A_537] : memref<50x4x32x4096xf32, #tpu.memory_space<hbm>> -> memref<1x1x1x4096xf32, #tpu.memory_space<hbm>>
    %dma_wait3A_539 = tpu.memref_squeeze %dma_wait3A_538 : memref<1x1x1x4096xf32, #tpu.memory_space<hbm>> -> memref<4096xf32, #tpu.memory_space<hbm>>
    %dma_wait3A_540 = arith.constant 8192 : i32
    %dma_wait3A_541 = tpu.memref_slice %arg8[%dma_wait3A_540] : memref<16384xf32, #tpu.memory_space<vmem>> -> memref<4096xf32, #tpu.memory_space<vmem>>
    tpu.wait_dma2 semaphore(%arg12 : memref<!tpu.dma_semaphore, #tpu.memory_space<semaphore_mem>>) src(%dma_wait3A_541 : memref<4096xf32, #tpu.memory_space<vmem>>) dst(%dma_wait3A_539 : memref<4096xf32, #tpu.memory_space<hbm>>)
    %dma_wait3A_542 = arith.constant 3 : i32
    %dma_wait3A_543 = arith.constant 12288 : i32
    %dma_wait3A_544 = tpu.memref_slice %arg8[%dma_wait3A_543] : memref<16384xf32, #tpu.memory_space<vmem>> -> memref<4096xf32, #tpu.memory_space<vmem>>
    %dma_wait3A_545 = arith.constant 0 : i32
    %dma_wait3A_546 = tpu.memref_slice %arg4[%shift_right_arithmetic3A_505, %dma_wait3A_542, %shift_right_arithmetic3A_509, %dma_wait3A_545] : memref<50x4x32x4096xf32, #tpu.memory_space<hbm>> -> memref<1x1x1x4096xf32, #tpu.memory_space<hbm>>
    %dma_wait3A_547 = tpu.memref_squeeze %dma_wait3A_546 : memref<1x1x1x4096xf32, #tpu.memory_space<hbm>> -> memref<4096xf32, #tpu.memory_space<hbm>>
    %dma_wait3A_548 = arith.constant 0 : i32
    %dma_wait3A_549 = tpu.memref_slice %arg4[%shift_right_arithmetic3A_505, %dma_wait3A_542, %shift_right_arithmetic3A_509, %dma_wait3A_548] : memref<50x4x32x4096xf32, #tpu.memory_space<hbm>> -> memref<1x1x1x4096xf32, #tpu.memory_space<hbm>>
    %dma_wait3A_550 = tpu.memref_squeeze %dma_wait3A_549 : memref<1x1x1x4096xf32, #tpu.memory_space<hbm>> -> memref<4096xf32, #tpu.memory_space<hbm>>
    %dma_wait3A_551 = arith.constant 12288 : i32
    %dma_wait3A_552 = tpu.memref_slice %arg8[%dma_wait3A_551] : memref<16384xf32, #tpu.memory_space<vmem>> -> memref<4096xf32, #tpu.memory_space<vmem>>
    tpu.wait_dma2 semaphore(%arg12 : memref<!tpu.dma_semaphore, #tpu.memory_space<semaphore_mem>>) src(%dma_wait3A_552 : memref<4096xf32, #tpu.memory_space<vmem>>) dst(%dma_wait3A_550 : memref<4096xf32, #tpu.memory_space<hbm>>)
    %add3A_553 = arith.constant 196 : i32
    %add3A_554 = arith.addi %mul3A_2, %add3A_553 : i32
    %shift_right_arithmetic3A_555 = arith.constant 7 : i32
    %shift_right_arithmetic3A_556 = arith.shrsi %add3A_554, %shift_right_arithmetic3A_555 : i32
    %and3A_557 = arith.constant 127 : i32
    %and3A_558 = arith.andi %add3A_554, %and3A_557 : i32
    %shift_right_arithmetic3A_559 = arith.constant 2 : i32
    %shift_right_arithmetic3A_560 = arith.shrsi %and3A_558, %shift_right_arithmetic3A_559 : i32
    %dma_wait3A_561 = arith.constant 0 : i32
    %dma_wait3A_562 = arith.constant 0 : i32
    %dma_wait3A_563 = tpu.memref_slice %arg9[%dma_wait3A_562] : memref<16384xf32, #tpu.memory_space<vmem>> -> memref<4096xf32, #tpu.memory_space<vmem>>
    %dma_wait3A_564 = arith.constant 0 : i32
    %dma_wait3A_565 = tpu.memref_slice %arg4[%shift_right_arithmetic3A_556, %dma_wait3A_561, %shift_right_arithmetic3A_560, %dma_wait3A_564] : memref<50x4x32x4096xf32, #tpu.memory_space<hbm>> -> memref<1x1x1x4096xf32, #tpu.memory_space<hbm>>
    %dma_wait3A_566 = tpu.memref_squeeze %dma_wait3A_565 : memref<1x1x1x4096xf32, #tpu.memory_space<hbm>> -> memref<4096xf32, #tpu.memory_space<hbm>>
    %dma_wait3A_567 = arith.constant 0 : i32
    %dma_wait3A_568 = tpu.memref_slice %arg4[%shift_right_arithmetic3A_556, %dma_wait3A_561, %shift_right_arithmetic3A_560, %dma_wait3A_567] : memref<50x4x32x4096xf32, #tpu.memory_space<hbm>> -> memref<1x1x1x4096xf32, #tpu.memory_space<hbm>>
    %dma_wait3A_569 = tpu.memref_squeeze %dma_wait3A_568 : memref<1x1x1x4096xf32, #tpu.memory_space<hbm>> -> memref<4096xf32, #tpu.memory_space<hbm>>
    %dma_wait3A_570 = arith.constant 0 : i32
    %dma_wait3A_571 = tpu.memref_slice %arg9[%dma_wait3A_570] : memref<16384xf32, #tpu.memory_space<vmem>> -> memref<4096xf32, #tpu.memory_space<vmem>>
    tpu.wait_dma2 semaphore(%arg13 : memref<!tpu.dma_semaphore, #tpu.memory_space<semaphore_mem>>) src(%dma_wait3A_571 : memref<4096xf32, #tpu.memory_space<vmem>>) dst(%dma_wait3A_569 : memref<4096xf32, #tpu.memory_space<hbm>>)
    %dma_wait3A_572 = arith.constant 1 : i32
    %dma_wait3A_573 = arith.constant 4096 : i32
    %dma_wait3A_574 = tpu.memref_slice %arg9[%dma_wait3A_573] : memref<16384xf32, #tpu.memory_space<vmem>> -> memref<4096xf32, #tpu.memory_space<vmem>>
    %dma_wait3A_575 = arith.constant 0 : i32
    %dma_wait3A_576 = tpu.memref_slice %arg4[%shift_right_arithmetic3A_556, %dma_wait3A_572, %shift_right_arithmetic3A_560, %dma_wait3A_575] : memref<50x4x32x4096xf32, #tpu.memory_space<hbm>> -> memref<1x1x1x4096xf32, #tpu.memory_space<hbm>>
    %dma_wait3A_577 = tpu.memref_squeeze %dma_wait3A_576 : memref<1x1x1x4096xf32, #tpu.memory_space<hbm>> -> memref<4096xf32, #tpu.memory_space<hbm>>
    %dma_wait3A_578 = arith.constant 0 : i32
    %dma_wait3A_579 = tpu.memref_slice %arg4[%shift_right_arithmetic3A_556, %dma_wait3A_572, %shift_right_arithmetic3A_560, %dma_wait3A_578] : memref<50x4x32x4096xf32, #tpu.memory_space<hbm>> -> memref<1x1x1x4096xf32, #tpu.memory_space<hbm>>
    %dma_wait3A_580 = tpu.memref_squeeze %dma_wait3A_579 : memref<1x1x1x4096xf32, #tpu.memory_space<hbm>> -> memref<4096xf32, #tpu.memory_space<hbm>>
    %dma_wait3A_581 = arith.constant 4096 : i32
    %dma_wait3A_582 = tpu.memref_slice %arg9[%dma_wait3A_581] : memref<16384xf32, #tpu.memory_space<vmem>> -> memref<4096xf32, #tpu.memory_space<vmem>>
    tpu.wait_dma2 semaphore(%arg13 : memref<!tpu.dma_semaphore, #tpu.memory_space<semaphore_mem>>) src(%dma_wait3A_582 : memref<4096xf32, #tpu.memory_space<vmem>>) dst(%dma_wait3A_580 : memref<4096xf32, #tpu.memory_space<hbm>>)
    %dma_wait3A_583 = arith.constant 2 : i32
    %dma_wait3A_584 = arith.constant 8192 : i32
    %dma_wait3A_585 = tpu.memref_slice %arg9[%dma_wait3A_584] : memref<16384xf32, #tpu.memory_space<vmem>> -> memref<4096xf32, #tpu.memory_space<vmem>>
    %dma_wait3A_586 = arith.constant 0 : i32
    %dma_wait3A_587 = tpu.memref_slice %arg4[%shift_right_arithmetic3A_556, %dma_wait3A_583, %shift_right_arithmetic3A_560, %dma_wait3A_586] : memref<50x4x32x4096xf32, #tpu.memory_space<hbm>> -> memref<1x1x1x4096xf32, #tpu.memory_space<hbm>>
    %dma_wait3A_588 = tpu.memref_squeeze %dma_wait3A_587 : memref<1x1x1x4096xf32, #tpu.memory_space<hbm>> -> memref<4096xf32, #tpu.memory_space<hbm>>
    %dma_wait3A_589 = arith.constant 0 : i32
    %dma_wait3A_590 = tpu.memref_slice %arg4[%shift_right_arithmetic3A_556, %dma_wait3A_583, %shift_right_arithmetic3A_560, %dma_wait3A_589] : memref<50x4x32x4096xf32, #tpu.memory_space<hbm>> -> memref<1x1x1x4096xf32, #tpu.memory_space<hbm>>
    %dma_wait3A_591 = tpu.memref_squeeze %dma_wait3A_590 : memref<1x1x1x4096xf32, #tpu.memory_space<hbm>> -> memref<4096xf32, #tpu.memory_space<hbm>>
    %dma_wait3A_592 = arith.constant 8192 : i32
    %dma_wait3A_593 = tpu.memref_slice %arg9[%dma_wait3A_592] : memref<16384xf32, #tpu.memory_space<vmem>> -> memref<4096xf32, #tpu.memory_space<vmem>>
    tpu.wait_dma2 semaphore(%arg13 : memref<!tpu.dma_semaphore, #tpu.memory_space<semaphore_mem>>) src(%dma_wait3A_593 : memref<4096xf32, #tpu.memory_space<vmem>>) dst(%dma_wait3A_591 : memref<4096xf32, #tpu.memory_space<hbm>>)
    %dma_wait3A_594 = arith.constant 3 : i32
    %dma_wait3A_595 = arith.constant 12288 : i32
    %dma_wait3A_596 = tpu.memref_slice %arg9[%dma_wait3A_595] : memref<16384xf32, #tpu.memory_space<vmem>> -> memref<4096xf32, #tpu.memory_space<vmem>>
    %dma_wait3A_597 = arith.constant 0 : i32
    %dma_wait3A_598 = tpu.memref_slice %arg4[%shift_right_arithmetic3A_556, %dma_wait3A_594, %shift_right_arithmetic3A_560, %dma_wait3A_597] : memref<50x4x32x4096xf32, #tpu.memory_space<hbm>> -> memref<1x1x1x4096xf32, #tpu.memory_space<hbm>>
    %dma_wait3A_599 = tpu.memref_squeeze %dma_wait3A_598 : memref<1x1x1x4096xf32, #tpu.memory_space<hbm>> -> memref<4096xf32, #tpu.memory_space<hbm>>
    %dma_wait3A_600 = arith.constant 0 : i32
    %dma_wait3A_601 = tpu.memref_slice %arg4[%shift_right_arithmetic3A_556, %dma_wait3A_594, %shift_right_arithmetic3A_560, %dma_wait3A_600] : memref<50x4x32x4096xf32, #tpu.memory_space<hbm>> -> memref<1x1x1x4096xf32, #tpu.memory_space<hbm>>
    %dma_wait3A_602 = tpu.memref_squeeze %dma_wait3A_601 : memref<1x1x1x4096xf32, #tpu.memory_space<hbm>> -> memref<4096xf32, #tpu.memory_space<hbm>>
    %dma_wait3A_603 = arith.constant 12288 : i32
    %dma_wait3A_604 = tpu.memref_slice %arg9[%dma_wait3A_603] : memref<16384xf32, #tpu.memory_space<vmem>> -> memref<4096xf32, #tpu.memory_space<vmem>>
    tpu.wait_dma2 semaphore(%arg13 : memref<!tpu.dma_semaphore, #tpu.memory_space<semaphore_mem>>) src(%dma_wait3A_604 : memref<4096xf32, #tpu.memory_space<vmem>>) dst(%dma_wait3A_602 : memref<4096xf32, #tpu.memory_space<hbm>>)
    return
  }
}

</mosaic_0001>

<sc_bundles>
// kernel: _emb.3.cloned.1.call-start
scs
__scs_entry_jumppad:
0x0: {  	(pc) =	sbr.rel $0x88, $3  }
0x1: {  	(tag) =	ssettag $0x0;
	lr =	simm.s32 $0x1  }
0x2: {  	[smem:$0x3F9F] =	sst lr;
	_ =	strace $0xD0000000  }
0x3: {  	_ = 	snop  }
0x4: {  	_ = 	snop  }
0x5: {  	_ = 	snop  }
0x6: {  	_ = 	snop  }
0x7: {  	_ = 	snop  }
__scs_overlays_trampoline_lowered:
0x8: {  	[smem:$0x3FAE] =	sst s0  }
0x9: {  	[smem:$0x3FAF] =	sst s1  }
0xa: {  	[smem:$0x3FB0] =	sst s2  }
0xb: {  	[smem:$0x3FB1] =	sst s3  }
0xc: {  	[smem:$0x3FB2] =	sst s4  }
0xd: {  	[smem:$0x3FB3] =	sst s5  }
0xe: {  	[smem:$0x3FB4] =	sst s6  }
0xf: {  	[smem:$0x3FB5] =	sst s7  }
0x10: {  	[smem:$0x3FB6] =	sst s8  }
0x11: {  	[smem:$0x3FB7] =	sst s9;
	s0 =	simm.s32 @!p0 $0x0  }
0x12: {  	s1 =	sld [smem:$0x3F9D];
	s0 =	simm.s32 @p0 $0x1  }
0x13: {  	[smem:$0x3FB8] =	sst s0;
	s0 =	simm.s32 @!p1 $0x0  }
0x14: {  	s2 =	sld [smem:$0x3F9C];
	s0 =	simm.s32 @p1 $0x1  }
0x15: {  	[smem:$0x3FB9] =	sst s0;
	s0 =	simm.s32 @!p2 $0x0  }
0x16: {  	s3 =	sld [smem:$0x3FDB];
	s0 =	simm.s32 @p2 $0x1  }
0x17: {  	s4 =	simm.s32 $0x1BF5;
	[smem:$0x3FBB] =	sst s0  }
0x18: {  	s0 =	sld [smem:$0x3F9E];
	_ =	swait.ge [sflag:s4], $0x0  }
0x19: {  	s7 =	sld [smem:$0x3F9F]  }
0x1a: {  	s8 =	sadd.s32 $0xFFFFE003, lr  }
0x1b: {  	s9 =	sadd.s32 $0xFFFFFEF7, lr;
	s5 =	simm.s32 $0xFFFFFFFF;
	p2 =	slt.u32 s8, $0xFFFFF086  }
0x1c: {  	p1 =	slt.u32 s9, $0xF7A;
	s5 =	simm.s32 @!p2 $0x0  }
0x1d: {  	s5 =	simm.s32 @p1 $0x1;
	p0 =	seq.s32 s7, s2  }
0x1e: {  	s7 =	smul.u32 @!p0 $0xF7A, s2;
	p2 =	seq.s32 @!p0 s5, $0x0  }
0x1f: {  	s9 =	smul.u32 $0xF7A, s1;
	s8 =	simm.s32 @!p0 $0x1BF5;
	p2 =	por !p2, p0  }
0x20: {  	[sflag:s8] =	ssyncset.s32 @!p0 $0xFFFFF086;
	s6 =	sadd.s32 @!p0 s3, s7;
	s7 =	simm.s32 @!p0 $0x108  }
0x21: {  	s3 =	sadd.s32 s3, s9;
	s6 =	sadd.s32 @!p0 $0x88, s6;
	s7 =	simm.s32 @p2 $0x1082  }
0x22: {  	[simem:s7], [sflag:s8] =	dma.local @!p0 [hbm:s6], $0xF7A  }
0x23: {  	s9 =	sor.u32 $0xD0000000, s2;
	s6 =	simm.s32 $0x108;
	_ =	swait.ge @!p0 [sflag:s8], $0x0  }
0x24: {  	s3 =	sadd.s32 $0x88, s3;
	s6 =	simm.s32 @!p1 $0x1082;
	[sflag:s4] =	ssyncset.s32 $0xFFFFF086  }
0x25: {  	[simem:s6], [sflag:s4] =	dma.local [hbm:s3], $0xF7A  }
0x26: {  	[smem:$0x3F9F] =	sst s1;
	(tag) =	ssettag s2;
	_ =	strace s9  }
0x27: {  	s1 =	sld [smem:$0x3FAF]  }
0x28: {  	s2 =	sld [smem:$0x3FB0]  }
0x29: {  	s4 =	sld [smem:$0x3FB2]  }
0x2a: {  	p0 =	seq.s32 s5, $0x0;
	s5 =	sld [smem:$0x3FB3]  }
0x2b: {  	s6 =	sld [smem:$0x3FB4]  }
0x2c: {  	s7 =	sld [smem:$0x3FB5]  }
0x2d: {  	s3 =	simm.s32 $0x108;
	s8 =	sld [smem:$0x3FB6]  }
0x2e: {  	s3 =	simm.s32 @!p0 $0x1082;
	s9 =	sld [smem:$0x3FB7]  }
0x2f: {  	lr =	sadd.s32 s0, s3;
	s0 =	sld [smem:$0x3FAE]  }
0x30: {  	s3 =	sld [smem:$0x3FB1]  }
0x31: {  	[smem:$0x3FBA] =	sst s10  }
0x32: {  	s10 =	sld [smem:$0x3FB8];
	_ =	sdelay $0x3  }
0x33: {  	p0 =	seq.s32 s10, $0x1;
	s10 =	sld [smem:$0x3FBA];
	_ =	sdelay $0x3  }
0x34: {  	[smem:$0x3FBA] =	sst s10  }
0x35: {  	s10 =	sld [smem:$0x3FB9];
	_ =	sdelay $0x3  }
0x36: {  	p1 =	seq.s32 s10, $0x1;
	s10 =	sld [smem:$0x3FBA];
	_ =	sdelay $0x3  }
0x37: {  	[smem:$0x3FBA] =	sst s10  }
0x38: {  	s10 =	sld [smem:$0x3FBB]  }
0x39: {  	_ = 	snop;
	(pc) =	sbr.ind lr, $3  }
0x3a: {  	_ = 	snop  }
0x3b: {  	_ = 	snop  }
0x3c: {  	p2 =	seq.s32 s10, $0x1;
	s10 =	sld [smem:$0x3FBA]  }
0x3d: {  	_ =	shalt  }
0x3e: {  	_ =	shalt  }
0x3f: {  	_ =	shalt  }
0x40: {  	_ =	shalt  }
0x41: {  	_ =	shalt  }
0x42: {  	_ =	shalt  }
0x43: {  	_ =	shalt  }
0x44: {  	_ =	shalt  }
0x45: {  	_ =	shalt  }
0x46: {  	_ =	shalt  }
0x47: {  	_ =	shalt  }
0x48: {  	_ =	shalt  }
0x49: {  	_ =	shalt  }
0x4a: {  	_ =	shalt  }
0x4b: {  	_ =	shalt  }
0x4c: {  	_ =	shalt  }
0x4d: {  	_ =	shalt  }
0x4e: {  	_ =	shalt  }
0x4f: {  	_ =	shalt  }
0x50: {  	_ =	shalt  }
0x51: {  	_ =	shalt  }
0x52: {  	_ =	shalt  }
0x53: {  	_ =	shalt  }
0x54: {  	_ =	shalt  }
0x55: {  	_ =	shalt  }
0x56: {  	_ =	shalt  }
0x57: {  	_ =	shalt  }
0x58: {  	_ =	shalt  }
0x59: {  	_ =	shalt  }
0x5a: {  	_ =	shalt  }
0x5b: {  	_ =	shalt  }
0x5c: {  	_ =	shalt  }
0x5d: {  	_ =	shalt  }
0x5e: {  	_ =	shalt  }
0x5f: {  	_ =	shalt  }
0x60: {  	_ =	shalt  }
0x61: {  	_ =	shalt  }
0x62: {  	_ =	shalt  }
0x63: {  	_ =	shalt  }
0x64: {  	_ =	shalt  }
0x65: {  	_ =	shalt  }
0x66: {  	_ =	shalt  }
0x67: {  	_ =	shalt  }
0x68: {  	_ =	shalt  }
0x69: {  	_ =	shalt  }
0x6a: {  	_ =	shalt  }
0x6b: {  	_ =	shalt  }
0x6c: {  	_ =	shalt  }
0x6d: {  	_ =	shalt  }
0x6e: {  	_ =	shalt  }
0x6f: {  	_ =	shalt  }
0x70: {  	_ =	shalt  }
0x71: {  	_ =	shalt  }
0x72: {  	_ =	shalt  }
0x73: {  	_ =	shalt  }
0x74: {  	_ =	shalt  }
0x75: {  	_ =	shalt  }
0x76: {  	_ =	shalt  }
0x77: {  	_ =	shalt  }
0x78: {  	_ =	shalt  }
0x79: {  	_ =	shalt  }
0x7a: {  	_ =	shalt  }
0x7b: {  	_ =	shalt  }
0x7c: {  	_ =	shalt  }
0x7d: {  	_ =	shalt  }
0x7e: {  	_ =	shalt  }
0x7f: {  	_ =	shalt  }
0x80: {  	_ =	shalt  }
0x81: {  	_ =	shalt  }
0x82: {  	_ =	shalt  }
0x83: {  	_ =	shalt  }
0x84: {  	_ =	shalt  }
0x85: {  	_ =	shalt  }
0x86: {  	_ =	shalt  }
0x87: {  	_ =	shalt  }
.Lfunc_end0:
.L_simem_size_0:
called_computation_lowered:
.L_overlay_start_0:
0x88: {  	s2 =	sld [smem:$0x3FD9]  }
0x89: {  	s3 =	sld [smem:$0x3FFE];
	_ =	sdelay $0x1  }
0x8a: {  	s1 =	srdreg.scid  }
0x8b: {  	s0 =	sand.u32 $0x1, s1  }
0x8c: {  	s17 =	sshll.u32 s0, $0xA;
	s2 =	sadd.s32 s3, s2  }
0x8d: {  	s2 =	sadd.s32 s2, s17  }
0x8e: {  	[smem:$0x3FC6] =	sst s2  }
0x8f: {  	_ = 	snop  }
0x90: {  	s2 =	sld [smem:$0x3FC9];
	(tm) =	ssettm $0x1  }
0x91: {  	s18 =	sld [smem:$0x3FFB];
	_ =	sdelay $0x3  }
0x92: {  	_ =	strace s18  }
0x93: {  	s3 =	sld [smem:$0x3FFC];
	_ =	sdelay $0x3  }
0x94: {  	_ =	strace s3  }
0x95: {  	s3 =	sld [smem:$0x3FFD];
	_ =	sdelay $0x3  }
0x96: {  	_ =	strace s3  }
0x97: {  	_ =	strace $0x8FFFFFFF  }
0x98: {  	s19 =	sld [smem:$0x3FDB];
	_ =	sdelay $0x1  }
0x99: {  	s4 =	simm.s32 $_scs_section_size  }
0x9a: {  	s5 =	simm.s32 $_size__tile_overlayer_lowered;
	s6 =	simm.s32 $_tile_overlayer_lowered  }
0x9b: {  	s22 =	simm.s32 $0x1BFF;
	s21 =	sshll.u32 s6, $0x1;
	s3 =	sadd.s32 s4, s19  }
0x9c: {  	s7 =	simm.s32 $0x0;
	s20 =	sshll.u32 s5, $0x1;
	s5 =	sadd.s32 s21, s3  }
0x9d: {  	[timem:s7], [sflag:s22] =	dma.local [hbm:s5], s20  }
0x9e: {  	_ =	swait.ge [sflag:s22], s20  }
0x9f: {  	s4 =	ssub.s32 $0x0, s20;
	[sflag:s22] =	ssyncset.done $0x0  }
0xa0: {  	[sflag:s22] =	ssyncadd.s32 s4;
	_ =	sdelay $0x1  }
0xa1: {  	s23 =	simm.s32 $0x1B8B  }
0xa2: {  	_ =	swait.ge [sflag:s23], $0x1  }
0xa3: {  	[sflag:s23] =	ssyncset.done $0x0  }
0xa4: {  	s25 =	simm.s32 $0x1B8E;
	s24 =	sld [smem:$0x3FFE];
	[sflag:s23] =	ssyncadd.s32 $0xFFFFFFFF  }
0xa5: {  	s26 =	simm.s32 $execute0_lowered;
	[smem:$0x3FD2] =	sst s25  }
0xa6: {  	s5 =	sshll.u32 s26, $0x1;
	_ =	strace $0x80000046;
	[dreg:$0x1] =	wrdreg $0xFFFFFFFF  }
0xa7: {  	s28 =	simm.s32 $_size_execute0_lowered;
	s3 =	sadd.s32 s3, s5;
	[dreg:$0x0] =	wrdreg $0x0  }
0xa8: {  	s5 =	sshll.u32 s28, $0x1;
	[dreg:$0x2] =	wrdreg s3  }
0xa9: {  	[dreg:$0x3] =	wrdreg s5  }
0xaa: {  	[dreg:$0x4] =	wrdreg $0xC0  }
0xab: {  	_ =	task [dreg:s7], $0x5FFFF  }
0xac: {  	[dreg:$0x1] =	wrdreg $0xFFFFFFFF  }
0xad: {  	[dreg:$0x0] =	wrdreg $0x60  }
0xae: {  	[dreg:$0x2] =	wrdreg s2  }
0xaf: {  	[dreg:$0x3] =	wrdreg s24  }
0xb0: {  	[dreg:$0x4] =	wrdreg $0x9  }
0xb1: {  	_ =	task.clear_ibuf [dreg:s7], $0x5FFFF;
	_ =	strace $0x90000046  }
0xb2: {  	s29 =	simm.s32 $0x9;
	_ =	strace $0x80000048  }
0xb3: {  	_ =	swait.ge [sflag:s29], $0x1  }
0xb4: {  	[sflag:s29] =	ssyncadd.s32 $0xFFFFFFFF  }
0xb5: {  	_ =	strace $0x90000048  }
0xb6: {  	_ =	sfence  }
0xb7: {  	s30 =	sld [smem:$0x0];
	_ =	sdelay $0x2  }
0xb8: {  	s31 =	sshll.u32 s1, $0xD;
	s1 =	sshrl.u32 s1, $0x2  }
0xb9: {  	s3 =	sand.u32 $0x4000, s31;
	s1 =	sadd.s32 s1, s30  }
0xba: {  	s0 =	sor.u32 s3, s0;
	s1 =	sshll.u32 s1, $0x11  }
0xbb: {  	s0 =	sor.u32 s1, s0  }
0xbc: {  	s0 =	sadd.s32 $0x8F2B, s0  }
0xbd: {  	[sflag:s0] =	ssyncadd.remote.s32 $0x1  }
0xbe: {  	_ =	sfence.sel $0xFFFF  }
0xbf: {  	[dreg:$0x0] =	wrdreg $0xFFFFFFFF;
	(pc) =	sbr.abs _section_cstart, $3  }
0xc0: {  	[dreg:$0x1] =	wrdreg $0xFFFFFFFF  }
0xc1: {  	_ =	task.clear_ibuf [dreg:s7], $0x2FFFF;
	_ =	strace $0x9FFFFFFF  }
0xc2: {  	(tm) =	ssettm $0x7FFFFFFF  }
0xc3: {  	_ =	shalt  }
tec
execute0_lowered:
.L_overlay_start_1:
0x0: {  	(tag) =	ssettag $0x1  }
0x1: {  	v0 =	vimm.s32 $0x138F;
	vm14 =	vcmask $0x300  }
0x2: {  	vm13 =	vcmask $0x704;
	vm12 =	vcmask $0xB08;
	vm11 =	vcmask $0xF0C  }
0x3: {  	vm10 =	vcmask $0x1310;
	vm9 =	vcmask $0x1714;
	vm8 =	vcmask $0x1B18  }
0x4: {  	vm6 =	vcmask $0x1F1C;
	vm5 =	vcmask $0x2320;
	vm4 =	vcmask $0x2724  }
0x5: {  	v2 =	vimm.s32 $0xF;
	vm2 =	vcmask $0x2B28;
	vm3 =	vcmask $0x2F2C  }
0x6: {  	vm1 =	vcmask $0x3330;
	vm0 =	vcmask $0x3734;
	v4 =	vimm.s32 $0xFEDCBA9  }
0x7: {  	v5 =	vimm.s32 $0x87654321;
	v6 =	vimm.s32 $0x8F;
	vm7 =	vcmask $0x3B38  }
0x8: {  	v7 =	vimm.s32 $0x98765432;
	v8 =	vimm.s32 $0x10F;
	v11 =	vimm.s32 $0xBA987654  }
0x9: {  	v13 =	vimm.s32 $0xCBA98765;
	v15 =	vimm.s32 $0xDCBA9876;
	v16 =	vimm.s32 $0x30F  }
0xa: {  	v17 =	vimm.s32 $0xEDCBA987;
	v59 =	vimm.s32 $0x76543210;
	v34 =	vimm.s32 $0xFEDCBA98  }
0xb: {  	v61 =	vimm.s32 $0x108F;
	v63 =	vimm.s32 $0x110F;
	v37 =	vimm.s32 $0x118F  }
0xc: {  	v39 =	vimm.s32 $0x120F;
	v41 =	vimm.s32 $0x128F;
	v43 =	vimm.s32 $0x130F  }
0xd: {  	v47 =	vimm.s32 $0x1C1B1A19;
	v53 =	vimm.s32 $0x101F1E1D;
	v55 =	vimm.s32 $0x1D1C1B1A  }
0xe: {  	v0 =	vsel vm14, $0x0, v0;
	v2 =	vsel vm14, $0x80, v2;
	v4 =	vunpack.c.l.s4.s8 v4  }
0xf: {  	v5 =	vunpack.c.l.s4.s8 v5;
	v0 =	vsel vm13, $0x81, v0;
	v2 =	vsel vm13, $0x101, v2  }
0x10: {  	v6 =	vsel vm14, $0x100, v6;
	v0 =	vsel vm12, $0x102, v0;
	v2 =	vsel vm12, $0x182, v2  }
0x11: {  	v18 =	vunpack.c.0.s8.s32 v4;
	v0 =	vsel vm11, $0x183, v0;
	v2 =	vsel vm11, $0x203, v2  }
0x12: {  	v4 =	vsel vm13, $0x181, v6;
	v0 =	vsel vm10, $0x204, v0;
	v2 =	vsel vm10, $0x284, v2  }
0x13: {  	v19 =	vunpack.c.0.s8.s32 v5;
	v0 =	vsel vm9, $0x285, v0;
	v2 =	vsel vm9, $0x305, v2  }
0x14: {  	v4 =	vsel vm12, $0x202, v4;
	v1 =	vsel vm8, $0x306, v0;
	v2 =	vsel vm8, $0x386, v2  }
0x15: {  	v4 =	vsel vm11, $0x283, v4;
	v1 =	vsel vm6, $0x387, v1;
	v2 =	vsel vm6, $0x1007, v2  }
0x16: {  	v5 =	vcombine.low v19, v18;
	v1 =	vsel vm5, $0x1008, v1;
	v2 =	vsel vm5, $0x1088, v2  }
0x17: {  	v4 =	vsel vm10, $0x304, v4;
	v1 =	vsel vm4, $0x1089, v1;
	v2 =	vsel vm4, $0x1109, v2  }
0x18: {  	v0 =	vlaneseq.u32;
	v1 =	vsel vm2, $0x110A, v1;
	v2 =	vsel vm2, $0x118A, v2  }
0x19: {  	v3 =	vsel vm3, $0x118B, v1;
	v1 =	vmul.u32 $0x20, v0;
	v6 =	vsel vm3, $0x120B, v2  }
0x1a: {  	v57 =	vimm.s32 $0x19181716;
	v4 =	vsel vm9, $0x385, v4;
	v6 =	vsel vm1, $0x128C, v6  }
0x1b: {  	[tilespmem:$0x1FE60] =	vst v1;
	v1 =	vand.u32 $0xF, v5;
	v5 =	vsel vm0, $0x130D, v6;
	v6 =	vsel vm8, $0x1006, v4  }
0x1c: {  	v4 =	vsel vm7, $0x138E, v5;
	v5 =	vimm.s32 $0x10FEDCBA;
	v6 =	vsel vm6, $0x1087, v6  }
0x1d: {  	v7 =	vunpack.c.l.s4.s8 v7;
	v5 =	vunpack.c.l.s4.s8 v5;
	v6 =	vsel vm5, $0x1108, v6  }
0x1e: {  	v11 =	vunpack.c.l.s4.s8 v11;
	v13 =	vunpack.c.l.s4.s8 v13;
	v6 =	vsel vm4, $0x1189, v6  }
0x1f: {  	v20 =	vunpack.c.0.s8.s32 v5;
	v5 =	vsel vm2, $0x120A, v6;
	v6 =	vsel vm14, $0x180, v8  }
0x20: {  	v21 =	vunpack.c.0.s8.s32 v7;
	v7 =	vimm.s32 $0x210FEDCB;
	v6 =	vsel vm13, $0x201, v6  }
0x21: {  	v7 =	vunpack.c.l.s4.s8 v7;
	v8 =	vimm.s32 $0xA9876543;
	v6 =	vsel vm12, $0x282, v6  }
0x22: {  	v5 =	vsel vm3, $0x128B, v5;
	v8 =	vunpack.c.l.s4.s8 v8;
	v6 =	vsel vm11, $0x303, v6  }
0x23: {  	v22 =	vunpack.c.0.s8.s32 v7;
	v10 =	vsel vm1, $0x130C, v5;
	v5 =	vsel vm10, $0x384, v6  }
0x24: {  	v9 =	vcombine.low v21, v20;
	v23 =	vunpack.c.0.s8.s32 v8;
	v6 =	vsel vm9, $0x1005, v5  }
0x25: {  	v7 =	vsel vm0, $0x138D, v10;
	v10 =	vimm.s32 $0x18F;
	v6 =	vsel vm8, $0x1086, v6  }
0x26: {  	[tilespmem:$0x1FE70] =	vst v1;
	v1 =	vand.u32 $0xF, v9;
	v8 =	vcombine.low v23, v22;
	v9 =	vsel vm6, $0x1107, v6  }
0x27: {  	v15 =	vunpack.c.l.s4.s8 v15;
	v10 =	vsel vm14, $0x200, v10;
	v9 =	vsel vm5, $0x1188, v9  }
0x28: {  	[tilespmem:$0x1FE80] =	vst v1;
	v1 =	vand.u32 $0xF, v8;
	v8 =	vsel vm4, $0x1209, v9;
	v9 =	vsel vm13, $0x281, v10  }
0x29: {  	v17 =	vunpack.c.l.s4.s8 v17;
	v10 =	vimm.s32 $0x3210FEDC;
	v9 =	vsel vm12, $0x302, v9  }
0x2a: {  	v34 =	vunpack.c.l.s4.s8 v34;
	v10 =	vunpack.c.l.s4.s8 v10;
	v9 =	vsel vm11, $0x383, v9  }
0x2b: {  	v62 =	vsel vm14, $0x1100, v61;
	v40 =	vsel vm14, $0x1280, v39;
	v9 =	vsel vm10, $0x1004, v9  }
0x2c: {  	v25 =	vunpack.c.0.s8.s32 v11;
	v24 =	vunpack.c.0.s8.s32 v10;
	v9 =	vsel vm9, $0x1085, v9  }
0x2d: {  	v27 =	vunpack.c.0.s8.s32 v13;
	v10 =	vimm.s32 $0x20F;
	v9 =	vsel vm8, $0x1106, v9  }
0x2e: {  	v10 =	vsel vm14, $0x280, v10;
	v11 =	vcombine.low v25, v24;
	v9 =	vsel vm6, $0x1187, v9  }
0x2f: {  	v34 =	vunpack.c.0.s8.s32 v34;
	v10 =	vsel vm13, $0x301, v10;
	v9 =	vsel vm5, $0x1208, v9  }
0x30: {  	[tilespmem:$0x1FE90] =	vst v1;
	v10 =	vsel vm12, $0x382, v10;
	v1 =	vand.u32 $0xF, v11;
	v12 =	vsel vm4, $0x1289, v9  }
0x31: {  	v10 =	vsel vm11, $0x1003, v10;
	v11 =	vsel vm2, $0x130A, v12;
	v12 =	vimm.s32 $0x43210FED  }
0x32: {  	v29 =	vunpack.c.0.s8.s32 v15;
	v10 =	vsel vm10, $0x1084, v10;
	v12 =	vunpack.c.l.s4.s8 v12  }
0x33: {  	v32 =	vunpack.c.0.s8.s32 v17;
	v34 =	vand.u32 $0xF, v34;
	v10 =	vsel vm9, $0x1105, v10  }
0x34: {  	v10 =	vsel vm8, $0x1186, v10;
	v26 =	vunpack.c.0.s8.s32 v12;
	v12 =	vimm.s32 $0x28F  }
0x35: {  	v3 =	vsel vm1, $0x120C, v3;
	v10 =	vsel vm6, $0x1207, v10;
	v12 =	vsel vm14, $0x300, v12  }
0x36: {  	v3 =	vsel vm0, $0x128D, v3;
	v10 =	vsel vm5, $0x1288, v10;
	v12 =	vsel vm13, $0x381, v12  }
0x37: {  	v10 =	vsel vm4, $0x1309, v10;
	v13 =	vcombine.low v27, v26;
	v12 =	vsel vm12, $0x1002, v12  }
0x38: {  	v2 =	vsel vm7, $0x130E, v3;
	v14 =	vsel vm2, $0x138A, v10;
	v12 =	vsel vm11, $0x1083, v12  }
0x39: {  	[tilespmem:$0x1FEA0] =	vst v1;
	v14 =	vsel vm3, $0xB, v14;
	v1 =	vand.u32 $0xF, v13;
	v12 =	vsel vm10, $0x1104, v12  }
0x3a: {  	v13 =	vsel vm1, $0x8C, v14;
	v14 =	vimm.s32 $0x543210FE;
	v12 =	vsel vm9, $0x1185, v12  }
0x3b: {  	v3 =	vunpack.c.0.s8.s32 v47;
	v14 =	vunpack.c.l.s4.s8 v14;
	v12 =	vsel vm8, $0x1206, v12  }
0x3c: {  	v21 =	vcombine.low v20, v21;
	v48 =	vsel vm7, $0xE, v7;
	v12 =	vsel vm6, $0x1287, v12  }
0x3d: {  	v28 =	vunpack.c.0.s8.s32 v14;
	v14 =	vsel vm14, $0x380, v16;
	v12 =	vsel vm5, $0x1308, v12  }
0x3e: {  	v13 =	vsel vm0, $0x10D, v13;
	v14 =	vsel vm13, $0x1001, v14;
	v15 =	vsel vm4, $0x1389, v12  }
0x3f: {  	v14 =	vsel vm12, $0x1082, v14;
	v12 =	vsel vm7, $0x18E, v13;
	v13 =	vsel vm2, $0xA, v15  }
0x40: {  	v7 =	vunpack.c.0.s8.s32 v55;
	v16 =	vsel vm3, $0x8B, v13;
	v13 =	vsel vm11, $0x1103, v14  }
0x41: {  	v15 =	vcombine.low v29, v28;
	v14 =	vimm.s32 $0x6543210F;
	v13 =	vsel vm10, $0x1184, v13  }
0x42: {  	v23 =	vcombine.low v22, v23;
	v14 =	vunpack.c.l.s4.s8 v14;
	v30 =	vsel vm9, $0x1205, v13  }
0x43: {  	v46 =	vand.u32 $0xF, v15;
	v15 =	vsel vm1, $0x10C, v16;
	v16 =	vsel vm8, $0x1286, v30  }
0x44: {  	v8 =	vsel vm2, $0x128A, v8;
	v31 =	vunpack.c.0.s8.s32 v14;
	v14 =	vsel vm6, $0x1307, v16  }
0x45: {  	v5 =	vunpack.c.0.s8.s32 v53;
	v8 =	vsel vm3, $0x130B, v8;
	v14 =	vsel vm5, $0x1388, v14  }
0x46: {  	v8 =	vsel vm1, $0x138C, v8;
	v17 =	vcombine.low v32, v31;
	v30 =	vsel vm4, $0x9, v14  }
0x47: {  	v8 =	vsel vm0, $0xD, v8;
	v25 =	vcombine.low v24, v25;
	v30 =	vsel vm2, $0x8A, v30  }
0x48: {  	v51 =	vand.u32 $0xF, v17;
	v17 =	vsel vm3, $0x10B, v30;
	v30 =	vimm.s32 $0x100F  }
0x49: {  	v11 =	vsel vm3, $0x138B, v11;
	v16 =	vimm.s32 $0x38F;
	v30 =	vsel vm14, $0x1080, v30  }
0x4a: {  	v11 =	vsel vm1, $0xC, v11;
	v16 =	vsel vm14, $0x1000, v16;
	v30 =	vsel vm13, $0x1101, v30  }
0x4b: {  	v11 =	vsel vm0, $0x8D, v11;
	v16 =	vsel vm13, $0x1081, v16;
	v30 =	vsel vm12, $0x1182, v30  }
0x4c: {  	v10 =	vsel vm7, $0x10E, v11;
	v16 =	vsel vm12, $0x1102, v16;
	v30 =	vsel vm11, $0x1203, v30  }
0x4d: {  	v16 =	vsel vm11, $0x1183, v16;
	v17 =	vsel vm1, $0x18C, v17;
	v30 =	vsel vm10, $0x1284, v30  }
0x4e: {  	v33 =	vsel vm10, $0x1204, v16;
	v17 =	vsel vm0, $0x20D, v17;
	v30 =	vsel vm9, $0x1305, v30  }
0x4f: {  	v16 =	vsel vm7, $0x28E, v17;
	v17 =	vsel vm9, $0x1285, v33;
	v30 =	vsel vm8, $0x1386, v30  }
0x50: {  	v33 =	vunpack.c.l.s4.s8 v59;
	v17 =	vsel vm8, $0x1306, v17;
	v30 =	vsel vm6, $0x7, v30  }
0x51: {  	v27 =	vcombine.low v26, v27;
	v17 =	vsel vm6, $0x1387, v17;
	v30 =	vsel vm5, $0x88, v30  }
0x52: {  	v33 =	vunpack.c.0.s8.s32 v33;
	v17 =	vsel vm5, $0x8, v17;
	v30 =	vsel vm4, $0x109, v30  }
0x53: {  	v29 =	vcombine.low v28, v29;
	v17 =	vsel vm4, $0x89, v17;
	v30 =	vsel vm2, $0x18A, v30  }
0x54: {  	v50 =	vcombine.low v34, v33;
	v33 =	vsel vm13, $0x1181, v62;
	v30 =	vsel vm3, $0x20B, v30  }
0x55: {  	v34 =	vsel vm14, $0x1180, v63;
	v33 =	vsel vm12, $0x1202, v33;
	v30 =	vsel vm1, $0x28C, v30  }
0x56: {  	v36 =	vsel vm13, $0x1201, v34;
	v33 =	vsel vm11, $0x1283, v33;
	v30 =	vsel vm0, $0x30D, v30  }
0x57: {  	v20 =	vsel vm7, $0x38E, v30;
	v30 =	vsel vm10, $0x1304, v33;
	v33 =	vsel vm12, $0x1282, v36  }
0x58: {  	v34 =	vsel vm14, $0x1200, v37;
	v30 =	vsel vm9, $0x1385, v30;
	v33 =	vsel vm11, $0x1303, v33  }
0x59: {  	v34 =	vsel vm13, $0x1281, v34;
	v30 =	vsel vm8, $0x6, v30;
	v33 =	vsel vm10, $0x1384, v33  }
0x5a: {  	v34 =	vsel vm12, $0x1302, v34;
	v30 =	vsel vm6, $0x87, v30;
	v33 =	vsel vm9, $0x5, v33  }
0x5b: {  	v34 =	vsel vm11, $0x1383, v34;
	v30 =	vsel vm5, $0x108, v30;
	v33 =	vsel vm8, $0x86, v33  }
0x5c: {  	v34 =	vsel vm10, $0x4, v34;
	v30 =	vsel vm4, $0x189, v30;
	v33 =	vsel vm6, $0x107, v33  }
0x5d: {  	v34 =	vsel vm9, $0x85, v34;
	v30 =	vsel vm2, $0x20A, v30;
	v33 =	vsel vm5, $0x188, v33  }
0x5e: {  	v34 =	vsel vm8, $0x106, v34;
	v30 =	vsel vm3, $0x28B, v30;
	v33 =	vsel vm4, $0x209, v33  }
0x5f: {  	v34 =	vsel vm6, $0x187, v34;
	v30 =	vsel vm1, $0x30C, v30;
	v33 =	vsel vm2, $0x28A, v33  }
0x60: {  	v38 =	vsel vm5, $0x208, v34;
	v30 =	vsel vm0, $0x38D, v30;
	v33 =	vsel vm3, $0x30B, v33  }
0x61: {  	v22 =	vsel vm7, $0x100E, v30;
	v30 =	vsel vm1, $0x38C, v33;
	v33 =	vsel vm4, $0x289, v38  }
0x62: {  	v17 =	vsel vm2, $0x10A, v17;
	v30 =	vsel vm0, $0x100D, v30;
	v33 =	vsel vm2, $0x30A, v33  }
0x63: {  	v24 =	vsel vm7, $0x108E, v30;
	v30 =	vsel vm3, $0x38B, v33;
	v33 =	vsel vm13, $0x1301, v40  }
0x64: {  	v34 =	vsel vm14, $0x1300, v41;
	v30 =	vsel vm1, $0x100C, v30;
	v33 =	vsel vm12, $0x1382, v33  }
0x65: {  	v42 =	vsel vm13, $0x1381, v34;
	v30 =	vsel vm0, $0x108D, v30;
	v33 =	vsel vm11, $0x3, v33  }
0x66: {  	v26 =	vsel vm7, $0x110E, v30;
	v30 =	vsel vm10, $0x84, v33;
	v33 =	vsel vm12, $0x2, v42  }
0x67: {  	v34 =	vsel vm14, $0x1380, v43;
	v30 =	vsel vm9, $0x105, v30;
	v33 =	vsel vm11, $0x83, v33  }
0x68: {  	v34 =	vsel vm13, $0x1, v34;
	v30 =	vsel vm8, $0x186, v30;
	v33 =	vsel vm10, $0x104, v33  }
0x69: {  	v34 =	vsel vm12, $0x82, v34;
	v30 =	vsel vm6, $0x207, v30;
	v33 =	vsel vm9, $0x185, v33  }
0x6a: {  	v34 =	vsel vm11, $0x103, v34;
	v30 =	vsel vm5, $0x288, v30;
	v33 =	vsel vm8, $0x206, v33  }
0x6b: {  	v34 =	vsel vm10, $0x184, v34;
	v30 =	vsel vm4, $0x309, v30;
	v33 =	vsel vm6, $0x287, v33  }
0x6c: {  	v34 =	vsel vm9, $0x205, v34;
	v30 =	vsel vm2, $0x38A, v30;
	v33 =	vsel vm5, $0x308, v33  }
0x6d: {  	v34 =	vsel vm8, $0x286, v34;
	v30 =	vsel vm3, $0x100B, v30;
	v33 =	vsel vm4, $0x389, v33  }
0x6e: {  	v34 =	vsel vm6, $0x307, v34;
	v30 =	vsel vm1, $0x108C, v30;
	v33 =	vsel vm2, $0x100A, v33  }
0x6f: {  	v44 =	vsel vm5, $0x388, v34;
	v30 =	vsel vm0, $0x110D, v30;
	v33 =	vsel vm3, $0x108B, v33  }
0x70: {  	v28 =	vsel vm7, $0x118E, v30;
	v30 =	vsel vm1, $0x110C, v33;
	v33 =	vsel vm4, $0x1009, v44  }
0x71: {  	v11 =	vunpack.c.0.s8.s32 v57;
	v17 =	vsel vm3, $0x18B, v17;
	v45 =	vsel vm2, $0x108A, v33  }
0x72: {  	s0 =	rddreg [dreg:$0x0];
	s1 =	simm.s32 $0x0;
	v31 =	vcombine.low v31, v32;
	v35 =	vsel vm1, $0x20C, v17;
	v32 =	vsel vm3, $0x110B, v45  }
0x73: {  	[smem:$0x7FF] =	sst s1;
	[tilespmem:$0x1FEB0] =	vst v1;
	v15 =	vsel vm0, $0x18D, v15;
	v60 =	vsel vm0, $0x28D, v35;
	v32 =	vsel vm1, $0x118C, v32  }
0x74: {  	s2 =	rddreg [dreg:$0x1];
	_ =	strace $0x80000047;
	v43 =	vand.u32 $0xF, v31;
	v30 =	vsel vm0, $0x118D, v30;
	v31 =	vsel vm0, $0x120D, v32  }
0x75: {  	[tilespmem:$0x1FEC0] =	vst v3;
	vm0 =	vcmask $0x1F10;
	v34 =	vsel vm7, $0x128E, v31;
	v31 =	vimm.s32 $0x14131211  }
0x76: {  	[tilespmem:$0x1FED0] =	vst v5;
	v3 =	vsel vm0, v5, v3;
	v5 =	vunpack.c.0.s8.s32 v31;
	v31 =	vimm.s32 $0x18171615  }
0x77: {  	[tilespmem:$0x1FF20] =	vst v7;
	v56 =	vunpack.c.0.s8.s32 v31;
	v31 =	vimm.s32 $0x11101F1E  }
0x78: {  	[tilespmem:$0x1FF50] =	vst v11;
	v9 =	vunpack.c.0.s8.s32 v31;
	v31 =	vimm.s32 $0x15141312  }
0x79: {  	[tilespmem:$0x1FEF0] =	vst v5;
	v35 =	vsel vm0, v56, v5;
	v5 =	vunpack.c.0.s8.s32 v31  }
0x7a: {  	v61 =	vimm.s32 $0x16151413;
	[tilespmem:$0x1FFE0] =	vst v4  }
0x7b: {  	[tilespmem:$0x1FF00] =	vst v3;
	v53 =	vcombine.low v35, v3;
	v3 =	vsel vm0, v9, v7;
	v58 =	vsel vm0, v11, v5  }
0x7c: {  	[tilespmem:$0x1FF70] =	vst v3;
	v55 =	vcombine.low v58, v3;
	v3 =	vunpack.c.0.s8.s32 v61  }
0x7d: {  	s3 =	srdreg.scid;
	s5 =	stileid.u32;
	s11 =	simm.s32 $0x5;
	v36 =	vimm.s32 $0x1A191817;
	[tilespmem:$0x1FEE0] =	vst v56  }
0x7e: {  	s12 =	simm.s32 $0x6400;
	s13 =	simm.s32 $0x80;
	s19 =	simm.s32 $0xA400;
	v31 =	vimm.s32 $0x1E1D1C1B;
	[tilespmem:$0x1FF80] =	vst v3;
	v3 =	vunpack.c.0.s8.s32 v36  }
0x7f: {  	s28 =	simm.s32 $0x1;
	s29 =	simm.s32 $0xE400;
	s30 =	simm.s32 $0xF400;
	[tilespmem:$0x1FF10] =	vst v35;
	v56 =	vunpack.c.0.s8.s32 v31;
	v31 =	vimm.s32 $0x1F1E1D1C  }
0x80: {  	s31 =	simm.s32 $0x10400;
	s14 =	simm.s32 $0x12400;
	s15 =	simm.s32 $0x13400;
	[tilespmem:$0x1FF90] =	vst v3;
	v3 =	vunpack.c.0.s8.s32 v31  }
0x81: {  	s16 =	simm.s32 $0x14400;
	s17 =	simm.s32 $0x15400;
	s18 =	simm.s32 $0x3;
	v19 =	vcombine.low v18, v19;
	v62 =	vimm.s32 $0x13121110;
	[tilespmem:$0x1FF30] =	vst v9  }
0x82: {  	s4 =	sand.u32 $0x1, s3;
	s5 =	sshll.u32 s5, $0x1;
	s3 =	sadd.s32 $0xF42800, s2;
	[tilespmem:$0x1FFA0] =	vst v3;
	v3 =	vunpack.c.0.s8.s32 v62  }
0x83: {  	s20 =	simm.s32 $0x4;
	s9 =	sadd.s32 $0xC400, s2;
	s5 =	sor.u32 s4, s5;
	v49 =	vand.u32 $0xF, v19;
	v63 =	vimm.s32 $0x17161514;
	[tilespmem:$0x1FF40] =	vst v5  }
0x84: {  	s6 =	ssub.s32 $0x2, s4;
	s4 =	sadd.s32 $0x400, s2;
	s8 =	smul.u32 $0xC80, s5;
	v47 =	vor.u32 $0x10, v0;
	v6 =	vand.u32 $0xF, v21;
	[tilespmem:$0x1FFB0] =	vst v3;
	v3 =	vunpack.c.0.s8.s32 v63  }
0x85: {  	s21 =	simm.s32 $0x0;
	s7 =	sshrl.u32 s6, $0x1;
	s5 =	smul.u32 $0xC8, s5;
	v8 =	vsel vm7, $0x8E, v8;
	v52 =	vand.u32 $0xF, v25;
	[tilespmem:$0x1FF60] =	vst v58;
	v31 =	vimm.s32 $0x1B1A1918  }
0x86: {  	s7 =	ssub.s32 s6, s7;
	s6 =	sadd.s32 $0x4400, s2;
	s0 =	sadd.s32 s0, s8;
	v54 =	vand.u32 $0xF, v27;
	v1 =	vand.u32 $0xF, v29;
	[tilespmem:$0x1FFC0] =	vst v3;
	v3 =	vunpack.c.0.s8.s32 v31  }
0x87: {  	s8 =	sadd.s32 $0x8400, s2;
	s26 =	smax.u32 s7, $0x1;
	[dreg:$0x3] =	wrdreg s0;
	v14 =	vsel vm7, $0x20E, v15;
	v18 =	vsel vm7, $0x30E, v60;
	v60 =	vimm.s32 $0x1211101F;
	[tilespmem:$0x1FFF0] =	vst v55  }
0x88: {  	s2 =	simm.s32 $0x2;
	[dreg:$0x4] =	wrdreg s26;
	s0 =	simm.s32 $0x11400;
	v59 =	vand.u32 $0xF, v23;
	v57 =	vunpack.c.0.s8.s32 v60;
	v30 =	vsel vm7, $0x120E, v30;
	[tilespmem:$0x1FFD0] =	vst v3  }
.LBB2_1:
0x89: {  	s7 =	rddreg [dreg:$0x3]  }
0x8a: {  	[tilespmem:s1], [sflag:$0x5] =	stream.linear.gather [hbm4b:s7+s1], $0x6400, $0x38;
	[tilespmem:$0x16400] =	vst v63  }
0x8b: {  	_ =	swait.ge [sflag:s11], $0x6400  }
0x8c: {  	[sflag:s11] =	ssyncset.done $0x0  }
0x8d: {  	[sflag:s11] =	ssyncadd.s32 $0xFFFF9C00  }
0x8e: {  	[tilespmem:s12], [sflag:$0x1] =	stream.indirect.gather [hbm4b:s3+s13], $0x20, s1, s13, $0xb8;
	[tilespmem:$0x16400] =	vst v63  }
0x8f: {  	s22 =	simm.s32 $0x7400  }
0x90: {  	[tilespmem:s22], [sflag:$0x1] =	stream.indirect.gather [hbm4b:s3+s13], $0x20, s13, s13, $0xb8;
	[tilespmem:$0x16400] =	vst v63  }
0x91: {  	s23 =	simm.s32 $0x8400;
	s10 =	simm.s32 $0x100  }
0x92: {  	[tilespmem:s23], [sflag:$0x1] =	stream.indirect.gather [hbm4b:s3+s13], $0x20, s10, s13, $0xb8;
	[tilespmem:$0x16400] =	vst v63  }
0x93: {  	s24 =	simm.s32 $0x180;
	s25 =	simm.s32 $0x9400  }
0x94: {  	[tilespmem:s25], [sflag:$0x1] =	stream.indirect.gather [hbm4b:s3+s13], $0x20, s24, s13, $0xb8;
	[tilespmem:$0x16400] =	vst v63  }
0x95: {  	s26 =	simm.s32 $0x200  }
0x96: {  	[tilespmem:s19], [sflag:$0x2] =	stream.indirect.gather [hbm4b:s3+s13], $0x20, s26, s13, $0xb8;
	[tilespmem:$0x16400] =	vst v63  }
0x97: {  	s22 =	simm.s32 $0xB400;
	s10 =	simm.s32 $0x280  }
0x98: {  	[tilespmem:s22], [sflag:$0x2] =	stream.indirect.gather [hbm4b:s3+s13], $0x20, s10, s13, $0xb8;
	[tilespmem:$0x16400] =	vst v63  }
0x99: {  	s23 =	simm.s32 $0x300;
	s24 =	simm.s32 $0xC400  }
0x9a: {  	[tilespmem:s24], [sflag:$0x2] =	stream.indirect.gather [hbm4b:s3+s13], $0x20, s23, s13, $0xb8;
	[tilespmem:$0x16400] =	vst v63  }
0x9b: {  	s25 =	simm.s32 $0x380;
	s26 =	simm.s32 $0xD400;
	s22 =	simm.s32 $0x0  }
0x9c: {  	[tilespmem:s26], [sflag:$0x2] =	stream.indirect.gather [hbm4b:s3+s13], $0x20, s25, s13, $0xb8;
	[tilespmem:$0x16400] =	vst v63  }
.LBB2_2:
0x9d: {  	_ =	swait.ge [sflag:s28], $0x1000  }
0x9e: {  	[sflag:s28] =	ssyncset.done $0x0  }
0x9f: {  	[sflag:s28] =	ssyncadd.s32 $0xFFFFF000  }
0xa0: {  	_ =	swait.ge [sflag:s28], $0x1000  }
0xa1: {  	[sflag:s28] =	ssyncset.done $0x0  }
0xa2: {  	[sflag:s28] =	ssyncadd.s32 $0xFFFFF000  }
0xa3: {  	_ =	swait.ge [sflag:s28], $0x1000  }
0xa4: {  	[sflag:s28] =	ssyncset.done $0x0  }
0xa5: {  	[sflag:s28] =	ssyncadd.s32 $0xFFFFF000  }
0xa6: {  	_ =	swait.ge [sflag:s28], $0x1000  }
0xa7: {  	p0 =	seq.s32 s22, $0x0;
	[sflag:s28] =	ssyncset.done $0x0  }
0xa8: {  	s7 =	simm.s32 @!p0 $0x3;
	[sflag:s28] =	ssyncadd.s32 $0xFFFFF000  }
0xa9: {  	_ =	swait.ge @!p0 [sflag:s7], $0x1000  }
0xaa: {  	[sflag:s7] =	ssyncset.done @!p0 $0x0  }
0xab: {  	[sflag:s7] =	ssyncadd.s32 @!p0 $0xFFFFF000  }
0xac: {  	_ =	swait.ge @!p0 [sflag:s7], $0x1000  }
0xad: {  	[sflag:s7] =	ssyncset.done @!p0 $0x0  }
0xae: {  	[sflag:s7] =	ssyncadd.s32 @!p0 $0xFFFFF000  }
0xaf: {  	_ =	swait.ge @!p0 [sflag:s7], $0x1000  }
0xb0: {  	[sflag:s7] =	ssyncset.done @!p0 $0x0  }
0xb1: {  	[sflag:s7] =	ssyncadd.s32 @!p0 $0xFFFFF000  }
0xb2: {  	_ =	swait.ge @!p0 [sflag:s7], $0x1000  }
0xb3: {  	s24 =	sshll.u32 s22, $0xC;
	s23 =	sshll.u32 s22, $0x3;
	[sflag:s7] =	ssyncset.done @!p0 $0x0  }
0xb4: {  	s26 =	simm.s32 $0x2C00;
	s25 =	sadd.s32 s5, s23;
	[sflag:s7] =	ssyncadd.s32 @!p0 $0xFFFFF000  }
.LBB2_3:
0xb5: {  	v3 =	vld [tilespmem:$0x1FE60];
	_ =	sdelay $0x1  }
0xb6: {  	s7 =	sadd.s32 $0xFFFFD400, s26  }
0xb7: {  	v31 =	vmov s7  }
0xb8: {  	v31 =	vshll.u32 v31, $0x5  }
0xb9: {  	v38 =	vor.u32 v3, v31  }
0xba: {  	v31 =	vor.u32 v0, v38;
	_ =	sdelay $0x2  }
0xbb: {  	v5 =	vld [tilespmem:$0x1FE70];
	_ =	sdelay $0x1  }
0xbc: {  	v31 =	vld.idx.msk [tilespmem:v31+s12+$0x0], $0xffff;
	_ =	sdelay $0x1  }
0xbd: {  	v32 =	vor.u32 s7, v2  }
0xbe: {  	v35 =	vor.u32 v5, v38;
	_ =	sdelay $0x1  }
0xbf: {  	v31 =	vmul.f32 $5.656854150e+00, v31  }
0xc0: {  	v7 =	vld [tilespmem:$0x1FE80]  }
0xc1: {  	[tilespmem:v32+s29+$0x0] =	vst.idx.msk $0xffff, v31  }
0xc2: {  	v31 =	vld.idx.msk [tilespmem:v35+s12+$0x0], $0xffff;
	_ =	sdelay $0x1  }
0xc3: {  	v58 =	vor.u32 s7, v4  }
0xc4: {  	v60 =	vor.u32 v7, v38;
	_ =	sdelay $0x1  }
0xc5: {  	v31 =	vmul.f32 $5.656854150e+00, v31  }
0xc6: {  	v9 =	vld [tilespmem:$0x1FE90]  }
0xc7: {  	[tilespmem:v58+s29+$0x0] =	vst.idx.msk $0xffff, v31  }
0xc8: {  	v31 =	vld.idx.msk [tilespmem:v60+s12+$0x0], $0xffff;
	_ =	sdelay $0x1  }
0xc9: {  	v61 =	vor.u32 s7, v48  }
0xca: {  	v62 =	vor.u32 v9, v38;
	_ =	sdelay $0x1  }
0xcb: {  	v31 =	vmul.f32 $5.656854150e+00, v31  }
0xcc: {  	v11 =	vld [tilespmem:$0x1FEA0]  }
0xcd: {  	[tilespmem:v61+s29+$0x0] =	vst.idx.msk $0xffff, v31  }
0xce: {  	v31 =	vld.idx.msk [tilespmem:v62+s12+$0x0], $0xffff;
	_ =	sdelay $0x1  }
0xcf: {  	v63 =	vor.u32 s7, v8  }
0xd0: {  	v36 =	vor.u32 v11, v38;
	_ =	sdelay $0x1  }
0xd1: {  	v31 =	vmul.f32 $5.656854150e+00, v31  }
0xd2: {  	v13 =	vld [tilespmem:$0x1FEB0]  }
0xd3: {  	[tilespmem:v63+s29+$0x0] =	vst.idx.msk $0xffff, v31  }
0xd4: {  	v31 =	vld.idx.msk [tilespmem:v36+s12+$0x0], $0xffff;
	_ =	sdelay $0x1  }
0xd5: {  	v37 =	vor.u32 s7, v10  }
0xd6: {  	v39 =	vor.u32 v13, v38;
	_ =	sdelay $0x1  }
0xd7: {  	v31 =	vmul.f32 $5.656854150e+00, v31;
	_ =	sdelay $0x1  }
0xd8: {  	[tilespmem:v37+s29+$0x0] =	vst.idx.msk $0xffff, v31  }
0xd9: {  	v31 =	vld.idx.msk [tilespmem:v39+s12+$0x0], $0xffff;
	_ =	sdelay $0x1  }
0xda: {  	v40 =	vor.u32 s7, v12  }
0xdb: {  	v41 =	vor.u32 v46, v38;
	_ =	sdelay $0x1  }
0xdc: {  	v31 =	vmul.f32 $5.656854150e+00, v31;
	_ =	sdelay $0x1  }
0xdd: {  	[tilespmem:v40+s29+$0x0] =	vst.idx.msk $0xffff, v31  }
0xde: {  	v31 =	vld.idx.msk [tilespmem:v41+s12+$0x0], $0xffff;
	_ =	sdelay $0x1  }
0xdf: {  	v42 =	vor.u32 s7, v14  }
0xe0: {  	v44 =	vor.u32 v51, v38;
	_ =	sdelay $0x1  }
0xe1: {  	v31 =	vmul.f32 $5.656854150e+00, v31;
	_ =	sdelay $0x1  }
0xe2: {  	[tilespmem:v42+s29+$0x0] =	vst.idx.msk $0xffff, v31  }
0xe3: {  	v31 =	vld.idx.msk [tilespmem:v44+s12+$0x0], $0xffff;
	_ =	sdelay $0x1  }
0xe4: {  	v45 =	vor.u32 s7, v16  }
0xe5: {  	v15 =	vmov v46;
	v46 =	vor.u32 v50, v38;
	_ =	sdelay $0x1  }
0xe6: {  	v31 =	vmul.f32 $5.656854150e+00, v31;
	_ =	sdelay $0x1  }
0xe7: {  	[tilespmem:v45+s29+$0x0] =	vst.idx.msk $0xffff, v31  }
0xe8: {  	v31 =	vld.idx.msk [tilespmem:v46+s12+$0x0], $0xffff;
	_ =	sdelay $0x1  }
0xe9: {  	v19 =	vmov v50;
	v50 =	vor.u32 s7, v18  }
0xea: {  	v17 =	vmov v51;
	v51 =	vor.u32 v49, v38;
	_ =	sdelay $0x1  }
0xeb: {  	v31 =	vmul.f32 $5.656854150e+00, v31;
	_ =	sdelay $0x1  }
0xec: {  	[tilespmem:v50+s29+$0x0] =	vst.idx.msk $0xffff, v31  }
0xed: {  	v31 =	vld.idx.msk [tilespmem:v51+s12+$0x0], $0xffff;
	_ =	sdelay $0x1  }
0xee: {  	v58 =	vor.u32 s7, v20  }
0xef: {  	v60 =	vor.u32 v6, v38;
	_ =	sdelay $0x1  }
0xf0: {  	v31 =	vmul.f32 $5.656854150e+00, v31;
	_ =	sdelay $0x1  }
0xf1: {  	[tilespmem:v58+s29+$0x0] =	vst.idx.msk $0xffff, v31  }
0xf2: {  	v31 =	vld.idx.msk [tilespmem:v60+s12+$0x0], $0xffff;
	_ =	sdelay $0x1  }
0xf3: {  	v61 =	vor.u32 s7, v22  }
0xf4: {  	v62 =	vor.u32 v59, v38;
	_ =	sdelay $0x1  }
0xf5: {  	v31 =	vmul.f32 $5.656854150e+00, v31;
	_ =	sdelay $0x1  }
0xf6: {  	[tilespmem:v61+s29+$0x0] =	vst.idx.msk $0xffff, v31  }
0xf7: {  	v31 =	vld.idx.msk [tilespmem:v62+s12+$0x0], $0xffff;
	_ =	sdelay $0x1  }
0xf8: {  	v63 =	vor.u32 s7, v24  }
0xf9: {  	v36 =	vor.u32 v52, v38;
	_ =	sdelay $0x1  }
0xfa: {  	v31 =	vmul.f32 $5.656854150e+00, v31;
	_ =	sdelay $0x1  }
0xfb: {  	[tilespmem:v63+s29+$0x0] =	vst.idx.msk $0xffff, v31  }
0xfc: {  	v31 =	vld.idx.msk [tilespmem:v36+s12+$0x0], $0xffff;
	_ =	sdelay $0x1  }
0xfd: {  	v37 =	vor.u32 s7, v26  }
0xfe: {  	v39 =	vor.u32 v54, v38;
	_ =	sdelay $0x1  }
0xff: {  	v31 =	vmul.f32 $5.656854150e+00, v31;
	_ =	sdelay $0x1  }
0x100: {  	[tilespmem:v37+s29+$0x0] =	vst.idx.msk $0xffff, v31  }
0x101: {  	v31 =	vld.idx.msk [tilespmem:v39+s12+$0x0], $0xffff;
	_ =	sdelay $0x1  }
0x102: {  	v40 =	vor.u32 s7, v28  }
0x103: {  	v41 =	vor.u32 v1, v38;
	_ =	sdelay $0x1  }
0x104: {  	v31 =	vmul.f32 $5.656854150e+00, v31;
	_ =	sdelay $0x1  }
0x105: {  	[tilespmem:v40+s29+$0x0] =	vst.idx.msk $0xffff, v31  }
0x106: {  	v31 =	vld.idx.msk [tilespmem:v41+s12+$0x0], $0xffff;
	_ =	sdelay $0x1  }
0x107: {  	v42 =	vor.u32 s7, v30  }
0x108: {  	v44 =	vor.u32 v43, v38;
	_ =	sdelay $0x1  }
0x109: {  	v31 =	vmul.f32 $5.656854150e+00, v31;
	_ =	sdelay $0x1  }
0x10a: {  	[tilespmem:v42+s29+$0x0] =	vst.idx.msk $0xffff, v31  }
0x10b: {  	v31 =	vld.idx.msk [tilespmem:v44+s12+$0x0], $0xffff;
	_ =	sdelay $0x1  }
0x10c: {  	v45 =	vor.u32 s7, v34  }
0x10d: {  	v46 =	vor.u32 v47, v38;
	_ =	sdelay $0x1  }
0x10e: {  	v31 =	vmul.f32 $5.656854150e+00, v31;
	_ =	sdelay $0x1  }
0x10f: {  	[tilespmem:v45+s29+$0x0] =	vst.idx.msk $0xffff, v31  }
0x110: {  	v31 =	vld.idx.msk [tilespmem:v46+s12+$0x0], $0xffff  }
0x111: {  	s7 =	sadd.s32 $0xFFFFF400, s26  }
0x112: {  	v21 =	vmov v49;
	v49 =	vor.u32 s7, v2  }
0x113: {  	v50 =	vor.u32 v53, v38;
	_ =	sdelay $0x1  }
0x114: {  	v31 =	vmul.f32 $5.656854150e+00, v31;
	_ =	sdelay $0x1  }
0x115: {  	[tilespmem:v49+s29+$0x0] =	vst.idx.msk $0xffff, v31  }
0x116: {  	v31 =	vld.idx.msk [tilespmem:v50+s12+$0x0], $0xffff;
	_ =	sdelay $0x1  }
0x117: {  	v0 =	vld [tilespmem:$0x1FF90];
	v51 =	vor.u32 s7, v4  }
0x118: {  	v27 =	vmov v52;
	v52 =	vor.u32 v55, v38;
	v45 =	vld [tilespmem:$0x1FF80];
	_ =	sdelay $0x1  }
0x119: {  	v33 =	vmov v1;
	v1 =	vld [tilespmem:$0x1FED0];
	v31 =	vmul.f32 $5.656854150e+00, v31  }
0x11a: {  	v4 =	vld [tilespmem:$0x1FFA0]  }
0x11b: {  	v39 =	vld [tilespmem:$0x1FEF0];
	[tilespmem:v51+s29+$0x0] =	vst.idx.msk $0xffff, v31  }
0x11c: {  	v32 =	vsel vm0, v57, v56;
	v35 =	vsel vm0, v0, v45;
	v31 =	vld.idx.msk [tilespmem:v52+s12+$0x0], $0xffff  }
0x11d: {  	v44 =	vld [tilespmem:$0x1FFB0];
	v50 =	vcombine.low v35, v32  }
0x11e: {  	v36 =	vor.u32 s7, v48;
	v46 =	vld [tilespmem:$0x1FFC0]  }
0x11f: {  	v49 =	vld [tilespmem:$0x1FFD0];
	v37 =	vor.u32 v50, v38;
	_ =	sdelay $0x1  }
0x120: {  	v31 =	vmul.f32 $5.656854150e+00, v31  }
0x121: {  	v23 =	vmov v6;
	v6 =	vld [tilespmem:$0x1FEE0]  }
0x122: {  	v39 =	vsel vm0, v39, v1;
	v1 =	vld [tilespmem:$0x1FEC0];
	[tilespmem:v36+s29+$0x0] =	vst.idx.msk $0xffff, v31  }
0x123: {  	v36 =	vsel vm0, v44, v4;
	v31 =	vld.idx.msk [tilespmem:v37+s12+$0x0], $0xffff;
	v37 =	vsel vm0, v49, v46  }
0x124: {  	v51 =	vcombine.low v37, v36  }
0x125: {  	v58 =	vor.u32 s7, v8  }
0x126: {  	v29 =	vmov v54;
	v54 =	vor.u32 v51, v38  }
0x127: {  	v40 =	vsel vm0, v1, v6;
	v1 =	vld [tilespmem:$0x1FF40]  }
0x128: {  	v6 =	vld [tilespmem:$0x1FF30];
	v31 =	vmul.f32 $5.656854150e+00, v31;
	_ =	sdelay $0x1  }
0x129: {  	[tilespmem:v58+s29+$0x0] =	vst.idx.msk $0xffff, v31  }
0x12a: {  	v31 =	vld.idx.msk [tilespmem:v54+s12+$0x0], $0xffff  }
0x12b: {  	v52 =	vcombine.low v40, v39  }
0x12c: {  	v55 =	vor.u32 s7, v10;
	v41 =	vsel vm0, v1, v6;
	v1 =	vld [tilespmem:$0x1FF50]  }
0x12d: {  	v42 =	vld [tilespmem:$0x1FF20];
	v60 =	vor.u32 v52, v38;
	_ =	sdelay $0x1  }
0x12e: {  	v31 =	vmul.f32 $5.656854150e+00, v31;
	_ =	sdelay $0x1  }
0x12f: {  	[tilespmem:v55+s29+$0x0] =	vst.idx.msk $0xffff, v31  }
0x130: {  	v42 =	vsel vm0, v42, v1;
	v31 =	vld.idx.msk [tilespmem:v60+s12+$0x0], $0xffff  }
0x131: {  	v54 =	vcombine.low v42, v41  }
0x132: {  	v25 =	vmov v59;
	v59 =	vor.u32 s7, v12  }
0x133: {  	v61 =	vor.u32 v54, v38;
	_ =	sdelay $0x1  }
0x134: {  	v31 =	vmul.f32 $5.656854150e+00, v31;
	_ =	sdelay $0x1  }
0x135: {  	v45 =	vsel vm0, v45, v57;
	[tilespmem:v59+s29+$0x0] =	vst.idx.msk $0xffff, v31;
	v59 =	vmov v12  }
0x136: {  	v12 =	vmovc v10;
	v10 =	vmovc v8;
	v8 =	vmov v48;
	v48 =	vmov v46;
	v46 =	vsel vm0, v56, v0;
	v31 =	vld.idx.msk [tilespmem:v61+s12+$0x0], $0xffff  }
0x137: {  	v58 =	vcombine.low v46, v45  }
0x138: {  	v55 =	vor.u32 s7, v14  }
0x139: {  	v62 =	vor.u32 v58, v38;
	_ =	sdelay $0x1  }
0x13a: {  	v31 =	vmul.f32 $5.656854150e+00, v31;
	_ =	sdelay $0x1  }
0x13b: {  	v6 =	vmov v44;
	[tilespmem:v55+s29+$0x0] =	vst.idx.msk $0xffff, v31  }
0x13c: {  	v49 =	vsel vm0, v4, v49;
	v48 =	vsel vm0, v48, v6;
	v31 =	vld.idx.msk [tilespmem:v62+s12+$0x0], $0xffff  }
0x13d: {  	v61 =	vcombine.low v49, v48  }
0x13e: {  	v55 =	vor.u32 s7, v16  }
0x13f: {  	v63 =	vor.u32 v61, v38;
	_ =	sdelay $0x1  }
0x140: {  	v31 =	vmul.f32 $5.656854150e+00, v31;
	_ =	sdelay $0x1  }
0x141: {  	v44 =	vld [tilespmem:$0x1FF10];
	[tilespmem:v55+s29+$0x0] =	vst.idx.msk $0xffff, v31  }
0x142: {  	v31 =	vld.idx.msk [tilespmem:v63+s12+$0x0], $0xffff  }
0x143: {  	v63 =	vld [tilespmem:$0x1FF00];
	_ =	sdelay $0x4  }
0x144: {  	v62 =	vcombine.low v63, v44  }
0x145: {  	v55 =	vor.u32 s7, v18  }
0x146: {  	v0 =	vld [tilespmem:$0x1FF60];
	v48 =	vor.u32 v62, v38  }
0x147: {  	v44 =	vld [tilespmem:$0x1FF70]  }
0x148: {  	v31 =	vmul.f32 $5.656854150e+00, v31;
	_ =	sdelay $0x1  }
0x149: {  	[tilespmem:v55+s29+$0x0] =	vst.idx.msk $0xffff, v31  }
0x14a: {  	v31 =	vld.idx.msk [tilespmem:v48+s12+$0x0], $0xffff  }
0x14b: {  	v63 =	vcombine.low v44, v0  }
0x14c: {  	v55 =	vor.u32 s7, v20  }
0x14d: {  	v60 =	vor.u32 v63, v38;
	_ =	sdelay $0x1  }
0x14e: {  	v31 =	vmul.f32 $5.656854150e+00, v31;
	_ =	sdelay $0x1  }
0x14f: {  	[tilespmem:v55+s29+$0x0] =	vst.idx.msk $0xffff, v31  }
0x150: {  	v48 =	vld.idx.msk [tilespmem:v60+s12+$0x0], $0xffff  }
0x151: {  	v31 =	vcombine.low v32, v35  }
0x152: {  	v44 =	vor.u32 s7, v22  }
0x153: {  	v35 =	vor.u32 v31, v38;
	_ =	sdelay $0x1  }
0x154: {  	v48 =	vmul.f32 $5.656854150e+00, v48;
	_ =	sdelay $0x1  }
0x155: {  	[tilespmem:v44+s29+$0x0] =	vst.idx.msk $0xffff, v48  }
0x156: {  	v35 =	vld.idx.msk [tilespmem:v35+s12+$0x0], $0xffff  }
0x157: {  	v32 =	vcombine.low v36, v37  }
0x158: {  	v49 =	vor.u32 s7, v24  }
0x159: {  	v37 =	vor.u32 v32, v38;
	_ =	sdelay $0x1  }
0x15a: {  	v35 =	vmul.f32 $5.656854150e+00, v35;
	_ =	sdelay $0x1  }
0x15b: {  	[tilespmem:v49+s29+$0x0] =	vst.idx.msk $0xffff, v35  }
0x15c: {  	v36 =	vld.idx.msk [tilespmem:v37+s12+$0x0], $0xffff  }
0x15d: {  	v35 =	vcombine.low v39, v40  }
0x15e: {  	v55 =	vor.u32 s7, v26  }
0x15f: {  	v39 =	vor.u32 v35, v38;
	_ =	sdelay $0x1  }
0x160: {  	v36 =	vmul.f32 $5.656854150e+00, v36;
	_ =	sdelay $0x1  }
0x161: {  	[tilespmem:v55+s29+$0x0] =	vst.idx.msk $0xffff, v36  }
0x162: {  	v37 =	vld.idx.msk [tilespmem:v39+s12+$0x0], $0xffff  }
0x163: {  	v36 =	vcombine.low v41, v42  }
0x164: {  	v60 =	vor.u32 s7, v28  }
0x165: {  	v44 =	vor.u32 v36, v38;
	_ =	sdelay $0x1  }
0x166: {  	v37 =	vmul.f32 $5.656854150e+00, v37;
	_ =	sdelay $0x1  }
0x167: {  	[tilespmem:v60+s29+$0x0] =	vst.idx.msk $0xffff, v37  }
0x168: {  	v39 =	vld.idx.msk [tilespmem:v44+s12+$0x0], $0xffff  }
0x169: {  	v37 =	vcombine.low v45, v46  }
0x16a: {  	v46 =	vor.u32 s7, v30  }
0x16b: {  	v38 =	vor.u32 v37, v38;
	_ =	sdelay $0x1  }
0x16c: {  	v39 =	vmul.f32 $5.656854150e+00, v39;
	_ =	sdelay $0x1  }
0x16d: {  	s10 =	sadd.s32 $0xFFFFD480, s26;
	[tilespmem:v46+s29+$0x0] =	vst.idx.msk $0xffff, v39  }
0x16e: {  	v49 =	vmov s10;
	v39 =	vld.idx.msk [tilespmem:v38+s12+$0x0], $0xffff  }
0x16f: {  	v38 =	vshll.u32 v49, $0x5  }
0x170: {  	v0 =	vlaneseq.u32;
	v60 =	vor.u32 s7, v34;
	v38 =	vor.u32 v3, v38  }
0x171: {  	v44 =	vor.u32 v0, v38;
	_ =	sdelay $0x1  }
0x172: {  	v39 =	vmul.f32 $5.656854150e+00, v39;
	_ =	sdelay $0x1  }
0x173: {  	[tilespmem:v60+s29+$0x0] =	vst.idx.msk $0xffff, v39  }
0x174: {  	v39 =	vld.idx.msk [tilespmem:v44+s12+$0x0], $0xffff  }
0x175: {  	s10 =	sadd.s32 $0xFFFFD800, s26  }
0x176: {  	v45 =	vor.u32 s10, v2  }
0x177: {  	v46 =	vor.u32 v5, v38;
	_ =	sdelay $0x1  }
0x178: {  	v4 =	vld [tilespmem:$0x1FFE0];
	v39 =	vmul.f32 $5.656854150e+00, v39;
	_ =	sdelay $0x1  }
0x179: {  	[tilespmem:v45+s29+$0x0] =	vst.idx.msk $0xffff, v39  }
0x17a: {  	v39 =	vld.idx.msk [tilespmem:v46+s12+$0x0], $0xffff;
	_ =	sdelay $0x1  }
0x17b: {  	v49 =	vor.u32 s10, v4  }
0x17c: {  	v60 =	vor.u32 v7, v38;
	_ =	sdelay $0x1  }
0x17d: {  	v39 =	vmul.f32 $5.656854150e+00, v39;
	_ =	sdelay $0x1  }
0x17e: {  	[tilespmem:v49+s29+$0x0] =	vst.idx.msk $0xffff, v39  }
0x17f: {  	v39 =	vld.idx.msk [tilespmem:v60+s12+$0x0], $0xffff  }
0x180: {  	v48 =	vmov v8  }
0x181: {  	v44 =	vor.u32 s10, v48  }
0x182: {  	v45 =	vor.u32 v9, v38;
	_ =	sdelay $0x1  }
0x183: {  	v39 =	vmul.f32 $5.656854150e+00, v39;
	_ =	sdelay $0x1  }
0x184: {  	[tilespmem:v44+s29+$0x0] =	vst.idx.msk $0xffff, v39  }
0x185: {  	v39 =	vld.idx.msk [tilespmem:v45+s12+$0x0], $0xffff  }
0x186: {  	v8 =	vmov v10  }
0x187: {  	v46 =	vor.u32 s10, v8  }
0x188: {  	v49 =	vor.u32 v11, v38;
	_ =	sdelay $0x1  }
0x189: {  	v39 =	vmul.f32 $5.656854150e+00, v39;
	_ =	sdelay $0x1  }
0x18a: {  	[tilespmem:v46+s29+$0x0] =	vst.idx.msk $0xffff, v39  }
0x18b: {  	v39 =	vld.idx.msk [tilespmem:v49+s12+$0x0], $0xffff  }
0x18c: {  	v10 =	vmov v12  }
0x18d: {  	v60 =	vor.u32 s10, v10  }
0x18e: {  	v44 =	vor.u32 v13, v38;
	_ =	sdelay $0x1  }
0x18f: {  	v39 =	vmul.f32 $5.656854150e+00, v39;
	_ =	sdelay $0x1  }
0x190: {  	[tilespmem:v60+s29+$0x0] =	vst.idx.msk $0xffff, v39  }
0x191: {  	v39 =	vld.idx.msk [tilespmem:v44+s12+$0x0], $0xffff;
	_ =	sdelay $0x1  }
0x192: {  	v45 =	vor.u32 s10, v59  }
0x193: {  	v46 =	vor.u32 v15, v38;
	_ =	sdelay $0x1  }
0x194: {  	v39 =	vmul.f32 $5.656854150e+00, v39;
	_ =	sdelay $0x1  }
0x195: {  	[tilespmem:v45+s29+$0x0] =	vst.idx.msk $0xffff, v39  }
0x196: {  	v39 =	vld.idx.msk [tilespmem:v46+s12+$0x0], $0xffff;
	_ =	sdelay $0x1  }
0x197: {  	v49 =	vor.u32 s10, v14  }
0x198: {  	v60 =	vor.u32 v17, v38;
	_ =	sdelay $0x1  }
0x199: {  	v39 =	vmul.f32 $5.656854150e+00, v39;
	_ =	sdelay $0x1  }
0x19a: {  	[tilespmem:v49+s29+$0x0] =	vst.idx.msk $0xffff, v39  }
0x19b: {  	v39 =	vld.idx.msk [tilespmem:v60+s12+$0x0], $0xffff;
	_ =	sdelay $0x1  }
0x19c: {  	v44 =	vor.u32 s10, v16  }
0x19d: {  	v45 =	vor.u32 v19, v38;
	_ =	sdelay $0x1  }
0x19e: {  	v39 =	vmul.f32 $5.656854150e+00, v39;
	_ =	sdelay $0x1  }
0x19f: {  	[tilespmem:v44+s29+$0x0] =	vst.idx.msk $0xffff, v39  }
0x1a0: {  	v39 =	vld.idx.msk [tilespmem:v45+s12+$0x0], $0xffff;
	_ =	sdelay $0x1  }
0x1a1: {  	v46 =	vor.u32 s10, v18  }
0x1a2: {  	v49 =	vor.u32 v21, v38;
	_ =	sdelay $0x1  }
0x1a3: {  	v39 =	vmul.f32 $5.656854150e+00, v39;
	_ =	sdelay $0x1  }
0x1a4: {  	[tilespmem:v46+s29+$0x0] =	vst.idx.msk $0xffff, v39  }
0x1a5: {  	v39 =	vld.idx.msk [tilespmem:v49+s12+$0x0], $0xffff;
	_ =	sdelay $0x1  }
0x1a6: {  	v60 =	vor.u32 s10, v20  }
0x1a7: {  	v44 =	vor.u32 v23, v38;
	_ =	sdelay $0x1  }
0x1a8: {  	v39 =	vmul.f32 $5.656854150e+00, v39;
	_ =	sdelay $0x1  }
0x1a9: {  	[tilespmem:v60+s29+$0x0] =	vst.idx.msk $0xffff, v39  }
0x1aa: {  	v39 =	vld.idx.msk [tilespmem:v44+s12+$0x0], $0xffff;
	_ =	sdelay $0x1  }
0x1ab: {  	v45 =	vor.u32 s10, v22  }
0x1ac: {  	v46 =	vor.u32 v25, v38;
	_ =	sdelay $0x1  }
0x1ad: {  	v39 =	vmul.f32 $5.656854150e+00, v39;
	_ =	sdelay $0x1  }
0x1ae: {  	[tilespmem:v45+s29+$0x0] =	vst.idx.msk $0xffff, v39  }
0x1af: {  	v39 =	vld.idx.msk [tilespmem:v46+s12+$0x0], $0xffff;
	_ =	sdelay $0x1  }
0x1b0: {  	v49 =	vor.u32 s10, v24  }
0x1b1: {  	v60 =	vor.u32 v27, v38;
	_ =	sdelay $0x1  }
0x1b2: {  	v39 =	vmul.f32 $5.656854150e+00, v39;
	_ =	sdelay $0x1  }
0x1b3: {  	[tilespmem:v49+s29+$0x0] =	vst.idx.msk $0xffff, v39  }
0x1b4: {  	v39 =	vld.idx.msk [tilespmem:v60+s12+$0x0], $0xffff;
	_ =	sdelay $0x1  }
0x1b5: {  	v44 =	vor.u32 s10, v26  }
0x1b6: {  	v45 =	vor.u32 v29, v38;
	_ =	sdelay $0x1  }
0x1b7: {  	v39 =	vmul.f32 $5.656854150e+00, v39;
	_ =	sdelay $0x1  }
0x1b8: {  	[tilespmem:v44+s29+$0x0] =	vst.idx.msk $0xffff, v39  }
0x1b9: {  	v39 =	vld.idx.msk [tilespmem:v45+s12+$0x0], $0xffff;
	_ =	sdelay $0x1  }
0x1ba: {  	v46 =	vor.u32 s10, v28  }
0x1bb: {  	v49 =	vor.u32 v33, v38;
	_ =	sdelay $0x1  }
0x1bc: {  	v39 =	vmul.f32 $5.656854150e+00, v39;
	_ =	sdelay $0x1  }
0x1bd: {  	[tilespmem:v46+s29+$0x0] =	vst.idx.msk $0xffff, v39  }
0x1be: {  	v39 =	vld.idx.msk [tilespmem:v49+s12+$0x0], $0xffff;
	_ =	sdelay $0x1  }
0x1bf: {  	v60 =	vor.u32 s10, v30  }
0x1c0: {  	v44 =	vor.u32 v43, v38;
	_ =	sdelay $0x1  }
0x1c1: {  	v39 =	vmul.f32 $5.656854150e+00, v39;
	_ =	sdelay $0x1  }
0x1c2: {  	[tilespmem:v60+s29+$0x0] =	vst.idx.msk $0xffff, v39  }
0x1c3: {  	v39 =	vld.idx.msk [tilespmem:v44+s12+$0x0], $0xffff;
	_ =	sdelay $0x1  }
0x1c4: {  	v45 =	vor.u32 s10, v34  }
0x1c5: {  	v46 =	vor.u32 v47, v38;
	_ =	sdelay $0x1  }
0x1c6: {  	v39 =	vmul.f32 $5.656854150e+00, v39;
	_ =	sdelay $0x1  }
0x1c7: {  	[tilespmem:v45+s29+$0x0] =	vst.idx.msk $0xffff, v39  }
0x1c8: {  	v39 =	vld.idx.msk [tilespmem:v46+s12+$0x0], $0xffff  }
0x1c9: {  	s7 =	sadd.s32 $0xFFFFF800, s26  }
0x1ca: {  	v49 =	vor.u32 s7, v2  }
0x1cb: {  	v60 =	vor.u32 v53, v38;
	_ =	sdelay $0x1  }
0x1cc: {  	v39 =	vmul.f32 $5.656854150e+00, v39  }
0x1cd: {  	v55 =	vld [tilespmem:$0x1FFF0]  }
0x1ce: {  	[tilespmem:v49+s29+$0x0] =	vst.idx.msk $0xffff, v39  }
0x1cf: {  	v39 =	vld.idx.msk [tilespmem:v60+s12+$0x0], $0xffff;
	_ =	sdelay $0x1  }
0x1d0: {  	v44 =	vor.u32 s7, v4  }
0x1d1: {  	v45 =	vor.u32 v55, v38;
	_ =	sdelay $0x1  }
0x1d2: {  	v39 =	vmul.f32 $5.656854150e+00, v39;
	_ =	sdelay $0x1  }
0x1d3: {  	[tilespmem:v44+s29+$0x0] =	vst.idx.msk $0xffff, v39  }
0x1d4: {  	v39 =	vld.idx.msk [tilespmem:v45+s12+$0x0], $0xffff;
	_ =	sdelay $0x1  }
0x1d5: {  	v46 =	vor.u32 s7, v48  }
0x1d6: {  	v49 =	vor.u32 v50, v38;
	_ =	sdelay $0x1  }
0x1d7: {  	v39 =	vmul.f32 $5.656854150e+00, v39;
	_ =	sdelay $0x1  }
0x1d8: {  	[tilespmem:v46+s29+$0x0] =	vst.idx.msk $0xffff, v39  }
0x1d9: {  	v39 =	vld.idx.msk [tilespmem:v49+s12+$0x0], $0xffff;
	_ =	sdelay $0x1  }
0x1da: {  	v60 =	vor.u32 s7, v8  }
0x1db: {  	v44 =	vor.u32 v51, v38;
	_ =	sdelay $0x1  }
0x1dc: {  	v39 =	vmul.f32 $5.656854150e+00, v39;
	_ =	sdelay $0x1  }
0x1dd: {  	[tilespmem:v60+s29+$0x0] =	vst.idx.msk $0xffff, v39  }
0x1de: {  	v39 =	vld.idx.msk [tilespmem:v44+s12+$0x0], $0xffff;
	_ =	sdelay $0x1  }
0x1df: {  	v45 =	vor.u32 s7, v10  }
0x1e0: {  	v46 =	vor.u32 v52, v38;
	_ =	sdelay $0x1  }
0x1e1: {  	v39 =	vmul.f32 $5.656854150e+00, v39;
	_ =	sdelay $0x1  }
0x1e2: {  	[tilespmem:v45+s29+$0x0] =	vst.idx.msk $0xffff, v39  }
0x1e3: {  	v39 =	vld.idx.msk [tilespmem:v46+s12+$0x0], $0xffff;
	_ =	sdelay $0x1  }
0x1e4: {  	v49 =	vor.u32 s7, v59  }
0x1e5: {  	v60 =	vor.u32 v54, v38;
	_ =	sdelay $0x1  }
0x1e6: {  	v39 =	vmul.f32 $5.656854150e+00, v39;
	_ =	sdelay $0x1  }
0x1e7: {  	[tilespmem:v49+s29+$0x0] =	vst.idx.msk $0xffff, v39  }
0x1e8: {  	v39 =	vld.idx.msk [tilespmem:v60+s12+$0x0], $0xffff;
	_ =	sdelay $0x1  }
0x1e9: {  	v44 =	vor.u32 s7, v14  }
0x1ea: {  	v45 =	vor.u32 v58, v38;
	_ =	sdelay $0x1  }
0x1eb: {  	v39 =	vmul.f32 $5.656854150e+00, v39;
	_ =	sdelay $0x1  }
0x1ec: {  	[tilespmem:v44+s29+$0x0] =	vst.idx.msk $0xffff, v39  }
0x1ed: {  	v39 =	vld.idx.msk [tilespmem:v45+s12+$0x0], $0xffff;
	_ =	sdelay $0x1  }
0x1ee: {  	v46 =	vor.u32 s7, v16  }
0x1ef: {  	v49 =	vor.u32 v61, v38;
	_ =	sdelay $0x1  }
0x1f0: {  	v39 =	vmul.f32 $5.656854150e+00, v39;
	_ =	sdelay $0x1  }
0x1f1: {  	[tilespmem:v46+s29+$0x0] =	vst.idx.msk $0xffff, v39  }
0x1f2: {  	v39 =	vld.idx.msk [tilespmem:v49+s12+$0x0], $0xffff;
	_ =	sdelay $0x1  }
0x1f3: {  	v60 =	vor.u32 s7, v18  }
0x1f4: {  	v44 =	vor.u32 v62, v38;
	_ =	sdelay $0x1  }
0x1f5: {  	v39 =	vmul.f32 $5.656854150e+00, v39;
	_ =	sdelay $0x1  }
0x1f6: {  	[tilespmem:v60+s29+$0x0] =	vst.idx.msk $0xffff, v39  }
0x1f7: {  	v39 =	vld.idx.msk [tilespmem:v44+s12+$0x0], $0xffff;
	_ =	sdelay $0x1  }
0x1f8: {  	v45 =	vor.u32 s7, v20  }
0x1f9: {  	v46 =	vor.u32 v63, v38;
	_ =	sdelay $0x1  }
0x1fa: {  	v39 =	vmul.f32 $5.656854150e+00, v39;
	_ =	sdelay $0x1  }
0x1fb: {  	[tilespmem:v45+s29+$0x0] =	vst.idx.msk $0xffff, v39  }
0x1fc: {  	v39 =	vld.idx.msk [tilespmem:v46+s12+$0x0], $0xffff;
	_ =	sdelay $0x1  }
0x1fd: {  	v49 =	vor.u32 s7, v22  }
0x1fe: {  	v60 =	vor.u32 v31, v38;
	_ =	sdelay $0x1  }
0x1ff: {  	v39 =	vmul.f32 $5.656854150e+00, v39;
	_ =	sdelay $0x1  }
0x200: {  	[tilespmem:v49+s29+$0x0] =	vst.idx.msk $0xffff, v39  }
0x201: {  	v39 =	vld.idx.msk [tilespmem:v60+s12+$0x0], $0xffff;
	_ =	sdelay $0x1  }
0x202: {  	v44 =	vor.u32 s7, v24  }
0x203: {  	v45 =	vor.u32 v32, v38;
	_ =	sdelay $0x1  }
0x204: {  	v39 =	vmul.f32 $5.656854150e+00, v39;
	_ =	sdelay $0x1  }
0x205: {  	[tilespmem:v44+s29+$0x0] =	vst.idx.msk $0xffff, v39  }
0x206: {  	v39 =	vld.idx.msk [tilespmem:v45+s12+$0x0], $0xffff;
	_ =	sdelay $0x1  }
0x207: {  	v46 =	vor.u32 s7, v26  }
0x208: {  	v49 =	vor.u32 v35, v38;
	_ =	sdelay $0x1  }
0x209: {  	v39 =	vmul.f32 $5.656854150e+00, v39;
	_ =	sdelay $0x1  }
0x20a: {  	[tilespmem:v46+s29+$0x0] =	vst.idx.msk $0xffff, v39  }
0x20b: {  	v39 =	vld.idx.msk [tilespmem:v49+s12+$0x0], $0xffff;
	_ =	sdelay $0x1  }
0x20c: {  	v60 =	vor.u32 s7, v28  }
0x20d: {  	v44 =	vor.u32 v36, v38;
	_ =	sdelay $0x1  }
0x20e: {  	v39 =	vmul.f32 $5.656854150e+00, v39;
	_ =	sdelay $0x1  }
0x20f: {  	[tilespmem:v60+s29+$0x0] =	vst.idx.msk $0xffff, v39  }
0x210: {  	v39 =	vld.idx.msk [tilespmem:v44+s12+$0x0], $0xffff;
	_ =	sdelay $0x1  }
0x211: {  	v45 =	vor.u32 s7, v30  }
0x212: {  	v38 =	vor.u32 v37, v38;
	_ =	sdelay $0x1  }
0x213: {  	v39 =	vmul.f32 $5.656854150e+00, v39;
	_ =	sdelay $0x1  }
0x214: {  	s10 =	sadd.s32 $0xFFFFD500, s26;
	[tilespmem:v45+s29+$0x0] =	vst.idx.msk $0xffff, v39  }
0x215: {  	v46 =	vmov s10;
	v39 =	vld.idx.msk [tilespmem:v38+s12+$0x0], $0xffff  }
0x216: {  	v38 =	vshll.u32 v46, $0x5  }
0x217: {  	v49 =	vor.u32 s7, v34;
	v38 =	vor.u32 v3, v38  }
0x218: {  	v60 =	vor.u32 v0, v38;
	_ =	sdelay $0x1  }
0x219: {  	v39 =	vmul.f32 $5.656854150e+00, v39;
	_ =	sdelay $0x1  }
0x21a: {  	[tilespmem:v49+s29+$0x0] =	vst.idx.msk $0xffff, v39  }
0x21b: {  	v39 =	vld.idx.msk [tilespmem:v60+s12+$0x0], $0xffff  }
0x21c: {  	s10 =	sadd.s32 $0xFFFFDC00, s26  }
0x21d: {  	v44 =	vor.u32 s10, v2  }
0x21e: {  	v45 =	vor.u32 v5, v38;
	_ =	sdelay $0x1  }
0x21f: {  	v39 =	vmul.f32 $5.656854150e+00, v39;
	_ =	sdelay $0x1  }
0x220: {  	[tilespmem:v44+s29+$0x0] =	vst.idx.msk $0xffff, v39  }
0x221: {  	v39 =	vld.idx.msk [tilespmem:v45+s12+$0x0], $0xffff;
	_ =	sdelay $0x1  }
0x222: {  	v46 =	vor.u32 s10, v4  }
0x223: {  	v49 =	vor.u32 v7, v38;
	_ =	sdelay $0x1  }
0x224: {  	v39 =	vmul.f32 $5.656854150e+00, v39;
	_ =	sdelay $0x1  }
0x225: {  	[tilespmem:v46+s29+$0x0] =	vst.idx.msk $0xffff, v39  }
0x226: {  	v39 =	vld.idx.msk [tilespmem:v49+s12+$0x0], $0xffff;
	_ =	sdelay $0x1  }
0x227: {  	v60 =	vor.u32 s10, v48  }
0x228: {  	v44 =	vor.u32 v9, v38;
	_ =	sdelay $0x1  }
0x229: {  	v39 =	vmul.f32 $5.656854150e+00, v39;
	_ =	sdelay $0x1  }
0x22a: {  	[tilespmem:v60+s29+$0x0] =	vst.idx.msk $0xffff, v39  }
0x22b: {  	v39 =	vld.idx.msk [tilespmem:v44+s12+$0x0], $0xffff;
	_ =	sdelay $0x1  }
0x22c: {  	v45 =	vor.u32 s10, v8  }
0x22d: {  	v46 =	vor.u32 v11, v38;
	_ =	sdelay $0x1  }
0x22e: {  	v39 =	vmul.f32 $5.656854150e+00, v39;
	_ =	sdelay $0x1  }
0x22f: {  	[tilespmem:v45+s29+$0x0] =	vst.idx.msk $0xffff, v39  }
0x230: {  	v39 =	vld.idx.msk [tilespmem:v46+s12+$0x0], $0xffff;
	_ =	sdelay $0x1  }
0x231: {  	v49 =	vor.u32 s10, v10  }
0x232: {  	v60 =	vor.u32 v13, v38;
	_ =	sdelay $0x1  }
0x233: {  	v39 =	vmul.f32 $5.656854150e+00, v39;
	_ =	sdelay $0x1  }
0x234: {  	[tilespmem:v49+s29+$0x0] =	vst.idx.msk $0xffff, v39  }
0x235: {  	v39 =	vld.idx.msk [tilespmem:v60+s12+$0x0], $0xffff;
	_ =	sdelay $0x1  }
0x236: {  	v44 =	vor.u32 s10, v59  }
0x237: {  	v45 =	vor.u32 v15, v38;
	_ =	sdelay $0x1  }
0x238: {  	v39 =	vmul.f32 $5.656854150e+00, v39;
	_ =	sdelay $0x1  }
0x239: {  	[tilespmem:v44+s29+$0x0] =	vst.idx.msk $0xffff, v39  }
0x23a: {  	v39 =	vld.idx.msk [tilespmem:v45+s12+$0x0], $0xffff;
	_ =	sdelay $0x1  }
0x23b: {  	v46 =	vor.u32 s10, v14  }
0x23c: {  	v49 =	vor.u32 v17, v38;
	_ =	sdelay $0x1  }
0x23d: {  	v39 =	vmul.f32 $5.656854150e+00, v39;
	_ =	sdelay $0x1  }
0x23e: {  	[tilespmem:v46+s29+$0x0] =	vst.idx.msk $0xffff, v39  }
0x23f: {  	v39 =	vld.idx.msk [tilespmem:v49+s12+$0x0], $0xffff;
	_ =	sdelay $0x1  }
0x240: {  	v60 =	vor.u32 s10, v16  }
0x241: {  	v44 =	vor.u32 v19, v38;
	_ =	sdelay $0x1  }
0x242: {  	v39 =	vmul.f32 $5.656854150e+00, v39;
	_ =	sdelay $0x1  }
0x243: {  	[tilespmem:v60+s29+$0x0] =	vst.idx.msk $0xffff, v39  }
0x244: {  	v39 =	vld.idx.msk [tilespmem:v44+s12+$0x0], $0xffff;
	_ =	sdelay $0x1  }
0x245: {  	v45 =	vor.u32 s10, v18  }
0x246: {  	v46 =	vor.u32 v21, v38;
	_ =	sdelay $0x1  }
0x247: {  	v39 =	vmul.f32 $5.656854150e+00, v39;
	_ =	sdelay $0x1  }
0x248: {  	[tilespmem:v45+s29+$0x0] =	vst.idx.msk $0xffff, v39  }
0x249: {  	v39 =	vld.idx.msk [tilespmem:v46+s12+$0x0], $0xffff;
	_ =	sdelay $0x1  }
0x24a: {  	v49 =	vor.u32 s10, v20  }
0x24b: {  	v60 =	vor.u32 v23, v38;
	_ =	sdelay $0x1  }
0x24c: {  	v39 =	vmul.f32 $5.656854150e+00, v39;
	_ =	sdelay $0x1  }
0x24d: {  	[tilespmem:v49+s29+$0x0] =	vst.idx.msk $0xffff, v39  }
0x24e: {  	v39 =	vld.idx.msk [tilespmem:v60+s12+$0x0], $0xffff;
	_ =	sdelay $0x1  }
0x24f: {  	v44 =	vor.u32 s10, v22  }
0x250: {  	v45 =	vor.u32 v25, v38;
	_ =	sdelay $0x1  }
0x251: {  	v39 =	vmul.f32 $5.656854150e+00, v39;
	_ =	sdelay $0x1  }
0x252: {  	[tilespmem:v44+s29+$0x0] =	vst.idx.msk $0xffff, v39  }
0x253: {  	v39 =	vld.idx.msk [tilespmem:v45+s12+$0x0], $0xffff;
	_ =	sdelay $0x1  }
0x254: {  	v46 =	vor.u32 s10, v24  }
0x255: {  	v49 =	vor.u32 v27, v38;
	_ =	sdelay $0x1  }
0x256: {  	v39 =	vmul.f32 $5.656854150e+00, v39;
	_ =	sdelay $0x1  }
0x257: {  	[tilespmem:v46+s29+$0x0] =	vst.idx.msk $0xffff, v39  }
0x258: {  	v39 =	vld.idx.msk [tilespmem:v49+s12+$0x0], $0xffff;
	_ =	sdelay $0x1  }
0x259: {  	v60 =	vor.u32 s10, v26  }
0x25a: {  	v44 =	vor.u32 v29, v38;
	_ =	sdelay $0x1  }
0x25b: {  	v39 =	vmul.f32 $5.656854150e+00, v39;
	_ =	sdelay $0x1  }
0x25c: {  	[tilespmem:v60+s29+$0x0] =	vst.idx.msk $0xffff, v39  }
0x25d: {  	v39 =	vld.idx.msk [tilespmem:v44+s12+$0x0], $0xffff;
	_ =	sdelay $0x1  }
0x25e: {  	v45 =	vor.u32 s10, v28  }
0x25f: {  	v46 =	vor.u32 v33, v38;
	_ =	sdelay $0x1  }
0x260: {  	v39 =	vmul.f32 $5.656854150e+00, v39;
	_ =	sdelay $0x1  }
0x261: {  	[tilespmem:v45+s29+$0x0] =	vst.idx.msk $0xffff, v39  }
0x262: {  	v39 =	vld.idx.msk [tilespmem:v46+s12+$0x0], $0xffff;
	_ =	sdelay $0x1  }
0x263: {  	v49 =	vor.u32 s10, v30  }
0x264: {  	v60 =	vor.u32 v43, v38;
	_ =	sdelay $0x1  }
0x265: {  	v39 =	vmul.f32 $5.656854150e+00, v39;
	_ =	sdelay $0x1  }
0x266: {  	[tilespmem:v49+s29+$0x0] =	vst.idx.msk $0xffff, v39  }
0x267: {  	v39 =	vld.idx.msk [tilespmem:v60+s12+$0x0], $0xffff;
	_ =	sdelay $0x1  }
0x268: {  	v44 =	vor.u32 s10, v34  }
0x269: {  	v45 =	vor.u32 v47, v38;
	_ =	sdelay $0x1  }
0x26a: {  	v39 =	vmul.f32 $5.656854150e+00, v39;
	_ =	sdelay $0x1  }
0x26b: {  	[tilespmem:v44+s29+$0x0] =	vst.idx.msk $0xffff, v39  }
0x26c: {  	v39 =	vld.idx.msk [tilespmem:v45+s12+$0x0], $0xffff  }
0x26d: {  	s7 =	sadd.s32 $0xFFFFFC00, s26  }
0x26e: {  	v46 =	vor.u32 s7, v2  }
0x26f: {  	v49 =	vor.u32 v53, v38;
	_ =	sdelay $0x1  }
0x270: {  	v39 =	vmul.f32 $5.656854150e+00, v39;
	_ =	sdelay $0x1  }
0x271: {  	[tilespmem:v46+s29+$0x0] =	vst.idx.msk $0xffff, v39  }
0x272: {  	v39 =	vld.idx.msk [tilespmem:v49+s12+$0x0], $0xffff;
	_ =	sdelay $0x1  }
0x273: {  	v60 =	vor.u32 s7, v4  }
0x274: {  	v44 =	vor.u32 v55, v38;
	_ =	sdelay $0x1  }
0x275: {  	v39 =	vmul.f32 $5.656854150e+00, v39;
	_ =	sdelay $0x1  }
0x276: {  	[tilespmem:v60+s29+$0x0] =	vst.idx.msk $0xffff, v39  }
0x277: {  	v39 =	vld.idx.msk [tilespmem:v44+s12+$0x0], $0xffff;
	_ =	sdelay $0x1  }
0x278: {  	v45 =	vor.u32 s7, v48  }
0x279: {  	v46 =	vor.u32 v50, v38;
	_ =	sdelay $0x1  }
0x27a: {  	v39 =	vmul.f32 $5.656854150e+00, v39;
	_ =	sdelay $0x1  }
0x27b: {  	[tilespmem:v45+s29+$0x0] =	vst.idx.msk $0xffff, v39  }
0x27c: {  	v39 =	vld.idx.msk [tilespmem:v46+s12+$0x0], $0xffff;
	_ =	sdelay $0x1  }
0x27d: {  	v49 =	vor.u32 s7, v8  }
0x27e: {  	v60 =	vor.u32 v51, v38;
	_ =	sdelay $0x1  }
0x27f: {  	v39 =	vmul.f32 $5.656854150e+00, v39;
	_ =	sdelay $0x1  }
0x280: {  	[tilespmem:v49+s29+$0x0] =	vst.idx.msk $0xffff, v39  }
0x281: {  	v39 =	vld.idx.msk [tilespmem:v60+s12+$0x0], $0xffff;
	_ =	sdelay $0x1  }
0x282: {  	v44 =	vor.u32 s7, v10  }
0x283: {  	v45 =	vor.u32 v52, v38;
	_ =	sdelay $0x1  }
0x284: {  	v39 =	vmul.f32 $5.656854150e+00, v39;
	_ =	sdelay $0x1  }
0x285: {  	[tilespmem:v44+s29+$0x0] =	vst.idx.msk $0xffff, v39  }
0x286: {  	v39 =	vld.idx.msk [tilespmem:v45+s12+$0x0], $0xffff;
	_ =	sdelay $0x1  }
0x287: {  	v46 =	vor.u32 s7, v59  }
0x288: {  	v49 =	vor.u32 v54, v38;
	_ =	sdelay $0x1  }
0x289: {  	v39 =	vmul.f32 $5.656854150e+00, v39;
	_ =	sdelay $0x1  }
0x28a: {  	[tilespmem:v46+s29+$0x0] =	vst.idx.msk $0xffff, v39  }
0x28b: {  	v39 =	vld.idx.msk [tilespmem:v49+s12+$0x0], $0xffff;
	_ =	sdelay $0x1  }
0x28c: {  	v60 =	vor.u32 s7, v14  }
0x28d: {  	v44 =	vor.u32 v58, v38;
	_ =	sdelay $0x1  }
0x28e: {  	v39 =	vmul.f32 $5.656854150e+00, v39;
	_ =	sdelay $0x1  }
0x28f: {  	[tilespmem:v60+s29+$0x0] =	vst.idx.msk $0xffff, v39  }
0x290: {  	v39 =	vld.idx.msk [tilespmem:v44+s12+$0x0], $0xffff;
	_ =	sdelay $0x1  }
0x291: {  	v45 =	vor.u32 s7, v16  }
0x292: {  	v46 =	vor.u32 v61, v38;
	_ =	sdelay $0x1  }
0x293: {  	v39 =	vmul.f32 $5.656854150e+00, v39;
	_ =	sdelay $0x1  }
0x294: {  	[tilespmem:v45+s29+$0x0] =	vst.idx.msk $0xffff, v39  }
0x295: {  	v39 =	vld.idx.msk [tilespmem:v46+s12+$0x0], $0xffff;
	_ =	sdelay $0x1  }
0x296: {  	v49 =	vor.u32 s7, v18  }
0x297: {  	v60 =	vor.u32 v62, v38;
	_ =	sdelay $0x1  }
0x298: {  	v39 =	vmul.f32 $5.656854150e+00, v39;
	_ =	sdelay $0x1  }
0x299: {  	[tilespmem:v49+s29+$0x0] =	vst.idx.msk $0xffff, v39  }
0x29a: {  	v39 =	vld.idx.msk [tilespmem:v60+s12+$0x0], $0xffff;
	_ =	sdelay $0x1  }
0x29b: {  	v44 =	vor.u32 s7, v20  }
0x29c: {  	v45 =	vor.u32 v63, v38;
	_ =	sdelay $0x1  }
0x29d: {  	v39 =	vmul.f32 $5.656854150e+00, v39;
	_ =	sdelay $0x1  }
0x29e: {  	[tilespmem:v44+s29+$0x0] =	vst.idx.msk $0xffff, v39  }
0x29f: {  	v39 =	vld.idx.msk [tilespmem:v45+s12+$0x0], $0xffff;
	_ =	sdelay $0x1  }
0x2a0: {  	v46 =	vor.u32 s7, v22  }
0x2a1: {  	v49 =	vor.u32 v31, v38;
	_ =	sdelay $0x1  }
0x2a2: {  	v39 =	vmul.f32 $5.656854150e+00, v39;
	_ =	sdelay $0x1  }
0x2a3: {  	[tilespmem:v46+s29+$0x0] =	vst.idx.msk $0xffff, v39  }
0x2a4: {  	v39 =	vld.idx.msk [tilespmem:v49+s12+$0x0], $0xffff;
	_ =	sdelay $0x1  }
0x2a5: {  	v60 =	vor.u32 s7, v24  }
0x2a6: {  	v44 =	vor.u32 v32, v38;
	_ =	sdelay $0x1  }
0x2a7: {  	v39 =	vmul.f32 $5.656854150e+00, v39;
	_ =	sdelay $0x1  }
0x2a8: {  	[tilespmem:v60+s29+$0x0] =	vst.idx.msk $0xffff, v39  }
0x2a9: {  	v39 =	vld.idx.msk [tilespmem:v44+s12+$0x0], $0xffff;
	_ =	sdelay $0x1  }
0x2aa: {  	v45 =	vor.u32 s7, v26  }
0x2ab: {  	v46 =	vor.u32 v35, v38;
	_ =	sdelay $0x1  }
0x2ac: {  	v39 =	vmul.f32 $5.656854150e+00, v39;
	_ =	sdelay $0x1  }
0x2ad: {  	[tilespmem:v45+s29+$0x0] =	vst.idx.msk $0xffff, v39  }
0x2ae: {  	v39 =	vld.idx.msk [tilespmem:v46+s12+$0x0], $0xffff;
	_ =	sdelay $0x1  }
0x2af: {  	v49 =	vor.u32 s7, v28  }
0x2b0: {  	v60 =	vor.u32 v36, v38;
	_ =	sdelay $0x1  }
0x2b1: {  	v39 =	vmul.f32 $5.656854150e+00, v39;
	_ =	sdelay $0x1  }
0x2b2: {  	[tilespmem:v49+s29+$0x0] =	vst.idx.msk $0xffff, v39  }
0x2b3: {  	v39 =	vld.idx.msk [tilespmem:v60+s12+$0x0], $0xffff;
	_ =	sdelay $0x1  }
0x2b4: {  	v44 =	vor.u32 s7, v30  }
0x2b5: {  	v38 =	vor.u32 v37, v38;
	_ =	sdelay $0x1  }
0x2b6: {  	v39 =	vmul.f32 $5.656854150e+00, v39;
	_ =	sdelay $0x1  }
0x2b7: {  	s10 =	sadd.s32 $0xFFFFD580, s26;
	[tilespmem:v44+s29+$0x0] =	vst.idx.msk $0xffff, v39  }
0x2b8: {  	v45 =	vmov s10;
	v40 =	vld.idx.msk [tilespmem:v38+s12+$0x0], $0xffff  }
0x2b9: {  	v46 =	vshll.u32 v45, $0x5  }
0x2ba: {  	v49 =	vor.u32 s7, v34;
	v38 =	vor.u32 v3, v46  }
0x2bb: {  	v45 =	vmov v54;
	v54 =	vor.u32 v0, v38;
	_ =	sdelay $0x1  }
0x2bc: {  	v40 =	vmul.f32 $5.656854150e+00, v40;
	_ =	sdelay $0x1  }
0x2bd: {  	[tilespmem:v49+s29+$0x0] =	vst.idx.msk $0xffff, v40  }
0x2be: {  	v39 =	vld.idx.msk [tilespmem:v54+s12+$0x0], $0xffff  }
0x2bf: {  	s10 =	sadd.s32 $0xFFFFE000, s26  }
0x2c0: {  	v46 =	vor.u32 s10, v2  }
0x2c1: {  	v49 =	vor.u32 v5, v38;
	_ =	sdelay $0x1  }
0x2c2: {  	v39 =	vmul.f32 $5.656854150e+00, v39;
	_ =	sdelay $0x1  }
0x2c3: {  	[tilespmem:v46+s29+$0x0] =	vst.idx.msk $0xffff, v39  }
0x2c4: {  	v39 =	vld.idx.msk [tilespmem:v49+s12+$0x0], $0xffff;
	_ =	sdelay $0x1  }
0x2c5: {  	v44 =	vmov v58;
	v58 =	vmov v50;
	v50 =	vor.u32 s10, v4  }
0x2c6: {  	v60 =	vmov v51;
	v51 =	vor.u32 v7, v38;
	_ =	sdelay $0x1  }
0x2c7: {  	v39 =	vmul.f32 $5.656854150e+00, v39;
	_ =	sdelay $0x1  }
0x2c8: {  	[tilespmem:v50+s29+$0x0] =	vst.idx.msk $0xffff, v39  }
0x2c9: {  	v39 =	vld.idx.msk [tilespmem:v51+s12+$0x0], $0xffff;
	_ =	sdelay $0x1  }
0x2ca: {  	v42 =	vmov v52;
	v52 =	vor.u32 s10, v48  }
0x2cb: {  	v54 =	vor.u32 v9, v38;
	_ =	sdelay $0x1  }
0x2cc: {  	v39 =	vmul.f32 $5.656854150e+00, v39;
	_ =	sdelay $0x1  }
0x2cd: {  	[tilespmem:v52+s29+$0x0] =	vst.idx.msk $0xffff, v39  }
0x2ce: {  	v39 =	vld.idx.msk [tilespmem:v54+s12+$0x0], $0xffff;
	_ =	sdelay $0x1  }
0x2cf: {  	v46 =	vor.u32 s10, v8  }
0x2d0: {  	v49 =	vor.u32 v11, v38;
	_ =	sdelay $0x1  }
0x2d1: {  	v39 =	vmul.f32 $5.656854150e+00, v39;
	_ =	sdelay $0x1  }
0x2d2: {  	[tilespmem:v46+s29+$0x0] =	vst.idx.msk $0xffff, v39  }
0x2d3: {  	v39 =	vld.idx.msk [tilespmem:v49+s12+$0x0], $0xffff;
	_ =	sdelay $0x1  }
0x2d4: {  	v50 =	vor.u32 s10, v10  }
0x2d5: {  	v51 =	vor.u32 v13, v38;
	_ =	sdelay $0x1  }
0x2d6: {  	v39 =	vmul.f32 $5.656854150e+00, v39;
	_ =	sdelay $0x1  }
0x2d7: {  	[tilespmem:v50+s29+$0x0] =	vst.idx.msk $0xffff, v39  }
0x2d8: {  	v39 =	vld.idx.msk [tilespmem:v51+s12+$0x0], $0xffff;
	_ =	sdelay $0x1  }
0x2d9: {  	v52 =	vor.u32 s10, v59  }
0x2da: {  	v54 =	vor.u32 v15, v38;
	_ =	sdelay $0x1  }
0x2db: {  	v39 =	vmul.f32 $5.656854150e+00, v39;
	_ =	sdelay $0x1  }
0x2dc: {  	[tilespmem:v52+s29+$0x0] =	vst.idx.msk $0xffff, v39  }
0x2dd: {  	v39 =	vld.idx.msk [tilespmem:v54+s12+$0x0], $0xffff;
	_ =	sdelay $0x1  }
0x2de: {  	v12 =	vmov v59;
	v59 =	vor.u32 s10, v14  }
0x2df: {  	v54 =	vor.u32 v17, v38;
	_ =	sdelay $0x1  }
0x2e0: {  	v39 =	vmul.f32 $5.656854150e+00, v39;
	_ =	sdelay $0x1  }
0x2e1: {  	[tilespmem:v59+s29+$0x0] =	vst.idx.msk $0xffff, v39  }
0x2e2: {  	v39 =	vld.idx.msk [tilespmem:v54+s12+$0x0], $0xffff;
	_ =	sdelay $0x1  }
0x2e3: {  	v59 =	vor.u32 s10, v16  }
0x2e4: {  	v49 =	vor.u32 v19, v38;
	_ =	sdelay $0x1  }
0x2e5: {  	v39 =	vmul.f32 $5.656854150e+00, v39;
	_ =	sdelay $0x1  }
0x2e6: {  	[tilespmem:v59+s29+$0x0] =	vst.idx.msk $0xffff, v39  }
0x2e7: {  	v39 =	vld.idx.msk [tilespmem:v49+s12+$0x0], $0xffff;
	_ =	sdelay $0x1  }
0x2e8: {  	v52 =	vor.u32 s10, v18  }
0x2e9: {  	v54 =	vor.u32 v21, v38;
	_ =	sdelay $0x1  }
0x2ea: {  	v39 =	vmul.f32 $5.656854150e+00, v39;
	_ =	sdelay $0x1  }
0x2eb: {  	[tilespmem:v52+s29+$0x0] =	vst.idx.msk $0xffff, v39  }
0x2ec: {  	v39 =	vld.idx.msk [tilespmem:v54+s12+$0x0], $0xffff;
	_ =	sdelay $0x1  }
0x2ed: {  	v59 =	vor.u32 s10, v20  }
0x2ee: {  	v52 =	vor.u32 v23, v38;
	_ =	sdelay $0x1  }
0x2ef: {  	v39 =	vmul.f32 $5.656854150e+00, v39;
	_ =	sdelay $0x1  }
0x2f0: {  	[tilespmem:v59+s29+$0x0] =	vst.idx.msk $0xffff, v39  }
0x2f1: {  	v39 =	vld.idx.msk [tilespmem:v52+s12+$0x0], $0xffff;
	_ =	sdelay $0x1  }
0x2f2: {  	v54 =	vor.u32 s10, v22  }
0x2f3: {  	v52 =	vor.u32 v25, v38;
	_ =	sdelay $0x1  }
0x2f4: {  	v39 =	vmul.f32 $5.656854150e+00, v39;
	_ =	sdelay $0x1  }
0x2f5: {  	[tilespmem:v54+s29+$0x0] =	vst.idx.msk $0xffff, v39  }
0x2f6: {  	v39 =	vld.idx.msk [tilespmem:v52+s12+$0x0], $0xffff;
	_ =	sdelay $0x1  }
0x2f7: {  	v40 =	vor.u32 s10, v24  }
0x2f8: {  	v54 =	vor.u32 v27, v38;
	_ =	sdelay $0x1  }
0x2f9: {  	v39 =	vmul.f32 $5.656854150e+00, v39;
	_ =	sdelay $0x1  }
0x2fa: {  	[tilespmem:v40+s29+$0x0] =	vst.idx.msk $0xffff, v39  }
0x2fb: {  	v39 =	vld.idx.msk [tilespmem:v54+s12+$0x0], $0xffff;
	_ =	sdelay $0x1  }
0x2fc: {  	v40 =	vor.u32 s10, v26  }
0x2fd: {  	v41 =	vor.u32 v29, v38;
	_ =	sdelay $0x1  }
0x2fe: {  	v39 =	vmul.f32 $5.656854150e+00, v39;
	_ =	sdelay $0x1  }
0x2ff: {  	[tilespmem:v40+s29+$0x0] =	vst.idx.msk $0xffff, v39  }
0x300: {  	v39 =	vld.idx.msk [tilespmem:v41+s12+$0x0], $0xffff;
	_ =	sdelay $0x1  }
0x301: {  	v40 =	vor.u32 s10, v28  }
0x302: {  	v1 =	vmov v33;
	v33 =	vor.u32 v33, v38;
	_ =	sdelay $0x1  }
0x303: {  	v39 =	vmul.f32 $5.656854150e+00, v39;
	_ =	sdelay $0x1  }
0x304: {  	[tilespmem:v40+s29+$0x0] =	vst.idx.msk $0xffff, v39  }
0x305: {  	v39 =	vld.idx.msk [tilespmem:v33+s12+$0x0], $0xffff;
	_ =	sdelay $0x1  }
0x306: {  	v40 =	vor.u32 s10, v30  }
0x307: {  	v33 =	vor.u32 v43, v38;
	_ =	sdelay $0x1  }
0x308: {  	v39 =	vmul.f32 $5.656854150e+00, v39;
	_ =	sdelay $0x1  }
0x309: {  	[tilespmem:v40+s29+$0x0] =	vst.idx.msk $0xffff, v39  }
0x30a: {  	v39 =	vld.idx.msk [tilespmem:v33+s12+$0x0], $0xffff;
	_ =	sdelay $0x1  }
0x30b: {  	v40 =	vor.u32 s10, v34  }
0x30c: {  	v33 =	vor.u32 v47, v38;
	_ =	sdelay $0x1  }
0x30d: {  	v39 =	vmul.f32 $5.656854150e+00, v39;
	_ =	sdelay $0x1  }
0x30e: {  	[tilespmem:v40+s29+$0x0] =	vst.idx.msk $0xffff, v39  }
0x30f: {  	v39 =	vld.idx.msk [tilespmem:v33+s12+$0x0], $0xffff;
	_ =	sdelay $0x1  }
0x310: {  	v40 =	vor.u32 s26, v2  }
0x311: {  	v33 =	vor.u32 v53, v38;
	_ =	sdelay $0x1  }
0x312: {  	v39 =	vmul.f32 $5.656854150e+00, v39;
	_ =	sdelay $0x1  }
0x313: {  	[tilespmem:v40+s29+$0x0] =	vst.idx.msk $0xffff, v39  }
0x314: {  	v39 =	vld.idx.msk [tilespmem:v33+s12+$0x0], $0xffff;
	_ =	sdelay $0x1  }
0x315: {  	v40 =	vor.u32 s26, v4  }
0x316: {  	v33 =	vor.u32 v55, v38;
	_ =	sdelay $0x1  }
0x317: {  	v39 =	vmul.f32 $5.656854150e+00, v39;
	_ =	sdelay $0x1  }
0x318: {  	[tilespmem:v40+s29+$0x0] =	vst.idx.msk $0xffff, v39  }
0x319: {  	v39 =	vld.idx.msk [tilespmem:v33+s12+$0x0], $0xffff;
	_ =	sdelay $0x1  }
0x31a: {  	v40 =	vor.u32 s26, v48  }
0x31b: {  	v33 =	vor.u32 v58, v38;
	_ =	sdelay $0x1  }
0x31c: {  	v39 =	vmul.f32 $5.656854150e+00, v39;
	_ =	sdelay $0x1  }
0x31d: {  	[tilespmem:v40+s29+$0x0] =	vst.idx.msk $0xffff, v39  }
0x31e: {  	v39 =	vld.idx.msk [tilespmem:v33+s12+$0x0], $0xffff;
	_ =	sdelay $0x1  }
0x31f: {  	v40 =	vor.u32 s26, v8  }
0x320: {  	v33 =	vor.u32 v60, v38;
	_ =	sdelay $0x1  }
0x321: {  	v39 =	vmul.f32 $5.656854150e+00, v39;
	_ =	sdelay $0x1  }
0x322: {  	[tilespmem:v40+s29+$0x0] =	vst.idx.msk $0xffff, v39  }
0x323: {  	v39 =	vld.idx.msk [tilespmem:v33+s12+$0x0], $0xffff;
	_ =	sdelay $0x1  }
0x324: {  	v40 =	vor.u32 s26, v10  }
0x325: {  	v33 =	vor.u32 v42, v38;
	_ =	sdelay $0x1  }
0x326: {  	v39 =	vmul.f32 $5.656854150e+00, v39;
	_ =	sdelay $0x1  }
0x327: {  	[tilespmem:v40+s29+$0x0] =	vst.idx.msk $0xffff, v39  }
0x328: {  	v39 =	vld.idx.msk [tilespmem:v33+s12+$0x0], $0xffff;
	_ =	sdelay $0x1  }
0x329: {  	v40 =	vor.u32 s26, v12  }
0x32a: {  	v33 =	vor.u32 v45, v38;
	_ =	sdelay $0x1  }
0x32b: {  	v39 =	vmul.f32 $5.656854150e+00, v39;
	_ =	sdelay $0x1  }
0x32c: {  	[tilespmem:v40+s29+$0x0] =	vst.idx.msk $0xffff, v39  }
0x32d: {  	v39 =	vld.idx.msk [tilespmem:v33+s12+$0x0], $0xffff;
	_ =	sdelay $0x1  }
0x32e: {  	v40 =	vor.u32 s26, v14  }
0x32f: {  	v33 =	vor.u32 v44, v38;
	_ =	sdelay $0x1  }
0x330: {  	v39 =	vmul.f32 $5.656854150e+00, v39;
	_ =	sdelay $0x1  }
0x331: {  	[tilespmem:v40+s29+$0x0] =	vst.idx.msk $0xffff, v39  }
0x332: {  	v39 =	vld.idx.msk [tilespmem:v33+s12+$0x0], $0xffff;
	_ =	sdelay $0x1  }
0x333: {  	v40 =	vor.u32 s26, v16  }
0x334: {  	v33 =	vor.u32 v61, v38;
	_ =	sdelay $0x1  }
0x335: {  	v39 =	vmul.f32 $5.656854150e+00, v39;
	_ =	sdelay $0x1  }
0x336: {  	[tilespmem:v40+s29+$0x0] =	vst.idx.msk $0xffff, v39  }
0x337: {  	v39 =	vld.idx.msk [tilespmem:v33+s12+$0x0], $0xffff;
	_ =	sdelay $0x1  }
0x338: {  	v40 =	vor.u32 s26, v18  }
0x339: {  	v33 =	vor.u32 v62, v38;
	_ =	sdelay $0x1  }
0x33a: {  	v39 =	vmul.f32 $5.656854150e+00, v39;
	_ =	sdelay $0x1  }
0x33b: {  	[tilespmem:v40+s29+$0x0] =	vst.idx.msk $0xffff, v39  }
0x33c: {  	v39 =	vld.idx.msk [tilespmem:v33+s12+$0x0], $0xffff;
	_ =	sdelay $0x1  }
0x33d: {  	v40 =	vor.u32 s26, v20  }
0x33e: {  	v33 =	vor.u32 v63, v38;
	_ =	sdelay $0x1  }
0x33f: {  	v39 =	vmul.f32 $5.656854150e+00, v39;
	_ =	sdelay $0x1  }
0x340: {  	[tilespmem:v40+s29+$0x0] =	vst.idx.msk $0xffff, v39  }
0x341: {  	v39 =	vld.idx.msk [tilespmem:v33+s12+$0x0], $0xffff;
	_ =	sdelay $0x1  }
0x342: {  	v40 =	vor.u32 s26, v22  }
0x343: {  	v33 =	vor.u32 v31, v38;
	_ =	sdelay $0x1  }
0x344: {  	v39 =	vmul.f32 $5.656854150e+00, v39;
	_ =	sdelay $0x1  }
0x345: {  	[tilespmem:v40+s29+$0x0] =	vst.idx.msk $0xffff, v39  }
0x346: {  	v39 =	vld.idx.msk [tilespmem:v33+s12+$0x0], $0xffff;
	_ =	sdelay $0x1  }
0x347: {  	v40 =	vor.u32 s26, v24  }
0x348: {  	v33 =	vor.u32 v32, v38;
	_ =	sdelay $0x1  }
0x349: {  	v39 =	vmul.f32 $5.656854150e+00, v39;
	_ =	sdelay $0x1  }
0x34a: {  	[tilespmem:v40+s29+$0x0] =	vst.idx.msk $0xffff, v39  }
0x34b: {  	v39 =	vld.idx.msk [tilespmem:v33+s12+$0x0], $0xffff;
	_ =	sdelay $0x1  }
0x34c: {  	v40 =	vor.u32 s26, v26  }
0x34d: {  	v33 =	vor.u32 v35, v38;
	_ =	sdelay $0x1  }
0x34e: {  	v39 =	vmul.f32 $5.656854150e+00, v39;
	_ =	sdelay $0x1  }
0x34f: {  	[tilespmem:v40+s29+$0x0] =	vst.idx.msk $0xffff, v39  }
0x350: {  	v39 =	vld.idx.msk [tilespmem:v33+s12+$0x0], $0xffff;
	_ =	sdelay $0x1  }
0x351: {  	v40 =	vor.u32 s26, v28  }
0x352: {  	v33 =	vor.u32 v36, v38;
	_ =	sdelay $0x1  }
0x353: {  	v39 =	vmul.f32 $5.656854150e+00, v39;
	_ =	sdelay $0x1  }
0x354: {  	[tilespmem:v40+s29+$0x0] =	vst.idx.msk $0xffff, v39  }
0x355: {  	v39 =	vld.idx.msk [tilespmem:v33+s12+$0x0], $0xffff;
	_ =	sdelay $0x1  }
0x356: {  	v33 =	vor.u32 s26, v30  }
0x357: {  	v38 =	vor.u32 v37, v38;
	_ =	sdelay $0x1  }
0x358: {  	v39 =	vmul.f32 $5.656854150e+00, v39;
	_ =	sdelay $0x1  }
0x359: {  	[tilespmem:v33+s29+$0x0] =	vst.idx.msk $0xffff, v39  }
0x35a: {  	v38 =	vld.idx.msk [tilespmem:v38+s12+$0x0], $0xffff;
	_ =	sdelay $0x1  }
0x35b: {  	p1 =	sne.s32 s26, $0x2C70;
	v33 =	vor.u32 s26, v34  }
.Ltmp0:
0x35c: {  	_ = 	snop;
	(pc) =	sbr.rel @p1 .LBB2_3-.Ltmp0, $4  }
0x35d: {  	_ = 	snop  }
0x35e: {  	v38 =	vmul.f32 $5.656854150e+00, v38  }
0x35f: {  	v6 =	vmov v23;
	v46 =	vmov v15;
	v50 =	vmov v19  }
0x360: {  	v51 =	vmovc v17;
	v49 =	vmovc v21;
	v59 =	vmov v25;
	v52 =	vmov v27;
	v54 =	vmov v29;
	s26 =	sadd.s32 $0x10, s26;
	[tilespmem:v33+s29+$0x0] =	vst.idx.msk $0xffff, v38  }
0x361: {  	p1 =	seq.s32 s22, $0x18  }
0x362: {  	s24 =	sshrl.u32 @!p1 s24, $0x2  }
0x363: {  	s10 =	simm.s32 @!p1 $0x80;
	s26 =	simm.s32 @!p1 $0x6400;
	s7 =	sadd.s32 @!p1 $0x400, s24  }
0x364: {  	[tilespmem:s26], [sflag:$0x1] =	stream.indirect.gather @!p1 [hbm4b:s3+s10], $0x20, s7, s10, $0xb8;
	[tilespmem:$0x16400] =	vst v63  }
0x365: {  	s7 =	sadd.s32 @!p1 $0x480, s24;
	s26 =	simm.s32 @!p1 $0x7400  }
0x366: {  	[tilespmem:s26], [sflag:$0x1] =	stream.indirect.gather @!p1 [hbm4b:s3+s10], $0x20, s7, s10, $0xb8;
	[tilespmem:$0x16400] =	vst v63  }
0x367: {  	s7 =	sadd.s32 @!p1 $0x500, s24;
	s26 =	simm.s32 @!p1 $0x8400  }
0x368: {  	[tilespmem:s26], [sflag:$0x1] =	stream.indirect.gather @!p1 [hbm4b:s3+s10], $0x20, s7, s10, $0xb8;
	[tilespmem:$0x16400] =	vst v63  }
0x369: {  	s7 =	sadd.s32 @!p1 $0x580, s24;
	s26 =	simm.s32 @!p1 $0x9400  }
0x36a: {  	[tilespmem:s26], [sflag:$0x1] =	stream.indirect.gather @!p1 [hbm4b:s3+s10], $0x20, s7, s10, $0xb8;
	[tilespmem:$0x16400] =	vst v63  }
0x36b: {  	s10 =	sshll.u32 s25, $0x9;
	s25 =	sshll.u32 s25, $0x7  }
0x36c: {  	s7 =	sand.u32 $0xFFF0000, s10;
	s10 =	sand.u32 $0x3C00, s25  }
0x36d: {  	s7 =	sor.u32 s10, s7  }
0x36e: {  	s10 =	sadd.s32 s4, s7  }
0x36f: {  	[hbm4b:s10+s1] =	stream.linear.scatter [tilespmem:s29], [sflag:$0x3], $0x1000, $0x38;
	[tilespmem:$0x16400] =	vst v63  }
0x370: {  	s26 =	sadd.s32 s7, s6  }
0x371: {  	[hbm4b:s26+s1] =	stream.linear.scatter [tilespmem:s30], [sflag:$0x3], $0x1000, $0x38;
	[tilespmem:$0x16400] =	vst v63  }
0x372: {  	s25 =	sadd.s32 s7, s8  }
0x373: {  	[hbm4b:s25+s1] =	stream.linear.scatter [tilespmem:s31], [sflag:$0x3], $0x1000, $0x38;
	[tilespmem:$0x16400] =	vst v63  }
0x374: {  	s7 =	sadd.s32 s7, s9  }
0x375: {  	[hbm4b:s7+s1] =	stream.linear.scatter [tilespmem:s0], [sflag:$0x3], $0x1000, $0x38;
	[tilespmem:$0x16400] =	vst v63  }
0x376: {  	_ =	swait.ge [sflag:s2], $0x1000  }
0x377: {  	[sflag:s2] =	ssyncset.done $0x0  }
0x378: {  	[sflag:s2] =	ssyncadd.s32 $0xFFFFF000  }
0x379: {  	_ =	swait.ge [sflag:s2], $0x1000  }
0x37a: {  	[sflag:s2] =	ssyncset.done $0x0  }
0x37b: {  	[sflag:s2] =	ssyncadd.s32 $0xFFFFF000  }
0x37c: {  	_ =	swait.ge [sflag:s2], $0x1000  }
0x37d: {  	[sflag:s2] =	ssyncset.done $0x0  }
0x37e: {  	[sflag:s2] =	ssyncadd.s32 $0xFFFFF000  }
0x37f: {  	_ =	swait.ge [sflag:s2], $0x1000  }
0x380: {  	[sflag:s2] =	ssyncset.done $0x0  }
0x381: {  	s7 =	simm.s32 @!p0 $0x4;
	[sflag:s2] =	ssyncadd.s32 $0xFFFFF000  }
0x382: {  	_ =	swait.ge @!p0 [sflag:s7], $0x1000  }
0x383: {  	[sflag:s7] =	ssyncset.done @!p0 $0x0  }
0x384: {  	[sflag:s7] =	ssyncadd.s32 @!p0 $0xFFFFF000  }
0x385: {  	_ =	swait.ge @!p0 [sflag:s7], $0x1000  }
0x386: {  	[sflag:s7] =	ssyncset.done @!p0 $0x0  }
0x387: {  	[sflag:s7] =	ssyncadd.s32 @!p0 $0xFFFFF000  }
0x388: {  	_ =	swait.ge @!p0 [sflag:s7], $0x1000  }
0x389: {  	[sflag:s7] =	ssyncset.done @!p0 $0x0  }
0x38a: {  	[sflag:s7] =	ssyncadd.s32 @!p0 $0xFFFFF000  }
0x38b: {  	_ =	swait.ge @!p0 [sflag:s7], $0x1000  }
0x38c: {  	s26 =	sadd.s32 s23, s5;
	[sflag:s7] =	ssyncset.done @!p0 $0x0  }
0x38d: {  	s23 =	sadd.s32 $0x4, s26;
	s25 =	simm.s32 $0x2C00;
	[sflag:s7] =	ssyncadd.s32 @!p0 $0xFFFFF000  }
.LBB2_5:
0x38e: {  	v33 =	vld [tilespmem:$0x1FE60];
	_ =	sdelay $0x1  }
0x38f: {  	s7 =	sadd.s32 $0xFFFFD400, s25  }
0x390: {  	v38 =	vmov s7  }
0x391: {  	v38 =	vshll.u32 v38, $0x5  }
0x392: {  	v38 =	vor.u32 v33, v38  }
0x393: {  	v39 =	vor.u32 v0, v38;
	_ =	sdelay $0x2  }
0x394: {  	v3 =	vld [tilespmem:$0x1FE70];
	_ =	sdelay $0x1  }
0x395: {  	v39 =	vld.idx.msk [tilespmem:v39+s19+$0x0], $0xffff;
	_ =	sdelay $0x1  }
0x396: {  	v40 =	vor.u32 s7, v2  }
0x397: {  	v41 =	vor.u32 v3, v38;
	_ =	sdelay $0x1  }
0x398: {  	v39 =	vmul.f32 $5.656854150e+00, v39  }
0x399: {  	v5 =	vld [tilespmem:$0x1FE80]  }
0x39a: {  	[tilespmem:v40+s14+$0x0] =	vst.idx.msk $0xffff, v39  }
0x39b: {  	v39 =	vld.idx.msk [tilespmem:v41+s19+$0x0], $0xffff;
	_ =	sdelay $0x1  }
0x39c: {  	v40 =	vor.u32 s7, v4  }
0x39d: {  	v41 =	vor.u32 v5, v38;
	_ =	sdelay $0x1  }
0x39e: {  	v39 =	vmul.f32 $5.656854150e+00, v39  }
0x39f: {  	v7 =	vld [tilespmem:$0x1FE90]  }
0x3a0: {  	[tilespmem:v40+s14+$0x0] =	vst.idx.msk $0xffff, v39  }
0x3a1: {  	v39 =	vld.idx.msk [tilespmem:v41+s19+$0x0], $0xffff;
	_ =	sdelay $0x1  }
0x3a2: {  	v40 =	vor.u32 s7, v48  }
0x3a3: {  	v41 =	vor.u32 v7, v38;
	_ =	sdelay $0x1  }
0x3a4: {  	v39 =	vmul.f32 $5.656854150e+00, v39  }
0x3a5: {  	v9 =	vld [tilespmem:$0x1FEA0]  }
0x3a6: {  	[tilespmem:v40+s14+$0x0] =	vst.idx.msk $0xffff, v39  }
0x3a7: {  	v39 =	vld.idx.msk [tilespmem:v41+s19+$0x0], $0xffff;
	_ =	sdelay $0x1  }
0x3a8: {  	v40 =	vor.u32 s7, v8  }
0x3a9: {  	v41 =	vor.u32 v9, v38;
	_ =	sdelay $0x1  }
0x3aa: {  	v39 =	vmul.f32 $5.656854150e+00, v39  }
0x3ab: {  	v11 =	vld [tilespmem:$0x1FEB0]  }
0x3ac: {  	[tilespmem:v40+s14+$0x0] =	vst.idx.msk $0xffff, v39  }
0x3ad: {  	v39 =	vld.idx.msk [tilespmem:v41+s19+$0x0], $0xffff;
	_ =	sdelay $0x1  }
0x3ae: {  	v40 =	vor.u32 s7, v10  }
0x3af: {  	v41 =	vor.u32 v11, v38;
	_ =	sdelay $0x1  }
0x3b0: {  	v39 =	vmul.f32 $5.656854150e+00, v39;
	_ =	sdelay $0x1  }
0x3b1: {  	[tilespmem:v40+s14+$0x0] =	vst.idx.msk $0xffff, v39  }
0x3b2: {  	v39 =	vld.idx.msk [tilespmem:v41+s19+$0x0], $0xffff;
	_ =	sdelay $0x1  }
0x3b3: {  	v40 =	vor.u32 s7, v12  }
0x3b4: {  	v41 =	vor.u32 v46, v38;
	_ =	sdelay $0x1  }
0x3b5: {  	v39 =	vmul.f32 $5.656854150e+00, v39;
	_ =	sdelay $0x1  }
0x3b6: {  	[tilespmem:v40+s14+$0x0] =	vst.idx.msk $0xffff, v39  }
0x3b7: {  	v39 =	vld.idx.msk [tilespmem:v41+s19+$0x0], $0xffff;
	_ =	sdelay $0x1  }
0x3b8: {  	v40 =	vor.u32 s7, v14  }
0x3b9: {  	v41 =	vor.u32 v51, v38;
	_ =	sdelay $0x1  }
0x3ba: {  	v39 =	vmul.f32 $5.656854150e+00, v39;
	_ =	sdelay $0x1  }
0x3bb: {  	[tilespmem:v40+s14+$0x0] =	vst.idx.msk $0xffff, v39  }
0x3bc: {  	v39 =	vld.idx.msk [tilespmem:v41+s19+$0x0], $0xffff;
	_ =	sdelay $0x1  }
0x3bd: {  	v40 =	vor.u32 s7, v16  }
0x3be: {  	v41 =	vor.u32 v50, v38;
	_ =	sdelay $0x1  }
0x3bf: {  	v39 =	vmul.f32 $5.656854150e+00, v39;
	_ =	sdelay $0x1  }
0x3c0: {  	[tilespmem:v40+s14+$0x0] =	vst.idx.msk $0xffff, v39  }
0x3c1: {  	v39 =	vld.idx.msk [tilespmem:v41+s19+$0x0], $0xffff;
	_ =	sdelay $0x1  }
0x3c2: {  	v40 =	vor.u32 s7, v18  }
0x3c3: {  	v41 =	vor.u32 v49, v38;
	_ =	sdelay $0x1  }
0x3c4: {  	v39 =	vmul.f32 $5.656854150e+00, v39;
	_ =	sdelay $0x1  }
0x3c5: {  	[tilespmem:v40+s14+$0x0] =	vst.idx.msk $0xffff, v39  }
0x3c6: {  	v39 =	vld.idx.msk [tilespmem:v41+s19+$0x0], $0xffff;
	_ =	sdelay $0x1  }
0x3c7: {  	v40 =	vor.u32 s7, v20  }
0x3c8: {  	v41 =	vor.u32 v6, v38;
	_ =	sdelay $0x1  }
0x3c9: {  	v39 =	vmul.f32 $5.656854150e+00, v39;
	_ =	sdelay $0x1  }
0x3ca: {  	[tilespmem:v40+s14+$0x0] =	vst.idx.msk $0xffff, v39  }
0x3cb: {  	v39 =	vld.idx.msk [tilespmem:v41+s19+$0x0], $0xffff;
	_ =	sdelay $0x1  }
0x3cc: {  	v40 =	vor.u32 s7, v22  }
0x3cd: {  	v41 =	vor.u32 v59, v38;
	_ =	sdelay $0x1  }
0x3ce: {  	v39 =	vmul.f32 $5.656854150e+00, v39;
	_ =	sdelay $0x1  }
0x3cf: {  	[tilespmem:v40+s14+$0x0] =	vst.idx.msk $0xffff, v39  }
0x3d0: {  	v39 =	vld.idx.msk [tilespmem:v41+s19+$0x0], $0xffff;
	_ =	sdelay $0x1  }
0x3d1: {  	v40 =	vor.u32 s7, v24  }
0x3d2: {  	v41 =	vor.u32 v52, v38;
	_ =	sdelay $0x1  }
0x3d3: {  	v39 =	vmul.f32 $5.656854150e+00, v39;
	_ =	sdelay $0x1  }
0x3d4: {  	[tilespmem:v40+s14+$0x0] =	vst.idx.msk $0xffff, v39  }
0x3d5: {  	v39 =	vld.idx.msk [tilespmem:v41+s19+$0x0], $0xffff;
	_ =	sdelay $0x1  }
0x3d6: {  	v40 =	vor.u32 s7, v26  }
0x3d7: {  	v41 =	vor.u32 v54, v38;
	_ =	sdelay $0x1  }
0x3d8: {  	v39 =	vmul.f32 $5.656854150e+00, v39;
	_ =	sdelay $0x1  }
0x3d9: {  	[tilespmem:v40+s14+$0x0] =	vst.idx.msk $0xffff, v39  }
0x3da: {  	v39 =	vld.idx.msk [tilespmem:v41+s19+$0x0], $0xffff;
	_ =	sdelay $0x1  }
0x3db: {  	v40 =	vor.u32 s7, v28  }
0x3dc: {  	v41 =	vor.u32 v1, v38;
	_ =	sdelay $0x1  }
0x3dd: {  	v39 =	vmul.f32 $5.656854150e+00, v39;
	_ =	sdelay $0x1  }
0x3de: {  	[tilespmem:v40+s14+$0x0] =	vst.idx.msk $0xffff, v39  }
0x3df: {  	v39 =	vld.idx.msk [tilespmem:v41+s19+$0x0], $0xffff;
	_ =	sdelay $0x1  }
0x3e0: {  	v40 =	vor.u32 s7, v30  }
0x3e1: {  	v41 =	vor.u32 v43, v38;
	_ =	sdelay $0x1  }
0x3e2: {  	v39 =	vmul.f32 $5.656854150e+00, v39;
	_ =	sdelay $0x1  }
0x3e3: {  	[tilespmem:v40+s14+$0x0] =	vst.idx.msk $0xffff, v39  }
0x3e4: {  	v39 =	vld.idx.msk [tilespmem:v41+s19+$0x0], $0xffff;
	_ =	sdelay $0x1  }
0x3e5: {  	v40 =	vor.u32 s7, v34  }
0x3e6: {  	v41 =	vor.u32 v47, v38;
	_ =	sdelay $0x1  }
0x3e7: {  	v39 =	vmul.f32 $5.656854150e+00, v39;
	_ =	sdelay $0x1  }
0x3e8: {  	[tilespmem:v40+s14+$0x0] =	vst.idx.msk $0xffff, v39  }
0x3e9: {  	v39 =	vld.idx.msk [tilespmem:v41+s19+$0x0], $0xffff  }
0x3ea: {  	s26 =	sadd.s32 $0xFFFFF400, s25  }
0x3eb: {  	v40 =	vor.u32 s26, v2  }
0x3ec: {  	v41 =	vor.u32 v53, v38;
	_ =	sdelay $0x1  }
0x3ed: {  	v39 =	vmul.f32 $5.656854150e+00, v39;
	_ =	sdelay $0x1  }
0x3ee: {  	[tilespmem:v40+s14+$0x0] =	vst.idx.msk $0xffff, v39  }
0x3ef: {  	v39 =	vld.idx.msk [tilespmem:v41+s19+$0x0], $0xffff;
	_ =	sdelay $0x1  }
0x3f0: {  	v40 =	vor.u32 s26, v4  }
0x3f1: {  	v41 =	vor.u32 v55, v38;
	_ =	sdelay $0x1  }
0x3f2: {  	v39 =	vmul.f32 $5.656854150e+00, v39;
	_ =	sdelay $0x1  }
0x3f3: {  	[tilespmem:v40+s14+$0x0] =	vst.idx.msk $0xffff, v39  }
0x3f4: {  	v39 =	vld.idx.msk [tilespmem:v41+s19+$0x0], $0xffff;
	_ =	sdelay $0x1  }
0x3f5: {  	v40 =	vor.u32 s26, v48  }
0x3f6: {  	v41 =	vor.u32 v58, v38;
	_ =	sdelay $0x1  }
0x3f7: {  	v39 =	vmul.f32 $5.656854150e+00, v39;
	_ =	sdelay $0x1  }
0x3f8: {  	[tilespmem:v40+s14+$0x0] =	vst.idx.msk $0xffff, v39  }
0x3f9: {  	v39 =	vld.idx.msk [tilespmem:v41+s19+$0x0], $0xffff;
	_ =	sdelay $0x1  }
0x3fa: {  	v40 =	vor.u32 s26, v8  }
0x3fb: {  	v41 =	vor.u32 v60, v38;
	_ =	sdelay $0x1  }
0x3fc: {  	v39 =	vmul.f32 $5.656854150e+00, v39;
	_ =	sdelay $0x1  }
0x3fd: {  	[tilespmem:v40+s14+$0x0] =	vst.idx.msk $0xffff, v39  }
0x3fe: {  	v39 =	vld.idx.msk [tilespmem:v41+s19+$0x0], $0xffff;
	_ =	sdelay $0x1  }
0x3ff: {  	v40 =	vor.u32 s26, v10  }
0x400: {  	v41 =	vor.u32 v42, v38;
	_ =	sdelay $0x1  }
0x401: {  	v39 =	vmul.f32 $5.656854150e+00, v39;
	_ =	sdelay $0x1  }
0x402: {  	[tilespmem:v40+s14+$0x0] =	vst.idx.msk $0xffff, v39  }
0x403: {  	v39 =	vld.idx.msk [tilespmem:v41+s19+$0x0], $0xffff;
	_ =	sdelay $0x1  }
0x404: {  	v40 =	vor.u32 s26, v12  }
0x405: {  	v41 =	vor.u32 v45, v38;
	_ =	sdelay $0x1  }
0x406: {  	v39 =	vmul.f32 $5.656854150e+00, v39;
	_ =	sdelay $0x1  }
0x407: {  	[tilespmem:v40+s14+$0x0] =	vst.idx.msk $0xffff, v39  }
0x408: {  	v39 =	vld.idx.msk [tilespmem:v41+s19+$0x0], $0xffff;
	_ =	sdelay $0x1  }
0x409: {  	v40 =	vor.u32 s26, v14  }
0x40a: {  	v41 =	vor.u32 v44, v38;
	_ =	sdelay $0x1  }
0x40b: {  	v39 =	vmul.f32 $5.656854150e+00, v39;
	_ =	sdelay $0x1  }
0x40c: {  	[tilespmem:v40+s14+$0x0] =	vst.idx.msk $0xffff, v39  }
0x40d: {  	v39 =	vld.idx.msk [tilespmem:v41+s19+$0x0], $0xffff;
	_ =	sdelay $0x1  }
0x40e: {  	v40 =	vor.u32 s26, v16  }
0x40f: {  	v41 =	vor.u32 v61, v38;
	_ =	sdelay $0x1  }
0x410: {  	v39 =	vmul.f32 $5.656854150e+00, v39;
	_ =	sdelay $0x1  }
0x411: {  	[tilespmem:v40+s14+$0x0] =	vst.idx.msk $0xffff, v39  }
0x412: {  	v39 =	vld.idx.msk [tilespmem:v41+s19+$0x0], $0xffff;
	_ =	sdelay $0x1  }
0x413: {  	v40 =	vor.u32 s26, v18  }
0x414: {  	v41 =	vor.u32 v62, v38;
	_ =	sdelay $0x1  }
0x415: {  	v39 =	vmul.f32 $5.656854150e+00, v39;
	_ =	sdelay $0x1  }
0x416: {  	[tilespmem:v40+s14+$0x0] =	vst.idx.msk $0xffff, v39  }
0x417: {  	v39 =	vld.idx.msk [tilespmem:v41+s19+$0x0], $0xffff;
	_ =	sdelay $0x1  }
0x418: {  	v40 =	vor.u32 s26, v20  }
0x419: {  	v41 =	vor.u32 v63, v38;
	_ =	sdelay $0x1  }
0x41a: {  	v39 =	vmul.f32 $5.656854150e+00, v39;
	_ =	sdelay $0x1  }
0x41b: {  	[tilespmem:v40+s14+$0x0] =	vst.idx.msk $0xffff, v39  }
0x41c: {  	v39 =	vld.idx.msk [tilespmem:v41+s19+$0x0], $0xffff;
	_ =	sdelay $0x1  }
0x41d: {  	v40 =	vor.u32 s26, v22  }
0x41e: {  	v41 =	vor.u32 v31, v38;
	_ =	sdelay $0x1  }
0x41f: {  	v39 =	vmul.f32 $5.656854150e+00, v39;
	_ =	sdelay $0x1  }
0x420: {  	[tilespmem:v40+s14+$0x0] =	vst.idx.msk $0xffff, v39  }
0x421: {  	v39 =	vld.idx.msk [tilespmem:v41+s19+$0x0], $0xffff;
	_ =	sdelay $0x1  }
0x422: {  	v40 =	vor.u32 s26, v24  }
0x423: {  	v41 =	vor.u32 v32, v38;
	_ =	sdelay $0x1  }
0x424: {  	v39 =	vmul.f32 $5.656854150e+00, v39;
	_ =	sdelay $0x1  }
0x425: {  	[tilespmem:v40+s14+$0x0] =	vst.idx.msk $0xffff, v39  }
0x426: {  	v39 =	vld.idx.msk [tilespmem:v41+s19+$0x0], $0xffff;
	_ =	sdelay $0x1  }
0x427: {  	v40 =	vor.u32 s26, v26  }
0x428: {  	v41 =	vor.u32 v35, v38;
	_ =	sdelay $0x1  }
0x429: {  	v39 =	vmul.f32 $5.656854150e+00, v39;
	_ =	sdelay $0x1  }
0x42a: {  	[tilespmem:v40+s14+$0x0] =	vst.idx.msk $0xffff, v39  }
0x42b: {  	v39 =	vld.idx.msk [tilespmem:v41+s19+$0x0], $0xffff;
	_ =	sdelay $0x1  }
0x42c: {  	v40 =	vor.u32 s26, v28  }
0x42d: {  	v41 =	vor.u32 v36, v38;
	_ =	sdelay $0x1  }
0x42e: {  	v39 =	vmul.f32 $5.656854150e+00, v39;
	_ =	sdelay $0x1  }
0x42f: {  	[tilespmem:v40+s14+$0x0] =	vst.idx.msk $0xffff, v39  }
0x430: {  	v39 =	vld.idx.msk [tilespmem:v41+s19+$0x0], $0xffff;
	_ =	sdelay $0x1  }
0x431: {  	v40 =	vor.u32 s26, v30  }
0x432: {  	v38 =	vor.u32 v37, v38;
	_ =	sdelay $0x1  }
0x433: {  	v39 =	vmul.f32 $5.656854150e+00, v39;
	_ =	sdelay $0x1  }
0x434: {  	s10 =	sadd.s32 $0xFFFFD480, s25;
	[tilespmem:v40+s14+$0x0] =	vst.idx.msk $0xffff, v39  }
0x435: {  	v40 =	vmov s10;
	v39 =	vld.idx.msk [tilespmem:v38+s19+$0x0], $0xffff  }
0x436: {  	v38 =	vshll.u32 v40, $0x5  }
0x437: {  	v40 =	vor.u32 s26, v34;
	v38 =	vor.u32 v33, v38  }
0x438: {  	v41 =	vor.u32 v0, v38;
	_ =	sdelay $0x1  }
0x439: {  	v39 =	vmul.f32 $5.656854150e+00, v39;
	_ =	sdelay $0x1  }
0x43a: {  	[tilespmem:v40+s14+$0x0] =	vst.idx.msk $0xffff, v39  }
0x43b: {  	v39 =	vld.idx.msk [tilespmem:v41+s19+$0x0], $0xffff  }
0x43c: {  	s10 =	sadd.s32 $0xFFFFD800, s25  }
0x43d: {  	v40 =	vor.u32 s10, v2  }
0x43e: {  	v41 =	vor.u32 v3, v38;
	_ =	sdelay $0x1  }
0x43f: {  	v39 =	vmul.f32 $5.656854150e+00, v39;
	_ =	sdelay $0x1  }
0x440: {  	[tilespmem:v40+s14+$0x0] =	vst.idx.msk $0xffff, v39  }
0x441: {  	v39 =	vld.idx.msk [tilespmem:v41+s19+$0x0], $0xffff;
	_ =	sdelay $0x1  }
0x442: {  	v40 =	vor.u32 s10, v4  }
0x443: {  	v41 =	vor.u32 v5, v38;
	_ =	sdelay $0x1  }
0x444: {  	v39 =	vmul.f32 $5.656854150e+00, v39;
	_ =	sdelay $0x1  }
0x445: {  	[tilespmem:v40+s14+$0x0] =	vst.idx.msk $0xffff, v39  }
0x446: {  	v39 =	vld.idx.msk [tilespmem:v41+s19+$0x0], $0xffff;
	_ =	sdelay $0x1  }
0x447: {  	v40 =	vor.u32 s10, v48  }
0x448: {  	v41 =	vor.u32 v7, v38;
	_ =	sdelay $0x1  }
0x449: {  	v39 =	vmul.f32 $5.656854150e+00, v39;
	_ =	sdelay $0x1  }
0x44a: {  	[tilespmem:v40+s14+$0x0] =	vst.idx.msk $0xffff, v39  }
0x44b: {  	v39 =	vld.idx.msk [tilespmem:v41+s19+$0x0], $0xffff;
	_ =	sdelay $0x1  }
0x44c: {  	v40 =	vor.u32 s10, v8  }
0x44d: {  	v41 =	vor.u32 v9, v38;
	_ =	sdelay $0x1  }
0x44e: {  	v39 =	vmul.f32 $5.656854150e+00, v39;
	_ =	sdelay $0x1  }
0x44f: {  	[tilespmem:v40+s14+$0x0] =	vst.idx.msk $0xffff, v39  }
0x450: {  	v39 =	vld.idx.msk [tilespmem:v41+s19+$0x0], $0xffff;
	_ =	sdelay $0x1  }
0x451: {  	v40 =	vor.u32 s10, v10  }
0x452: {  	v41 =	vor.u32 v11, v38;
	_ =	sdelay $0x1  }
0x453: {  	v39 =	vmul.f32 $5.656854150e+00, v39;
	_ =	sdelay $0x1  }
0x454: {  	[tilespmem:v40+s14+$0x0] =	vst.idx.msk $0xffff, v39  }
0x455: {  	v39 =	vld.idx.msk [tilespmem:v41+s19+$0x0], $0xffff;
	_ =	sdelay $0x1  }
0x456: {  	v40 =	vor.u32 s10, v12  }
0x457: {  	v41 =	vor.u32 v46, v38;
	_ =	sdelay $0x1  }
0x458: {  	v39 =	vmul.f32 $5.656854150e+00, v39;
	_ =	sdelay $0x1  }
0x459: {  	[tilespmem:v40+s14+$0x0] =	vst.idx.msk $0xffff, v39  }
0x45a: {  	v39 =	vld.idx.msk [tilespmem:v41+s19+$0x0], $0xffff;
	_ =	sdelay $0x1  }
0x45b: {  	v40 =	vor.u32 s10, v14  }
0x45c: {  	v41 =	vor.u32 v51, v38;
	_ =	sdelay $0x1  }
0x45d: {  	v39 =	vmul.f32 $5.656854150e+00, v39;
	_ =	sdelay $0x1  }
0x45e: {  	[tilespmem:v40+s14+$0x0] =	vst.idx.msk $0xffff, v39  }
0x45f: {  	v39 =	vld.idx.msk [tilespmem:v41+s19+$0x0], $0xffff;
	_ =	sdelay $0x1  }
0x460: {  	v40 =	vor.u32 s10, v16  }
0x461: {  	v41 =	vor.u32 v50, v38;
	_ =	sdelay $0x1  }
0x462: {  	v39 =	vmul.f32 $5.656854150e+00, v39;
	_ =	sdelay $0x1  }
0x463: {  	[tilespmem:v40+s14+$0x0] =	vst.idx.msk $0xffff, v39  }
0x464: {  	v39 =	vld.idx.msk [tilespmem:v41+s19+$0x0], $0xffff;
	_ =	sdelay $0x1  }
0x465: {  	v40 =	vor.u32 s10, v18  }
0x466: {  	v41 =	vor.u32 v49, v38;
	_ =	sdelay $0x1  }
0x467: {  	v39 =	vmul.f32 $5.656854150e+00, v39;
	_ =	sdelay $0x1  }
0x468: {  	[tilespmem:v40+s14+$0x0] =	vst.idx.msk $0xffff, v39  }
0x469: {  	v39 =	vld.idx.msk [tilespmem:v41+s19+$0x0], $0xffff;
	_ =	sdelay $0x1  }
0x46a: {  	v40 =	vor.u32 s10, v20  }
0x46b: {  	v41 =	vor.u32 v6, v38;
	_ =	sdelay $0x1  }
0x46c: {  	v39 =	vmul.f32 $5.656854150e+00, v39;
	_ =	sdelay $0x1  }
0x46d: {  	[tilespmem:v40+s14+$0x0] =	vst.idx.msk $0xffff, v39  }
0x46e: {  	v39 =	vld.idx.msk [tilespmem:v41+s19+$0x0], $0xffff;
	_ =	sdelay $0x1  }
0x46f: {  	v40 =	vor.u32 s10, v22  }
0x470: {  	v41 =	vor.u32 v59, v38;
	_ =	sdelay $0x1  }
0x471: {  	v39 =	vmul.f32 $5.656854150e+00, v39;
	_ =	sdelay $0x1  }
0x472: {  	[tilespmem:v40+s14+$0x0] =	vst.idx.msk $0xffff, v39  }
0x473: {  	v39 =	vld.idx.msk [tilespmem:v41+s19+$0x0], $0xffff;
	_ =	sdelay $0x1  }
0x474: {  	v40 =	vor.u32 s10, v24  }
0x475: {  	v41 =	vor.u32 v52, v38;
	_ =	sdelay $0x1  }
0x476: {  	v39 =	vmul.f32 $5.656854150e+00, v39;
	_ =	sdelay $0x1  }
0x477: {  	[tilespmem:v40+s14+$0x0] =	vst.idx.msk $0xffff, v39  }
0x478: {  	v39 =	vld.idx.msk [tilespmem:v41+s19+$0x0], $0xffff;
	_ =	sdelay $0x1  }
0x479: {  	v40 =	vor.u32 s10, v26  }
0x47a: {  	v41 =	vor.u32 v54, v38;
	_ =	sdelay $0x1  }
0x47b: {  	v39 =	vmul.f32 $5.656854150e+00, v39;
	_ =	sdelay $0x1  }
0x47c: {  	[tilespmem:v40+s14+$0x0] =	vst.idx.msk $0xffff, v39  }
0x47d: {  	v39 =	vld.idx.msk [tilespmem:v41+s19+$0x0], $0xffff;
	_ =	sdelay $0x1  }
0x47e: {  	v40 =	vor.u32 s10, v28  }
0x47f: {  	v41 =	vor.u32 v1, v38;
	_ =	sdelay $0x1  }
0x480: {  	v39 =	vmul.f32 $5.656854150e+00, v39;
	_ =	sdelay $0x1  }
0x481: {  	[tilespmem:v40+s14+$0x0] =	vst.idx.msk $0xffff, v39  }
0x482: {  	v39 =	vld.idx.msk [tilespmem:v41+s19+$0x0], $0xffff;
	_ =	sdelay $0x1  }
0x483: {  	v40 =	vor.u32 s10, v30  }
0x484: {  	v41 =	vor.u32 v43, v38;
	_ =	sdelay $0x1  }
0x485: {  	v39 =	vmul.f32 $5.656854150e+00, v39;
	_ =	sdelay $0x1  }
0x486: {  	[tilespmem:v40+s14+$0x0] =	vst.idx.msk $0xffff, v39  }
0x487: {  	v39 =	vld.idx.msk [tilespmem:v41+s19+$0x0], $0xffff;
	_ =	sdelay $0x1  }
0x488: {  	v40 =	vor.u32 s10, v34  }
0x489: {  	v41 =	vor.u32 v47, v38;
	_ =	sdelay $0x1  }
0x48a: {  	v39 =	vmul.f32 $5.656854150e+00, v39;
	_ =	sdelay $0x1  }
0x48b: {  	[tilespmem:v40+s14+$0x0] =	vst.idx.msk $0xffff, v39  }
0x48c: {  	v39 =	vld.idx.msk [tilespmem:v41+s19+$0x0], $0xffff  }
0x48d: {  	s7 =	sadd.s32 $0xFFFFF800, s25  }
0x48e: {  	v40 =	vor.u32 s7, v2  }
0x48f: {  	v41 =	vor.u32 v53, v38;
	_ =	sdelay $0x1  }
0x490: {  	v39 =	vmul.f32 $5.656854150e+00, v39;
	_ =	sdelay $0x1  }
0x491: {  	[tilespmem:v40+s14+$0x0] =	vst.idx.msk $0xffff, v39  }
0x492: {  	v39 =	vld.idx.msk [tilespmem:v41+s19+$0x0], $0xffff;
	_ =	sdelay $0x1  }
0x493: {  	v40 =	vor.u32 s7, v4  }
0x494: {  	v41 =	vor.u32 v55, v38;
	_ =	sdelay $0x1  }
0x495: {  	v39 =	vmul.f32 $5.656854150e+00, v39;
	_ =	sdelay $0x1  }
0x496: {  	[tilespmem:v40+s14+$0x0] =	vst.idx.msk $0xffff, v39  }
0x497: {  	v39 =	vld.idx.msk [tilespmem:v41+s19+$0x0], $0xffff;
	_ =	sdelay $0x1  }
0x498: {  	v40 =	vor.u32 s7, v48  }
0x499: {  	v41 =	vor.u32 v58, v38;
	_ =	sdelay $0x1  }
0x49a: {  	v39 =	vmul.f32 $5.656854150e+00, v39;
	_ =	sdelay $0x1  }
0x49b: {  	[tilespmem:v40+s14+$0x0] =	vst.idx.msk $0xffff, v39  }
0x49c: {  	v39 =	vld.idx.msk [tilespmem:v41+s19+$0x0], $0xffff;
	_ =	sdelay $0x1  }
0x49d: {  	v40 =	vor.u32 s7, v8  }
0x49e: {  	v41 =	vor.u32 v60, v38;
	_ =	sdelay $0x1  }
0x49f: {  	v39 =	vmul.f32 $5.656854150e+00, v39;
	_ =	sdelay $0x1  }
0x4a0: {  	[tilespmem:v40+s14+$0x0] =	vst.idx.msk $0xffff, v39  }
0x4a1: {  	v39 =	vld.idx.msk [tilespmem:v41+s19+$0x0], $0xffff;
	_ =	sdelay $0x1  }
0x4a2: {  	v40 =	vor.u32 s7, v10  }
0x4a3: {  	v41 =	vor.u32 v42, v38;
	_ =	sdelay $0x1  }
0x4a4: {  	v39 =	vmul.f32 $5.656854150e+00, v39;
	_ =	sdelay $0x1  }
0x4a5: {  	[tilespmem:v40+s14+$0x0] =	vst.idx.msk $0xffff, v39  }
0x4a6: {  	v39 =	vld.idx.msk [tilespmem:v41+s19+$0x0], $0xffff;
	_ =	sdelay $0x1  }
0x4a7: {  	v40 =	vor.u32 s7, v12  }
0x4a8: {  	v41 =	vor.u32 v45, v38;
	_ =	sdelay $0x1  }
0x4a9: {  	v39 =	vmul.f32 $5.656854150e+00, v39;
	_ =	sdelay $0x1  }
0x4aa: {  	[tilespmem:v40+s14+$0x0] =	vst.idx.msk $0xffff, v39  }
0x4ab: {  	v39 =	vld.idx.msk [tilespmem:v41+s19+$0x0], $0xffff;
	_ =	sdelay $0x1  }
0x4ac: {  	v40 =	vor.u32 s7, v14  }
0x4ad: {  	v41 =	vor.u32 v44, v38;
	_ =	sdelay $0x1  }
0x4ae: {  	v39 =	vmul.f32 $5.656854150e+00, v39;
	_ =	sdelay $0x1  }
0x4af: {  	[tilespmem:v40+s14+$0x0] =	vst.idx.msk $0xffff, v39  }
0x4b0: {  	v39 =	vld.idx.msk [tilespmem:v41+s19+$0x0], $0xffff;
	_ =	sdelay $0x1  }
0x4b1: {  	v40 =	vor.u32 s7, v16  }
0x4b2: {  	v41 =	vor.u32 v61, v38;
	_ =	sdelay $0x1  }
0x4b3: {  	v39 =	vmul.f32 $5.656854150e+00, v39;
	_ =	sdelay $0x1  }
0x4b4: {  	[tilespmem:v40+s14+$0x0] =	vst.idx.msk $0xffff, v39  }
0x4b5: {  	v39 =	vld.idx.msk [tilespmem:v41+s19+$0x0], $0xffff;
	_ =	sdelay $0x1  }
0x4b6: {  	v40 =	vor.u32 s7, v18  }
0x4b7: {  	v41 =	vor.u32 v62, v38;
	_ =	sdelay $0x1  }
0x4b8: {  	v39 =	vmul.f32 $5.656854150e+00, v39;
	_ =	sdelay $0x1  }
0x4b9: {  	[tilespmem:v40+s14+$0x0] =	vst.idx.msk $0xffff, v39  }
0x4ba: {  	v39 =	vld.idx.msk [tilespmem:v41+s19+$0x0], $0xffff;
	_ =	sdelay $0x1  }
0x4bb: {  	v40 =	vor.u32 s7, v20  }
0x4bc: {  	v41 =	vor.u32 v63, v38;
	_ =	sdelay $0x1  }
0x4bd: {  	v39 =	vmul.f32 $5.656854150e+00, v39;
	_ =	sdelay $0x1  }
0x4be: {  	[tilespmem:v40+s14+$0x0] =	vst.idx.msk $0xffff, v39  }
0x4bf: {  	v39 =	vld.idx.msk [tilespmem:v41+s19+$0x0], $0xffff;
	_ =	sdelay $0x1  }
0x4c0: {  	v40 =	vor.u32 s7, v22  }
0x4c1: {  	v41 =	vor.u32 v31, v38;
	_ =	sdelay $0x1  }
0x4c2: {  	v39 =	vmul.f32 $5.656854150e+00, v39;
	_ =	sdelay $0x1  }
0x4c3: {  	[tilespmem:v40+s14+$0x0] =	vst.idx.msk $0xffff, v39  }
0x4c4: {  	v39 =	vld.idx.msk [tilespmem:v41+s19+$0x0], $0xffff;
	_ =	sdelay $0x1  }
0x4c5: {  	v40 =	vor.u32 s7, v24  }
0x4c6: {  	v41 =	vor.u32 v32, v38;
	_ =	sdelay $0x1  }
0x4c7: {  	v39 =	vmul.f32 $5.656854150e+00, v39;
	_ =	sdelay $0x1  }
0x4c8: {  	[tilespmem:v40+s14+$0x0] =	vst.idx.msk $0xffff, v39  }
0x4c9: {  	v39 =	vld.idx.msk [tilespmem:v41+s19+$0x0], $0xffff;
	_ =	sdelay $0x1  }
0x4ca: {  	v40 =	vor.u32 s7, v26  }
0x4cb: {  	v41 =	vor.u32 v35, v38;
	_ =	sdelay $0x1  }
0x4cc: {  	v39 =	vmul.f32 $5.656854150e+00, v39;
	_ =	sdelay $0x1  }
0x4cd: {  	[tilespmem:v40+s14+$0x0] =	vst.idx.msk $0xffff, v39  }
0x4ce: {  	v39 =	vld.idx.msk [tilespmem:v41+s19+$0x0], $0xffff;
	_ =	sdelay $0x1  }
0x4cf: {  	v40 =	vor.u32 s7, v28  }
0x4d0: {  	v41 =	vor.u32 v36, v38;
	_ =	sdelay $0x1  }
0x4d1: {  	v39 =	vmul.f32 $5.656854150e+00, v39;
	_ =	sdelay $0x1  }
0x4d2: {  	[tilespmem:v40+s14+$0x0] =	vst.idx.msk $0xffff, v39  }
0x4d3: {  	v39 =	vld.idx.msk [tilespmem:v41+s19+$0x0], $0xffff;
	_ =	sdelay $0x1  }
0x4d4: {  	v40 =	vor.u32 s7, v30  }
0x4d5: {  	v38 =	vor.u32 v37, v38;
	_ =	sdelay $0x1  }
0x4d6: {  	v39 =	vmul.f32 $5.656854150e+00, v39;
	_ =	sdelay $0x1  }
0x4d7: {  	s26 =	sadd.s32 $0xFFFFD500, s25;
	[tilespmem:v40+s14+$0x0] =	vst.idx.msk $0xffff, v39  }
0x4d8: {  	v41 =	vmov s26;
	v39 =	vld.idx.msk [tilespmem:v38+s19+$0x0], $0xffff  }
0x4d9: {  	v38 =	vshll.u32 v41, $0x5  }
0x4da: {  	v40 =	vor.u32 s7, v34;
	v38 =	vor.u32 v33, v38  }
0x4db: {  	v41 =	vor.u32 v0, v38;
	_ =	sdelay $0x1  }
0x4dc: {  	v39 =	vmul.f32 $5.656854150e+00, v39;
	_ =	sdelay $0x1  }
0x4dd: {  	[tilespmem:v40+s14+$0x0] =	vst.idx.msk $0xffff, v39  }
0x4de: {  	v39 =	vld.idx.msk [tilespmem:v41+s19+$0x0], $0xffff  }
0x4df: {  	s10 =	sadd.s32 $0xFFFFDC00, s25  }
0x4e0: {  	v40 =	vor.u32 s10, v2  }
0x4e1: {  	v41 =	vor.u32 v3, v38;
	_ =	sdelay $0x1  }
0x4e2: {  	v39 =	vmul.f32 $5.656854150e+00, v39;
	_ =	sdelay $0x1  }
0x4e3: {  	[tilespmem:v40+s14+$0x0] =	vst.idx.msk $0xffff, v39  }
0x4e4: {  	v39 =	vld.idx.msk [tilespmem:v41+s19+$0x0], $0xffff;
	_ =	sdelay $0x1  }
0x4e5: {  	v40 =	vor.u32 s10, v4  }
0x4e6: {  	v41 =	vor.u32 v5, v38;
	_ =	sdelay $0x1  }
0x4e7: {  	v39 =	vmul.f32 $5.656854150e+00, v39;
	_ =	sdelay $0x1  }
0x4e8: {  	[tilespmem:v40+s14+$0x0] =	vst.idx.msk $0xffff, v39  }
0x4e9: {  	v39 =	vld.idx.msk [tilespmem:v41+s19+$0x0], $0xffff;
	_ =	sdelay $0x1  }
0x4ea: {  	v40 =	vor.u32 s10, v48  }
0x4eb: {  	v41 =	vor.u32 v7, v38;
	_ =	sdelay $0x1  }
0x4ec: {  	v39 =	vmul.f32 $5.656854150e+00, v39;
	_ =	sdelay $0x1  }
0x4ed: {  	[tilespmem:v40+s14+$0x0] =	vst.idx.msk $0xffff, v39  }
0x4ee: {  	v39 =	vld.idx.msk [tilespmem:v41+s19+$0x0], $0xffff;
	_ =	sdelay $0x1  }
0x4ef: {  	v40 =	vor.u32 s10, v8  }
0x4f0: {  	v41 =	vor.u32 v9, v38;
	_ =	sdelay $0x1  }
0x4f1: {  	v39 =	vmul.f32 $5.656854150e+00, v39;
	_ =	sdelay $0x1  }
0x4f2: {  	[tilespmem:v40+s14+$0x0] =	vst.idx.msk $0xffff, v39  }
0x4f3: {  	v39 =	vld.idx.msk [tilespmem:v41+s19+$0x0], $0xffff;
	_ =	sdelay $0x1  }
0x4f4: {  	v40 =	vor.u32 s10, v10  }
0x4f5: {  	v41 =	vor.u32 v11, v38;
	_ =	sdelay $0x1  }
0x4f6: {  	v39 =	vmul.f32 $5.656854150e+00, v39;
	_ =	sdelay $0x1  }
0x4f7: {  	[tilespmem:v40+s14+$0x0] =	vst.idx.msk $0xffff, v39  }
0x4f8: {  	v39 =	vld.idx.msk [tilespmem:v41+s19+$0x0], $0xffff;
	_ =	sdelay $0x1  }
0x4f9: {  	v40 =	vor.u32 s10, v12  }
0x4fa: {  	v41 =	vor.u32 v46, v38;
	_ =	sdelay $0x1  }
0x4fb: {  	v39 =	vmul.f32 $5.656854150e+00, v39;
	_ =	sdelay $0x1  }
0x4fc: {  	[tilespmem:v40+s14+$0x0] =	vst.idx.msk $0xffff, v39  }
0x4fd: {  	v39 =	vld.idx.msk [tilespmem:v41+s19+$0x0], $0xffff;
	_ =	sdelay $0x1  }
0x4fe: {  	v40 =	vor.u32 s10, v14  }
0x4ff: {  	v41 =	vor.u32 v51, v38;
	_ =	sdelay $0x1  }
0x500: {  	v39 =	vmul.f32 $5.656854150e+00, v39;
	_ =	sdelay $0x1  }
0x501: {  	[tilespmem:v40+s14+$0x0] =	vst.idx.msk $0xffff, v39  }
0x502: {  	v39 =	vld.idx.msk [tilespmem:v41+s19+$0x0], $0xffff;
	_ =	sdelay $0x1  }
0x503: {  	v40 =	vor.u32 s10, v16  }
0x504: {  	v41 =	vor.u32 v50, v38;
	_ =	sdelay $0x1  }
0x505: {  	v39 =	vmul.f32 $5.656854150e+00, v39;
	_ =	sdelay $0x1  }
0x506: {  	[tilespmem:v40+s14+$0x0] =	vst.idx.msk $0xffff, v39  }
0x507: {  	v39 =	vld.idx.msk [tilespmem:v41+s19+$0x0], $0xffff;
	_ =	sdelay $0x1  }
0x508: {  	v40 =	vor.u32 s10, v18  }
0x509: {  	v41 =	vor.u32 v49, v38;
	_ =	sdelay $0x1  }
0x50a: {  	v39 =	vmul.f32 $5.656854150e+00, v39;
	_ =	sdelay $0x1  }
0x50b: {  	[tilespmem:v40+s14+$0x0] =	vst.idx.msk $0xffff, v39  }
0x50c: {  	v39 =	vld.idx.msk [tilespmem:v41+s19+$0x0], $0xffff;
	_ =	sdelay $0x1  }
0x50d: {  	v40 =	vor.u32 s10, v20  }
0x50e: {  	v41 =	vor.u32 v6, v38;
	_ =	sdelay $0x1  }
0x50f: {  	v39 =	vmul.f32 $5.656854150e+00, v39;
	_ =	sdelay $0x1  }
0x510: {  	[tilespmem:v40+s14+$0x0] =	vst.idx.msk $0xffff, v39  }
0x511: {  	v39 =	vld.idx.msk [tilespmem:v41+s19+$0x0], $0xffff;
	_ =	sdelay $0x1  }
0x512: {  	v40 =	vor.u32 s10, v22  }
0x513: {  	v41 =	vor.u32 v59, v38;
	_ =	sdelay $0x1  }
0x514: {  	v39 =	vmul.f32 $5.656854150e+00, v39;
	_ =	sdelay $0x1  }
0x515: {  	[tilespmem:v40+s14+$0x0] =	vst.idx.msk $0xffff, v39  }
0x516: {  	v39 =	vld.idx.msk [tilespmem:v41+s19+$0x0], $0xffff;
	_ =	sdelay $0x1  }
0x517: {  	v40 =	vor.u32 s10, v24  }
0x518: {  	v41 =	vor.u32 v52, v38;
	_ =	sdelay $0x1  }
0x519: {  	v39 =	vmul.f32 $5.656854150e+00, v39;
	_ =	sdelay $0x1  }
0x51a: {  	[tilespmem:v40+s14+$0x0] =	vst.idx.msk $0xffff, v39  }
0x51b: {  	v39 =	vld.idx.msk [tilespmem:v41+s19+$0x0], $0xffff;
	_ =	sdelay $0x1  }
0x51c: {  	v40 =	vor.u32 s10, v26  }
0x51d: {  	v41 =	vor.u32 v54, v38;
	_ =	sdelay $0x1  }
0x51e: {  	v39 =	vmul.f32 $5.656854150e+00, v39;
	_ =	sdelay $0x1  }
0x51f: {  	[tilespmem:v40+s14+$0x0] =	vst.idx.msk $0xffff, v39  }
0x520: {  	v39 =	vld.idx.msk [tilespmem:v41+s19+$0x0], $0xffff;
	_ =	sdelay $0x1  }
0x521: {  	v40 =	vor.u32 s10, v28  }
0x522: {  	v41 =	vor.u32 v1, v38;
	_ =	sdelay $0x1  }
0x523: {  	v39 =	vmul.f32 $5.656854150e+00, v39;
	_ =	sdelay $0x1  }
0x524: {  	[tilespmem:v40+s14+$0x0] =	vst.idx.msk $0xffff, v39  }
0x525: {  	v39 =	vld.idx.msk [tilespmem:v41+s19+$0x0], $0xffff;
	_ =	sdelay $0x1  }
0x526: {  	v40 =	vor.u32 s10, v30  }
0x527: {  	v41 =	vor.u32 v43, v38;
	_ =	sdelay $0x1  }
0x528: {  	v39 =	vmul.f32 $5.656854150e+00, v39;
	_ =	sdelay $0x1  }
0x529: {  	[tilespmem:v40+s14+$0x0] =	vst.idx.msk $0xffff, v39  }
0x52a: {  	v39 =	vld.idx.msk [tilespmem:v41+s19+$0x0], $0xffff;
	_ =	sdelay $0x1  }
0x52b: {  	v40 =	vor.u32 s10, v34  }
0x52c: {  	v41 =	vor.u32 v47, v38;
	_ =	sdelay $0x1  }
0x52d: {  	v39 =	vmul.f32 $5.656854150e+00, v39;
	_ =	sdelay $0x1  }
0x52e: {  	[tilespmem:v40+s14+$0x0] =	vst.idx.msk $0xffff, v39  }
0x52f: {  	v39 =	vld.idx.msk [tilespmem:v41+s19+$0x0], $0xffff  }
0x530: {  	s7 =	sadd.s32 $0xFFFFFC00, s25  }
0x531: {  	v40 =	vor.u32 s7, v2  }
0x532: {  	v41 =	vor.u32 v53, v38;
	_ =	sdelay $0x1  }
0x533: {  	v39 =	vmul.f32 $5.656854150e+00, v39;
	_ =	sdelay $0x1  }
0x534: {  	[tilespmem:v40+s14+$0x0] =	vst.idx.msk $0xffff, v39  }
0x535: {  	v39 =	vld.idx.msk [tilespmem:v41+s19+$0x0], $0xffff;
	_ =	sdelay $0x1  }
0x536: {  	v40 =	vor.u32 s7, v4  }
0x537: {  	v41 =	vor.u32 v55, v38;
	_ =	sdelay $0x1  }
0x538: {  	v39 =	vmul.f32 $5.656854150e+00, v39;
	_ =	sdelay $0x1  }
0x539: {  	[tilespmem:v40+s14+$0x0] =	vst.idx.msk $0xffff, v39  }
0x53a: {  	v39 =	vld.idx.msk [tilespmem:v41+s19+$0x0], $0xffff;
	_ =	sdelay $0x1  }
0x53b: {  	v40 =	vor.u32 s7, v48  }
0x53c: {  	v41 =	vor.u32 v58, v38;
	_ =	sdelay $0x1  }
0x53d: {  	v39 =	vmul.f32 $5.656854150e+00, v39;
	_ =	sdelay $0x1  }
0x53e: {  	[tilespmem:v40+s14+$0x0] =	vst.idx.msk $0xffff, v39  }
0x53f: {  	v39 =	vld.idx.msk [tilespmem:v41+s19+$0x0], $0xffff;
	_ =	sdelay $0x1  }
0x540: {  	v40 =	vor.u32 s7, v8  }
0x541: {  	v41 =	vor.u32 v60, v38;
	_ =	sdelay $0x1  }
0x542: {  	v39 =	vmul.f32 $5.656854150e+00, v39;
	_ =	sdelay $0x1  }
0x543: {  	[tilespmem:v40+s14+$0x0] =	vst.idx.msk $0xffff, v39  }
0x544: {  	v39 =	vld.idx.msk [tilespmem:v41+s19+$0x0], $0xffff;
	_ =	sdelay $0x1  }
0x545: {  	v40 =	vor.u32 s7, v10  }
0x546: {  	v41 =	vor.u32 v42, v38;
	_ =	sdelay $0x1  }
0x547: {  	v39 =	vmul.f32 $5.656854150e+00, v39;
	_ =	sdelay $0x1  }
0x548: {  	[tilespmem:v40+s14+$0x0] =	vst.idx.msk $0xffff, v39  }
0x549: {  	v39 =	vld.idx.msk [tilespmem:v41+s19+$0x0], $0xffff;
	_ =	sdelay $0x1  }
0x54a: {  	v40 =	vor.u32 s7, v12  }
0x54b: {  	v41 =	vor.u32 v45, v38;
	_ =	sdelay $0x1  }
0x54c: {  	v39 =	vmul.f32 $5.656854150e+00, v39;
	_ =	sdelay $0x1  }
0x54d: {  	[tilespmem:v40+s14+$0x0] =	vst.idx.msk $0xffff, v39  }
0x54e: {  	v39 =	vld.idx.msk [tilespmem:v41+s19+$0x0], $0xffff;
	_ =	sdelay $0x1  }
0x54f: {  	v40 =	vor.u32 s7, v14  }
0x550: {  	v41 =	vor.u32 v44, v38;
	_ =	sdelay $0x1  }
0x551: {  	v39 =	vmul.f32 $5.656854150e+00, v39;
	_ =	sdelay $0x1  }
0x552: {  	[tilespmem:v40+s14+$0x0] =	vst.idx.msk $0xffff, v39  }
0x553: {  	v39 =	vld.idx.msk [tilespmem:v41+s19+$0x0], $0xffff;
	_ =	sdelay $0x1  }
0x554: {  	v40 =	vor.u32 s7, v16  }
0x555: {  	v41 =	vor.u32 v61, v38;
	_ =	sdelay $0x1  }
0x556: {  	v39 =	vmul.f32 $5.656854150e+00, v39;
	_ =	sdelay $0x1  }
0x557: {  	[tilespmem:v40+s14+$0x0] =	vst.idx.msk $0xffff, v39  }
0x558: {  	v39 =	vld.idx.msk [tilespmem:v41+s19+$0x0], $0xffff;
	_ =	sdelay $0x1  }
0x559: {  	v40 =	vor.u32 s7, v18  }
0x55a: {  	v41 =	vor.u32 v62, v38;
	_ =	sdelay $0x1  }
0x55b: {  	v39 =	vmul.f32 $5.656854150e+00, v39;
	_ =	sdelay $0x1  }
0x55c: {  	[tilespmem:v40+s14+$0x0] =	vst.idx.msk $0xffff, v39  }
0x55d: {  	v39 =	vld.idx.msk [tilespmem:v41+s19+$0x0], $0xffff;
	_ =	sdelay $0x1  }
0x55e: {  	v40 =	vor.u32 s7, v20  }
0x55f: {  	v41 =	vor.u32 v63, v38;
	_ =	sdelay $0x1  }
0x560: {  	v39 =	vmul.f32 $5.656854150e+00, v39;
	_ =	sdelay $0x1  }
0x561: {  	[tilespmem:v40+s14+$0x0] =	vst.idx.msk $0xffff, v39  }
0x562: {  	v39 =	vld.idx.msk [tilespmem:v41+s19+$0x0], $0xffff;
	_ =	sdelay $0x1  }
0x563: {  	v40 =	vor.u32 s7, v22  }
0x564: {  	v41 =	vor.u32 v31, v38;
	_ =	sdelay $0x1  }
0x565: {  	v39 =	vmul.f32 $5.656854150e+00, v39;
	_ =	sdelay $0x1  }
0x566: {  	[tilespmem:v40+s14+$0x0] =	vst.idx.msk $0xffff, v39  }
0x567: {  	v39 =	vld.idx.msk [tilespmem:v41+s19+$0x0], $0xffff;
	_ =	sdelay $0x1  }
0x568: {  	v40 =	vor.u32 s7, v24  }
0x569: {  	v41 =	vor.u32 v32, v38;
	_ =	sdelay $0x1  }
0x56a: {  	v39 =	vmul.f32 $5.656854150e+00, v39;
	_ =	sdelay $0x1  }
0x56b: {  	[tilespmem:v40+s14+$0x0] =	vst.idx.msk $0xffff, v39  }
0x56c: {  	v39 =	vld.idx.msk [tilespmem:v41+s19+$0x0], $0xffff;
	_ =	sdelay $0x1  }
0x56d: {  	v40 =	vor.u32 s7, v26  }
0x56e: {  	v41 =	vor.u32 v35, v38;
	_ =	sdelay $0x1  }
0x56f: {  	v39 =	vmul.f32 $5.656854150e+00, v39;
	_ =	sdelay $0x1  }
0x570: {  	[tilespmem:v40+s14+$0x0] =	vst.idx.msk $0xffff, v39  }
0x571: {  	v39 =	vld.idx.msk [tilespmem:v41+s19+$0x0], $0xffff;
	_ =	sdelay $0x1  }
0x572: {  	v40 =	vor.u32 s7, v28  }
0x573: {  	v41 =	vor.u32 v36, v38;
	_ =	sdelay $0x1  }
0x574: {  	v39 =	vmul.f32 $5.656854150e+00, v39;
	_ =	sdelay $0x1  }
0x575: {  	[tilespmem:v40+s14+$0x0] =	vst.idx.msk $0xffff, v39  }
0x576: {  	v39 =	vld.idx.msk [tilespmem:v41+s19+$0x0], $0xffff;
	_ =	sdelay $0x1  }
0x577: {  	v40 =	vor.u32 s7, v30  }
0x578: {  	v38 =	vor.u32 v37, v38;
	_ =	sdelay $0x1  }
0x579: {  	v39 =	vmul.f32 $5.656854150e+00, v39;
	_ =	sdelay $0x1  }
0x57a: {  	s26 =	sadd.s32 $0xFFFFD580, s25;
	[tilespmem:v40+s14+$0x0] =	vst.idx.msk $0xffff, v39  }
0x57b: {  	v39 =	vmov s26;
	v40 =	vld.idx.msk [tilespmem:v38+s19+$0x0], $0xffff  }
0x57c: {  	v38 =	vshll.u32 v39, $0x5  }
0x57d: {  	v39 =	vor.u32 s7, v34;
	v38 =	vor.u32 v33, v38  }
0x57e: {  	v33 =	vor.u32 v0, v38;
	_ =	sdelay $0x1  }
0x57f: {  	v40 =	vmul.f32 $5.656854150e+00, v40;
	_ =	sdelay $0x1  }
0x580: {  	[tilespmem:v39+s14+$0x0] =	vst.idx.msk $0xffff, v40  }
0x581: {  	v39 =	vld.idx.msk [tilespmem:v33+s19+$0x0], $0xffff  }
0x582: {  	s26 =	sadd.s32 $0xFFFFE000, s25  }
0x583: {  	v40 =	vor.u32 s26, v2  }
0x584: {  	v33 =	vor.u32 v3, v38;
	_ =	sdelay $0x1  }
0x585: {  	v39 =	vmul.f32 $5.656854150e+00, v39;
	_ =	sdelay $0x1  }
0x586: {  	[tilespmem:v40+s14+$0x0] =	vst.idx.msk $0xffff, v39  }
0x587: {  	v39 =	vld.idx.msk [tilespmem:v33+s19+$0x0], $0xffff;
	_ =	sdelay $0x1  }
0x588: {  	v40 =	vor.u32 s26, v4  }
0x589: {  	v33 =	vor.u32 v5, v38;
	_ =	sdelay $0x1  }
0x58a: {  	v39 =	vmul.f32 $5.656854150e+00, v39;
	_ =	sdelay $0x1  }
0x58b: {  	[tilespmem:v40+s14+$0x0] =	vst.idx.msk $0xffff, v39  }
0x58c: {  	v39 =	vld.idx.msk [tilespmem:v33+s19+$0x0], $0xffff;
	_ =	sdelay $0x1  }
0x58d: {  	v40 =	vor.u32 s26, v48  }
0x58e: {  	v33 =	vor.u32 v7, v38;
	_ =	sdelay $0x1  }
0x58f: {  	v39 =	vmul.f32 $5.656854150e+00, v39;
	_ =	sdelay $0x1  }
0x590: {  	[tilespmem:v40+s14+$0x0] =	vst.idx.msk $0xffff, v39  }
0x591: {  	v39 =	vld.idx.msk [tilespmem:v33+s19+$0x0], $0xffff;
	_ =	sdelay $0x1  }
0x592: {  	v40 =	vor.u32 s26, v8  }
0x593: {  	v33 =	vor.u32 v9, v38;
	_ =	sdelay $0x1  }
0x594: {  	v39 =	vmul.f32 $5.656854150e+00, v39;
	_ =	sdelay $0x1  }
0x595: {  	[tilespmem:v40+s14+$0x0] =	vst.idx.msk $0xffff, v39  }
0x596: {  	v39 =	vld.idx.msk [tilespmem:v33+s19+$0x0], $0xffff;
	_ =	sdelay $0x1  }
0x597: {  	v40 =	vor.u32 s26, v10  }
0x598: {  	v33 =	vor.u32 v11, v38;
	_ =	sdelay $0x1  }
0x599: {  	v39 =	vmul.f32 $5.656854150e+00, v39;
	_ =	sdelay $0x1  }
0x59a: {  	[tilespmem:v40+s14+$0x0] =	vst.idx.msk $0xffff, v39  }
0x59b: {  	v39 =	vld.idx.msk [tilespmem:v33+s19+$0x0], $0xffff;
	_ =	sdelay $0x1  }
0x59c: {  	v40 =	vor.u32 s26, v12  }
0x59d: {  	v33 =	vor.u32 v46, v38;
	_ =	sdelay $0x1  }
0x59e: {  	v39 =	vmul.f32 $5.656854150e+00, v39;
	_ =	sdelay $0x1  }
0x59f: {  	[tilespmem:v40+s14+$0x0] =	vst.idx.msk $0xffff, v39  }
0x5a0: {  	v39 =	vld.idx.msk [tilespmem:v33+s19+$0x0], $0xffff;
	_ =	sdelay $0x1  }
0x5a1: {  	v40 =	vor.u32 s26, v14  }
0x5a2: {  	v33 =	vor.u32 v51, v38;
	_ =	sdelay $0x1  }
0x5a3: {  	v39 =	vmul.f32 $5.656854150e+00, v39;
	_ =	sdelay $0x1  }
0x5a4: {  	[tilespmem:v40+s14+$0x0] =	vst.idx.msk $0xffff, v39  }
0x5a5: {  	v39 =	vld.idx.msk [tilespmem:v33+s19+$0x0], $0xffff;
	_ =	sdelay $0x1  }
0x5a6: {  	v40 =	vor.u32 s26, v16  }
0x5a7: {  	v33 =	vor.u32 v50, v38;
	_ =	sdelay $0x1  }
0x5a8: {  	v39 =	vmul.f32 $5.656854150e+00, v39;
	_ =	sdelay $0x1  }
0x5a9: {  	[tilespmem:v40+s14+$0x0] =	vst.idx.msk $0xffff, v39  }
0x5aa: {  	v39 =	vld.idx.msk [tilespmem:v33+s19+$0x0], $0xffff;
	_ =	sdelay $0x1  }
0x5ab: {  	v40 =	vor.u32 s26, v18  }
0x5ac: {  	v33 =	vor.u32 v49, v38;
	_ =	sdelay $0x1  }
0x5ad: {  	v39 =	vmul.f32 $5.656854150e+00, v39;
	_ =	sdelay $0x1  }
0x5ae: {  	[tilespmem:v40+s14+$0x0] =	vst.idx.msk $0xffff, v39  }
0x5af: {  	v39 =	vld.idx.msk [tilespmem:v33+s19+$0x0], $0xffff;
	_ =	sdelay $0x1  }
0x5b0: {  	v40 =	vor.u32 s26, v20  }
0x5b1: {  	v33 =	vor.u32 v6, v38;
	_ =	sdelay $0x1  }
0x5b2: {  	v39 =	vmul.f32 $5.656854150e+00, v39;
	_ =	sdelay $0x1  }
0x5b3: {  	[tilespmem:v40+s14+$0x0] =	vst.idx.msk $0xffff, v39  }
0x5b4: {  	v39 =	vld.idx.msk [tilespmem:v33+s19+$0x0], $0xffff;
	_ =	sdelay $0x1  }
0x5b5: {  	v40 =	vor.u32 s26, v22  }
0x5b6: {  	v33 =	vor.u32 v59, v38;
	_ =	sdelay $0x1  }
0x5b7: {  	v39 =	vmul.f32 $5.656854150e+00, v39;
	_ =	sdelay $0x1  }
0x5b8: {  	[tilespmem:v40+s14+$0x0] =	vst.idx.msk $0xffff, v39  }
0x5b9: {  	v39 =	vld.idx.msk [tilespmem:v33+s19+$0x0], $0xffff;
	_ =	sdelay $0x1  }
0x5ba: {  	v40 =	vor.u32 s26, v24  }
0x5bb: {  	v33 =	vor.u32 v52, v38;
	_ =	sdelay $0x1  }
0x5bc: {  	v39 =	vmul.f32 $5.656854150e+00, v39;
	_ =	sdelay $0x1  }
0x5bd: {  	[tilespmem:v40+s14+$0x0] =	vst.idx.msk $0xffff, v39  }
0x5be: {  	v39 =	vld.idx.msk [tilespmem:v33+s19+$0x0], $0xffff;
	_ =	sdelay $0x1  }
0x5bf: {  	v40 =	vor.u32 s26, v26  }
0x5c0: {  	v33 =	vor.u32 v54, v38;
	_ =	sdelay $0x1  }
0x5c1: {  	v39 =	vmul.f32 $5.656854150e+00, v39;
	_ =	sdelay $0x1  }
0x5c2: {  	[tilespmem:v40+s14+$0x0] =	vst.idx.msk $0xffff, v39  }
0x5c3: {  	v39 =	vld.idx.msk [tilespmem:v33+s19+$0x0], $0xffff;
	_ =	sdelay $0x1  }
0x5c4: {  	v40 =	vor.u32 s26, v28  }
0x5c5: {  	v33 =	vor.u32 v1, v38;
	_ =	sdelay $0x1  }
0x5c6: {  	v39 =	vmul.f32 $5.656854150e+00, v39;
	_ =	sdelay $0x1  }
0x5c7: {  	[tilespmem:v40+s14+$0x0] =	vst.idx.msk $0xffff, v39  }
0x5c8: {  	v39 =	vld.idx.msk [tilespmem:v33+s19+$0x0], $0xffff;
	_ =	sdelay $0x1  }
0x5c9: {  	v40 =	vor.u32 s26, v30  }
0x5ca: {  	v33 =	vor.u32 v43, v38;
	_ =	sdelay $0x1  }
0x5cb: {  	v39 =	vmul.f32 $5.656854150e+00, v39;
	_ =	sdelay $0x1  }
0x5cc: {  	[tilespmem:v40+s14+$0x0] =	vst.idx.msk $0xffff, v39  }
0x5cd: {  	v39 =	vld.idx.msk [tilespmem:v33+s19+$0x0], $0xffff;
	_ =	sdelay $0x1  }
0x5ce: {  	v40 =	vor.u32 s26, v34  }
0x5cf: {  	v33 =	vor.u32 v47, v38;
	_ =	sdelay $0x1  }
0x5d0: {  	v39 =	vmul.f32 $5.656854150e+00, v39;
	_ =	sdelay $0x1  }
0x5d1: {  	[tilespmem:v40+s14+$0x0] =	vst.idx.msk $0xffff, v39  }
0x5d2: {  	v39 =	vld.idx.msk [tilespmem:v33+s19+$0x0], $0xffff;
	_ =	sdelay $0x1  }
0x5d3: {  	v40 =	vor.u32 s25, v2  }
0x5d4: {  	v33 =	vor.u32 v53, v38;
	_ =	sdelay $0x1  }
0x5d5: {  	v39 =	vmul.f32 $5.656854150e+00, v39;
	_ =	sdelay $0x1  }
0x5d6: {  	[tilespmem:v40+s14+$0x0] =	vst.idx.msk $0xffff, v39  }
0x5d7: {  	v39 =	vld.idx.msk [tilespmem:v33+s19+$0x0], $0xffff;
	_ =	sdelay $0x1  }
0x5d8: {  	v40 =	vor.u32 s25, v4  }
0x5d9: {  	v33 =	vor.u32 v55, v38;
	_ =	sdelay $0x1  }
0x5da: {  	v39 =	vmul.f32 $5.656854150e+00, v39;
	_ =	sdelay $0x1  }
0x5db: {  	[tilespmem:v40+s14+$0x0] =	vst.idx.msk $0xffff, v39  }
0x5dc: {  	v39 =	vld.idx.msk [tilespmem:v33+s19+$0x0], $0xffff;
	_ =	sdelay $0x1  }
0x5dd: {  	v40 =	vor.u32 s25, v48  }
0x5de: {  	v33 =	vor.u32 v58, v38;
	_ =	sdelay $0x1  }
0x5df: {  	v39 =	vmul.f32 $5.656854150e+00, v39;
	_ =	sdelay $0x1  }
0x5e0: {  	[tilespmem:v40+s14+$0x0] =	vst.idx.msk $0xffff, v39  }
0x5e1: {  	v39 =	vld.idx.msk [tilespmem:v33+s19+$0x0], $0xffff;
	_ =	sdelay $0x1  }
0x5e2: {  	v40 =	vor.u32 s25, v8  }
0x5e3: {  	v33 =	vor.u32 v60, v38;
	_ =	sdelay $0x1  }
0x5e4: {  	v39 =	vmul.f32 $5.656854150e+00, v39;
	_ =	sdelay $0x1  }
0x5e5: {  	[tilespmem:v40+s14+$0x0] =	vst.idx.msk $0xffff, v39  }
0x5e6: {  	v39 =	vld.idx.msk [tilespmem:v33+s19+$0x0], $0xffff;
	_ =	sdelay $0x1  }
0x5e7: {  	v40 =	vor.u32 s25, v10  }
0x5e8: {  	v33 =	vor.u32 v42, v38;
	_ =	sdelay $0x1  }
0x5e9: {  	v39 =	vmul.f32 $5.656854150e+00, v39;
	_ =	sdelay $0x1  }
0x5ea: {  	[tilespmem:v40+s14+$0x0] =	vst.idx.msk $0xffff, v39  }
0x5eb: {  	v39 =	vld.idx.msk [tilespmem:v33+s19+$0x0], $0xffff;
	_ =	sdelay $0x1  }
0x5ec: {  	v40 =	vor.u32 s25, v12  }
0x5ed: {  	v33 =	vor.u32 v45, v38;
	_ =	sdelay $0x1  }
0x5ee: {  	v39 =	vmul.f32 $5.656854150e+00, v39;
	_ =	sdelay $0x1  }
0x5ef: {  	[tilespmem:v40+s14+$0x0] =	vst.idx.msk $0xffff, v39  }
0x5f0: {  	v39 =	vld.idx.msk [tilespmem:v33+s19+$0x0], $0xffff;
	_ =	sdelay $0x1  }
0x5f1: {  	v40 =	vor.u32 s25, v14  }
0x5f2: {  	v33 =	vor.u32 v44, v38;
	_ =	sdelay $0x1  }
0x5f3: {  	v39 =	vmul.f32 $5.656854150e+00, v39;
	_ =	sdelay $0x1  }
0x5f4: {  	[tilespmem:v40+s14+$0x0] =	vst.idx.msk $0xffff, v39  }
0x5f5: {  	v39 =	vld.idx.msk [tilespmem:v33+s19+$0x0], $0xffff;
	_ =	sdelay $0x1  }
0x5f6: {  	v40 =	vor.u32 s25, v16  }
0x5f7: {  	v33 =	vor.u32 v61, v38;
	_ =	sdelay $0x1  }
0x5f8: {  	v39 =	vmul.f32 $5.656854150e+00, v39;
	_ =	sdelay $0x1  }
0x5f9: {  	[tilespmem:v40+s14+$0x0] =	vst.idx.msk $0xffff, v39  }
0x5fa: {  	v39 =	vld.idx.msk [tilespmem:v33+s19+$0x0], $0xffff;
	_ =	sdelay $0x1  }
0x5fb: {  	v40 =	vor.u32 s25, v18  }
0x5fc: {  	v33 =	vor.u32 v62, v38;
	_ =	sdelay $0x1  }
0x5fd: {  	v39 =	vmul.f32 $5.656854150e+00, v39;
	_ =	sdelay $0x1  }
0x5fe: {  	[tilespmem:v40+s14+$0x0] =	vst.idx.msk $0xffff, v39  }
0x5ff: {  	v39 =	vld.idx.msk [tilespmem:v33+s19+$0x0], $0xffff;
	_ =	sdelay $0x1  }
0x600: {  	v40 =	vor.u32 s25, v20  }
0x601: {  	v33 =	vor.u32 v63, v38;
	_ =	sdelay $0x1  }
0x602: {  	v39 =	vmul.f32 $5.656854150e+00, v39;
	_ =	sdelay $0x1  }
0x603: {  	[tilespmem:v40+s14+$0x0] =	vst.idx.msk $0xffff, v39  }
0x604: {  	v39 =	vld.idx.msk [tilespmem:v33+s19+$0x0], $0xffff;
	_ =	sdelay $0x1  }
0x605: {  	v40 =	vor.u32 s25, v22  }
0x606: {  	v33 =	vor.u32 v31, v38;
	_ =	sdelay $0x1  }
0x607: {  	v39 =	vmul.f32 $5.656854150e+00, v39;
	_ =	sdelay $0x1  }
0x608: {  	[tilespmem:v40+s14+$0x0] =	vst.idx.msk $0xffff, v39  }
0x609: {  	v39 =	vld.idx.msk [tilespmem:v33+s19+$0x0], $0xffff;
	_ =	sdelay $0x1  }
0x60a: {  	v40 =	vor.u32 s25, v24  }
0x60b: {  	v33 =	vor.u32 v32, v38;
	_ =	sdelay $0x1  }
0x60c: {  	v39 =	vmul.f32 $5.656854150e+00, v39;
	_ =	sdelay $0x1  }
0x60d: {  	[tilespmem:v40+s14+$0x0] =	vst.idx.msk $0xffff, v39  }
0x60e: {  	v39 =	vld.idx.msk [tilespmem:v33+s19+$0x0], $0xffff;
	_ =	sdelay $0x1  }
0x60f: {  	v40 =	vor.u32 s25, v26  }
0x610: {  	v33 =	vor.u32 v35, v38;
	_ =	sdelay $0x1  }
0x611: {  	v39 =	vmul.f32 $5.656854150e+00, v39;
	_ =	sdelay $0x1  }
0x612: {  	[tilespmem:v40+s14+$0x0] =	vst.idx.msk $0xffff, v39  }
0x613: {  	v39 =	vld.idx.msk [tilespmem:v33+s19+$0x0], $0xffff;
	_ =	sdelay $0x1  }
0x614: {  	v40 =	vor.u32 s25, v28  }
0x615: {  	v33 =	vor.u32 v36, v38;
	_ =	sdelay $0x1  }
0x616: {  	v39 =	vmul.f32 $5.656854150e+00, v39;
	_ =	sdelay $0x1  }
0x617: {  	[tilespmem:v40+s14+$0x0] =	vst.idx.msk $0xffff, v39  }
0x618: {  	v39 =	vld.idx.msk [tilespmem:v33+s19+$0x0], $0xffff;
	_ =	sdelay $0x1  }
0x619: {  	v33 =	vor.u32 s25, v30  }
0x61a: {  	v38 =	vor.u32 v37, v38;
	_ =	sdelay $0x1  }
0x61b: {  	v39 =	vmul.f32 $5.656854150e+00, v39;
	_ =	sdelay $0x1  }
0x61c: {  	[tilespmem:v33+s14+$0x0] =	vst.idx.msk $0xffff, v39  }
0x61d: {  	v38 =	vld.idx.msk [tilespmem:v38+s19+$0x0], $0xffff;
	_ =	sdelay $0x1  }
0x61e: {  	p0 =	sne.s32 s25, $0x2C70;
	v33 =	vor.u32 s25, v34  }
.Ltmp1:
0x61f: {  	_ = 	snop;
	(pc) =	sbr.rel @p0 .LBB2_5-.Ltmp1, $3  }
0x620: {  	_ = 	snop  }
0x621: {  	v38 =	vmul.f32 $5.656854150e+00, v38;
	_ =	sdelay $0x1  }
0x622: {  	s25 =	sadd.s32 $0x10, s25;
	[tilespmem:v33+s14+$0x0] =	vst.idx.msk $0xffff, v38  }
0x623: {  	s7 =	sadd.s32 @!p1 $0x600, s24;
	s10 =	simm.s32 @!p1 $0x80;
	s25 =	simm.s32 @!p1 $0xA400  }
0x624: {  	[tilespmem:s25], [sflag:$0x2] =	stream.indirect.gather @!p1 [hbm4b:s3+s10], $0x20, s7, s10, $0xb8;
	[tilespmem:$0x16400] =	vst v63  }
0x625: {  	s7 =	sadd.s32 @!p1 $0x680, s24;
	s25 =	simm.s32 @!p1 $0xB400  }
0x626: {  	[tilespmem:s25], [sflag:$0x2] =	stream.indirect.gather @!p1 [hbm4b:s3+s10], $0x20, s7, s10, $0xb8;
	[tilespmem:$0x16400] =	vst v63  }
0x627: {  	s7 =	sadd.s32 @!p1 $0x700, s24;
	s25 =	simm.s32 @!p1 $0xC400  }
0x628: {  	[tilespmem:s25], [sflag:$0x2] =	stream.indirect.gather @!p1 [hbm4b:s3+s10], $0x20, s7, s10, $0xb8;
	[tilespmem:$0x16400] =	vst v63  }
0x629: {  	s7 =	sadd.s32 @!p1 $0x780, s24;
	s24 =	simm.s32 @!p1 $0xD400  }
0x62a: {  	[tilespmem:s24], [sflag:$0x2] =	stream.indirect.gather @!p1 [hbm4b:s3+s10], $0x20, s7, s10, $0xb8;
	[tilespmem:$0x16400] =	vst v63  }
0x62b: {  	s10 =	sshll.u32 s23, $0x9;
	s24 =	sshll.u32 s23, $0x7  }
0x62c: {  	s7 =	sand.u32 $0xFFF0000, s10;
	s10 =	sand.u32 $0x3E00, s24  }
0x62d: {  	s7 =	sor.u32 s10, s7  }
0x62e: {  	s22 =	sadd.s32 $0x1, s22;
	s10 =	sadd.s32 s4, s7  }
0x62f: {  	[hbm4b:s10+s1] =	stream.linear.scatter [tilespmem:s14], [sflag:$0x4], $0x1000, $0x38;
	[tilespmem:$0x16400] =	vst v63  }
0x630: {  	p0 =	sne.s32 s22, $0x19;
	s25 =	sadd.s32 s7, s6  }
0x631: {  	[hbm4b:s25+s1] =	stream.linear.scatter [tilespmem:s15], [sflag:$0x4], $0x1000, $0x38;
	[tilespmem:$0x16400] =	vst v63  }
.Ltmp2:
0x632: {  	_ = 	snop;
	(pc) =	sbr.rel @p0 .LBB2_2-.Ltmp2, $4  }
0x633: {  	s26 =	sadd.s32 s7, s8  }
0x634: {  	[hbm4b:s26+s1] =	stream.linear.scatter [tilespmem:s16], [sflag:$0x4], $0x1000, $0x38;
	[tilespmem:$0x16400] =	vst v63  }
0x635: {  	s7 =	sadd.s32 s7, s9  }
0x636: {  	[hbm4b:s7+s1] =	stream.linear.scatter [tilespmem:s17], [sflag:$0x4], $0x1000, $0x38;
	[tilespmem:$0x16400] =	vst v63  }
0x637: {  	_ =	swait.ge [sflag:s18], $0x1000  }
0x638: {  	[sflag:s18] =	ssyncset.done $0x0  }
0x639: {  	[sflag:s18] =	ssyncadd.s32 $0xFFFFF000  }
0x63a: {  	_ =	swait.ge [sflag:s18], $0x1000  }
0x63b: {  	[sflag:s18] =	ssyncset.done $0x0  }
0x63c: {  	[sflag:s18] =	ssyncadd.s32 $0xFFFFF000  }
0x63d: {  	_ =	swait.ge [sflag:s18], $0x1000  }
0x63e: {  	[sflag:s18] =	ssyncset.done $0x0  }
0x63f: {  	[sflag:s18] =	ssyncadd.s32 $0xFFFFF000  }
0x640: {  	_ =	swait.ge [sflag:s18], $0x1000  }
0x641: {  	[sflag:s18] =	ssyncset.done $0x0  }
0x642: {  	[sflag:s18] =	ssyncadd.s32 $0xFFFFF000  }
0x643: {  	_ =	swait.ge [sflag:s20], $0x1000  }
0x644: {  	[sflag:s20] =	ssyncset.done $0x0  }
0x645: {  	[sflag:s20] =	ssyncadd.s32 $0xFFFFF000  }
0x646: {  	_ =	swait.ge [sflag:s20], $0x1000  }
0x647: {  	[sflag:s20] =	ssyncset.done $0x0  }
0x648: {  	[sflag:s20] =	ssyncadd.s32 $0xFFFFF000  }
0x649: {  	_ =	swait.ge [sflag:s20], $0x1000  }
0x64a: {  	[sflag:s20] =	ssyncset.done $0x0  }
0x64b: {  	[sflag:s20] =	ssyncadd.s32 $0xFFFFF000  }
0x64c: {  	_ =	swait.ge [sflag:s20], $0x1000  }
0x64d: {  	s21 =	sadd.s32 $0x1, s21;
	s7 =	rddreg [dreg:$0x4]  }
0x64e: {  	p0 =	sne.s32 s21, s7  }
.Ltmp3:
0x64f: {  	_ = 	snop;
	(pc) =	sbr.rel @p0 .LBB2_1-.Ltmp3, $3  }
0x650: {  	_ =	sdelay $0x1  }
0x651: {  	[sflag:s20] =	ssyncset.done $0x0  }
0x652: {  	[sflag:s20] =	ssyncadd.s32 $0xFFFFF000  }
0x653: {  	_ =	sfence.sel $0x180000  }
0x654: {  	[bflag:$0x0] =	sbarrier.arrive $0xFFFF  }
0x655: {  	_ =	strace $0x90000047  }
0x656: {  	s0 =	stileid.u32;
	[bflag:$0x2] =	sbarrier.arrive $0xFFFF  }
0x657: {  	p0 =	sne.s32 s0, $0x0;
	s0 =	rddreg [dreg:$0x2]  }
0x658: {  	s0 =	sadd.s32 @!p0 $0x100000, s0  }
0x659: {  	[sflag:s0] =	ssyncadd.tile.s32 @!p0 $0x1;
	_ =	shalt  }
.Lfunc_end2:
_tile_overlayer_lowered:
.L_overlay_start_2:
0x65a: {  	(tag) =	ssettag $0x2  }
0x65b: {  	s0 =	rddreg [dreg:$0x0];
	s2 =	stileid.u32  }
0x65c: {  	s1 =	rddreg [dreg:$0x1];
	p0 =	sne.s32 s2, $0x0  }
0x65d: {  	s3 =	rddreg [dreg:$0x2];
	[bflag:$0x3] =	sbarrier.arrive $0xFFFF;
	s2 =	simm.s32 @!p0 $0x1C05  }
0x65e: {  	[timem:s3], [sflag:s2] =	dma.local @!p0 [hbm:s0], s1  }
0x65f: {  	s0 =	simm.s32 @!p0 $0x5  }
0x660: {  	_ =	swait.ge @!p0 [sflag:s0], s1  }
0x661: {  	s1 =	ssub.s32 @!p0 $0x0, s1;
	[sflag:s0] =	ssyncset.done @!p0 $0x0  }
0x662: {  	[sflag:s0] =	ssyncadd.s32 @!p0 s1  }
0x663: {  	[bflag:$0x3] =	sbarrier.arrive $0xFFFF  }
0x664: {  	_ =	shalt  }

</sc_bundles>
